<compile_context>
chip_gen: v7x
topology: tpu7x:2x2x1
jax: 0.10.2.dev20260603
libtpu: 0.0.44.dev20260713+nightly
codegen_flags: <defaults>
</compile_context>

<pallas_src>
import jax
import jax.numpy as jnp
from jax import lax
from jax.experimental import pallas as pl
from jax.experimental.pallas import tpu as pltpu
from jax.experimental.pallas import tpu_sc as plsc

N = 10000
E = 320000
D = 16
NPAD = 10240
NC, NS = 2, 16
NW = NC * NS
CH = 500
EPT = E // NW
NCHUNK = EPT // CH
ROWS_PER_TILE = NPAD // NS



def _sc_propagate_body(table, src3, dst3, zeros, out, src_v, dst_v, rows_v,
                       sems, acc, table_s):
    c = lax.axis_index("c")
    s = lax.axis_index("s")

    pltpu.sync_copy(zeros.at[pl.ds(s * ROWS_PER_TILE, ROWS_PER_TILE)],
                    acc.at[pl.ds(s * ROWS_PER_TILE, ROWS_PER_TILE)])
    pltpu.sync_copy(table.at[pl.ds(s * ROWS_PER_TILE, ROWS_PER_TILE)],
                    table_s.at[pl.ds(s * ROWS_PER_TILE, ROWS_PER_TILE)])

    w = c * NS + s
    pltpu.sync_copy(src3.at[w], src_v)
    pltpu.sync_copy(dst3.at[w], dst_v)

    plsc.subcore_barrier()

    pltpu.async_copy(table_s.at[src_v.at[0]], rows_v.at[0], sems.at[0])

    def chunk(j, carry):
        nxt = j + 1

        @pl.when(nxt < NCHUNK)
        def _():
            pltpu.async_copy(table_s.at[src_v.at[nxt]], rows_v.at[nxt % 2],
                             sems.at[nxt % 2])

        pltpu.make_async_copy(table_s.at[src_v.at[j]], rows_v.at[j % 2],
                              sems.at[j % 2]).wait()
        pltpu.sync_copy(rows_v.at[j % 2], acc.at[dst_v.at[j]], add=True)
        return carry

    lax.fori_loop(0, NCHUNK, chunk, 0)

    plsc.subcore_barrier()

    pltpu.sync_copy(acc.at[pl.ds(s * ROWS_PER_TILE, ROWS_PER_TILE)],
                    out.at[c, pl.ds(s * ROWS_PER_TILE, ROWS_PER_TILE)])


_sc_propagate = pl.kernel(
    _sc_propagate_body,
    out_type=jax.ShapeDtypeStruct((NC, NPAD, D), jnp.float32),
    mesh=plsc.VectorSubcoreMesh(core_axis_name="c", subcore_axis_name="s"),
    scratch_types=[
        pltpu.VMEM((NCHUNK, CH), jnp.int32),
        pltpu.VMEM((NCHUNK, CH), jnp.int32),
        pltpu.VMEM((2, CH, D), jnp.float32),
        pltpu.SemaphoreType.DMA((2,)),
        pltpu.VMEM_SHARED((NPAD, D), jnp.float32),
        pltpu.VMEM_SHARED((NPAD, D), jnp.float32),
    ],
    compiler_params=pltpu.CompilerParams(use_tc_tiling_on_sc=False),
)


def _sc_degree_body(dst3, zeros, ones16, out, dst_v, ones_v, acc):
    c = lax.axis_index("c")
    s = lax.axis_index("s")

    pltpu.sync_copy(zeros.at[pl.ds(s * ROWS_PER_TILE, ROWS_PER_TILE)],
                    acc.at[pl.ds(s * ROWS_PER_TILE, ROWS_PER_TILE)])

    w = c * NS + s
    pltpu.sync_copy(dst3.at[w], dst_v)
    pltpu.sync_copy(ones16, ones_v)

    plsc.subcore_barrier()

    def chunk(j, carry):
        pltpu.sync_copy(ones_v, acc.at[dst_v.at[j]], add=True)
        return carry

    lax.fori_loop(0, NCHUNK, chunk, 0)

    plsc.subcore_barrier()

    pltpu.sync_copy(acc.at[pl.ds(s * ROWS_PER_TILE, ROWS_PER_TILE)],
                    out.at[c, pl.ds(s * ROWS_PER_TILE, ROWS_PER_TILE)])


_sc_degree = pl.kernel(
    _sc_degree_body,
    out_type=jax.ShapeDtypeStruct((NC, NPAD, D), jnp.float32),
    mesh=plsc.VectorSubcoreMesh(core_axis_name="c", subcore_axis_name="s"),
    scratch_types=[
        pltpu.VMEM((NCHUNK, CH), jnp.int32),
        pltpu.VMEM((CH, D), jnp.float32),
        pltpu.VMEM_SHARED((NPAD, D), jnp.float32),
    ],
    compiler_params=pltpu.CompilerParams(use_tc_tiling_on_sc=False),
)




NP8 = NPAD * D // 128
_RB = 160
_GRID = NP8 // _RB


def _pre_body(x_ref, w_ref, d0_ref, d1_ref, t_ref, dinv_ref):
    deg = d0_ref[...] + d1_ref[...] + 1.0
    dinv = lax.rsqrt(deg)
    h = jnp.dot(x_ref[...], w_ref[...], preferred_element_type=jnp.float32)
    dinv_ref[...] = dinv
    t_ref[...] = h * dinv


def _pre(x8, W1_8, d0, d1):
    return pl.pallas_call(
        _pre_body,
        grid=(_GRID,),
        in_specs=[
            pl.BlockSpec((_RB, 1024), lambda i: (i, 0)),
            pl.BlockSpec((1024, 128), lambda i: (0, 0)),
            pl.BlockSpec((_RB, 128), lambda i: (i, 0)),
            pl.BlockSpec((_RB, 128), lambda i: (i, 0)),
        ],
        out_specs=[
            pl.BlockSpec((_RB, 128), lambda i: (i, 0)),
            pl.BlockSpec((_RB, 128), lambda i: (i, 0)),
        ],
        out_shape=[
            jax.ShapeDtypeStruct((NP8, 128), jnp.float32),
            jax.ShapeDtypeStruct((NP8, 128), jnp.float32),
        ],
    )(x8, W1_8, d0, d1)


def _bnd1_body(p_ref, t_ref, dinv_ref, b_ref, o_ref):
    q = dinv_ref[...] * (p_ref[0] + p_ref[1] + t_ref[...])
    a = jnp.maximum(q + b_ref[...], 0.0)
    o_ref[...] = dinv_ref[...] * a


def _boundary1(p, t, dinv, b8):
    return pl.pallas_call(
        _bnd1_body,
        grid=(_GRID,),
        in_specs=[
            pl.BlockSpec((NC, _RB, 128), lambda i: (0, i, 0)),
            pl.BlockSpec((_RB, 128), lambda i: (i, 0)),
            pl.BlockSpec((_RB, 128), lambda i: (i, 0)),
            pl.BlockSpec((1, 128), lambda i: (0, 0)),
        ],
        out_specs=pl.BlockSpec((_RB, 128), lambda i: (i, 0)),
        out_shape=jax.ShapeDtypeStruct((NP8, 128), jnp.float32),
    )(p, t, dinv, b8)


def _bnd_body(p_ref, t_ref, dinv_ref, w_ref, b_ref, o_ref):
    q = dinv_ref[...] * (p_ref[0] + p_ref[1] + t_ref[...])
    z = jnp.dot(q, w_ref[...], preferred_element_type=jnp.float32)
    a = jnp.maximum(z + b_ref[...], 0.0)
    o_ref[...] = dinv_ref[...] * a


def _boundary(p, t, dinv, W8, b8):
    return pl.pallas_call(
        _bnd_body,
        grid=(_GRID,),
        in_specs=[
            pl.BlockSpec((NC, _RB, 128), lambda i: (0, i, 0)),
            pl.BlockSpec((_RB, 128), lambda i: (i, 0)),
            pl.BlockSpec((_RB, 128), lambda i: (i, 0)),
            pl.BlockSpec((128, 128), lambda i: (0, 0)),
            pl.BlockSpec((1, 128), lambda i: (0, 0)),
        ],
        out_specs=pl.BlockSpec((_RB, 128), lambda i: (i, 0)),
        out_shape=jax.ShapeDtypeStruct((NP8, 128), jnp.float32),
    )(p, t, dinv, W8, b8)


def _fmm_body(p_ref, t_ref, dinv_ref, w_ref, b_ref, o_ref):
    q = dinv_ref[...] * (p_ref[0] + p_ref[1] + t_ref[...])
    z = jnp.dot(q, w_ref[...], preferred_element_type=jnp.float32)
    o_ref[...] = z + b_ref[...]


def _final_matmul(p, t, dinv, W6_8, b6_8):
    return pl.pallas_call(
        _fmm_body,
        grid=(_GRID,),
        in_specs=[
            pl.BlockSpec((NC, _RB, 128), lambda i: (0, i, 0)),
            pl.BlockSpec((_RB, 128), lambda i: (i, 0)),
            pl.BlockSpec((_RB, 128), lambda i: (i, 0)),
            pl.BlockSpec((128, 512), lambda i: (0, 0)),
            pl.BlockSpec((1, 512), lambda i: (0, 0)),
        ],
        out_specs=pl.BlockSpec((_RB, 512), lambda i: (i, 0)),
        out_shape=jax.ShapeDtypeStruct((NP8, 512), jnp.float32),
    )(p, t, dinv, W6_8, b6_8)


def _lsm_body(z_ref, o_ref):
    z = z_ref[...]
    m = jnp.max(z, axis=1, keepdims=True)
    zs = z - m
    lse = jnp.log(jnp.sum(jnp.exp(zs), axis=1, keepdims=True))
    o_ref[...] = zs - lse


def _log_softmax(z):
    return pl.pallas_call(
        _lsm_body,
        grid=(_GRID,),
        in_specs=[pl.BlockSpec((NPAD // _GRID, 64), lambda i: (i, 0))],
        out_specs=pl.BlockSpec((NPAD // _GRID, 64), lambda i: (i, 0)),
        out_shape=jax.ShapeDtypeStruct((NPAD, 64), jnp.float32),
    )(z)



@jax.jit
def _run(x, edge_index, W1, b1, W2, b2, W3, b3, W4, b4, W5, b5, W6, b6):
    src3 = edge_index[0].astype(jnp.int32).reshape(NW, NCHUNK, CH)
    dst3 = edge_index[1].astype(jnp.int32).reshape(NW, NCHUNK, CH)

    zeros_t = jnp.zeros((NPAD, D), jnp.float32)
    ones_c = jnp.ones((CH, D), jnp.float32)
    x_pad = jnp.concatenate([x, jnp.zeros((NPAD - N, 128), jnp.float32)])
    x8 = x_pad.reshape(NP8, 1024)

    eye8 = jnp.eye(8, dtype=jnp.float32)
    W1_8 = jnp.kron(eye8, W1)
    W6_8 = jnp.kron(eye8, W6)
    b1_8 = jnp.tile(b1, 8).reshape(1, 128)
    b6_8 = jnp.tile(b6, 8).reshape(1, 512)

    def packed(a):
        return a.reshape(-1, NP8, 128) if a.ndim == 3 else a.reshape(NP8, 128)

    degp = packed(_sc_degree(dst3, zeros_t, ones_c))

    t, dinv = _pre(x8, W1_8, degp[0], degp[1])

    p = packed(_sc_propagate(t.reshape(NPAD, D), src3, dst3, zeros_t))
    t = _boundary1(p, t, dinv, b1_8)

    for W, b in ((W2, b2), (W3, b3), (W4, b4), (W5, b5)):
        p = packed(_sc_propagate(t.reshape(NPAD, D), src3, dst3, zeros_t))
        t = _boundary(p, t, dinv, jnp.kron(eye8, W), jnp.tile(b, 8).reshape(1, 128))

    p = packed(_sc_propagate(t.reshape(NPAD, D), src3, dst3, zeros_t))
    z = _final_matmul(p, t, dinv, W6_8, b6_8)
    out = _log_softmax(z.reshape(NPAD, 64))
    return out[:N]


def kernel(x, edge_index, W1, b1, W2, b2, W3, b3, W4, b4, W5, b5, W6, b6):
    return _run(x, edge_index, W1, b1, W2, b2, W3, b3, W4, b4, W5, b5, W6, b6)

# --- scband reference (transcript-rebuilt; emitter-appended) ---
"""Pipeline reference for scband-gcn-37005438222415 (READ-ONLY COPY).

The authoritative reference and input builder live on the scoring server;
editing this copy changes nothing except your own understanding.
"""

import jax, jax.numpy as jnp
import numpy as np

N_NODES = 10000
N_EDGES = 320000
D_IN = 128
D_HID = 16
D_OUT = 64


def gcn_conv(x, edge_index, W, b):
    N = x.shape[0]
    src = edge_index[0]
    dst = edge_index[1]
    loop = jnp.arange(N, dtype=src.dtype)
    src = jnp.concatenate([src, loop])
    dst = jnp.concatenate([dst, loop])
    ones = jnp.ones(src.shape[0], dtype=x.dtype)
    deg = jax.ops.segment_sum(ones, dst, num_segments=N)
    dinv = jnp.where(deg > 0, 1.0 / jnp.sqrt(deg), 0.0)
    h = x @ W
    norm = dinv[src] * dinv[dst]
    msg = h[src] * norm[:, None]
    out = jax.ops.segment_sum(msg, dst, num_segments=N)
    return out + b


def setup_inputs(seed: int = 0) -> dict:
    key = jax.random.key(seed)
    ks = jax.random.split(key, 16)
    x = jax.random.normal(ks[0], (N_NODES, D_IN), dtype=jnp.float32)
    edge_index = jax.random.randint(ks[1], (2, N_EDGES), 0, N_NODES, dtype=jnp.int64)
    dims = [(D_IN, D_HID), (D_HID, D_HID), (D_HID, D_HID), (D_HID, D_HID), (D_HID, D_HID), (D_HID, D_OUT)]
    inp = {"x": x, "edge_index": edge_index}
    for i, (din, dout) in enumerate(dims):
        scale = 1.0 / np.sqrt(din)
        inp[f"W{i+1}"] = jax.random.uniform(ks[2 + 2 * i], (din, dout), minval=-scale, maxval=scale, dtype=jnp.float32)
        inp[f"b{i+1}"] = jnp.zeros((dout,), dtype=jnp.float32)
    return inp


def reference(x, edge_index, W1, b1, W2, b2, W3, b3, W4, b4, W5, b5, W6, b6):
    # 6-layer GCN, eval mode (dropout is identity when training=False)
    h = gcn_conv(x, edge_index, W1, b1)
    h = jax.nn.relu(h)
    h = gcn_conv(h, edge_index, W2, b2)
    h = jax.nn.relu(h)
    h = gcn_conv(h, edge_index, W3, b3)
    h = jax.nn.relu(h)
    h = gcn_conv(h, edge_index, W4, b4)
    h = jax.nn.relu(h)
    h = gcn_conv(h, edge_index, W5, b5)
    h = jax.nn.relu(h)
    h = gcn_conv(h, edge_index, W6, b6)
    return jax.nn.log_softmax(h, axis=1)

if __name__ == "__main__":
    import jax
    _d = setup_inputs()
    print(jax.jit(kernel)(*tuple(_d.values())))

</pallas_src>

<mosaic_0001>
#map = affine_map<(d0, d1) -> (0, 0)>
#map1 = affine_map<(d0, d1) -> (0, 0, 0)>
module attributes {stable_mosaic.version = 14 : i64} {
  func.func @_sc_propagate_body(%arg0: i32, %arg1: i32, %arg2: memref<10240x16xf32, #tpu.memory_space<hbm>>, %arg3: memref<32x20x500xi32, #tpu.memory_space<hbm>>, %arg4: memref<32x20x500xi32, #tpu.memory_space<hbm>>, %arg5: memref<10240x16xf32, #tpu.memory_space<hbm>>, %arg6: memref<2x10240x16xf32, #tpu.memory_space<hbm>>, %arg7: memref<20x500xi32, #tpu.memory_space<vmem>>, %arg8: memref<20x500xi32, #tpu.memory_space<vmem>>, %arg9: memref<2x500x16xf32, #tpu.memory_space<vmem>>, %arg10: memref<2x!tpu.dma_semaphore, #tpu.memory_space<semaphore_mem>>, %arg11: memref<10240x16xf32, #tpu.memory_space<vmem_shared>>, %arg12: memref<10240x16xf32, #tpu.memory_space<vmem_shared>>) attributes {dimension_semantics = [#tpu.dimension_semantics<core_parallel>, #tpu.dimension_semantics<subcore_parallel>], iteration_bounds = array<i64: 2, 16>, scalar_prefetch = 0 : i64, scratch_operands = 6 : i64, tpu.core_type = #tpu.core_type<sc_vector_subcore>, window_params = [{transform_indices = #map}, {transform_indices = #map1}, {transform_indices = #map1}, {transform_indices = #map}, {transform_indices = #map1}]} {
    %mul3A = arith.constant 640 : i32
    %mul3A_0 = arith.muli %arg1, %mul3A : i32
    %mul3A_1 = arith.constant 640 : i32
    %mul3A_2 = arith.muli %arg1, %mul3A_1 : i32
    "tpu.region"() ({
      %run_scoped3A = tpu.sem_alloc : memref<!tpu.dma_semaphore, #tpu.memory_space<semaphore_mem>>
      %dma_start3A_33 = arith.constant 0 : i32
      %dma_start3A_34 = tpu.memref_slice %arg11[%mul3A_2, %dma_start3A_33] : memref<10240x16xf32, #tpu.memory_space<vmem_shared>> -> memref<640x16xf32, #tpu.memory_space<vmem_shared>>
      %dma_start3A_35 = arith.constant 0 : i32
      %dma_start3A_36 = tpu.memref_slice %arg5[%mul3A_0, %dma_start3A_35] : memref<10240x16xf32, #tpu.memory_space<hbm>> -> memref<640x16xf32, #tpu.memory_space<hbm>>
      tpu.enqueue_dma source(%dma_start3A_36 : memref<640x16xf32, #tpu.memory_space<hbm>>) target(%dma_start3A_34 : memref<640x16xf32, #tpu.memory_space<vmem_shared>>) target_semaphore(%run_scoped3A : memref<!tpu.dma_semaphore, #tpu.memory_space<semaphore_mem>>)
      %dma_wait3A = arith.constant 0 : i32
      %dma_wait3A_37 = tpu.memref_slice %arg11[%mul3A_2, %dma_wait3A] : memref<10240x16xf32, #tpu.memory_space<vmem_shared>> -> memref<640x16xf32, #tpu.memory_space<vmem_shared>>
      %dma_wait3A_38 = arith.constant 0 : i32
      %dma_wait3A_39 = tpu.memref_slice %arg5[%mul3A_0, %dma_wait3A_38] : memref<10240x16xf32, #tpu.memory_space<hbm>> -> memref<640x16xf32, #tpu.memory_space<hbm>>
      tpu.wait_dma2 semaphore(%run_scoped3A : memref<!tpu.dma_semaphore, #tpu.memory_space<semaphore_mem>>) src(%dma_wait3A_39 : memref<640x16xf32, #tpu.memory_space<hbm>>) dst(%dma_wait3A_37 : memref<640x16xf32, #tpu.memory_space<vmem_shared>>)
      tpu.yield
    }) : () -> ()
    %mul3A_3 = arith.constant 640 : i32
    %mul3A_4 = arith.muli %arg1, %mul3A_3 : i32
    %mul3A_5 = arith.constant 640 : i32
    %mul3A_6 = arith.muli %arg1, %mul3A_5 : i32
    "tpu.region"() ({
      %run_scoped3A = tpu.sem_alloc : memref<!tpu.dma_semaphore, #tpu.memory_space<semaphore_mem>>
      %dma_start3A_33 = arith.constant 0 : i32
      %dma_start3A_34 = tpu.memref_slice %arg12[%mul3A_6, %dma_start3A_33] : memref<10240x16xf32, #tpu.memory_space<vmem_shared>> -> memref<640x16xf32, #tpu.memory_space<vmem_shared>>
      %dma_start3A_35 = arith.constant 0 : i32
      %dma_start3A_36 = tpu.memref_slice %arg2[%mul3A_4, %dma_start3A_35] : memref<10240x16xf32, #tpu.memory_space<hbm>> -> memref<640x16xf32, #tpu.memory_space<hbm>>
      tpu.enqueue_dma source(%dma_start3A_36 : memref<640x16xf32, #tpu.memory_space<hbm>>) target(%dma_start3A_34 : memref<640x16xf32, #tpu.memory_space<vmem_shared>>) target_semaphore(%run_scoped3A : memref<!tpu.dma_semaphore, #tpu.memory_space<semaphore_mem>>)
      %dma_wait3A = arith.constant 0 : i32
      %dma_wait3A_37 = tpu.memref_slice %arg12[%mul3A_6, %dma_wait3A] : memref<10240x16xf32, #tpu.memory_space<vmem_shared>> -> memref<640x16xf32, #tpu.memory_space<vmem_shared>>
      %dma_wait3A_38 = arith.constant 0 : i32
      %dma_wait3A_39 = tpu.memref_slice %arg2[%mul3A_4, %dma_wait3A_38] : memref<10240x16xf32, #tpu.memory_space<hbm>> -> memref<640x16xf32, #tpu.memory_space<hbm>>
      tpu.wait_dma2 semaphore(%run_scoped3A : memref<!tpu.dma_semaphore, #tpu.memory_space<semaphore_mem>>) src(%dma_wait3A_39 : memref<640x16xf32, #tpu.memory_space<hbm>>) dst(%dma_wait3A_37 : memref<640x16xf32, #tpu.memory_space<vmem_shared>>)
      tpu.yield
    }) : () -> ()
    %mul3A_7 = arith.constant 16 : i32
    %mul3A_8 = arith.muli %arg0, %mul3A_7 : i32
    %add3A = arith.addi %mul3A_8, %arg1 : i32
    "tpu.region"() ({
      %run_scoped3A = tpu.sem_alloc : memref<!tpu.dma_semaphore, #tpu.memory_space<semaphore_mem>>
      %dma_start3A_33 = arith.constant 0 : i32
      %dma_start3A_34 = arith.constant 0 : i32
      %dma_start3A_35 = tpu.memref_slice %arg3[%add3A, %dma_start3A_33, %dma_start3A_34] : memref<32x20x500xi32, #tpu.memory_space<hbm>> -> memref<1x20x500xi32, #tpu.memory_space<hbm>>
      %dma_start3A_36 = tpu.memref_squeeze %dma_start3A_35 : memref<1x20x500xi32, #tpu.memory_space<hbm>> -> memref<20x500xi32, #tpu.memory_space<hbm>>
      %dma_start3A_37 = arith.constant 0 : i32
      %dma_start3A_38 = arith.constant 0 : i32
      %dma_start3A_39 = tpu.memref_slice %arg3[%add3A, %dma_start3A_37, %dma_start3A_38] : memref<32x20x500xi32, #tpu.memory_space<hbm>> -> memref<1x20x500xi32, #tpu.memory_space<hbm>>
      %dma_start3A_40 = tpu.memref_squeeze %dma_start3A_39 : memref<1x20x500xi32, #tpu.memory_space<hbm>> -> memref<20x500xi32, #tpu.memory_space<hbm>>
      tpu.enqueue_dma source(%dma_start3A_40 : memref<20x500xi32, #tpu.memory_space<hbm>>) target(%arg7 : memref<20x500xi32, #tpu.memory_space<vmem>>) target_semaphore(%run_scoped3A : memref<!tpu.dma_semaphore, #tpu.memory_space<semaphore_mem>>)
      %dma_wait3A = arith.constant 0 : i32
      %dma_wait3A_41 = arith.constant 0 : i32
      %dma_wait3A_42 = tpu.memref_slice %arg3[%add3A, %dma_wait3A, %dma_wait3A_41] : memref<32x20x500xi32, #tpu.memory_space<hbm>> -> memref<1x20x500xi32, #tpu.memory_space<hbm>>
      %dma_wait3A_43 = tpu.memref_squeeze %dma_wait3A_42 : memref<1x20x500xi32, #tpu.memory_space<hbm>> -> memref<20x500xi32, #tpu.memory_space<hbm>>
      %dma_wait3A_44 = arith.constant 0 : i32
      %dma_wait3A_45 = arith.constant 0 : i32
      %dma_wait3A_46 = tpu.memref_slice %arg3[%add3A, %dma_wait3A_44, %dma_wait3A_45] : memref<32x20x500xi32, #tpu.memory_space<hbm>> -> memref<1x20x500xi32, #tpu.memory_space<hbm>>
      %dma_wait3A_47 = tpu.memref_squeeze %dma_wait3A_46 : memref<1x20x500xi32, #tpu.memory_space<hbm>> -> memref<20x500xi32, #tpu.memory_space<hbm>>
      tpu.wait_dma2 semaphore(%run_scoped3A : memref<!tpu.dma_semaphore, #tpu.memory_space<semaphore_mem>>) src(%dma_wait3A_47 : memref<20x500xi32, #tpu.memory_space<hbm>>) dst(%arg7 : memref<20x500xi32, #tpu.memory_space<vmem>>)
      tpu.yield
    }) : () -> ()
    "tpu.region"() ({
      %run_scoped3A = tpu.sem_alloc : memref<!tpu.dma_semaphore, #tpu.memory_space<semaphore_mem>>
      %dma_start3A_33 = arith.constant 0 : i32
      %dma_start3A_34 = arith.constant 0 : i32
      %dma_start3A_35 = tpu.memref_slice %arg4[%add3A, %dma_start3A_33, %dma_start3A_34] : memref<32x20x500xi32, #tpu.memory_space<hbm>> -> memref<1x20x500xi32, #tpu.memory_space<hbm>>
      %dma_start3A_36 = tpu.memref_squeeze %dma_start3A_35 : memref<1x20x500xi32, #tpu.memory_space<hbm>> -> memref<20x500xi32, #tpu.memory_space<hbm>>
      %dma_start3A_37 = arith.constant 0 : i32
      %dma_start3A_38 = arith.constant 0 : i32
      %dma_start3A_39 = tpu.memref_slice %arg4[%add3A, %dma_start3A_37, %dma_start3A_38] : memref<32x20x500xi32, #tpu.memory_space<hbm>> -> memref<1x20x500xi32, #tpu.memory_space<hbm>>
      %dma_start3A_40 = tpu.memref_squeeze %dma_start3A_39 : memref<1x20x500xi32, #tpu.memory_space<hbm>> -> memref<20x500xi32, #tpu.memory_space<hbm>>
      tpu.enqueue_dma source(%dma_start3A_40 : memref<20x500xi32, #tpu.memory_space<hbm>>) target(%arg8 : memref<20x500xi32, #tpu.memory_space<vmem>>) target_semaphore(%run_scoped3A : memref<!tpu.dma_semaphore, #tpu.memory_space<semaphore_mem>>)
      %dma_wait3A = arith.constant 0 : i32
      %dma_wait3A_41 = arith.constant 0 : i32
      %dma_wait3A_42 = tpu.memref_slice %arg4[%add3A, %dma_wait3A, %dma_wait3A_41] : memref<32x20x500xi32, #tpu.memory_space<hbm>> -> memref<1x20x500xi32, #tpu.memory_space<hbm>>
      %dma_wait3A_43 = tpu.memref_squeeze %dma_wait3A_42 : memref<1x20x500xi32, #tpu.memory_space<hbm>> -> memref<20x500xi32, #tpu.memory_space<hbm>>
      %dma_wait3A_44 = arith.constant 0 : i32
      %dma_wait3A_45 = arith.constant 0 : i32
      %dma_wait3A_46 = tpu.memref_slice %arg4[%add3A, %dma_wait3A_44, %dma_wait3A_45] : memref<32x20x500xi32, #tpu.memory_space<hbm>> -> memref<1x20x500xi32, #tpu.memory_space<hbm>>
      %dma_wait3A_47 = tpu.memref_squeeze %dma_wait3A_46 : memref<1x20x500xi32, #tpu.memory_space<hbm>> -> memref<20x500xi32, #tpu.memory_space<hbm>>
      tpu.wait_dma2 semaphore(%run_scoped3A : memref<!tpu.dma_semaphore, #tpu.memory_space<semaphore_mem>>) src(%dma_wait3A_47 : memref<20x500xi32, #tpu.memory_space<hbm>>) dst(%arg8 : memref<20x500xi32, #tpu.memory_space<vmem>>)
      tpu.yield
    }) : () -> ()
    %barrier3A = arith.constant 0 : index
    tpu.barrier barrier_id(%barrier3A)
    %dma_start3A = arith.constant 0 : i32
    %dma_start3A_9 = arith.constant 0 : i32
    %dma_start3A_10 = arith.constant 0 : i32
    %dma_start3A_11 = arith.constant 0 : i32
    %dma_start3A_12 = arith.constant 0 : i32
    %dma_start3A_13 = tpu.memref_slice %arg9[%dma_start3A_9, %dma_start3A_11, %dma_start3A_12] : memref<2x500x16xf32, #tpu.memory_space<vmem>> -> memref<1x500x16xf32, #tpu.memory_space<vmem>>
    %dma_start3A_14 = tpu.memref_squeeze %dma_start3A_13 : memref<1x500x16xf32, #tpu.memory_space<vmem>> -> memref<500x16xf32, #tpu.memory_space<vmem>>
    %dma_start3A_15 = arith.constant 0 : i32
    %dma_start3A_16 = tpu.memref_slice %arg7[%dma_start3A, %dma_start3A_15] : memref<20x500xi32, #tpu.memory_space<vmem>> -> memref<1x500xi32, #tpu.memory_space<vmem>>
    %dma_start3A_17 = tpu.memref_squeeze %dma_start3A_16 : memref<1x500xi32, #tpu.memory_space<vmem>> -> memref<500xi32, #tpu.memory_space<vmem>>
    %dma_start3A_18 = arith.constant 0 : i32
    %dma_start3A_19 = arith.constant 0 : i32
    %dma_start3A_20 = tpu.memref_slice %arg12[%dma_start3A_18, %dma_start3A_19] : memref<10240x16xf32, #tpu.memory_space<vmem_shared>> -> memref<10240x16xf32, #tpu.memory_space<vmem_shared>>
    %dma_start3A_21 = tpu.memref_slice %arg10[%dma_start3A_10] : memref<2x!tpu.dma_semaphore, #tpu.memory_space<semaphore_mem>> -> memref<1x!tpu.dma_semaphore, #tpu.memory_space<semaphore_mem>>
    %dma_start3A_22 = tpu.memref_squeeze %dma_start3A_21 : memref<1x!tpu.dma_semaphore, #tpu.memory_space<semaphore_mem>> -> memref<!tpu.dma_semaphore, #tpu.memory_space<semaphore_mem>>
    tpu.enqueue_indirect_dma source(%dma_start3A_20 : memref<10240x16xf32, #tpu.memory_space<vmem_shared>>) target(%dma_start3A_14 : memref<500x16xf32, #tpu.memory_space<vmem>>) offsets(%dma_start3A_17 : memref<500xi32, #tpu.memory_space<vmem>>) semaphore(%dma_start3A_22 : memref<!tpu.dma_semaphore, #tpu.memory_space<semaphore_mem>>)
    %scan3A = arith.constant 0 : i32
    %scan3A_23 = arith.constant 0 : i32
    %scan3A_24 = arith.constant 20 : i32
    %scan3A_25 = arith.addi %scan3A_23, %scan3A_24 : i32
    %scan3A_26 = arith.constant 1 : i32
    scf.for %scan3A_33 = %scan3A_23 to %scan3A_25 step %scan3A_26  : i32 {
      %add3A_34 = arith.constant 1 : i32
      %add3A_35 = arith.addi %scan3A_33, %add3A_34 : i32
      %lt3A = arith.constant 20 : i32
      %lt3A_36 = arith.cmpi slt, %add3A_35, %lt3A : i32
      %convert_element_type3A = arith.extui %lt3A_36 : i1 to i32
      %cond3A = arith.constant 0 : i32
      %cond3A_37 = arith.cmpi ne, %convert_element_type3A, %cond3A : i32
      scf.if %cond3A_37 {
        %jit3A_91 = arith.constant 2 : i32
        %eq3A_92 = arith.constant 0 : i32
        %eq3A_93 = arith.cmpi eq, %jit3A_91, %eq3A_92 : i32
        %jit3A_94 = arith.constant 1 : i32
        %select_n3A_95 = arith.select %eq3A_93, %jit3A_94, %jit3A_91 : i32
        %rem3A_96 = arith.remsi %add3A_35, %select_n3A_95 : i32
        %ne3A_97 = arith.constant 0 : i32
        %ne3A_98 = arith.cmpi ne, %rem3A_96, %ne3A_97 : i32
        %lt3A_99 = arith.constant 0 : i32
        %lt3A_100 = arith.cmpi slt, %rem3A_96, %lt3A_99 : i32
        %lt3A_101 = arith.constant 0 : i32
        %lt3A_102 = arith.cmpi slt, %select_n3A_95, %lt3A_101 : i32
        %ne3A_103 = arith.xori %lt3A_100, %lt3A_102 : i1
        %and3A_104 = arith.andi %ne3A_103, %ne3A_98 : i1
        %add3A_105 = arith.addi %rem3A_96, %select_n3A_95 : i32
        %select_n3A_106 = arith.select %and3A_104, %add3A_105, %rem3A_96 : i32
        %jit3A_107 = arith.constant 2 : i32
        %eq3A_108 = arith.constant 0 : i32
        %eq3A_109 = arith.cmpi eq, %jit3A_107, %eq3A_108 : i32
        %jit3A_110 = arith.constant 1 : i32
        %select_n3A_111 = arith.select %eq3A_109, %jit3A_110, %jit3A_107 : i32
        %rem3A_112 = arith.remsi %add3A_35, %select_n3A_111 : i32
        %ne3A_113 = arith.constant 0 : i32
        %ne3A_114 = arith.cmpi ne, %rem3A_112, %ne3A_113 : i32
        %lt3A_115 = arith.constant 0 : i32
        %lt3A_116 = arith.cmpi slt, %rem3A_112, %lt3A_115 : i32
        %lt3A_117 = arith.constant 0 : i32
        %lt3A_118 = arith.cmpi slt, %select_n3A_111, %lt3A_117 : i32
        %ne3A_119 = arith.xori %lt3A_116, %lt3A_118 : i1
        %and3A_120 = arith.andi %ne3A_119, %ne3A_114 : i1
        %add3A_121 = arith.addi %rem3A_112, %select_n3A_111 : i32
        %select_n3A_122 = arith.select %and3A_120, %add3A_121, %rem3A_112 : i32
        %dma_start3A_123 = arith.constant 0 : i32
        %dma_start3A_124 = arith.constant 0 : i32
        %dma_start3A_125 = tpu.memref_slice %arg9[%select_n3A_106, %dma_start3A_123, %dma_start3A_124] : memref<2x500x16xf32, #tpu.memory_space<vmem>> -> memref<1x500x16xf32, #tpu.memory_space<vmem>>
        %dma_start3A_126 = tpu.memref_squeeze %dma_start3A_125 : memref<1x500x16xf32, #tpu.memory_space<vmem>> -> memref<500x16xf32, #tpu.memory_space<vmem>>
        %dma_start3A_127 = arith.constant 0 : i32
        %dma_start3A_128 = tpu.memref_slice %arg7[%add3A_35, %dma_start3A_127] : memref<20x500xi32, #tpu.memory_space<vmem>> -> memref<1x500xi32, #tpu.memory_space<vmem>>
        %dma_start3A_129 = tpu.memref_squeeze %dma_start3A_128 : memref<1x500xi32, #tpu.memory_space<vmem>> -> memref<500xi32, #tpu.memory_space<vmem>>
        %dma_start3A_130 = arith.constant 0 : i32
        %dma_start3A_131 = arith.constant 0 : i32
        %dma_start3A_132 = tpu.memref_slice %arg12[%dma_start3A_130, %dma_start3A_131] : memref<10240x16xf32, #tpu.memory_space<vmem_shared>> -> memref<10240x16xf32, #tpu.memory_space<vmem_shared>>
        %dma_start3A_133 = tpu.memref_slice %arg10[%select_n3A_122] : memref<2x!tpu.dma_semaphore, #tpu.memory_space<semaphore_mem>> -> memref<1x!tpu.dma_semaphore, #tpu.memory_space<semaphore_mem>>
        %dma_start3A_134 = tpu.memref_squeeze %dma_start3A_133 : memref<1x!tpu.dma_semaphore, #tpu.memory_space<semaphore_mem>> -> memref<!tpu.dma_semaphore, #tpu.memory_space<semaphore_mem>>
        tpu.enqueue_indirect_dma source(%dma_start3A_132 : memref<10240x16xf32, #tpu.memory_space<vmem_shared>>) target(%dma_start3A_126 : memref<500x16xf32, #tpu.memory_space<vmem>>) offsets(%dma_start3A_129 : memref<500xi32, #tpu.memory_space<vmem>>) semaphore(%dma_start3A_134 : memref<!tpu.dma_semaphore, #tpu.memory_space<semaphore_mem>>)
      } else {
      }
      %jit3A = arith.constant 2 : i32
      %eq3A = arith.constant 0 : i32
      %eq3A_38 = arith.cmpi eq, %jit3A, %eq3A : i32
      %jit3A_39 = arith.constant 1 : i32
      %select_n3A = arith.select %eq3A_38, %jit3A_39, %jit3A : i32
      %rem3A = arith.remsi %scan3A_33, %select_n3A : i32
      %ne3A = arith.constant 0 : i32
      %ne3A_40 = arith.cmpi ne, %rem3A, %ne3A : i32
      %lt3A_41 = arith.constant 0 : i32
      %lt3A_42 = arith.cmpi slt, %rem3A, %lt3A_41 : i32
      %lt3A_43 = arith.constant 0 : i32
      %lt3A_44 = arith.cmpi slt, %select_n3A, %lt3A_43 : i32
      %ne3A_45 = arith.xori %lt3A_42, %lt3A_44 : i1
      %and3A = arith.andi %ne3A_45, %ne3A_40 : i1
      %add3A_46 = arith.addi %rem3A, %select_n3A : i32
      %select_n3A_47 = arith.select %and3A, %add3A_46, %rem3A : i32
      %jit3A_48 = arith.constant 2 : i32
      %eq3A_49 = arith.constant 0 : i32
      %eq3A_50 = arith.cmpi eq, %jit3A_48, %eq3A_49 : i32
      %jit3A_51 = arith.constant 1 : i32
      %select_n3A_52 = arith.select %eq3A_50, %jit3A_51, %jit3A_48 : i32
      %rem3A_53 = arith.remsi %scan3A_33, %select_n3A_52 : i32
      %ne3A_54 = arith.constant 0 : i32
      %ne3A_55 = arith.cmpi ne, %rem3A_53, %ne3A_54 : i32
      %lt3A_56 = arith.constant 0 : i32
      %lt3A_57 = arith.cmpi slt, %rem3A_53, %lt3A_56 : i32
      %lt3A_58 = arith.constant 0 : i32
      %lt3A_59 = arith.cmpi slt, %select_n3A_52, %lt3A_58 : i32
      %ne3A_60 = arith.xori %lt3A_57, %lt3A_59 : i1
      %and3A_61 = arith.andi %ne3A_60, %ne3A_55 : i1
      %add3A_62 = arith.addi %rem3A_53, %select_n3A_52 : i32
      %select_n3A_63 = arith.select %and3A_61, %add3A_62, %rem3A_53 : i32
      %dma_wait3A = arith.constant 0 : i32
      %dma_wait3A_64 = arith.constant 0 : i32
      %dma_wait3A_65 = tpu.memref_slice %arg9[%select_n3A_47, %dma_wait3A, %dma_wait3A_64] : memref<2x500x16xf32, #tpu.memory_space<vmem>> -> memref<1x500x16xf32, #tpu.memory_space<vmem>>
      %dma_wait3A_66 = tpu.memref_squeeze %dma_wait3A_65 : memref<1x500x16xf32, #tpu.memory_space<vmem>> -> memref<500x16xf32, #tpu.memory_space<vmem>>
      %dma_wait3A_67 = arith.constant 0 : i32
      %dma_wait3A_68 = tpu.memref_slice %arg7[%scan3A_33, %dma_wait3A_67] : memref<20x500xi32, #tpu.memory_space<vmem>> -> memref<1x500xi32, #tpu.memory_space<vmem>>
      %dma_wait3A_69 = tpu.memref_squeeze %dma_wait3A_68 : memref<1x500xi32, #tpu.memory_space<vmem>> -> memref<500xi32, #tpu.memory_space<vmem>>
      %dma_wait3A_70 = arith.constant 0 : i32
      %dma_wait3A_71 = arith.constant 0 : i32
      %dma_wait3A_72 = tpu.memref_slice %arg12[%dma_wait3A_70, %dma_wait3A_71] : memref<10240x16xf32, #tpu.memory_space<vmem_shared>> -> memref<10240x16xf32, #tpu.memory_space<vmem_shared>>
      %dma_wait3A_73 = tpu.memref_slice %arg10[%select_n3A_63] : memref<2x!tpu.dma_semaphore, #tpu.memory_space<semaphore_mem>> -> memref<1x!tpu.dma_semaphore, #tpu.memory_space<semaphore_mem>>
      %dma_wait3A_74 = tpu.memref_squeeze %dma_wait3A_73 : memref<1x!tpu.dma_semaphore, #tpu.memory_space<semaphore_mem>> -> memref<!tpu.dma_semaphore, #tpu.memory_space<semaphore_mem>>
      tpu.wait_indirect_dma semaphore(%dma_wait3A_74 : memref<!tpu.dma_semaphore, #tpu.memory_space<semaphore_mem>>) src(%dma_wait3A_72 : memref<10240x16xf32, #tpu.memory_space<vmem_shared>>) dst(%dma_wait3A_66 : memref<500x16xf32, #tpu.memory_space<vmem>>)
      %jit3A_75 = arith.constant 2 : i32
      %eq3A_76 = arith.constant 0 : i32
      %eq3A_77 = arith.cmpi eq, %jit3A_75, %eq3A_76 : i32
      %jit3A_78 = arith.constant 1 : i32
      %select_n3A_79 = arith.select %eq3A_77, %jit3A_78, %jit3A_75 : i32
      %rem3A_80 = arith.remsi %scan3A_33, %select_n3A_79 : i32
      %ne3A_81 = arith.constant 0 : i32
      %ne3A_82 = arith.cmpi ne, %rem3A_80, %ne3A_81 : i32
      %lt3A_83 = arith.constant 0 : i32
      %lt3A_84 = arith.cmpi slt, %rem3A_80, %lt3A_83 : i32
      %lt3A_85 = arith.constant 0 : i32
      %lt3A_86 = arith.cmpi slt, %select_n3A_79, %lt3A_85 : i32
      %ne3A_87 = arith.xori %lt3A_84, %lt3A_86 : i1
      %and3A_88 = arith.andi %ne3A_87, %ne3A_82 : i1
      %add3A_89 = arith.addi %rem3A_80, %select_n3A_79 : i32
      %select_n3A_90 = arith.select %and3A_88, %add3A_89, %rem3A_80 : i32
      "tpu.region"() ({
        %run_scoped3A = tpu.sem_alloc : memref<!tpu.dma_semaphore, #tpu.memory_space<semaphore_mem>>
        %dma_start3A_91 = arith.constant 0 : i32
        %dma_start3A_92 = arith.constant 0 : i32
        %dma_start3A_93 = tpu.memref_slice %arg9[%select_n3A_90, %dma_start3A_91, %dma_start3A_92] : memref<2x500x16xf32, #tpu.memory_space<vmem>> -> memref<1x500x16xf32, #tpu.memory_space<vmem>>
        %dma_start3A_94 = tpu.memref_squeeze %dma_start3A_93 : memref<1x500x16xf32, #tpu.memory_space<vmem>> -> memref<500x16xf32, #tpu.memory_space<vmem>>
        %dma_start3A_95 = arith.constant 0 : i32
        %dma_start3A_96 = tpu.memref_slice %arg8[%scan3A_33, %dma_start3A_95] : memref<20x500xi32, #tpu.memory_space<vmem>> -> memref<1x500xi32, #tpu.memory_space<vmem>>
        %dma_start3A_97 = tpu.memref_squeeze %dma_start3A_96 : memref<1x500xi32, #tpu.memory_space<vmem>> -> memref<500xi32, #tpu.memory_space<vmem>>
        %dma_start3A_98 = arith.constant 0 : i32
        %dma_start3A_99 = arith.constant 0 : i32
        %dma_start3A_100 = tpu.memref_slice %arg11[%dma_start3A_98, %dma_start3A_99] : memref<10240x16xf32, #tpu.memory_space<vmem_shared>> -> memref<10240x16xf32, #tpu.memory_space<vmem_shared>>
        tpu.enqueue_indirect_dma source(%dma_start3A_94 : memref<500x16xf32, #tpu.memory_space<vmem>>) target(%dma_start3A_100 : memref<10240x16xf32, #tpu.memory_space<vmem_shared>>) offsets(%dma_start3A_97 : memref<500xi32, #tpu.memory_space<vmem>>) semaphore(%run_scoped3A : memref<!tpu.dma_semaphore, #tpu.memory_space<semaphore_mem>>) {add = true}
        %dma_wait3A_101 = arith.constant 0 : i32
        %dma_wait3A_102 = arith.constant 0 : i32
        %dma_wait3A_103 = tpu.memref_slice %arg9[%select_n3A_90, %dma_wait3A_101, %dma_wait3A_102] : memref<2x500x16xf32, #tpu.memory_space<vmem>> -> memref<1x500x16xf32, #tpu.memory_space<vmem>>
        %dma_wait3A_104 = tpu.memref_squeeze %dma_wait3A_103 : memref<1x500x16xf32, #tpu.memory_space<vmem>> -> memref<500x16xf32, #tpu.memory_space<vmem>>
        %dma_wait3A_105 = arith.constant 0 : i32
        %dma_wait3A_106 = tpu.memref_slice %arg8[%scan3A_33, %dma_wait3A_105] : memref<20x500xi32, #tpu.memory_space<vmem>> -> memref<1x500xi32, #tpu.memory_space<vmem>>
        %dma_wait3A_107 = tpu.memref_squeeze %dma_wait3A_106 : memref<1x500xi32, #tpu.memory_space<vmem>> -> memref<500xi32, #tpu.memory_space<vmem>>
        %dma_wait3A_108 = arith.constant 0 : i32
        %dma_wait3A_109 = arith.constant 0 : i32
        %dma_wait3A_110 = tpu.memref_slice %arg11[%dma_wait3A_108, %dma_wait3A_109] : memref<10240x16xf32, #tpu.memory_space<vmem_shared>> -> memref<10240x16xf32, #tpu.memory_space<vmem_shared>>
        tpu.wait_indirect_dma semaphore(%run_scoped3A : memref<!tpu.dma_semaphore, #tpu.memory_space<semaphore_mem>>) src(%dma_wait3A_104 : memref<500x16xf32, #tpu.memory_space<vmem>>) dst(%dma_wait3A_110 : memref<10240x16xf32, #tpu.memory_space<vmem_shared>>)
        tpu.yield
      }) : () -> ()
    }
    %scan3A_27 = arith.constant 20 : i32
    %barrier3A_28 = arith.constant 0 : index
    tpu.barrier barrier_id(%barrier3A_28)
    %mul3A_29 = arith.constant 640 : i32
    %mul3A_30 = arith.muli %arg1, %mul3A_29 : i32
    %mul3A_31 = arith.constant 640 : i32
    %mul3A_32 = arith.muli %arg1, %mul3A_31 : i32
    "tpu.region"() ({
      %run_scoped3A = tpu.sem_alloc : memref<!tpu.dma_semaphore, #tpu.memory_space<semaphore_mem>>
      %dma_start3A_33 = arith.constant 0 : i32
      %dma_start3A_34 = tpu.memref_slice %arg6[%arg0, %mul3A_32, %dma_start3A_33] : memref<2x10240x16xf32, #tpu.memory_space<hbm>> -> memref<1x640x16xf32, #tpu.memory_space<hbm>>
      %dma_start3A_35 = tpu.memref_squeeze %dma_start3A_34 : memref<1x640x16xf32, #tpu.memory_space<hbm>> -> memref<640x16xf32, #tpu.memory_space<hbm>>
      %dma_start3A_36 = arith.constant 0 : i32
      %dma_start3A_37 = tpu.memref_slice %arg11[%mul3A_30, %dma_start3A_36] : memref<10240x16xf32, #tpu.memory_space<vmem_shared>> -> memref<640x16xf32, #tpu.memory_space<vmem_shared>>
      tpu.enqueue_dma source(%dma_start3A_37 : memref<640x16xf32, #tpu.memory_space<vmem_shared>>) target(%dma_start3A_35 : memref<640x16xf32, #tpu.memory_space<hbm>>) target_semaphore(%run_scoped3A : memref<!tpu.dma_semaphore, #tpu.memory_space<semaphore_mem>>)
      %dma_wait3A = arith.constant 0 : i32
      %dma_wait3A_38 = tpu.memref_slice %arg6[%arg0, %mul3A_32, %dma_wait3A] : memref<2x10240x16xf32, #tpu.memory_space<hbm>> -> memref<1x640x16xf32, #tpu.memory_space<hbm>>
      %dma_wait3A_39 = tpu.memref_squeeze %dma_wait3A_38 : memref<1x640x16xf32, #tpu.memory_space<hbm>> -> memref<640x16xf32, #tpu.memory_space<hbm>>
      %dma_wait3A_40 = arith.constant 0 : i32
      %dma_wait3A_41 = tpu.memref_slice %arg11[%mul3A_30, %dma_wait3A_40] : memref<10240x16xf32, #tpu.memory_space<vmem_shared>> -> memref<640x16xf32, #tpu.memory_space<vmem_shared>>
      tpu.wait_dma2 semaphore(%run_scoped3A : memref<!tpu.dma_semaphore, #tpu.memory_space<semaphore_mem>>) src(%dma_wait3A_41 : memref<640x16xf32, #tpu.memory_space<vmem_shared>>) dst(%dma_wait3A_39 : memref<640x16xf32, #tpu.memory_space<hbm>>)
      tpu.yield
    }) : () -> ()
    return
  }
}

#map = affine_map<(d0, d1) -> (0, 0, 0)>
#map1 = affine_map<(d0, d1) -> (0, 0)>
module attributes {stable_mosaic.version = 14 : i64} {
  func.func @_sc_degree_body(%arg0: i32, %arg1: i32, %arg2: memref<32x20x500xi32, #tpu.memory_space<hbm>>, %arg3: memref<10240x16xf32, #tpu.memory_space<hbm>>, %arg4: memref<500x16xf32, #tpu.memory_space<hbm>>, %arg5: memref<2x10240x16xf32, #tpu.memory_space<hbm>>, %arg6: memref<20x500xi32, #tpu.memory_space<vmem>>, %arg7: memref<500x16xf32, #tpu.memory_space<vmem>>, %arg8: memref<10240x16xf32, #tpu.memory_space<vmem_shared>>) attributes {dimension_semantics = [#tpu.dimension_semantics<core_parallel>, #tpu.dimension_semantics<subcore_parallel>], iteration_bounds = array<i64: 2, 16>, scalar_prefetch = 0 : i64, scratch_operands = 3 : i64, tpu.core_type = #tpu.core_type<sc_vector_subcore>, window_params = [{transform_indices = #map}, {transform_indices = #map1}, {transform_indices = #map1}, {transform_indices = #map}]} {
    %mul3A = arith.constant 640 : i32
    %mul3A_0 = arith.muli %arg1, %mul3A : i32
    %mul3A_1 = arith.constant 640 : i32
    %mul3A_2 = arith.muli %arg1, %mul3A_1 : i32
    "tpu.region"() ({
      %run_scoped3A = tpu.sem_alloc : memref<!tpu.dma_semaphore, #tpu.memory_space<semaphore_mem>>
      %dma_start3A = arith.constant 0 : i32
      %dma_start3A_15 = tpu.memref_slice %arg8[%mul3A_2, %dma_start3A] : memref<10240x16xf32, #tpu.memory_space<vmem_shared>> -> memref<640x16xf32, #tpu.memory_space<vmem_shared>>
      %dma_start3A_16 = arith.constant 0 : i32
      %dma_start3A_17 = tpu.memref_slice %arg3[%mul3A_0, %dma_start3A_16] : memref<10240x16xf32, #tpu.memory_space<hbm>> -> memref<640x16xf32, #tpu.memory_space<hbm>>
      tpu.enqueue_dma source(%dma_start3A_17 : memref<640x16xf32, #tpu.memory_space<hbm>>) target(%dma_start3A_15 : memref<640x16xf32, #tpu.memory_space<vmem_shared>>) target_semaphore(%run_scoped3A : memref<!tpu.dma_semaphore, #tpu.memory_space<semaphore_mem>>)
      %dma_wait3A = arith.constant 0 : i32
      %dma_wait3A_18 = tpu.memref_slice %arg8[%mul3A_2, %dma_wait3A] : memref<10240x16xf32, #tpu.memory_space<vmem_shared>> -> memref<640x16xf32, #tpu.memory_space<vmem_shared>>
      %dma_wait3A_19 = arith.constant 0 : i32
      %dma_wait3A_20 = tpu.memref_slice %arg3[%mul3A_0, %dma_wait3A_19] : memref<10240x16xf32, #tpu.memory_space<hbm>> -> memref<640x16xf32, #tpu.memory_space<hbm>>
      tpu.wait_dma2 semaphore(%run_scoped3A : memref<!tpu.dma_semaphore, #tpu.memory_space<semaphore_mem>>) src(%dma_wait3A_20 : memref<640x16xf32, #tpu.memory_space<hbm>>) dst(%dma_wait3A_18 : memref<640x16xf32, #tpu.memory_space<vmem_shared>>)
      tpu.yield
    }) : () -> ()
    %mul3A_3 = arith.constant 16 : i32
    %mul3A_4 = arith.muli %arg0, %mul3A_3 : i32
    %add3A = arith.addi %mul3A_4, %arg1 : i32
    "tpu.region"() ({
      %run_scoped3A = tpu.sem_alloc : memref<!tpu.dma_semaphore, #tpu.memory_space<semaphore_mem>>
      %dma_start3A = arith.constant 0 : i32
      %dma_start3A_15 = arith.constant 0 : i32
      %dma_start3A_16 = tpu.memref_slice %arg2[%add3A, %dma_start3A, %dma_start3A_15] : memref<32x20x500xi32, #tpu.memory_space<hbm>> -> memref<1x20x500xi32, #tpu.memory_space<hbm>>
      %dma_start3A_17 = tpu.memref_squeeze %dma_start3A_16 : memref<1x20x500xi32, #tpu.memory_space<hbm>> -> memref<20x500xi32, #tpu.memory_space<hbm>>
      %dma_start3A_18 = arith.constant 0 : i32
      %dma_start3A_19 = arith.constant 0 : i32
      %dma_start3A_20 = tpu.memref_slice %arg2[%add3A, %dma_start3A_18, %dma_start3A_19] : memref<32x20x500xi32, #tpu.memory_space<hbm>> -> memref<1x20x500xi32, #tpu.memory_space<hbm>>
      %dma_start3A_21 = tpu.memref_squeeze %dma_start3A_20 : memref<1x20x500xi32, #tpu.memory_space<hbm>> -> memref<20x500xi32, #tpu.memory_space<hbm>>
      tpu.enqueue_dma source(%dma_start3A_21 : memref<20x500xi32, #tpu.memory_space<hbm>>) target(%arg6 : memref<20x500xi32, #tpu.memory_space<vmem>>) target_semaphore(%run_scoped3A : memref<!tpu.dma_semaphore, #tpu.memory_space<semaphore_mem>>)
      %dma_wait3A = arith.constant 0 : i32
      %dma_wait3A_22 = arith.constant 0 : i32
      %dma_wait3A_23 = tpu.memref_slice %arg2[%add3A, %dma_wait3A, %dma_wait3A_22] : memref<32x20x500xi32, #tpu.memory_space<hbm>> -> memref<1x20x500xi32, #tpu.memory_space<hbm>>
      %dma_wait3A_24 = tpu.memref_squeeze %dma_wait3A_23 : memref<1x20x500xi32, #tpu.memory_space<hbm>> -> memref<20x500xi32, #tpu.memory_space<hbm>>
      %dma_wait3A_25 = arith.constant 0 : i32
      %dma_wait3A_26 = arith.constant 0 : i32
      %dma_wait3A_27 = tpu.memref_slice %arg2[%add3A, %dma_wait3A_25, %dma_wait3A_26] : memref<32x20x500xi32, #tpu.memory_space<hbm>> -> memref<1x20x500xi32, #tpu.memory_space<hbm>>
      %dma_wait3A_28 = tpu.memref_squeeze %dma_wait3A_27 : memref<1x20x500xi32, #tpu.memory_space<hbm>> -> memref<20x500xi32, #tpu.memory_space<hbm>>
      tpu.wait_dma2 semaphore(%run_scoped3A : memref<!tpu.dma_semaphore, #tpu.memory_space<semaphore_mem>>) src(%dma_wait3A_28 : memref<20x500xi32, #tpu.memory_space<hbm>>) dst(%arg6 : memref<20x500xi32, #tpu.memory_space<vmem>>)
      tpu.yield
    }) : () -> ()
    "tpu.region"() ({
      %run_scoped3A = tpu.sem_alloc : memref<!tpu.dma_semaphore, #tpu.memory_space<semaphore_mem>>
      tpu.enqueue_dma source(%arg4 : memref<500x16xf32, #tpu.memory_space<hbm>>) target(%arg7 : memref<500x16xf32, #tpu.memory_space<vmem>>) target_semaphore(%run_scoped3A : memref<!tpu.dma_semaphore, #tpu.memory_space<semaphore_mem>>)
      tpu.wait_dma2 semaphore(%run_scoped3A : memref<!tpu.dma_semaphore, #tpu.memory_space<semaphore_mem>>) src(%arg4 : memref<500x16xf32, #tpu.memory_space<hbm>>) dst(%arg7 : memref<500x16xf32, #tpu.memory_space<vmem>>)
      tpu.yield
    }) : () -> ()
    %barrier3A = arith.constant 0 : index
    tpu.barrier barrier_id(%barrier3A)
    %scan3A = arith.constant 0 : i32
    %scan3A_5 = arith.constant 0 : i32
    %scan3A_6 = arith.constant 20 : i32
    %scan3A_7 = arith.addi %scan3A_5, %scan3A_6 : i32
    %scan3A_8 = arith.constant 1 : i32
    scf.for %scan3A_15 = %scan3A_5 to %scan3A_7 step %scan3A_8  : i32 {
      "tpu.region"() ({
        %run_scoped3A = tpu.sem_alloc : memref<!tpu.dma_semaphore, #tpu.memory_space<semaphore_mem>>
        %dma_start3A = arith.constant 0 : i32
        %dma_start3A_16 = tpu.memref_slice %arg6[%scan3A_15, %dma_start3A] : memref<20x500xi32, #tpu.memory_space<vmem>> -> memref<1x500xi32, #tpu.memory_space<vmem>>
        %dma_start3A_17 = tpu.memref_squeeze %dma_start3A_16 : memref<1x500xi32, #tpu.memory_space<vmem>> -> memref<500xi32, #tpu.memory_space<vmem>>
        %dma_start3A_18 = arith.constant 0 : i32
        %dma_start3A_19 = arith.constant 0 : i32
        %dma_start3A_20 = tpu.memref_slice %arg8[%dma_start3A_18, %dma_start3A_19] : memref<10240x16xf32, #tpu.memory_space<vmem_shared>> -> memref<10240x16xf32, #tpu.memory_space<vmem_shared>>
        tpu.enqueue_indirect_dma source(%arg7 : memref<500x16xf32, #tpu.memory_space<vmem>>) target(%dma_start3A_20 : memref<10240x16xf32, #tpu.memory_space<vmem_shared>>) offsets(%dma_start3A_17 : memref<500xi32, #tpu.memory_space<vmem>>) semaphore(%run_scoped3A : memref<!tpu.dma_semaphore, #tpu.memory_space<semaphore_mem>>) {add = true}
        %dma_wait3A = arith.constant 0 : i32
        %dma_wait3A_21 = tpu.memref_slice %arg6[%scan3A_15, %dma_wait3A] : memref<20x500xi32, #tpu.memory_space<vmem>> -> memref<1x500xi32, #tpu.memory_space<vmem>>
        %dma_wait3A_22 = tpu.memref_squeeze %dma_wait3A_21 : memref<1x500xi32, #tpu.memory_space<vmem>> -> memref<500xi32, #tpu.memory_space<vmem>>
        %dma_wait3A_23 = arith.constant 0 : i32
        %dma_wait3A_24 = arith.constant 0 : i32
        %dma_wait3A_25 = tpu.memref_slice %arg8[%dma_wait3A_23, %dma_wait3A_24] : memref<10240x16xf32, #tpu.memory_space<vmem_shared>> -> memref<10240x16xf32, #tpu.memory_space<vmem_shared>>
        tpu.wait_indirect_dma semaphore(%run_scoped3A : memref<!tpu.dma_semaphore, #tpu.memory_space<semaphore_mem>>) src(%arg7 : memref<500x16xf32, #tpu.memory_space<vmem>>) dst(%dma_wait3A_25 : memref<10240x16xf32, #tpu.memory_space<vmem_shared>>)
        tpu.yield
      }) : () -> ()
    }
    %scan3A_9 = arith.constant 20 : i32
    %barrier3A_10 = arith.constant 0 : index
    tpu.barrier barrier_id(%barrier3A_10)
    %mul3A_11 = arith.constant 640 : i32
    %mul3A_12 = arith.muli %arg1, %mul3A_11 : i32
    %mul3A_13 = arith.constant 640 : i32
    %mul3A_14 = arith.muli %arg1, %mul3A_13 : i32
    "tpu.region"() ({
      %run_scoped3A = tpu.sem_alloc : memref<!tpu.dma_semaphore, #tpu.memory_space<semaphore_mem>>
      %dma_start3A = arith.constant 0 : i32
      %dma_start3A_15 = tpu.memref_slice %arg5[%arg0, %mul3A_14, %dma_start3A] : memref<2x10240x16xf32, #tpu.memory_space<hbm>> -> memref<1x640x16xf32, #tpu.memory_space<hbm>>
      %dma_start3A_16 = tpu.memref_squeeze %dma_start3A_15 : memref<1x640x16xf32, #tpu.memory_space<hbm>> -> memref<640x16xf32, #tpu.memory_space<hbm>>
      %dma_start3A_17 = arith.constant 0 : i32
      %dma_start3A_18 = tpu.memref_slice %arg8[%mul3A_12, %dma_start3A_17] : memref<10240x16xf32, #tpu.memory_space<vmem_shared>> -> memref<640x16xf32, #tpu.memory_space<vmem_shared>>
      tpu.enqueue_dma source(%dma_start3A_18 : memref<640x16xf32, #tpu.memory_space<vmem_shared>>) target(%dma_start3A_16 : memref<640x16xf32, #tpu.memory_space<hbm>>) target_semaphore(%run_scoped3A : memref<!tpu.dma_semaphore, #tpu.memory_space<semaphore_mem>>)
      %dma_wait3A = arith.constant 0 : i32
      %dma_wait3A_19 = tpu.memref_slice %arg5[%arg0, %mul3A_14, %dma_wait3A] : memref<2x10240x16xf32, #tpu.memory_space<hbm>> -> memref<1x640x16xf32, #tpu.memory_space<hbm>>
      %dma_wait3A_20 = tpu.memref_squeeze %dma_wait3A_19 : memref<1x640x16xf32, #tpu.memory_space<hbm>> -> memref<640x16xf32, #tpu.memory_space<hbm>>
      %dma_wait3A_21 = arith.constant 0 : i32
      %dma_wait3A_22 = tpu.memref_slice %arg8[%mul3A_12, %dma_wait3A_21] : memref<10240x16xf32, #tpu.memory_space<vmem_shared>> -> memref<640x16xf32, #tpu.memory_space<vmem_shared>>
      tpu.wait_dma2 semaphore(%run_scoped3A : memref<!tpu.dma_semaphore, #tpu.memory_space<semaphore_mem>>) src(%dma_wait3A_22 : memref<640x16xf32, #tpu.memory_space<vmem_shared>>) dst(%dma_wait3A_20 : memref<640x16xf32, #tpu.memory_space<hbm>>)
      tpu.yield
    }) : () -> ()
    return
  }
}

#map = affine_map<(d0, d1) -> (0, 0)>
#map1 = affine_map<(d0, d1) -> (0, 0, 0)>
module attributes {stable_mosaic.version = 14 : i64} {
  func.func @_sc_propagate_body(%arg0: i32, %arg1: i32, %arg2: memref<10240x16xf32, #tpu.memory_space<hbm>>, %arg3: memref<32x20x500xi32, #tpu.memory_space<hbm>>, %arg4: memref<32x20x500xi32, #tpu.memory_space<hbm>>, %arg5: memref<10240x16xf32, #tpu.memory_space<hbm>>, %arg6: memref<2x10240x16xf32, #tpu.memory_space<hbm>>, %arg7: memref<20x500xi32, #tpu.memory_space<vmem>>, %arg8: memref<20x500xi32, #tpu.memory_space<vmem>>, %arg9: memref<2x500x16xf32, #tpu.memory_space<vmem>>, %arg10: memref<2x!tpu.dma_semaphore, #tpu.memory_space<semaphore_mem>>, %arg11: memref<10240x16xf32, #tpu.memory_space<vmem_shared>>, %arg12: memref<10240x16xf32, #tpu.memory_space<vmem_shared>>) attributes {dimension_semantics = [#tpu.dimension_semantics<core_parallel>, #tpu.dimension_semantics<subcore_parallel>], iteration_bounds = array<i64: 2, 16>, scalar_prefetch = 0 : i64, scratch_operands = 6 : i64, tpu.core_type = #tpu.core_type<sc_vector_subcore>, window_params = [{transform_indices = #map}, {transform_indices = #map1}, {transform_indices = #map1}, {transform_indices = #map}, {transform_indices = #map1}]} {
    %mul3A = arith.constant 640 : i32
    %mul3A_0 = arith.muli %arg1, %mul3A : i32
    %mul3A_1 = arith.constant 640 : i32
    %mul3A_2 = arith.muli %arg1, %mul3A_1 : i32
    "tpu.region"() ({
      %run_scoped3A = tpu.sem_alloc : memref<!tpu.dma_semaphore, #tpu.memory_space<semaphore_mem>>
      %dma_start3A_33 = arith.constant 0 : i32
      %dma_start3A_34 = tpu.memref_slice %arg11[%mul3A_2, %dma_start3A_33] : memref<10240x16xf32, #tpu.memory_space<vmem_shared>> -> memref<640x16xf32, #tpu.memory_space<vmem_shared>>
      %dma_start3A_35 = arith.constant 0 : i32
      %dma_start3A_36 = tpu.memref_slice %arg5[%mul3A_0, %dma_start3A_35] : memref<10240x16xf32, #tpu.memory_space<hbm>> -> memref<640x16xf32, #tpu.memory_space<hbm>>
      tpu.enqueue_dma source(%dma_start3A_36 : memref<640x16xf32, #tpu.memory_space<hbm>>) target(%dma_start3A_34 : memref<640x16xf32, #tpu.memory_space<vmem_shared>>) target_semaphore(%run_scoped3A : memref<!tpu.dma_semaphore, #tpu.memory_space<semaphore_mem>>)
      %dma_wait3A = arith.constant 0 : i32
      %dma_wait3A_37 = tpu.memref_slice %arg11[%mul3A_2, %dma_wait3A] : memref<10240x16xf32, #tpu.memory_space<vmem_shared>> -> memref<640x16xf32, #tpu.memory_space<vmem_shared>>
      %dma_wait3A_38 = arith.constant 0 : i32
      %dma_wait3A_39 = tpu.memref_slice %arg5[%mul3A_0, %dma_wait3A_38] : memref<10240x16xf32, #tpu.memory_space<hbm>> -> memref<640x16xf32, #tpu.memory_space<hbm>>
      tpu.wait_dma2 semaphore(%run_scoped3A : memref<!tpu.dma_semaphore, #tpu.memory_space<semaphore_mem>>) src(%dma_wait3A_39 : memref<640x16xf32, #tpu.memory_space<hbm>>) dst(%dma_wait3A_37 : memref<640x16xf32, #tpu.memory_space<vmem_shared>>)
      tpu.yield
    }) : () -> ()
    %mul3A_3 = arith.constant 640 : i32
    %mul3A_4 = arith.muli %arg1, %mul3A_3 : i32
    %mul3A_5 = arith.constant 640 : i32
    %mul3A_6 = arith.muli %arg1, %mul3A_5 : i32
    "tpu.region"() ({
      %run_scoped3A = tpu.sem_alloc : memref<!tpu.dma_semaphore, #tpu.memory_space<semaphore_mem>>
      %dma_start3A_33 = arith.constant 0 : i32
      %dma_start3A_34 = tpu.memref_slice %arg12[%mul3A_6, %dma_start3A_33] : memref<10240x16xf32, #tpu.memory_space<vmem_shared>> -> memref<640x16xf32, #tpu.memory_space<vmem_shared>>
      %dma_start3A_35 = arith.constant 0 : i32
      %dma_start3A_36 = tpu.memref_slice %arg2[%mul3A_4, %dma_start3A_35] : memref<10240x16xf32, #tpu.memory_space<hbm>> -> memref<640x16xf32, #tpu.memory_space<hbm>>
      tpu.enqueue_dma source(%dma_start3A_36 : memref<640x16xf32, #tpu.memory_space<hbm>>) target(%dma_start3A_34 : memref<640x16xf32, #tpu.memory_space<vmem_shared>>) target_semaphore(%run_scoped3A : memref<!tpu.dma_semaphore, #tpu.memory_space<semaphore_mem>>)
      %dma_wait3A = arith.constant 0 : i32
      %dma_wait3A_37 = tpu.memref_slice %arg12[%mul3A_6, %dma_wait3A] : memref<10240x16xf32, #tpu.memory_space<vmem_shared>> -> memref<640x16xf32, #tpu.memory_space<vmem_shared>>
      %dma_wait3A_38 = arith.constant 0 : i32
      %dma_wait3A_39 = tpu.memref_slice %arg2[%mul3A_4, %dma_wait3A_38] : memref<10240x16xf32, #tpu.memory_space<hbm>> -> memref<640x16xf32, #tpu.memory_space<hbm>>
      tpu.wait_dma2 semaphore(%run_scoped3A : memref<!tpu.dma_semaphore, #tpu.memory_space<semaphore_mem>>) src(%dma_wait3A_39 : memref<640x16xf32, #tpu.memory_space<hbm>>) dst(%dma_wait3A_37 : memref<640x16xf32, #tpu.memory_space<vmem_shared>>)
      tpu.yield
    }) : () -> ()
    %mul3A_7 = arith.constant 16 : i32
    %mul3A_8 = arith.muli %arg0, %mul3A_7 : i32
    %add3A = arith.addi %mul3A_8, %arg1 : i32
    "tpu.region"() ({
      %run_scoped3A = tpu.sem_alloc : memref<!tpu.dma_semaphore, #tpu.memory_space<semaphore_mem>>
      %dma_start3A_33 = arith.constant 0 : i32
      %dma_start3A_34 = arith.constant 0 : i32
      %dma_start3A_35 = tpu.memref_slice %arg3[%add3A, %dma_start3A_33, %dma_start3A_34] : memref<32x20x500xi32, #tpu.memory_space<hbm>> -> memref<1x20x500xi32, #tpu.memory_space<hbm>>
      %dma_start3A_36 = tpu.memref_squeeze %dma_start3A_35 : memref<1x20x500xi32, #tpu.memory_space<hbm>> -> memref<20x500xi32, #tpu.memory_space<hbm>>
      %dma_start3A_37 = arith.constant 0 : i32
      %dma_start3A_38 = arith.constant 0 : i32
      %dma_start3A_39 = tpu.memref_slice %arg3[%add3A, %dma_start3A_37, %dma_start3A_38] : memref<32x20x500xi32, #tpu.memory_space<hbm>> -> memref<1x20x500xi32, #tpu.memory_space<hbm>>
      %dma_start3A_40 = tpu.memref_squeeze %dma_start3A_39 : memref<1x20x500xi32, #tpu.memory_space<hbm>> -> memref<20x500xi32, #tpu.memory_space<hbm>>
      tpu.enqueue_dma source(%dma_start3A_40 : memref<20x500xi32, #tpu.memory_space<hbm>>) target(%arg7 : memref<20x500xi32, #tpu.memory_space<vmem>>) target_semaphore(%run_scoped3A : memref<!tpu.dma_semaphore, #tpu.memory_space<semaphore_mem>>)
      %dma_wait3A = arith.constant 0 : i32
      %dma_wait3A_41 = arith.constant 0 : i32
      %dma_wait3A_42 = tpu.memref_slice %arg3[%add3A, %dma_wait3A, %dma_wait3A_41] : memref<32x20x500xi32, #tpu.memory_space<hbm>> -> memref<1x20x500xi32, #tpu.memory_space<hbm>>
      %dma_wait3A_43 = tpu.memref_squeeze %dma_wait3A_42 : memref<1x20x500xi32, #tpu.memory_space<hbm>> -> memref<20x500xi32, #tpu.memory_space<hbm>>
      %dma_wait3A_44 = arith.constant 0 : i32
      %dma_wait3A_45 = arith.constant 0 : i32
      %dma_wait3A_46 = tpu.memref_slice %arg3[%add3A, %dma_wait3A_44, %dma_wait3A_45] : memref<32x20x500xi32, #tpu.memory_space<hbm>> -> memref<1x20x500xi32, #tpu.memory_space<hbm>>
      %dma_wait3A_47 = tpu.memref_squeeze %dma_wait3A_46 : memref<1x20x500xi32, #tpu.memory_space<hbm>> -> memref<20x500xi32, #tpu.memory_space<hbm>>
      tpu.wait_dma2 semaphore(%run_scoped3A : memref<!tpu.dma_semaphore, #tpu.memory_space<semaphore_mem>>) src(%dma_wait3A_47 : memref<20x500xi32, #tpu.memory_space<hbm>>) dst(%arg7 : memref<20x500xi32, #tpu.memory_space<vmem>>)
      tpu.yield
    }) : () -> ()
    "tpu.region"() ({
      %run_scoped3A = tpu.sem_alloc : memref<!tpu.dma_semaphore, #tpu.memory_space<semaphore_mem>>
      %dma_start3A_33 = arith.constant 0 : i32
      %dma_start3A_34 = arith.constant 0 : i32
      %dma_start3A_35 = tpu.memref_slice %arg4[%add3A, %dma_start3A_33, %dma_start3A_34] : memref<32x20x500xi32, #tpu.memory_space<hbm>> -> memref<1x20x500xi32, #tpu.memory_space<hbm>>
      %dma_start3A_36 = tpu.memref_squeeze %dma_start3A_35 : memref<1x20x500xi32, #tpu.memory_space<hbm>> -> memref<20x500xi32, #tpu.memory_space<hbm>>
      %dma_start3A_37 = arith.constant 0 : i32
      %dma_start3A_38 = arith.constant 0 : i32
      %dma_start3A_39 = tpu.memref_slice %arg4[%add3A, %dma_start3A_37, %dma_start3A_38] : memref<32x20x500xi32, #tpu.memory_space<hbm>> -> memref<1x20x500xi32, #tpu.memory_space<hbm>>
      %dma_start3A_40 = tpu.memref_squeeze %dma_start3A_39 : memref<1x20x500xi32, #tpu.memory_space<hbm>> -> memref<20x500xi32, #tpu.memory_space<hbm>>
      tpu.enqueue_dma source(%dma_start3A_40 : memref<20x500xi32, #tpu.memory_space<hbm>>) target(%arg8 : memref<20x500xi32, #tpu.memory_space<vmem>>) target_semaphore(%run_scoped3A : memref<!tpu.dma_semaphore, #tpu.memory_space<semaphore_mem>>)
      %dma_wait3A = arith.constant 0 : i32
      %dma_wait3A_41 = arith.constant 0 : i32
      %dma_wait3A_42 = tpu.memref_slice %arg4[%add3A, %dma_wait3A, %dma_wait3A_41] : memref<32x20x500xi32, #tpu.memory_space<hbm>> -> memref<1x20x500xi32, #tpu.memory_space<hbm>>
      %dma_wait3A_43 = tpu.memref_squeeze %dma_wait3A_42 : memref<1x20x500xi32, #tpu.memory_space<hbm>> -> memref<20x500xi32, #tpu.memory_space<hbm>>
      %dma_wait3A_44 = arith.constant 0 : i32
      %dma_wait3A_45 = arith.constant 0 : i32
      %dma_wait3A_46 = tpu.memref_slice %arg4[%add3A, %dma_wait3A_44, %dma_wait3A_45] : memref<32x20x500xi32, #tpu.memory_space<hbm>> -> memref<1x20x500xi32, #tpu.memory_space<hbm>>
      %dma_wait3A_47 = tpu.memref_squeeze %dma_wait3A_46 : memref<1x20x500xi32, #tpu.memory_space<hbm>> -> memref<20x500xi32, #tpu.memory_space<hbm>>
      tpu.wait_dma2 semaphore(%run_scoped3A : memref<!tpu.dma_semaphore, #tpu.memory_space<semaphore_mem>>) src(%dma_wait3A_47 : memref<20x500xi32, #tpu.memory_space<hbm>>) dst(%arg8 : memref<20x500xi32, #tpu.memory_space<vmem>>)
      tpu.yield
    }) : () -> ()
    %barrier3A = arith.constant 0 : index
    tpu.barrier barrier_id(%barrier3A)
    %dma_start3A = arith.constant 0 : i32
    %dma_start3A_9 = arith.constant 0 : i32
    %dma_start3A_10 = arith.constant 0 : i32
    %dma_start3A_11 = arith.constant 0 : i32
    %dma_start3A_12 = arith.constant 0 : i32
    %dma_start3A_13 = tpu.memref_slice %arg9[%dma_start3A_9, %dma_start3A_11, %dma_start3A_12] : memref<2x500x16xf32, #tpu.memory_space<vmem>> -> memref<1x500x16xf32, #tpu.memory_space<vmem>>
    %dma_start3A_14 = tpu.memref_squeeze %dma_start3A_13 : memref<1x500x16xf32, #tpu.memory_space<vmem>> -> memref<500x16xf32, #tpu.memory_space<vmem>>
    %dma_start3A_15 = arith.constant 0 : i32
    %dma_start3A_16 = tpu.memref_slice %arg7[%dma_start3A, %dma_start3A_15] : memref<20x500xi32, #tpu.memory_space<vmem>> -> memref<1x500xi32, #tpu.memory_space<vmem>>
    %dma_start3A_17 = tpu.memref_squeeze %dma_start3A_16 : memref<1x500xi32, #tpu.memory_space<vmem>> -> memref<500xi32, #tpu.memory_space<vmem>>
    %dma_start3A_18 = arith.constant 0 : i32
    %dma_start3A_19 = arith.constant 0 : i32
    %dma_start3A_20 = tpu.memref_slice %arg12[%dma_start3A_18, %dma_start3A_19] : memref<10240x16xf32, #tpu.memory_space<vmem_shared>> -> memref<10240x16xf32, #tpu.memory_space<vmem_shared>>
    %dma_start3A_21 = tpu.memref_slice %arg10[%dma_start3A_10] : memref<2x!tpu.dma_semaphore, #tpu.memory_space<semaphore_mem>> -> memref<1x!tpu.dma_semaphore, #tpu.memory_space<semaphore_mem>>
    %dma_start3A_22 = tpu.memref_squeeze %dma_start3A_21 : memref<1x!tpu.dma_semaphore, #tpu.memory_space<semaphore_mem>> -> memref<!tpu.dma_semaphore, #tpu.memory_space<semaphore_mem>>
    tpu.enqueue_indirect_dma source(%dma_start3A_20 : memref<10240x16xf32, #tpu.memory_space<vmem_shared>>) target(%dma_start3A_14 : memref<500x16xf32, #tpu.memory_space<vmem>>) offsets(%dma_start3A_17 : memref<500xi32, #tpu.memory_space<vmem>>) semaphore(%dma_start3A_22 : memref<!tpu.dma_semaphore, #tpu.memory_space<semaphore_mem>>)
    %scan3A = arith.constant 0 : i32
    %scan3A_23 = arith.constant 0 : i32
    %scan3A_24 = arith.constant 20 : i32
    %scan3A_25 = arith.addi %scan3A_23, %scan3A_24 : i32
    %scan3A_26 = arith.constant 1 : i32
    scf.for %scan3A_33 = %scan3A_23 to %scan3A_25 step %scan3A_26  : i32 {
      %add3A_34 = arith.constant 1 : i32
      %add3A_35 = arith.addi %scan3A_33, %add3A_34 : i32
      %lt3A = arith.constant 20 : i32
      %lt3A_36 = arith.cmpi slt, %add3A_35, %lt3A : i32
      %convert_element_type3A = arith.extui %lt3A_36 : i1 to i32
      %cond3A = arith.constant 0 : i32
      %cond3A_37 = arith.cmpi ne, %convert_element_type3A, %cond3A : i32
      scf.if %cond3A_37 {
        %jit3A_91 = arith.constant 2 : i32
        %eq3A_92 = arith.constant 0 : i32
        %eq3A_93 = arith.cmpi eq, %jit3A_91, %eq3A_92 : i32
        %jit3A_94 = arith.constant 1 : i32
        %select_n3A_95 = arith.select %eq3A_93, %jit3A_94, %jit3A_91 : i32
        %rem3A_96 = arith.remsi %add3A_35, %select_n3A_95 : i32
        %ne3A_97 = arith.constant 0 : i32
        %ne3A_98 = arith.cmpi ne, %rem3A_96, %ne3A_97 : i32
        %lt3A_99 = arith.constant 0 : i32
        %lt3A_100 = arith.cmpi slt, %rem3A_96, %lt3A_99 : i32
        %lt3A_101 = arith.constant 0 : i32
        %lt3A_102 = arith.cmpi slt, %select_n3A_95, %lt3A_101 : i32
        %ne3A_103 = arith.xori %lt3A_100, %lt3A_102 : i1
        %and3A_104 = arith.andi %ne3A_103, %ne3A_98 : i1
        %add3A_105 = arith.addi %rem3A_96, %select_n3A_95 : i32
        %select_n3A_106 = arith.select %and3A_104, %add3A_105, %rem3A_96 : i32
        %jit3A_107 = arith.constant 2 : i32
        %eq3A_108 = arith.constant 0 : i32
        %eq3A_109 = arith.cmpi eq, %jit3A_107, %eq3A_108 : i32
        %jit3A_110 = arith.constant 1 : i32
        %select_n3A_111 = arith.select %eq3A_109, %jit3A_110, %jit3A_107 : i32
        %rem3A_112 = arith.remsi %add3A_35, %select_n3A_111 : i32
        %ne3A_113 = arith.constant 0 : i32
        %ne3A_114 = arith.cmpi ne, %rem3A_112, %ne3A_113 : i32
        %lt3A_115 = arith.constant 0 : i32
        %lt3A_116 = arith.cmpi slt, %rem3A_112, %lt3A_115 : i32
        %lt3A_117 = arith.constant 0 : i32
        %lt3A_118 = arith.cmpi slt, %select_n3A_111, %lt3A_117 : i32
        %ne3A_119 = arith.xori %lt3A_116, %lt3A_118 : i1
        %and3A_120 = arith.andi %ne3A_119, %ne3A_114 : i1
        %add3A_121 = arith.addi %rem3A_112, %select_n3A_111 : i32
        %select_n3A_122 = arith.select %and3A_120, %add3A_121, %rem3A_112 : i32
        %dma_start3A_123 = arith.constant 0 : i32
        %dma_start3A_124 = arith.constant 0 : i32
        %dma_start3A_125 = tpu.memref_slice %arg9[%select_n3A_106, %dma_start3A_123, %dma_start3A_124] : memref<2x500x16xf32, #tpu.memory_space<vmem>> -> memref<1x500x16xf32, #tpu.memory_space<vmem>>
        %dma_start3A_126 = tpu.memref_squeeze %dma_start3A_125 : memref<1x500x16xf32, #tpu.memory_space<vmem>> -> memref<500x16xf32, #tpu.memory_space<vmem>>
        %dma_start3A_127 = arith.constant 0 : i32
        %dma_start3A_128 = tpu.memref_slice %arg7[%add3A_35, %dma_start3A_127] : memref<20x500xi32, #tpu.memory_space<vmem>> -> memref<1x500xi32, #tpu.memory_space<vmem>>
        %dma_start3A_129 = tpu.memref_squeeze %dma_start3A_128 : memref<1x500xi32, #tpu.memory_space<vmem>> -> memref<500xi32, #tpu.memory_space<vmem>>
        %dma_start3A_130 = arith.constant 0 : i32
        %dma_start3A_131 = arith.constant 0 : i32
        %dma_start3A_132 = tpu.memref_slice %arg12[%dma_start3A_130, %dma_start3A_131] : memref<10240x16xf32, #tpu.memory_space<vmem_shared>> -> memref<10240x16xf32, #tpu.memory_space<vmem_shared>>
        %dma_start3A_133 = tpu.memref_slice %arg10[%select_n3A_122] : memref<2x!tpu.dma_semaphore, #tpu.memory_space<semaphore_mem>> -> memref<1x!tpu.dma_semaphore, #tpu.memory_space<semaphore_mem>>
        %dma_start3A_134 = tpu.memref_squeeze %dma_start3A_133 : memref<1x!tpu.dma_semaphore, #tpu.memory_space<semaphore_mem>> -> memref<!tpu.dma_semaphore, #tpu.memory_space<semaphore_mem>>
        tpu.enqueue_indirect_dma source(%dma_start3A_132 : memref<10240x16xf32, #tpu.memory_space<vmem_shared>>) target(%dma_start3A_126 : memref<500x16xf32, #tpu.memory_space<vmem>>) offsets(%dma_start3A_129 : memref<500xi32, #tpu.memory_space<vmem>>) semaphore(%dma_start3A_134 : memref<!tpu.dma_semaphore, #tpu.memory_space<semaphore_mem>>)
      } else {
      }
      %jit3A = arith.constant 2 : i32
      %eq3A = arith.constant 0 : i32
      %eq3A_38 = arith.cmpi eq, %jit3A, %eq3A : i32
      %jit3A_39 = arith.constant 1 : i32
      %select_n3A = arith.select %eq3A_38, %jit3A_39, %jit3A : i32
      %rem3A = arith.remsi %scan3A_33, %select_n3A : i32
      %ne3A = arith.constant 0 : i32
      %ne3A_40 = arith.cmpi ne, %rem3A, %ne3A : i32
      %lt3A_41 = arith.constant 0 : i32
      %lt3A_42 = arith.cmpi slt, %rem3A, %lt3A_41 : i32
      %lt3A_43 = arith.constant 0 : i32
      %lt3A_44 = arith.cmpi slt, %select_n3A, %lt3A_43 : i32
      %ne3A_45 = arith.xori %lt3A_42, %lt3A_44 : i1
      %and3A = arith.andi %ne3A_45, %ne3A_40 : i1
      %add3A_46 = arith.addi %rem3A, %select_n3A : i32
      %select_n3A_47 = arith.select %and3A, %add3A_46, %rem3A : i32
      %jit3A_48 = arith.constant 2 : i32
      %eq3A_49 = arith.constant 0 : i32
      %eq3A_50 = arith.cmpi eq, %jit3A_48, %eq3A_49 : i32
      %jit3A_51 = arith.constant 1 : i32
      %select_n3A_52 = arith.select %eq3A_50, %jit3A_51, %jit3A_48 : i32
      %rem3A_53 = arith.remsi %scan3A_33, %select_n3A_52 : i32
      %ne3A_54 = arith.constant 0 : i32
      %ne3A_55 = arith.cmpi ne, %rem3A_53, %ne3A_54 : i32
      %lt3A_56 = arith.constant 0 : i32
      %lt3A_57 = arith.cmpi slt, %rem3A_53, %lt3A_56 : i32
      %lt3A_58 = arith.constant 0 : i32
      %lt3A_59 = arith.cmpi slt, %select_n3A_52, %lt3A_58 : i32
      %ne3A_60 = arith.xori %lt3A_57, %lt3A_59 : i1
      %and3A_61 = arith.andi %ne3A_60, %ne3A_55 : i1
      %add3A_62 = arith.addi %rem3A_53, %select_n3A_52 : i32
      %select_n3A_63 = arith.select %and3A_61, %add3A_62, %rem3A_53 : i32
      %dma_wait3A = arith.constant 0 : i32
      %dma_wait3A_64 = arith.constant 0 : i32
      %dma_wait3A_65 = tpu.memref_slice %arg9[%select_n3A_47, %dma_wait3A, %dma_wait3A_64] : memref<2x500x16xf32, #tpu.memory_space<vmem>> -> memref<1x500x16xf32, #tpu.memory_space<vmem>>
      %dma_wait3A_66 = tpu.memref_squeeze %dma_wait3A_65 : memref<1x500x16xf32, #tpu.memory_space<vmem>> -> memref<500x16xf32, #tpu.memory_space<vmem>>
      %dma_wait3A_67 = arith.constant 0 : i32
      %dma_wait3A_68 = tpu.memref_slice %arg7[%scan3A_33, %dma_wait3A_67] : memref<20x500xi32, #tpu.memory_space<vmem>> -> memref<1x500xi32, #tpu.memory_space<vmem>>
      %dma_wait3A_69 = tpu.memref_squeeze %dma_wait3A_68 : memref<1x500xi32, #tpu.memory_space<vmem>> -> memref<500xi32, #tpu.memory_space<vmem>>
      %dma_wait3A_70 = arith.constant 0 : i32
      %dma_wait3A_71 = arith.constant 0 : i32
      %dma_wait3A_72 = tpu.memref_slice %arg12[%dma_wait3A_70, %dma_wait3A_71] : memref<10240x16xf32, #tpu.memory_space<vmem_shared>> -> memref<10240x16xf32, #tpu.memory_space<vmem_shared>>
      %dma_wait3A_73 = tpu.memref_slice %arg10[%select_n3A_63] : memref<2x!tpu.dma_semaphore, #tpu.memory_space<semaphore_mem>> -> memref<1x!tpu.dma_semaphore, #tpu.memory_space<semaphore_mem>>
      %dma_wait3A_74 = tpu.memref_squeeze %dma_wait3A_73 : memref<1x!tpu.dma_semaphore, #tpu.memory_space<semaphore_mem>> -> memref<!tpu.dma_semaphore, #tpu.memory_space<semaphore_mem>>
      tpu.wait_indirect_dma semaphore(%dma_wait3A_74 : memref<!tpu.dma_semaphore, #tpu.memory_space<semaphore_mem>>) src(%dma_wait3A_72 : memref<10240x16xf32, #tpu.memory_space<vmem_shared>>) dst(%dma_wait3A_66 : memref<500x16xf32, #tpu.memory_space<vmem>>)
      %jit3A_75 = arith.constant 2 : i32
      %eq3A_76 = arith.constant 0 : i32
      %eq3A_77 = arith.cmpi eq, %jit3A_75, %eq3A_76 : i32
      %jit3A_78 = arith.constant 1 : i32
      %select_n3A_79 = arith.select %eq3A_77, %jit3A_78, %jit3A_75 : i32
      %rem3A_80 = arith.remsi %scan3A_33, %select_n3A_79 : i32
      %ne3A_81 = arith.constant 0 : i32
      %ne3A_82 = arith.cmpi ne, %rem3A_80, %ne3A_81 : i32
      %lt3A_83 = arith.constant 0 : i32
      %lt3A_84 = arith.cmpi slt, %rem3A_80, %lt3A_83 : i32
      %lt3A_85 = arith.constant 0 : i32
      %lt3A_86 = arith.cmpi slt, %select_n3A_79, %lt3A_85 : i32
      %ne3A_87 = arith.xori %lt3A_84, %lt3A_86 : i1
      %and3A_88 = arith.andi %ne3A_87, %ne3A_82 : i1
      %add3A_89 = arith.addi %rem3A_80, %select_n3A_79 : i32
      %select_n3A_90 = arith.select %and3A_88, %add3A_89, %rem3A_80 : i32
      "tpu.region"() ({
        %run_scoped3A = tpu.sem_alloc : memref<!tpu.dma_semaphore, #tpu.memory_space<semaphore_mem>>
        %dma_start3A_91 = arith.constant 0 : i32
        %dma_start3A_92 = arith.constant 0 : i32
        %dma_start3A_93 = tpu.memref_slice %arg9[%select_n3A_90, %dma_start3A_91, %dma_start3A_92] : memref<2x500x16xf32, #tpu.memory_space<vmem>> -> memref<1x500x16xf32, #tpu.memory_space<vmem>>
        %dma_start3A_94 = tpu.memref_squeeze %dma_start3A_93 : memref<1x500x16xf32, #tpu.memory_space<vmem>> -> memref<500x16xf32, #tpu.memory_space<vmem>>
        %dma_start3A_95 = arith.constant 0 : i32
        %dma_start3A_96 = tpu.memref_slice %arg8[%scan3A_33, %dma_start3A_95] : memref<20x500xi32, #tpu.memory_space<vmem>> -> memref<1x500xi32, #tpu.memory_space<vmem>>
        %dma_start3A_97 = tpu.memref_squeeze %dma_start3A_96 : memref<1x500xi32, #tpu.memory_space<vmem>> -> memref<500xi32, #tpu.memory_space<vmem>>
        %dma_start3A_98 = arith.constant 0 : i32
        %dma_start3A_99 = arith.constant 0 : i32
        %dma_start3A_100 = tpu.memref_slice %arg11[%dma_start3A_98, %dma_start3A_99] : memref<10240x16xf32, #tpu.memory_space<vmem_shared>> -> memref<10240x16xf32, #tpu.memory_space<vmem_shared>>
        tpu.enqueue_indirect_dma source(%dma_start3A_94 : memref<500x16xf32, #tpu.memory_space<vmem>>) target(%dma_start3A_100 : memref<10240x16xf32, #tpu.memory_space<vmem_shared>>) offsets(%dma_start3A_97 : memref<500xi32, #tpu.memory_space<vmem>>) semaphore(%run_scoped3A : memref<!tpu.dma_semaphore, #tpu.memory_space<semaphore_mem>>) {add = true}
        %dma_wait3A_101 = arith.constant 0 : i32
        %dma_wait3A_102 = arith.constant 0 : i32
        %dma_wait3A_103 = tpu.memref_slice %arg9[%select_n3A_90, %dma_wait3A_101, %dma_wait3A_102] : memref<2x500x16xf32, #tpu.memory_space<vmem>> -> memref<1x500x16xf32, #tpu.memory_space<vmem>>
        %dma_wait3A_104 = tpu.memref_squeeze %dma_wait3A_103 : memref<1x500x16xf32, #tpu.memory_space<vmem>> -> memref<500x16xf32, #tpu.memory_space<vmem>>
        %dma_wait3A_105 = arith.constant 0 : i32
        %dma_wait3A_106 = tpu.memref_slice %arg8[%scan3A_33, %dma_wait3A_105] : memref<20x500xi32, #tpu.memory_space<vmem>> -> memref<1x500xi32, #tpu.memory_space<vmem>>
        %dma_wait3A_107 = tpu.memref_squeeze %dma_wait3A_106 : memref<1x500xi32, #tpu.memory_space<vmem>> -> memref<500xi32, #tpu.memory_space<vmem>>
        %dma_wait3A_108 = arith.constant 0 : i32
        %dma_wait3A_109 = arith.constant 0 : i32
        %dma_wait3A_110 = tpu.memref_slice %arg11[%dma_wait3A_108, %dma_wait3A_109] : memref<10240x16xf32, #tpu.memory_space<vmem_shared>> -> memref<10240x16xf32, #tpu.memory_space<vmem_shared>>
        tpu.wait_indirect_dma semaphore(%run_scoped3A : memref<!tpu.dma_semaphore, #tpu.memory_space<semaphore_mem>>) src(%dma_wait3A_104 : memref<500x16xf32, #tpu.memory_space<vmem>>) dst(%dma_wait3A_110 : memref<10240x16xf32, #tpu.memory_space<vmem_shared>>)
        tpu.yield
      }) : () -> ()
    }
    %scan3A_27 = arith.constant 20 : i32
    %barrier3A_28 = arith.constant 0 : index
    tpu.barrier barrier_id(%barrier3A_28)
    %mul3A_29 = arith.constant 640 : i32
    %mul3A_30 = arith.muli %arg1, %mul3A_29 : i32
    %mul3A_31 = arith.constant 640 : i32
    %mul3A_32 = arith.muli %arg1, %mul3A_31 : i32
    "tpu.region"() ({
      %run_scoped3A = tpu.sem_alloc : memref<!tpu.dma_semaphore, #tpu.memory_space<semaphore_mem>>
      %dma_start3A_33 = arith.constant 0 : i32
      %dma_start3A_34 = tpu.memref_slice %arg6[%arg0, %mul3A_32, %dma_start3A_33] : memref<2x10240x16xf32, #tpu.memory_space<hbm>> -> memref<1x640x16xf32, #tpu.memory_space<hbm>>
      %dma_start3A_35 = tpu.memref_squeeze %dma_start3A_34 : memref<1x640x16xf32, #tpu.memory_space<hbm>> -> memref<640x16xf32, #tpu.memory_space<hbm>>
      %dma_start3A_36 = arith.constant 0 : i32
      %dma_start3A_37 = tpu.memref_slice %arg11[%mul3A_30, %dma_start3A_36] : memref<10240x16xf32, #tpu.memory_space<vmem_shared>> -> memref<640x16xf32, #tpu.memory_space<vmem_shared>>
      tpu.enqueue_dma source(%dma_start3A_37 : memref<640x16xf32, #tpu.memory_space<vmem_shared>>) target(%dma_start3A_35 : memref<640x16xf32, #tpu.memory_space<hbm>>) target_semaphore(%run_scoped3A : memref<!tpu.dma_semaphore, #tpu.memory_space<semaphore_mem>>)
      %dma_wait3A = arith.constant 0 : i32
      %dma_wait3A_38 = tpu.memref_slice %arg6[%arg0, %mul3A_32, %dma_wait3A] : memref<2x10240x16xf32, #tpu.memory_space<hbm>> -> memref<1x640x16xf32, #tpu.memory_space<hbm>>
      %dma_wait3A_39 = tpu.memref_squeeze %dma_wait3A_38 : memref<1x640x16xf32, #tpu.memory_space<hbm>> -> memref<640x16xf32, #tpu.memory_space<hbm>>
      %dma_wait3A_40 = arith.constant 0 : i32
      %dma_wait3A_41 = tpu.memref_slice %arg11[%mul3A_30, %dma_wait3A_40] : memref<10240x16xf32, #tpu.memory_space<vmem_shared>> -> memref<640x16xf32, #tpu.memory_space<vmem_shared>>
      tpu.wait_dma2 semaphore(%run_scoped3A : memref<!tpu.dma_semaphore, #tpu.memory_space<semaphore_mem>>) src(%dma_wait3A_41 : memref<640x16xf32, #tpu.memory_space<vmem_shared>>) dst(%dma_wait3A_39 : memref<640x16xf32, #tpu.memory_space<hbm>>)
      tpu.yield
    }) : () -> ()
    return
  }
}

#map = affine_map<(d0, d1) -> (0, 0)>
#map1 = affine_map<(d0, d1) -> (0, 0, 0)>
module attributes {stable_mosaic.version = 14 : i64} {
  func.func @_sc_propagate_body(%arg0: i32, %arg1: i32, %arg2: memref<10240x16xf32, #tpu.memory_space<hbm>>, %arg3: memref<32x20x500xi32, #tpu.memory_space<hbm>>, %arg4: memref<32x20x500xi32, #tpu.memory_space<hbm>>, %arg5: memref<10240x16xf32, #tpu.memory_space<hbm>>, %arg6: memref<2x10240x16xf32, #tpu.memory_space<hbm>>, %arg7: memref<20x500xi32, #tpu.memory_space<vmem>>, %arg8: memref<20x500xi32, #tpu.memory_space<vmem>>, %arg9: memref<2x500x16xf32, #tpu.memory_space<vmem>>, %arg10: memref<2x!tpu.dma_semaphore, #tpu.memory_space<semaphore_mem>>, %arg11: memref<10240x16xf32, #tpu.memory_space<vmem_shared>>, %arg12: memref<10240x16xf32, #tpu.memory_space<vmem_shared>>) attributes {dimension_semantics = [#tpu.dimension_semantics<core_parallel>, #tpu.dimension_semantics<subcore_parallel>], iteration_bounds = array<i64: 2, 16>, scalar_prefetch = 0 : i64, scratch_operands = 6 : i64, tpu.core_type = #tpu.core_type<sc_vector_subcore>, window_params = [{transform_indices = #map}, {transform_indices = #map1}, {transform_indices = #map1}, {transform_indices = #map}, {transform_indices = #map1}]} {
    %mul3A = arith.constant 640 : i32
    %mul3A_0 = arith.muli %arg1, %mul3A : i32
    %mul3A_1 = arith.constant 640 : i32
    %mul3A_2 = arith.muli %arg1, %mul3A_1 : i32
    "tpu.region"() ({
      %run_scoped3A = tpu.sem_alloc : memref<!tpu.dma_semaphore, #tpu.memory_space<semaphore_mem>>
      %dma_start3A_33 = arith.constant 0 : i32
      %dma_start3A_34 = tpu.memref_slice %arg11[%mul3A_2, %dma_start3A_33] : memref<10240x16xf32, #tpu.memory_space<vmem_shared>> -> memref<640x16xf32, #tpu.memory_space<vmem_shared>>
      %dma_start3A_35 = arith.constant 0 : i32
      %dma_start3A_36 = tpu.memref_slice %arg5[%mul3A_0, %dma_start3A_35] : memref<10240x16xf32, #tpu.memory_space<hbm>> -> memref<640x16xf32, #tpu.memory_space<hbm>>
      tpu.enqueue_dma source(%dma_start3A_36 : memref<640x16xf32, #tpu.memory_space<hbm>>) target(%dma_start3A_34 : memref<640x16xf32, #tpu.memory_space<vmem_shared>>) target_semaphore(%run_scoped3A : memref<!tpu.dma_semaphore, #tpu.memory_space<semaphore_mem>>)
      %dma_wait3A = arith.constant 0 : i32
      %dma_wait3A_37 = tpu.memref_slice %arg11[%mul3A_2, %dma_wait3A] : memref<10240x16xf32, #tpu.memory_space<vmem_shared>> -> memref<640x16xf32, #tpu.memory_space<vmem_shared>>
      %dma_wait3A_38 = arith.constant 0 : i32
      %dma_wait3A_39 = tpu.memref_slice %arg5[%mul3A_0, %dma_wait3A_38] : memref<10240x16xf32, #tpu.memory_space<hbm>> -> memref<640x16xf32, #tpu.memory_space<hbm>>
      tpu.wait_dma2 semaphore(%run_scoped3A : memref<!tpu.dma_semaphore, #tpu.memory_space<semaphore_mem>>) src(%dma_wait3A_39 : memref<640x16xf32, #tpu.memory_space<hbm>>) dst(%dma_wait3A_37 : memref<640x16xf32, #tpu.memory_space<vmem_shared>>)
      tpu.yield
    }) : () -> ()
    %mul3A_3 = arith.constant 640 : i32
    %mul3A_4 = arith.muli %arg1, %mul3A_3 : i32
    %mul3A_5 = arith.constant 640 : i32
    %mul3A_6 = arith.muli %arg1, %mul3A_5 : i32
    "tpu.region"() ({
      %run_scoped3A = tpu.sem_alloc : memref<!tpu.dma_semaphore, #tpu.memory_space<semaphore_mem>>
      %dma_start3A_33 = arith.constant 0 : i32
      %dma_start3A_34 = tpu.memref_slice %arg12[%mul3A_6, %dma_start3A_33] : memref<10240x16xf32, #tpu.memory_space<vmem_shared>> -> memref<640x16xf32, #tpu.memory_space<vmem_shared>>
      %dma_start3A_35 = arith.constant 0 : i32
      %dma_start3A_36 = tpu.memref_slice %arg2[%mul3A_4, %dma_start3A_35] : memref<10240x16xf32, #tpu.memory_space<hbm>> -> memref<640x16xf32, #tpu.memory_space<hbm>>
      tpu.enqueue_dma source(%dma_start3A_36 : memref<640x16xf32, #tpu.memory_space<hbm>>) target(%dma_start3A_34 : memref<640x16xf32, #tpu.memory_space<vmem_shared>>) target_semaphore(%run_scoped3A : memref<!tpu.dma_semaphore, #tpu.memory_space<semaphore_mem>>)
      %dma_wait3A = arith.constant 0 : i32
      %dma_wait3A_37 = tpu.memref_slice %arg12[%mul3A_6, %dma_wait3A] : memref<10240x16xf32, #tpu.memory_space<vmem_shared>> -> memref<640x16xf32, #tpu.memory_space<vmem_shared>>
      %dma_wait3A_38 = arith.constant 0 : i32
      %dma_wait3A_39 = tpu.memref_slice %arg2[%mul3A_4, %dma_wait3A_38] : memref<10240x16xf32, #tpu.memory_space<hbm>> -> memref<640x16xf32, #tpu.memory_space<hbm>>
      tpu.wait_dma2 semaphore(%run_scoped3A : memref<!tpu.dma_semaphore, #tpu.memory_space<semaphore_mem>>) src(%dma_wait3A_39 : memref<640x16xf32, #tpu.memory_space<hbm>>) dst(%dma_wait3A_37 : memref<640x16xf32, #tpu.memory_space<vmem_shared>>)
      tpu.yield
    }) : () -> ()
    %mul3A_7 = arith.constant 16 : i32
    %mul3A_8 = arith.muli %arg0, %mul3A_7 : i32
    %add3A = arith.addi %mul3A_8, %arg1 : i32
    "tpu.region"() ({
      %run_scoped3A = tpu.sem_alloc : memref<!tpu.dma_semaphore, #tpu.memory_space<semaphore_mem>>
      %dma_start3A_33 = arith.constant 0 : i32
      %dma_start3A_34 = arith.constant 0 : i32
      %dma_start3A_35 = tpu.memref_slice %arg3[%add3A, %dma_start3A_33, %dma_start3A_34] : memref<32x20x500xi32, #tpu.memory_space<hbm>> -> memref<1x20x500xi32, #tpu.memory_space<hbm>>
      %dma_start3A_36 = tpu.memref_squeeze %dma_start3A_35 : memref<1x20x500xi32, #tpu.memory_space<hbm>> -> memref<20x500xi32, #tpu.memory_space<hbm>>
      %dma_start3A_37 = arith.constant 0 : i32
      %dma_start3A_38 = arith.constant 0 : i32
      %dma_start3A_39 = tpu.memref_slice %arg3[%add3A, %dma_start3A_37, %dma_start3A_38] : memref<32x20x500xi32, #tpu.memory_space<hbm>> -> memref<1x20x500xi32, #tpu.memory_space<hbm>>
      %dma_start3A_40 = tpu.memref_squeeze %dma_start3A_39 : memref<1x20x500xi32, #tpu.memory_space<hbm>> -> memref<20x500xi32, #tpu.memory_space<hbm>>
      tpu.enqueue_dma source(%dma_start3A_40 : memref<20x500xi32, #tpu.memory_space<hbm>>) target(%arg7 : memref<20x500xi32, #tpu.memory_space<vmem>>) target_semaphore(%run_scoped3A : memref<!tpu.dma_semaphore, #tpu.memory_space<semaphore_mem>>)
      %dma_wait3A = arith.constant 0 : i32
      %dma_wait3A_41 = arith.constant 0 : i32
      %dma_wait3A_42 = tpu.memref_slice %arg3[%add3A, %dma_wait3A, %dma_wait3A_41] : memref<32x20x500xi32, #tpu.memory_space<hbm>> -> memref<1x20x500xi32, #tpu.memory_space<hbm>>
      %dma_wait3A_43 = tpu.memref_squeeze %dma_wait3A_42 : memref<1x20x500xi32, #tpu.memory_space<hbm>> -> memref<20x500xi32, #tpu.memory_space<hbm>>
      %dma_wait3A_44 = arith.constant 0 : i32
      %dma_wait3A_45 = arith.constant 0 : i32
      %dma_wait3A_46 = tpu.memref_slice %arg3[%add3A, %dma_wait3A_44, %dma_wait3A_45] : memref<32x20x500xi32, #tpu.memory_space<hbm>> -> memref<1x20x500xi32, #tpu.memory_space<hbm>>
      %dma_wait3A_47 = tpu.memref_squeeze %dma_wait3A_46 : memref<1x20x500xi32, #tpu.memory_space<hbm>> -> memref<20x500xi32, #tpu.memory_space<hbm>>
      tpu.wait_dma2 semaphore(%run_scoped3A : memref<!tpu.dma_semaphore, #tpu.memory_space<semaphore_mem>>) src(%dma_wait3A_47 : memref<20x500xi32, #tpu.memory_space<hbm>>) dst(%arg7 : memref<20x500xi32, #tpu.memory_space<vmem>>)
      tpu.yield
    }) : () -> ()
    "tpu.region"() ({
      %run_scoped3A = tpu.sem_alloc : memref<!tpu.dma_semaphore, #tpu.memory_space<semaphore_mem>>
      %dma_start3A_33 = arith.constant 0 : i32
      %dma_start3A_34 = arith.constant 0 : i32
      %dma_start3A_35 = tpu.memref_slice %arg4[%add3A, %dma_start3A_33, %dma_start3A_34] : memref<32x20x500xi32, #tpu.memory_space<hbm>> -> memref<1x20x500xi32, #tpu.memory_space<hbm>>
      %dma_start3A_36 = tpu.memref_squeeze %dma_start3A_35 : memref<1x20x500xi32, #tpu.memory_space<hbm>> -> memref<20x500xi32, #tpu.memory_space<hbm>>
      %dma_start3A_37 = arith.constant 0 : i32
      %dma_start3A_38 = arith.constant 0 : i32
      %dma_start3A_39 = tpu.memref_slice %arg4[%add3A, %dma_start3A_37, %dma_start3A_38] : memref<32x20x500xi32, #tpu.memory_space<hbm>> -> memref<1x20x500xi32, #tpu.memory_space<hbm>>
      %dma_start3A_40 = tpu.memref_squeeze %dma_start3A_39 : memref<1x20x500xi32, #tpu.memory_space<hbm>> -> memref<20x500xi32, #tpu.memory_space<hbm>>
      tpu.enqueue_dma source(%dma_start3A_40 : memref<20x500xi32, #tpu.memory_space<hbm>>) target(%arg8 : memref<20x500xi32, #tpu.memory_space<vmem>>) target_semaphore(%run_scoped3A : memref<!tpu.dma_semaphore, #tpu.memory_space<semaphore_mem>>)
      %dma_wait3A = arith.constant 0 : i32
      %dma_wait3A_41 = arith.constant 0 : i32
      %dma_wait3A_42 = tpu.memref_slice %arg4[%add3A, %dma_wait3A, %dma_wait3A_41] : memref<32x20x500xi32, #tpu.memory_space<hbm>> -> memref<1x20x500xi32, #tpu.memory_space<hbm>>
      %dma_wait3A_43 = tpu.memref_squeeze %dma_wait3A_42 : memref<1x20x500xi32, #tpu.memory_space<hbm>> -> memref<20x500xi32, #tpu.memory_space<hbm>>
      %dma_wait3A_44 = arith.constant 0 : i32
      %dma_wait3A_45 = arith.constant 0 : i32
      %dma_wait3A_46 = tpu.memref_slice %arg4[%add3A, %dma_wait3A_44, %dma_wait3A_45] : memref<32x20x500xi32, #tpu.memory_space<hbm>> -> memref<1x20x500xi32, #tpu.memory_space<hbm>>
      %dma_wait3A_47 = tpu.memref_squeeze %dma_wait3A_46 : memref<1x20x500xi32, #tpu.memory_space<hbm>> -> memref<20x500xi32, #tpu.memory_space<hbm>>
      tpu.wait_dma2 semaphore(%run_scoped3A : memref<!tpu.dma_semaphore, #tpu.memory_space<semaphore_mem>>) src(%dma_wait3A_47 : memref<20x500xi32, #tpu.memory_space<hbm>>) dst(%arg8 : memref<20x500xi32, #tpu.memory_space<vmem>>)
      tpu.yield
    }) : () -> ()
    %barrier3A = arith.constant 0 : index
    tpu.barrier barrier_id(%barrier3A)
    %dma_start3A = arith.constant 0 : i32
    %dma_start3A_9 = arith.constant 0 : i32
    %dma_start3A_10 = arith.constant 0 : i32
    %dma_start3A_11 = arith.constant 0 : i32
    %dma_start3A_12 = arith.constant 0 : i32
    %dma_start3A_13 = tpu.memref_slice %arg9[%dma_start3A_9, %dma_start3A_11, %dma_start3A_12] : memref<2x500x16xf32, #tpu.memory_space<vmem>> -> memref<1x500x16xf32, #tpu.memory_space<vmem>>
    %dma_start3A_14 = tpu.memref_squeeze %dma_start3A_13 : memref<1x500x16xf32, #tpu.memory_space<vmem>> -> memref<500x16xf32, #tpu.memory_space<vmem>>
    %dma_start3A_15 = arith.constant 0 : i32
    %dma_start3A_16 = tpu.memref_slice %arg7[%dma_start3A, %dma_start3A_15] : memref<20x500xi32, #tpu.memory_space<vmem>> -> memref<1x500xi32, #tpu.memory_space<vmem>>
    %dma_start3A_17 = tpu.memref_squeeze %dma_start3A_16 : memref<1x500xi32, #tpu.memory_space<vmem>> -> memref<500xi32, #tpu.memory_space<vmem>>
    %dma_start3A_18 = arith.constant 0 : i32
    %dma_start3A_19 = arith.constant 0 : i32
    %dma_start3A_20 = tpu.memref_slice %arg12[%dma_start3A_18, %dma_start3A_19] : memref<10240x16xf32, #tpu.memory_space<vmem_shared>> -> memref<10240x16xf32, #tpu.memory_space<vmem_shared>>
    %dma_start3A_21 = tpu.memref_slice %arg10[%dma_start3A_10] : memref<2x!tpu.dma_semaphore, #tpu.memory_space<semaphore_mem>> -> memref<1x!tpu.dma_semaphore, #tpu.memory_space<semaphore_mem>>
    %dma_start3A_22 = tpu.memref_squeeze %dma_start3A_21 : memref<1x!tpu.dma_semaphore, #tpu.memory_space<semaphore_mem>> -> memref<!tpu.dma_semaphore, #tpu.memory_space<semaphore_mem>>
    tpu.enqueue_indirect_dma source(%dma_start3A_20 : memref<10240x16xf32, #tpu.memory_space<vmem_shared>>) target(%dma_start3A_14 : memref<500x16xf32, #tpu.memory_space<vmem>>) offsets(%dma_start3A_17 : memref<500xi32, #tpu.memory_space<vmem>>) semaphore(%dma_start3A_22 : memref<!tpu.dma_semaphore, #tpu.memory_space<semaphore_mem>>)
    %scan3A = arith.constant 0 : i32
    %scan3A_23 = arith.constant 0 : i32
    %scan3A_24 = arith.constant 20 : i32
    %scan3A_25 = arith.addi %scan3A_23, %scan3A_24 : i32
    %scan3A_26 = arith.constant 1 : i32
    scf.for %scan3A_33 = %scan3A_23 to %scan3A_25 step %scan3A_26  : i32 {
      %add3A_34 = arith.constant 1 : i32
      %add3A_35 = arith.addi %scan3A_33, %add3A_34 : i32
      %lt3A = arith.constant 20 : i32
      %lt3A_36 = arith.cmpi slt, %add3A_35, %lt3A : i32
      %convert_element_type3A = arith.extui %lt3A_36 : i1 to i32
      %cond3A = arith.constant 0 : i32
      %cond3A_37 = arith.cmpi ne, %convert_element_type3A, %cond3A : i32
      scf.if %cond3A_37 {
        %jit3A_91 = arith.constant 2 : i32
        %eq3A_92 = arith.constant 0 : i32
        %eq3A_93 = arith.cmpi eq, %jit3A_91, %eq3A_92 : i32
        %jit3A_94 = arith.constant 1 : i32
        %select_n3A_95 = arith.select %eq3A_93, %jit3A_94, %jit3A_91 : i32
        %rem3A_96 = arith.remsi %add3A_35, %select_n3A_95 : i32
        %ne3A_97 = arith.constant 0 : i32
        %ne3A_98 = arith.cmpi ne, %rem3A_96, %ne3A_97 : i32
        %lt3A_99 = arith.constant 0 : i32
        %lt3A_100 = arith.cmpi slt, %rem3A_96, %lt3A_99 : i32
        %lt3A_101 = arith.constant 0 : i32
        %lt3A_102 = arith.cmpi slt, %select_n3A_95, %lt3A_101 : i32
        %ne3A_103 = arith.xori %lt3A_100, %lt3A_102 : i1
        %and3A_104 = arith.andi %ne3A_103, %ne3A_98 : i1
        %add3A_105 = arith.addi %rem3A_96, %select_n3A_95 : i32
        %select_n3A_106 = arith.select %and3A_104, %add3A_105, %rem3A_96 : i32
        %jit3A_107 = arith.constant 2 : i32
        %eq3A_108 = arith.constant 0 : i32
        %eq3A_109 = arith.cmpi eq, %jit3A_107, %eq3A_108 : i32
        %jit3A_110 = arith.constant 1 : i32
        %select_n3A_111 = arith.select %eq3A_109, %jit3A_110, %jit3A_107 : i32
        %rem3A_112 = arith.remsi %add3A_35, %select_n3A_111 : i32
        %ne3A_113 = arith.constant 0 : i32
        %ne3A_114 = arith.cmpi ne, %rem3A_112, %ne3A_113 : i32
        %lt3A_115 = arith.constant 0 : i32
        %lt3A_116 = arith.cmpi slt, %rem3A_112, %lt3A_115 : i32
        %lt3A_117 = arith.constant 0 : i32
        %lt3A_118 = arith.cmpi slt, %select_n3A_111, %lt3A_117 : i32
        %ne3A_119 = arith.xori %lt3A_116, %lt3A_118 : i1
        %and3A_120 = arith.andi %ne3A_119, %ne3A_114 : i1
        %add3A_121 = arith.addi %rem3A_112, %select_n3A_111 : i32
        %select_n3A_122 = arith.select %and3A_120, %add3A_121, %rem3A_112 : i32
        %dma_start3A_123 = arith.constant 0 : i32
        %dma_start3A_124 = arith.constant 0 : i32
        %dma_start3A_125 = tpu.memref_slice %arg9[%select_n3A_106, %dma_start3A_123, %dma_start3A_124] : memref<2x500x16xf32, #tpu.memory_space<vmem>> -> memref<1x500x16xf32, #tpu.memory_space<vmem>>
        %dma_start3A_126 = tpu.memref_squeeze %dma_start3A_125 : memref<1x500x16xf32, #tpu.memory_space<vmem>> -> memref<500x16xf32, #tpu.memory_space<vmem>>
        %dma_start3A_127 = arith.constant 0 : i32
        %dma_start3A_128 = tpu.memref_slice %arg7[%add3A_35, %dma_start3A_127] : memref<20x500xi32, #tpu.memory_space<vmem>> -> memref<1x500xi32, #tpu.memory_space<vmem>>
        %dma_start3A_129 = tpu.memref_squeeze %dma_start3A_128 : memref<1x500xi32, #tpu.memory_space<vmem>> -> memref<500xi32, #tpu.memory_space<vmem>>
        %dma_start3A_130 = arith.constant 0 : i32
        %dma_start3A_131 = arith.constant 0 : i32
        %dma_start3A_132 = tpu.memref_slice %arg12[%dma_start3A_130, %dma_start3A_131] : memref<10240x16xf32, #tpu.memory_space<vmem_shared>> -> memref<10240x16xf32, #tpu.memory_space<vmem_shared>>
        %dma_start3A_133 = tpu.memref_slice %arg10[%select_n3A_122] : memref<2x!tpu.dma_semaphore, #tpu.memory_space<semaphore_mem>> -> memref<1x!tpu.dma_semaphore, #tpu.memory_space<semaphore_mem>>
        %dma_start3A_134 = tpu.memref_squeeze %dma_start3A_133 : memref<1x!tpu.dma_semaphore, #tpu.memory_space<semaphore_mem>> -> memref<!tpu.dma_semaphore, #tpu.memory_space<semaphore_mem>>
        tpu.enqueue_indirect_dma source(%dma_start3A_132 : memref<10240x16xf32, #tpu.memory_space<vmem_shared>>) target(%dma_start3A_126 : memref<500x16xf32, #tpu.memory_space<vmem>>) offsets(%dma_start3A_129 : memref<500xi32, #tpu.memory_space<vmem>>) semaphore(%dma_start3A_134 : memref<!tpu.dma_semaphore, #tpu.memory_space<semaphore_mem>>)
      } else {
      }
      %jit3A = arith.constant 2 : i32
      %eq3A = arith.constant 0 : i32
      %eq3A_38 = arith.cmpi eq, %jit3A, %eq3A : i32
      %jit3A_39 = arith.constant 1 : i32
      %select_n3A = arith.select %eq3A_38, %jit3A_39, %jit3A : i32
      %rem3A = arith.remsi %scan3A_33, %select_n3A : i32
      %ne3A = arith.constant 0 : i32
      %ne3A_40 = arith.cmpi ne, %rem3A, %ne3A : i32
      %lt3A_41 = arith.constant 0 : i32
      %lt3A_42 = arith.cmpi slt, %rem3A, %lt3A_41 : i32
      %lt3A_43 = arith.constant 0 : i32
      %lt3A_44 = arith.cmpi slt, %select_n3A, %lt3A_43 : i32
      %ne3A_45 = arith.xori %lt3A_42, %lt3A_44 : i1
      %and3A = arith.andi %ne3A_45, %ne3A_40 : i1
      %add3A_46 = arith.addi %rem3A, %select_n3A : i32
      %select_n3A_47 = arith.select %and3A, %add3A_46, %rem3A : i32
      %jit3A_48 = arith.constant 2 : i32
      %eq3A_49 = arith.constant 0 : i32
      %eq3A_50 = arith.cmpi eq, %jit3A_48, %eq3A_49 : i32
      %jit3A_51 = arith.constant 1 : i32
      %select_n3A_52 = arith.select %eq3A_50, %jit3A_51, %jit3A_48 : i32
      %rem3A_53 = arith.remsi %scan3A_33, %select_n3A_52 : i32
      %ne3A_54 = arith.constant 0 : i32
      %ne3A_55 = arith.cmpi ne, %rem3A_53, %ne3A_54 : i32
      %lt3A_56 = arith.constant 0 : i32
      %lt3A_57 = arith.cmpi slt, %rem3A_53, %lt3A_56 : i32
      %lt3A_58 = arith.constant 0 : i32
      %lt3A_59 = arith.cmpi slt, %select_n3A_52, %lt3A_58 : i32
      %ne3A_60 = arith.xori %lt3A_57, %lt3A_59 : i1
      %and3A_61 = arith.andi %ne3A_60, %ne3A_55 : i1
      %add3A_62 = arith.addi %rem3A_53, %select_n3A_52 : i32
      %select_n3A_63 = arith.select %and3A_61, %add3A_62, %rem3A_53 : i32
      %dma_wait3A = arith.constant 0 : i32
      %dma_wait3A_64 = arith.constant 0 : i32
      %dma_wait3A_65 = tpu.memref_slice %arg9[%select_n3A_47, %dma_wait3A, %dma_wait3A_64] : memref<2x500x16xf32, #tpu.memory_space<vmem>> -> memref<1x500x16xf32, #tpu.memory_space<vmem>>
      %dma_wait3A_66 = tpu.memref_squeeze %dma_wait3A_65 : memref<1x500x16xf32, #tpu.memory_space<vmem>> -> memref<500x16xf32, #tpu.memory_space<vmem>>
      %dma_wait3A_67 = arith.constant 0 : i32
      %dma_wait3A_68 = tpu.memref_slice %arg7[%scan3A_33, %dma_wait3A_67] : memref<20x500xi32, #tpu.memory_space<vmem>> -> memref<1x500xi32, #tpu.memory_space<vmem>>
      %dma_wait3A_69 = tpu.memref_squeeze %dma_wait3A_68 : memref<1x500xi32, #tpu.memory_space<vmem>> -> memref<500xi32, #tpu.memory_space<vmem>>
      %dma_wait3A_70 = arith.constant 0 : i32
      %dma_wait3A_71 = arith.constant 0 : i32
      %dma_wait3A_72 = tpu.memref_slice %arg12[%dma_wait3A_70, %dma_wait3A_71] : memref<10240x16xf32, #tpu.memory_space<vmem_shared>> -> memref<10240x16xf32, #tpu.memory_space<vmem_shared>>
      %dma_wait3A_73 = tpu.memref_slice %arg10[%select_n3A_63] : memref<2x!tpu.dma_semaphore, #tpu.memory_space<semaphore_mem>> -> memref<1x!tpu.dma_semaphore, #tpu.memory_space<semaphore_mem>>
      %dma_wait3A_74 = tpu.memref_squeeze %dma_wait3A_73 : memref<1x!tpu.dma_semaphore, #tpu.memory_space<semaphore_mem>> -> memref<!tpu.dma_semaphore, #tpu.memory_space<semaphore_mem>>
      tpu.wait_indirect_dma semaphore(%dma_wait3A_74 : memref<!tpu.dma_semaphore, #tpu.memory_space<semaphore_mem>>) src(%dma_wait3A_72 : memref<10240x16xf32, #tpu.memory_space<vmem_shared>>) dst(%dma_wait3A_66 : memref<500x16xf32, #tpu.memory_space<vmem>>)
      %jit3A_75 = arith.constant 2 : i32
      %eq3A_76 = arith.constant 0 : i32
      %eq3A_77 = arith.cmpi eq, %jit3A_75, %eq3A_76 : i32
      %jit3A_78 = arith.constant 1 : i32
      %select_n3A_79 = arith.select %eq3A_77, %jit3A_78, %jit3A_75 : i32
      %rem3A_80 = arith.remsi %scan3A_33, %select_n3A_79 : i32
      %ne3A_81 = arith.constant 0 : i32
      %ne3A_82 = arith.cmpi ne, %rem3A_80, %ne3A_81 : i32
      %lt3A_83 = arith.constant 0 : i32
      %lt3A_84 = arith.cmpi slt, %rem3A_80, %lt3A_83 : i32
      %lt3A_85 = arith.constant 0 : i32
      %lt3A_86 = arith.cmpi slt, %select_n3A_79, %lt3A_85 : i32
      %ne3A_87 = arith.xori %lt3A_84, %lt3A_86 : i1
      %and3A_88 = arith.andi %ne3A_87, %ne3A_82 : i1
      %add3A_89 = arith.addi %rem3A_80, %select_n3A_79 : i32
      %select_n3A_90 = arith.select %and3A_88, %add3A_89, %rem3A_80 : i32
      "tpu.region"() ({
        %run_scoped3A = tpu.sem_alloc : memref<!tpu.dma_semaphore, #tpu.memory_space<semaphore_mem>>
        %dma_start3A_91 = arith.constant 0 : i32
        %dma_start3A_92 = arith.constant 0 : i32
        %dma_start3A_93 = tpu.memref_slice %arg9[%select_n3A_90, %dma_start3A_91, %dma_start3A_92] : memref<2x500x16xf32, #tpu.memory_space<vmem>> -> memref<1x500x16xf32, #tpu.memory_space<vmem>>
        %dma_start3A_94 = tpu.memref_squeeze %dma_start3A_93 : memref<1x500x16xf32, #tpu.memory_space<vmem>> -> memref<500x16xf32, #tpu.memory_space<vmem>>
        %dma_start3A_95 = arith.constant 0 : i32
        %dma_start3A_96 = tpu.memref_slice %arg8[%scan3A_33, %dma_start3A_95] : memref<20x500xi32, #tpu.memory_space<vmem>> -> memref<1x500xi32, #tpu.memory_space<vmem>>
        %dma_start3A_97 = tpu.memref_squeeze %dma_start3A_96 : memref<1x500xi32, #tpu.memory_space<vmem>> -> memref<500xi32, #tpu.memory_space<vmem>>
        %dma_start3A_98 = arith.constant 0 : i32
        %dma_start3A_99 = arith.constant 0 : i32
        %dma_start3A_100 = tpu.memref_slice %arg11[%dma_start3A_98, %dma_start3A_99] : memref<10240x16xf32, #tpu.memory_space<vmem_shared>> -> memref<10240x16xf32, #tpu.memory_space<vmem_shared>>
        tpu.enqueue_indirect_dma source(%dma_start3A_94 : memref<500x16xf32, #tpu.memory_space<vmem>>) target(%dma_start3A_100 : memref<10240x16xf32, #tpu.memory_space<vmem_shared>>) offsets(%dma_start3A_97 : memref<500xi32, #tpu.memory_space<vmem>>) semaphore(%run_scoped3A : memref<!tpu.dma_semaphore, #tpu.memory_space<semaphore_mem>>) {add = true}
        %dma_wait3A_101 = arith.constant 0 : i32
        %dma_wait3A_102 = arith.constant 0 : i32
        %dma_wait3A_103 = tpu.memref_slice %arg9[%select_n3A_90, %dma_wait3A_101, %dma_wait3A_102] : memref<2x500x16xf32, #tpu.memory_space<vmem>> -> memref<1x500x16xf32, #tpu.memory_space<vmem>>
        %dma_wait3A_104 = tpu.memref_squeeze %dma_wait3A_103 : memref<1x500x16xf32, #tpu.memory_space<vmem>> -> memref<500x16xf32, #tpu.memory_space<vmem>>
        %dma_wait3A_105 = arith.constant 0 : i32
        %dma_wait3A_106 = tpu.memref_slice %arg8[%scan3A_33, %dma_wait3A_105] : memref<20x500xi32, #tpu.memory_space<vmem>> -> memref<1x500xi32, #tpu.memory_space<vmem>>
        %dma_wait3A_107 = tpu.memref_squeeze %dma_wait3A_106 : memref<1x500xi32, #tpu.memory_space<vmem>> -> memref<500xi32, #tpu.memory_space<vmem>>
        %dma_wait3A_108 = arith.constant 0 : i32
        %dma_wait3A_109 = arith.constant 0 : i32
        %dma_wait3A_110 = tpu.memref_slice %arg11[%dma_wait3A_108, %dma_wait3A_109] : memref<10240x16xf32, #tpu.memory_space<vmem_shared>> -> memref<10240x16xf32, #tpu.memory_space<vmem_shared>>
        tpu.wait_indirect_dma semaphore(%run_scoped3A : memref<!tpu.dma_semaphore, #tpu.memory_space<semaphore_mem>>) src(%dma_wait3A_104 : memref<500x16xf32, #tpu.memory_space<vmem>>) dst(%dma_wait3A_110 : memref<10240x16xf32, #tpu.memory_space<vmem_shared>>)
        tpu.yield
      }) : () -> ()
    }
    %scan3A_27 = arith.constant 20 : i32
    %barrier3A_28 = arith.constant 0 : index
    tpu.barrier barrier_id(%barrier3A_28)
    %mul3A_29 = arith.constant 640 : i32
    %mul3A_30 = arith.muli %arg1, %mul3A_29 : i32
    %mul3A_31 = arith.constant 640 : i32
    %mul3A_32 = arith.muli %arg1, %mul3A_31 : i32
    "tpu.region"() ({
      %run_scoped3A = tpu.sem_alloc : memref<!tpu.dma_semaphore, #tpu.memory_space<semaphore_mem>>
      %dma_start3A_33 = arith.constant 0 : i32
      %dma_start3A_34 = tpu.memref_slice %arg6[%arg0, %mul3A_32, %dma_start3A_33] : memref<2x10240x16xf32, #tpu.memory_space<hbm>> -> memref<1x640x16xf32, #tpu.memory_space<hbm>>
      %dma_start3A_35 = tpu.memref_squeeze %dma_start3A_34 : memref<1x640x16xf32, #tpu.memory_space<hbm>> -> memref<640x16xf32, #tpu.memory_space<hbm>>
      %dma_start3A_36 = arith.constant 0 : i32
      %dma_start3A_37 = tpu.memref_slice %arg11[%mul3A_30, %dma_start3A_36] : memref<10240x16xf32, #tpu.memory_space<vmem_shared>> -> memref<640x16xf32, #tpu.memory_space<vmem_shared>>
      tpu.enqueue_dma source(%dma_start3A_37 : memref<640x16xf32, #tpu.memory_space<vmem_shared>>) target(%dma_start3A_35 : memref<640x16xf32, #tpu.memory_space<hbm>>) target_semaphore(%run_scoped3A : memref<!tpu.dma_semaphore, #tpu.memory_space<semaphore_mem>>)
      %dma_wait3A = arith.constant 0 : i32
      %dma_wait3A_38 = tpu.memref_slice %arg6[%arg0, %mul3A_32, %dma_wait3A] : memref<2x10240x16xf32, #tpu.memory_space<hbm>> -> memref<1x640x16xf32, #tpu.memory_space<hbm>>
      %dma_wait3A_39 = tpu.memref_squeeze %dma_wait3A_38 : memref<1x640x16xf32, #tpu.memory_space<hbm>> -> memref<640x16xf32, #tpu.memory_space<hbm>>
      %dma_wait3A_40 = arith.constant 0 : i32
      %dma_wait3A_41 = tpu.memref_slice %arg11[%mul3A_30, %dma_wait3A_40] : memref<10240x16xf32, #tpu.memory_space<vmem_shared>> -> memref<640x16xf32, #tpu.memory_space<vmem_shared>>
      tpu.wait_dma2 semaphore(%run_scoped3A : memref<!tpu.dma_semaphore, #tpu.memory_space<semaphore_mem>>) src(%dma_wait3A_41 : memref<640x16xf32, #tpu.memory_space<vmem_shared>>) dst(%dma_wait3A_39 : memref<640x16xf32, #tpu.memory_space<hbm>>)
      tpu.yield
    }) : () -> ()
    return
  }
}

#map = affine_map<(d0, d1) -> (0, 0)>
#map1 = affine_map<(d0, d1) -> (0, 0, 0)>
module attributes {stable_mosaic.version = 14 : i64} {
  func.func @_sc_propagate_body(%arg0: i32, %arg1: i32, %arg2: memref<10240x16xf32, #tpu.memory_space<hbm>>, %arg3: memref<32x20x500xi32, #tpu.memory_space<hbm>>, %arg4: memref<32x20x500xi32, #tpu.memory_space<hbm>>, %arg5: memref<10240x16xf32, #tpu.memory_space<hbm>>, %arg6: memref<2x10240x16xf32, #tpu.memory_space<hbm>>, %arg7: memref<20x500xi32, #tpu.memory_space<vmem>>, %arg8: memref<20x500xi32, #tpu.memory_space<vmem>>, %arg9: memref<2x500x16xf32, #tpu.memory_space<vmem>>, %arg10: memref<2x!tpu.dma_semaphore, #tpu.memory_space<semaphore_mem>>, %arg11: memref<10240x16xf32, #tpu.memory_space<vmem_shared>>, %arg12: memref<10240x16xf32, #tpu.memory_space<vmem_shared>>) attributes {dimension_semantics = [#tpu.dimension_semantics<core_parallel>, #tpu.dimension_semantics<subcore_parallel>], iteration_bounds = array<i64: 2, 16>, scalar_prefetch = 0 : i64, scratch_operands = 6 : i64, tpu.core_type = #tpu.core_type<sc_vector_subcore>, window_params = [{transform_indices = #map}, {transform_indices = #map1}, {transform_indices = #map1}, {transform_indices = #map}, {transform_indices = #map1}]} {
    %mul3A = arith.constant 640 : i32
    %mul3A_0 = arith.muli %arg1, %mul3A : i32
    %mul3A_1 = arith.constant 640 : i32
    %mul3A_2 = arith.muli %arg1, %mul3A_1 : i32
    "tpu.region"() ({
      %run_scoped3A = tpu.sem_alloc : memref<!tpu.dma_semaphore, #tpu.memory_space<semaphore_mem>>
      %dma_start3A_33 = arith.constant 0 : i32
      %dma_start3A_34 = tpu.memref_slice %arg11[%mul3A_2, %dma_start3A_33] : memref<10240x16xf32, #tpu.memory_space<vmem_shared>> -> memref<640x16xf32, #tpu.memory_space<vmem_shared>>
      %dma_start3A_35 = arith.constant 0 : i32
      %dma_start3A_36 = tpu.memref_slice %arg5[%mul3A_0, %dma_start3A_35] : memref<10240x16xf32, #tpu.memory_space<hbm>> -> memref<640x16xf32, #tpu.memory_space<hbm>>
      tpu.enqueue_dma source(%dma_start3A_36 : memref<640x16xf32, #tpu.memory_space<hbm>>) target(%dma_start3A_34 : memref<640x16xf32, #tpu.memory_space<vmem_shared>>) target_semaphore(%run_scoped3A : memref<!tpu.dma_semaphore, #tpu.memory_space<semaphore_mem>>)
      %dma_wait3A = arith.constant 0 : i32
      %dma_wait3A_37 = tpu.memref_slice %arg11[%mul3A_2, %dma_wait3A] : memref<10240x16xf32, #tpu.memory_space<vmem_shared>> -> memref<640x16xf32, #tpu.memory_space<vmem_shared>>
      %dma_wait3A_38 = arith.constant 0 : i32
      %dma_wait3A_39 = tpu.memref_slice %arg5[%mul3A_0, %dma_wait3A_38] : memref<10240x16xf32, #tpu.memory_space<hbm>> -> memref<640x16xf32, #tpu.memory_space<hbm>>
      tpu.wait_dma2 semaphore(%run_scoped3A : memref<!tpu.dma_semaphore, #tpu.memory_space<semaphore_mem>>) src(%dma_wait3A_39 : memref<640x16xf32, #tpu.memory_space<hbm>>) dst(%dma_wait3A_37 : memref<640x16xf32, #tpu.memory_space<vmem_shared>>)
      tpu.yield
    }) : () -> ()
    %mul3A_3 = arith.constant 640 : i32
    %mul3A_4 = arith.muli %arg1, %mul3A_3 : i32
    %mul3A_5 = arith.constant 640 : i32
    %mul3A_6 = arith.muli %arg1, %mul3A_5 : i32
    "tpu.region"() ({
      %run_scoped3A = tpu.sem_alloc : memref<!tpu.dma_semaphore, #tpu.memory_space<semaphore_mem>>
      %dma_start3A_33 = arith.constant 0 : i32
      %dma_start3A_34 = tpu.memref_slice %arg12[%mul3A_6, %dma_start3A_33] : memref<10240x16xf32, #tpu.memory_space<vmem_shared>> -> memref<640x16xf32, #tpu.memory_space<vmem_shared>>
      %dma_start3A_35 = arith.constant 0 : i32
      %dma_start3A_36 = tpu.memref_slice %arg2[%mul3A_4, %dma_start3A_35] : memref<10240x16xf32, #tpu.memory_space<hbm>> -> memref<640x16xf32, #tpu.memory_space<hbm>>
      tpu.enqueue_dma source(%dma_start3A_36 : memref<640x16xf32, #tpu.memory_space<hbm>>) target(%dma_start3A_34 : memref<640x16xf32, #tpu.memory_space<vmem_shared>>) target_semaphore(%run_scoped3A : memref<!tpu.dma_semaphore, #tpu.memory_space<semaphore_mem>>)
      %dma_wait3A = arith.constant 0 : i32
      %dma_wait3A_37 = tpu.memref_slice %arg12[%mul3A_6, %dma_wait3A] : memref<10240x16xf32, #tpu.memory_space<vmem_shared>> -> memref<640x16xf32, #tpu.memory_space<vmem_shared>>
      %dma_wait3A_38 = arith.constant 0 : i32
      %dma_wait3A_39 = tpu.memref_slice %arg2[%mul3A_4, %dma_wait3A_38] : memref<10240x16xf32, #tpu.memory_space<hbm>> -> memref<640x16xf32, #tpu.memory_space<hbm>>
      tpu.wait_dma2 semaphore(%run_scoped3A : memref<!tpu.dma_semaphore, #tpu.memory_space<semaphore_mem>>) src(%dma_wait3A_39 : memref<640x16xf32, #tpu.memory_space<hbm>>) dst(%dma_wait3A_37 : memref<640x16xf32, #tpu.memory_space<vmem_shared>>)
      tpu.yield
    }) : () -> ()
    %mul3A_7 = arith.constant 16 : i32
    %mul3A_8 = arith.muli %arg0, %mul3A_7 : i32
    %add3A = arith.addi %mul3A_8, %arg1 : i32
    "tpu.region"() ({
      %run_scoped3A = tpu.sem_alloc : memref<!tpu.dma_semaphore, #tpu.memory_space<semaphore_mem>>
      %dma_start3A_33 = arith.constant 0 : i32
      %dma_start3A_34 = arith.constant 0 : i32
      %dma_start3A_35 = tpu.memref_slice %arg3[%add3A, %dma_start3A_33, %dma_start3A_34] : memref<32x20x500xi32, #tpu.memory_space<hbm>> -> memref<1x20x500xi32, #tpu.memory_space<hbm>>
      %dma_start3A_36 = tpu.memref_squeeze %dma_start3A_35 : memref<1x20x500xi32, #tpu.memory_space<hbm>> -> memref<20x500xi32, #tpu.memory_space<hbm>>
      %dma_start3A_37 = arith.constant 0 : i32
      %dma_start3A_38 = arith.constant 0 : i32
      %dma_start3A_39 = tpu.memref_slice %arg3[%add3A, %dma_start3A_37, %dma_start3A_38] : memref<32x20x500xi32, #tpu.memory_space<hbm>> -> memref<1x20x500xi32, #tpu.memory_space<hbm>>
      %dma_start3A_40 = tpu.memref_squeeze %dma_start3A_39 : memref<1x20x500xi32, #tpu.memory_space<hbm>> -> memref<20x500xi32, #tpu.memory_space<hbm>>
      tpu.enqueue_dma source(%dma_start3A_40 : memref<20x500xi32, #tpu.memory_space<hbm>>) target(%arg7 : memref<20x500xi32, #tpu.memory_space<vmem>>) target_semaphore(%run_scoped3A : memref<!tpu.dma_semaphore, #tpu.memory_space<semaphore_mem>>)
      %dma_wait3A = arith.constant 0 : i32
      %dma_wait3A_41 = arith.constant 0 : i32
      %dma_wait3A_42 = tpu.memref_slice %arg3[%add3A, %dma_wait3A, %dma_wait3A_41] : memref<32x20x500xi32, #tpu.memory_space<hbm>> -> memref<1x20x500xi32, #tpu.memory_space<hbm>>
      %dma_wait3A_43 = tpu.memref_squeeze %dma_wait3A_42 : memref<1x20x500xi32, #tpu.memory_space<hbm>> -> memref<20x500xi32, #tpu.memory_space<hbm>>
      %dma_wait3A_44 = arith.constant 0 : i32
      %dma_wait3A_45 = arith.constant 0 : i32
      %dma_wait3A_46 = tpu.memref_slice %arg3[%add3A, %dma_wait3A_44, %dma_wait3A_45] : memref<32x20x500xi32, #tpu.memory_space<hbm>> -> memref<1x20x500xi32, #tpu.memory_space<hbm>>
      %dma_wait3A_47 = tpu.memref_squeeze %dma_wait3A_46 : memref<1x20x500xi32, #tpu.memory_space<hbm>> -> memref<20x500xi32, #tpu.memory_space<hbm>>
      tpu.wait_dma2 semaphore(%run_scoped3A : memref<!tpu.dma_semaphore, #tpu.memory_space<semaphore_mem>>) src(%dma_wait3A_47 : memref<20x500xi32, #tpu.memory_space<hbm>>) dst(%arg7 : memref<20x500xi32, #tpu.memory_space<vmem>>)
      tpu.yield
    }) : () -> ()
    "tpu.region"() ({
      %run_scoped3A = tpu.sem_alloc : memref<!tpu.dma_semaphore, #tpu.memory_space<semaphore_mem>>
      %dma_start3A_33 = arith.constant 0 : i32
      %dma_start3A_34 = arith.constant 0 : i32
      %dma_start3A_35 = tpu.memref_slice %arg4[%add3A, %dma_start3A_33, %dma_start3A_34] : memref<32x20x500xi32, #tpu.memory_space<hbm>> -> memref<1x20x500xi32, #tpu.memory_space<hbm>>
      %dma_start3A_36 = tpu.memref_squeeze %dma_start3A_35 : memref<1x20x500xi32, #tpu.memory_space<hbm>> -> memref<20x500xi32, #tpu.memory_space<hbm>>
      %dma_start3A_37 = arith.constant 0 : i32
      %dma_start3A_38 = arith.constant 0 : i32
      %dma_start3A_39 = tpu.memref_slice %arg4[%add3A, %dma_start3A_37, %dma_start3A_38] : memref<32x20x500xi32, #tpu.memory_space<hbm>> -> memref<1x20x500xi32, #tpu.memory_space<hbm>>
      %dma_start3A_40 = tpu.memref_squeeze %dma_start3A_39 : memref<1x20x500xi32, #tpu.memory_space<hbm>> -> memref<20x500xi32, #tpu.memory_space<hbm>>
      tpu.enqueue_dma source(%dma_start3A_40 : memref<20x500xi32, #tpu.memory_space<hbm>>) target(%arg8 : memref<20x500xi32, #tpu.memory_space<vmem>>) target_semaphore(%run_scoped3A : memref<!tpu.dma_semaphore, #tpu.memory_space<semaphore_mem>>)
      %dma_wait3A = arith.constant 0 : i32
      %dma_wait3A_41 = arith.constant 0 : i32
      %dma_wait3A_42 = tpu.memref_slice %arg4[%add3A, %dma_wait3A, %dma_wait3A_41] : memref<32x20x500xi32, #tpu.memory_space<hbm>> -> memref<1x20x500xi32, #tpu.memory_space<hbm>>
      %dma_wait3A_43 = tpu.memref_squeeze %dma_wait3A_42 : memref<1x20x500xi32, #tpu.memory_space<hbm>> -> memref<20x500xi32, #tpu.memory_space<hbm>>
      %dma_wait3A_44 = arith.constant 0 : i32
      %dma_wait3A_45 = arith.constant 0 : i32
      %dma_wait3A_46 = tpu.memref_slice %arg4[%add3A, %dma_wait3A_44, %dma_wait3A_45] : memref<32x20x500xi32, #tpu.memory_space<hbm>> -> memref<1x20x500xi32, #tpu.memory_space<hbm>>
      %dma_wait3A_47 = tpu.memref_squeeze %dma_wait3A_46 : memref<1x20x500xi32, #tpu.memory_space<hbm>> -> memref<20x500xi32, #tpu.memory_space<hbm>>
      tpu.wait_dma2 semaphore(%run_scoped3A : memref<!tpu.dma_semaphore, #tpu.memory_space<semaphore_mem>>) src(%dma_wait3A_47 : memref<20x500xi32, #tpu.memory_space<hbm>>) dst(%arg8 : memref<20x500xi32, #tpu.memory_space<vmem>>)
      tpu.yield
    }) : () -> ()
    %barrier3A = arith.constant 0 : index
    tpu.barrier barrier_id(%barrier3A)
    %dma_start3A = arith.constant 0 : i32
    %dma_start3A_9 = arith.constant 0 : i32
    %dma_start3A_10 = arith.constant 0 : i32
    %dma_start3A_11 = arith.constant 0 : i32
    %dma_start3A_12 = arith.constant 0 : i32
    %dma_start3A_13 = tpu.memref_slice %arg9[%dma_start3A_9, %dma_start3A_11, %dma_start3A_12] : memref<2x500x16xf32, #tpu.memory_space<vmem>> -> memref<1x500x16xf32, #tpu.memory_space<vmem>>
    %dma_start3A_14 = tpu.memref_squeeze %dma_start3A_13 : memref<1x500x16xf32, #tpu.memory_space<vmem>> -> memref<500x16xf32, #tpu.memory_space<vmem>>
    %dma_start3A_15 = arith.constant 0 : i32
    %dma_start3A_16 = tpu.memref_slice %arg7[%dma_start3A, %dma_start3A_15] : memref<20x500xi32, #tpu.memory_space<vmem>> -> memref<1x500xi32, #tpu.memory_space<vmem>>
    %dma_start3A_17 = tpu.memref_squeeze %dma_start3A_16 : memref<1x500xi32, #tpu.memory_space<vmem>> -> memref<500xi32, #tpu.memory_space<vmem>>
    %dma_start3A_18 = arith.constant 0 : i32
    %dma_start3A_19 = arith.constant 0 : i32
    %dma_start3A_20 = tpu.memref_slice %arg12[%dma_start3A_18, %dma_start3A_19] : memref<10240x16xf32, #tpu.memory_space<vmem_shared>> -> memref<10240x16xf32, #tpu.memory_space<vmem_shared>>
    %dma_start3A_21 = tpu.memref_slice %arg10[%dma_start3A_10] : memref<2x!tpu.dma_semaphore, #tpu.memory_space<semaphore_mem>> -> memref<1x!tpu.dma_semaphore, #tpu.memory_space<semaphore_mem>>
    %dma_start3A_22 = tpu.memref_squeeze %dma_start3A_21 : memref<1x!tpu.dma_semaphore, #tpu.memory_space<semaphore_mem>> -> memref<!tpu.dma_semaphore, #tpu.memory_space<semaphore_mem>>
    tpu.enqueue_indirect_dma source(%dma_start3A_20 : memref<10240x16xf32, #tpu.memory_space<vmem_shared>>) target(%dma_start3A_14 : memref<500x16xf32, #tpu.memory_space<vmem>>) offsets(%dma_start3A_17 : memref<500xi32, #tpu.memory_space<vmem>>) semaphore(%dma_start3A_22 : memref<!tpu.dma_semaphore, #tpu.memory_space<semaphore_mem>>)
    %scan3A = arith.constant 0 : i32
    %scan3A_23 = arith.constant 0 : i32
    %scan3A_24 = arith.constant 20 : i32
    %scan3A_25 = arith.addi %scan3A_23, %scan3A_24 : i32
    %scan3A_26 = arith.constant 1 : i32
    scf.for %scan3A_33 = %scan3A_23 to %scan3A_25 step %scan3A_26  : i32 {
      %add3A_34 = arith.constant 1 : i32
      %add3A_35 = arith.addi %scan3A_33, %add3A_34 : i32
      %lt3A = arith.constant 20 : i32
      %lt3A_36 = arith.cmpi slt, %add3A_35, %lt3A : i32
      %convert_element_type3A = arith.extui %lt3A_36 : i1 to i32
      %cond3A = arith.constant 0 : i32
      %cond3A_37 = arith.cmpi ne, %convert_element_type3A, %cond3A : i32
      scf.if %cond3A_37 {
        %jit3A_91 = arith.constant 2 : i32
        %eq3A_92 = arith.constant 0 : i32
        %eq3A_93 = arith.cmpi eq, %jit3A_91, %eq3A_92 : i32
        %jit3A_94 = arith.constant 1 : i32
        %select_n3A_95 = arith.select %eq3A_93, %jit3A_94, %jit3A_91 : i32
        %rem3A_96 = arith.remsi %add3A_35, %select_n3A_95 : i32
        %ne3A_97 = arith.constant 0 : i32
        %ne3A_98 = arith.cmpi ne, %rem3A_96, %ne3A_97 : i32
        %lt3A_99 = arith.constant 0 : i32
        %lt3A_100 = arith.cmpi slt, %rem3A_96, %lt3A_99 : i32
        %lt3A_101 = arith.constant 0 : i32
        %lt3A_102 = arith.cmpi slt, %select_n3A_95, %lt3A_101 : i32
        %ne3A_103 = arith.xori %lt3A_100, %lt3A_102 : i1
        %and3A_104 = arith.andi %ne3A_103, %ne3A_98 : i1
        %add3A_105 = arith.addi %rem3A_96, %select_n3A_95 : i32
        %select_n3A_106 = arith.select %and3A_104, %add3A_105, %rem3A_96 : i32
        %jit3A_107 = arith.constant 2 : i32
        %eq3A_108 = arith.constant 0 : i32
        %eq3A_109 = arith.cmpi eq, %jit3A_107, %eq3A_108 : i32
        %jit3A_110 = arith.constant 1 : i32
        %select_n3A_111 = arith.select %eq3A_109, %jit3A_110, %jit3A_107 : i32
        %rem3A_112 = arith.remsi %add3A_35, %select_n3A_111 : i32
        %ne3A_113 = arith.constant 0 : i32
        %ne3A_114 = arith.cmpi ne, %rem3A_112, %ne3A_113 : i32
        %lt3A_115 = arith.constant 0 : i32
        %lt3A_116 = arith.cmpi slt, %rem3A_112, %lt3A_115 : i32
        %lt3A_117 = arith.constant 0 : i32
        %lt3A_118 = arith.cmpi slt, %select_n3A_111, %lt3A_117 : i32
        %ne3A_119 = arith.xori %lt3A_116, %lt3A_118 : i1
        %and3A_120 = arith.andi %ne3A_119, %ne3A_114 : i1
        %add3A_121 = arith.addi %rem3A_112, %select_n3A_111 : i32
        %select_n3A_122 = arith.select %and3A_120, %add3A_121, %rem3A_112 : i32
        %dma_start3A_123 = arith.constant 0 : i32
        %dma_start3A_124 = arith.constant 0 : i32
        %dma_start3A_125 = tpu.memref_slice %arg9[%select_n3A_106, %dma_start3A_123, %dma_start3A_124] : memref<2x500x16xf32, #tpu.memory_space<vmem>> -> memref<1x500x16xf32, #tpu.memory_space<vmem>>
        %dma_start3A_126 = tpu.memref_squeeze %dma_start3A_125 : memref<1x500x16xf32, #tpu.memory_space<vmem>> -> memref<500x16xf32, #tpu.memory_space<vmem>>
        %dma_start3A_127 = arith.constant 0 : i32
        %dma_start3A_128 = tpu.memref_slice %arg7[%add3A_35, %dma_start3A_127] : memref<20x500xi32, #tpu.memory_space<vmem>> -> memref<1x500xi32, #tpu.memory_space<vmem>>
        %dma_start3A_129 = tpu.memref_squeeze %dma_start3A_128 : memref<1x500xi32, #tpu.memory_space<vmem>> -> memref<500xi32, #tpu.memory_space<vmem>>
        %dma_start3A_130 = arith.constant 0 : i32
        %dma_start3A_131 = arith.constant 0 : i32
        %dma_start3A_132 = tpu.memref_slice %arg12[%dma_start3A_130, %dma_start3A_131] : memref<10240x16xf32, #tpu.memory_space<vmem_shared>> -> memref<10240x16xf32, #tpu.memory_space<vmem_shared>>
        %dma_start3A_133 = tpu.memref_slice %arg10[%select_n3A_122] : memref<2x!tpu.dma_semaphore, #tpu.memory_space<semaphore_mem>> -> memref<1x!tpu.dma_semaphore, #tpu.memory_space<semaphore_mem>>
        %dma_start3A_134 = tpu.memref_squeeze %dma_start3A_133 : memref<1x!tpu.dma_semaphore, #tpu.memory_space<semaphore_mem>> -> memref<!tpu.dma_semaphore, #tpu.memory_space<semaphore_mem>>
        tpu.enqueue_indirect_dma source(%dma_start3A_132 : memref<10240x16xf32, #tpu.memory_space<vmem_shared>>) target(%dma_start3A_126 : memref<500x16xf32, #tpu.memory_space<vmem>>) offsets(%dma_start3A_129 : memref<500xi32, #tpu.memory_space<vmem>>) semaphore(%dma_start3A_134 : memref<!tpu.dma_semaphore, #tpu.memory_space<semaphore_mem>>)
      } else {
      }
      %jit3A = arith.constant 2 : i32
      %eq3A = arith.constant 0 : i32
      %eq3A_38 = arith.cmpi eq, %jit3A, %eq3A : i32
      %jit3A_39 = arith.constant 1 : i32
      %select_n3A = arith.select %eq3A_38, %jit3A_39, %jit3A : i32
      %rem3A = arith.remsi %scan3A_33, %select_n3A : i32
      %ne3A = arith.constant 0 : i32
      %ne3A_40 = arith.cmpi ne, %rem3A, %ne3A : i32
      %lt3A_41 = arith.constant 0 : i32
      %lt3A_42 = arith.cmpi slt, %rem3A, %lt3A_41 : i32
      %lt3A_43 = arith.constant 0 : i32
      %lt3A_44 = arith.cmpi slt, %select_n3A, %lt3A_43 : i32
      %ne3A_45 = arith.xori %lt3A_42, %lt3A_44 : i1
      %and3A = arith.andi %ne3A_45, %ne3A_40 : i1
      %add3A_46 = arith.addi %rem3A, %select_n3A : i32
      %select_n3A_47 = arith.select %and3A, %add3A_46, %rem3A : i32
      %jit3A_48 = arith.constant 2 : i32
      %eq3A_49 = arith.constant 0 : i32
      %eq3A_50 = arith.cmpi eq, %jit3A_48, %eq3A_49 : i32
      %jit3A_51 = arith.constant 1 : i32
      %select_n3A_52 = arith.select %eq3A_50, %jit3A_51, %jit3A_48 : i32
      %rem3A_53 = arith.remsi %scan3A_33, %select_n3A_52 : i32
      %ne3A_54 = arith.constant 0 : i32
      %ne3A_55 = arith.cmpi ne, %rem3A_53, %ne3A_54 : i32
      %lt3A_56 = arith.constant 0 : i32
      %lt3A_57 = arith.cmpi slt, %rem3A_53, %lt3A_56 : i32
      %lt3A_58 = arith.constant 0 : i32
      %lt3A_59 = arith.cmpi slt, %select_n3A_52, %lt3A_58 : i32
      %ne3A_60 = arith.xori %lt3A_57, %lt3A_59 : i1
      %and3A_61 = arith.andi %ne3A_60, %ne3A_55 : i1
      %add3A_62 = arith.addi %rem3A_53, %select_n3A_52 : i32
      %select_n3A_63 = arith.select %and3A_61, %add3A_62, %rem3A_53 : i32
      %dma_wait3A = arith.constant 0 : i32
      %dma_wait3A_64 = arith.constant 0 : i32
      %dma_wait3A_65 = tpu.memref_slice %arg9[%select_n3A_47, %dma_wait3A, %dma_wait3A_64] : memref<2x500x16xf32, #tpu.memory_space<vmem>> -> memref<1x500x16xf32, #tpu.memory_space<vmem>>
      %dma_wait3A_66 = tpu.memref_squeeze %dma_wait3A_65 : memref<1x500x16xf32, #tpu.memory_space<vmem>> -> memref<500x16xf32, #tpu.memory_space<vmem>>
      %dma_wait3A_67 = arith.constant 0 : i32
      %dma_wait3A_68 = tpu.memref_slice %arg7[%scan3A_33, %dma_wait3A_67] : memref<20x500xi32, #tpu.memory_space<vmem>> -> memref<1x500xi32, #tpu.memory_space<vmem>>
      %dma_wait3A_69 = tpu.memref_squeeze %dma_wait3A_68 : memref<1x500xi32, #tpu.memory_space<vmem>> -> memref<500xi32, #tpu.memory_space<vmem>>
      %dma_wait3A_70 = arith.constant 0 : i32
      %dma_wait3A_71 = arith.constant 0 : i32
      %dma_wait3A_72 = tpu.memref_slice %arg12[%dma_wait3A_70, %dma_wait3A_71] : memref<10240x16xf32, #tpu.memory_space<vmem_shared>> -> memref<10240x16xf32, #tpu.memory_space<vmem_shared>>
      %dma_wait3A_73 = tpu.memref_slice %arg10[%select_n3A_63] : memref<2x!tpu.dma_semaphore, #tpu.memory_space<semaphore_mem>> -> memref<1x!tpu.dma_semaphore, #tpu.memory_space<semaphore_mem>>
      %dma_wait3A_74 = tpu.memref_squeeze %dma_wait3A_73 : memref<1x!tpu.dma_semaphore, #tpu.memory_space<semaphore_mem>> -> memref<!tpu.dma_semaphore, #tpu.memory_space<semaphore_mem>>
      tpu.wait_indirect_dma semaphore(%dma_wait3A_74 : memref<!tpu.dma_semaphore, #tpu.memory_space<semaphore_mem>>) src(%dma_wait3A_72 : memref<10240x16xf32, #tpu.memory_space<vmem_shared>>) dst(%dma_wait3A_66 : memref<500x16xf32, #tpu.memory_space<vmem>>)
      %jit3A_75 = arith.constant 2 : i32
      %eq3A_76 = arith.constant 0 : i32
      %eq3A_77 = arith.cmpi eq, %jit3A_75, %eq3A_76 : i32
      %jit3A_78 = arith.constant 1 : i32
      %select_n3A_79 = arith.select %eq3A_77, %jit3A_78, %jit3A_75 : i32
      %rem3A_80 = arith.remsi %scan3A_33, %select_n3A_79 : i32
      %ne3A_81 = arith.constant 0 : i32
      %ne3A_82 = arith.cmpi ne, %rem3A_80, %ne3A_81 : i32
      %lt3A_83 = arith.constant 0 : i32
      %lt3A_84 = arith.cmpi slt, %rem3A_80, %lt3A_83 : i32
      %lt3A_85 = arith.constant 0 : i32
      %lt3A_86 = arith.cmpi slt, %select_n3A_79, %lt3A_85 : i32
      %ne3A_87 = arith.xori %lt3A_84, %lt3A_86 : i1
      %and3A_88 = arith.andi %ne3A_87, %ne3A_82 : i1
      %add3A_89 = arith.addi %rem3A_80, %select_n3A_79 : i32
      %select_n3A_90 = arith.select %and3A_88, %add3A_89, %rem3A_80 : i32
      "tpu.region"() ({
        %run_scoped3A = tpu.sem_alloc : memref<!tpu.dma_semaphore, #tpu.memory_space<semaphore_mem>>
        %dma_start3A_91 = arith.constant 0 : i32
        %dma_start3A_92 = arith.constant 0 : i32
        %dma_start3A_93 = tpu.memref_slice %arg9[%select_n3A_90, %dma_start3A_91, %dma_start3A_92] : memref<2x500x16xf32, #tpu.memory_space<vmem>> -> memref<1x500x16xf32, #tpu.memory_space<vmem>>
        %dma_start3A_94 = tpu.memref_squeeze %dma_start3A_93 : memref<1x500x16xf32, #tpu.memory_space<vmem>> -> memref<500x16xf32, #tpu.memory_space<vmem>>
        %dma_start3A_95 = arith.constant 0 : i32
        %dma_start3A_96 = tpu.memref_slice %arg8[%scan3A_33, %dma_start3A_95] : memref<20x500xi32, #tpu.memory_space<vmem>> -> memref<1x500xi32, #tpu.memory_space<vmem>>
        %dma_start3A_97 = tpu.memref_squeeze %dma_start3A_96 : memref<1x500xi32, #tpu.memory_space<vmem>> -> memref<500xi32, #tpu.memory_space<vmem>>
        %dma_start3A_98 = arith.constant 0 : i32
        %dma_start3A_99 = arith.constant 0 : i32
        %dma_start3A_100 = tpu.memref_slice %arg11[%dma_start3A_98, %dma_start3A_99] : memref<10240x16xf32, #tpu.memory_space<vmem_shared>> -> memref<10240x16xf32, #tpu.memory_space<vmem_shared>>
        tpu.enqueue_indirect_dma source(%dma_start3A_94 : memref<500x16xf32, #tpu.memory_space<vmem>>) target(%dma_start3A_100 : memref<10240x16xf32, #tpu.memory_space<vmem_shared>>) offsets(%dma_start3A_97 : memref<500xi32, #tpu.memory_space<vmem>>) semaphore(%run_scoped3A : memref<!tpu.dma_semaphore, #tpu.memory_space<semaphore_mem>>) {add = true}
        %dma_wait3A_101 = arith.constant 0 : i32
        %dma_wait3A_102 = arith.constant 0 : i32
        %dma_wait3A_103 = tpu.memref_slice %arg9[%select_n3A_90, %dma_wait3A_101, %dma_wait3A_102] : memref<2x500x16xf32, #tpu.memory_space<vmem>> -> memref<1x500x16xf32, #tpu.memory_space<vmem>>
        %dma_wait3A_104 = tpu.memref_squeeze %dma_wait3A_103 : memref<1x500x16xf32, #tpu.memory_space<vmem>> -> memref<500x16xf32, #tpu.memory_space<vmem>>
        %dma_wait3A_105 = arith.constant 0 : i32
        %dma_wait3A_106 = tpu.memref_slice %arg8[%scan3A_33, %dma_wait3A_105] : memref<20x500xi32, #tpu.memory_space<vmem>> -> memref<1x500xi32, #tpu.memory_space<vmem>>
        %dma_wait3A_107 = tpu.memref_squeeze %dma_wait3A_106 : memref<1x500xi32, #tpu.memory_space<vmem>> -> memref<500xi32, #tpu.memory_space<vmem>>
        %dma_wait3A_108 = arith.constant 0 : i32
        %dma_wait3A_109 = arith.constant 0 : i32
        %dma_wait3A_110 = tpu.memref_slice %arg11[%dma_wait3A_108, %dma_wait3A_109] : memref<10240x16xf32, #tpu.memory_space<vmem_shared>> -> memref<10240x16xf32, #tpu.memory_space<vmem_shared>>
        tpu.wait_indirect_dma semaphore(%run_scoped3A : memref<!tpu.dma_semaphore, #tpu.memory_space<semaphore_mem>>) src(%dma_wait3A_104 : memref<500x16xf32, #tpu.memory_space<vmem>>) dst(%dma_wait3A_110 : memref<10240x16xf32, #tpu.memory_space<vmem_shared>>)
        tpu.yield
      }) : () -> ()
    }
    %scan3A_27 = arith.constant 20 : i32
    %barrier3A_28 = arith.constant 0 : index
    tpu.barrier barrier_id(%barrier3A_28)
    %mul3A_29 = arith.constant 640 : i32
    %mul3A_30 = arith.muli %arg1, %mul3A_29 : i32
    %mul3A_31 = arith.constant 640 : i32
    %mul3A_32 = arith.muli %arg1, %mul3A_31 : i32
    "tpu.region"() ({
      %run_scoped3A = tpu.sem_alloc : memref<!tpu.dma_semaphore, #tpu.memory_space<semaphore_mem>>
      %dma_start3A_33 = arith.constant 0 : i32
      %dma_start3A_34 = tpu.memref_slice %arg6[%arg0, %mul3A_32, %dma_start3A_33] : memref<2x10240x16xf32, #tpu.memory_space<hbm>> -> memref<1x640x16xf32, #tpu.memory_space<hbm>>
      %dma_start3A_35 = tpu.memref_squeeze %dma_start3A_34 : memref<1x640x16xf32, #tpu.memory_space<hbm>> -> memref<640x16xf32, #tpu.memory_space<hbm>>
      %dma_start3A_36 = arith.constant 0 : i32
      %dma_start3A_37 = tpu.memref_slice %arg11[%mul3A_30, %dma_start3A_36] : memref<10240x16xf32, #tpu.memory_space<vmem_shared>> -> memref<640x16xf32, #tpu.memory_space<vmem_shared>>
      tpu.enqueue_dma source(%dma_start3A_37 : memref<640x16xf32, #tpu.memory_space<vmem_shared>>) target(%dma_start3A_35 : memref<640x16xf32, #tpu.memory_space<hbm>>) target_semaphore(%run_scoped3A : memref<!tpu.dma_semaphore, #tpu.memory_space<semaphore_mem>>)
      %dma_wait3A = arith.constant 0 : i32
      %dma_wait3A_38 = tpu.memref_slice %arg6[%arg0, %mul3A_32, %dma_wait3A] : memref<2x10240x16xf32, #tpu.memory_space<hbm>> -> memref<1x640x16xf32, #tpu.memory_space<hbm>>
      %dma_wait3A_39 = tpu.memref_squeeze %dma_wait3A_38 : memref<1x640x16xf32, #tpu.memory_space<hbm>> -> memref<640x16xf32, #tpu.memory_space<hbm>>
      %dma_wait3A_40 = arith.constant 0 : i32
      %dma_wait3A_41 = tpu.memref_slice %arg11[%mul3A_30, %dma_wait3A_40] : memref<10240x16xf32, #tpu.memory_space<vmem_shared>> -> memref<640x16xf32, #tpu.memory_space<vmem_shared>>
      tpu.wait_dma2 semaphore(%run_scoped3A : memref<!tpu.dma_semaphore, #tpu.memory_space<semaphore_mem>>) src(%dma_wait3A_41 : memref<640x16xf32, #tpu.memory_space<vmem_shared>>) dst(%dma_wait3A_39 : memref<640x16xf32, #tpu.memory_space<hbm>>)
      tpu.yield
    }) : () -> ()
    return
  }
}

#map = affine_map<(d0, d1) -> (0, 0)>
#map1 = affine_map<(d0, d1) -> (0, 0, 0)>
module attributes {stable_mosaic.version = 14 : i64} {
  func.func @_sc_propagate_body(%arg0: i32, %arg1: i32, %arg2: memref<10240x16xf32, #tpu.memory_space<hbm>>, %arg3: memref<32x20x500xi32, #tpu.memory_space<hbm>>, %arg4: memref<32x20x500xi32, #tpu.memory_space<hbm>>, %arg5: memref<10240x16xf32, #tpu.memory_space<hbm>>, %arg6: memref<2x10240x16xf32, #tpu.memory_space<hbm>>, %arg7: memref<20x500xi32, #tpu.memory_space<vmem>>, %arg8: memref<20x500xi32, #tpu.memory_space<vmem>>, %arg9: memref<2x500x16xf32, #tpu.memory_space<vmem>>, %arg10: memref<2x!tpu.dma_semaphore, #tpu.memory_space<semaphore_mem>>, %arg11: memref<10240x16xf32, #tpu.memory_space<vmem_shared>>, %arg12: memref<10240x16xf32, #tpu.memory_space<vmem_shared>>) attributes {dimension_semantics = [#tpu.dimension_semantics<core_parallel>, #tpu.dimension_semantics<subcore_parallel>], iteration_bounds = array<i64: 2, 16>, scalar_prefetch = 0 : i64, scratch_operands = 6 : i64, tpu.core_type = #tpu.core_type<sc_vector_subcore>, window_params = [{transform_indices = #map}, {transform_indices = #map1}, {transform_indices = #map1}, {transform_indices = #map}, {transform_indices = #map1}]} {
    %mul3A = arith.constant 640 : i32
    %mul3A_0 = arith.muli %arg1, %mul3A : i32
    %mul3A_1 = arith.constant 640 : i32
    %mul3A_2 = arith.muli %arg1, %mul3A_1 : i32
    "tpu.region"() ({
      %run_scoped3A = tpu.sem_alloc : memref<!tpu.dma_semaphore, #tpu.memory_space<semaphore_mem>>
      %dma_start3A_33 = arith.constant 0 : i32
      %dma_start3A_34 = tpu.memref_slice %arg11[%mul3A_2, %dma_start3A_33] : memref<10240x16xf32, #tpu.memory_space<vmem_shared>> -> memref<640x16xf32, #tpu.memory_space<vmem_shared>>
      %dma_start3A_35 = arith.constant 0 : i32
      %dma_start3A_36 = tpu.memref_slice %arg5[%mul3A_0, %dma_start3A_35] : memref<10240x16xf32, #tpu.memory_space<hbm>> -> memref<640x16xf32, #tpu.memory_space<hbm>>
      tpu.enqueue_dma source(%dma_start3A_36 : memref<640x16xf32, #tpu.memory_space<hbm>>) target(%dma_start3A_34 : memref<640x16xf32, #tpu.memory_space<vmem_shared>>) target_semaphore(%run_scoped3A : memref<!tpu.dma_semaphore, #tpu.memory_space<semaphore_mem>>)
      %dma_wait3A = arith.constant 0 : i32
      %dma_wait3A_37 = tpu.memref_slice %arg11[%mul3A_2, %dma_wait3A] : memref<10240x16xf32, #tpu.memory_space<vmem_shared>> -> memref<640x16xf32, #tpu.memory_space<vmem_shared>>
      %dma_wait3A_38 = arith.constant 0 : i32
      %dma_wait3A_39 = tpu.memref_slice %arg5[%mul3A_0, %dma_wait3A_38] : memref<10240x16xf32, #tpu.memory_space<hbm>> -> memref<640x16xf32, #tpu.memory_space<hbm>>
      tpu.wait_dma2 semaphore(%run_scoped3A : memref<!tpu.dma_semaphore, #tpu.memory_space<semaphore_mem>>) src(%dma_wait3A_39 : memref<640x16xf32, #tpu.memory_space<hbm>>) dst(%dma_wait3A_37 : memref<640x16xf32, #tpu.memory_space<vmem_shared>>)
      tpu.yield
    }) : () -> ()
    %mul3A_3 = arith.constant 640 : i32
    %mul3A_4 = arith.muli %arg1, %mul3A_3 : i32
    %mul3A_5 = arith.constant 640 : i32
    %mul3A_6 = arith.muli %arg1, %mul3A_5 : i32
    "tpu.region"() ({
      %run_scoped3A = tpu.sem_alloc : memref<!tpu.dma_semaphore, #tpu.memory_space<semaphore_mem>>
      %dma_start3A_33 = arith.constant 0 : i32
      %dma_start3A_34 = tpu.memref_slice %arg12[%mul3A_6, %dma_start3A_33] : memref<10240x16xf32, #tpu.memory_space<vmem_shared>> -> memref<640x16xf32, #tpu.memory_space<vmem_shared>>
      %dma_start3A_35 = arith.constant 0 : i32
      %dma_start3A_36 = tpu.memref_slice %arg2[%mul3A_4, %dma_start3A_35] : memref<10240x16xf32, #tpu.memory_space<hbm>> -> memref<640x16xf32, #tpu.memory_space<hbm>>
      tpu.enqueue_dma source(%dma_start3A_36 : memref<640x16xf32, #tpu.memory_space<hbm>>) target(%dma_start3A_34 : memref<640x16xf32, #tpu.memory_space<vmem_shared>>) target_semaphore(%run_scoped3A : memref<!tpu.dma_semaphore, #tpu.memory_space<semaphore_mem>>)
      %dma_wait3A = arith.constant 0 : i32
      %dma_wait3A_37 = tpu.memref_slice %arg12[%mul3A_6, %dma_wait3A] : memref<10240x16xf32, #tpu.memory_space<vmem_shared>> -> memref<640x16xf32, #tpu.memory_space<vmem_shared>>
      %dma_wait3A_38 = arith.constant 0 : i32
      %dma_wait3A_39 = tpu.memref_slice %arg2[%mul3A_4, %dma_wait3A_38] : memref<10240x16xf32, #tpu.memory_space<hbm>> -> memref<640x16xf32, #tpu.memory_space<hbm>>
      tpu.wait_dma2 semaphore(%run_scoped3A : memref<!tpu.dma_semaphore, #tpu.memory_space<semaphore_mem>>) src(%dma_wait3A_39 : memref<640x16xf32, #tpu.memory_space<hbm>>) dst(%dma_wait3A_37 : memref<640x16xf32, #tpu.memory_space<vmem_shared>>)
      tpu.yield
    }) : () -> ()
    %mul3A_7 = arith.constant 16 : i32
    %mul3A_8 = arith.muli %arg0, %mul3A_7 : i32
    %add3A = arith.addi %mul3A_8, %arg1 : i32
    "tpu.region"() ({
      %run_scoped3A = tpu.sem_alloc : memref<!tpu.dma_semaphore, #tpu.memory_space<semaphore_mem>>
      %dma_start3A_33 = arith.constant 0 : i32
      %dma_start3A_34 = arith.constant 0 : i32
      %dma_start3A_35 = tpu.memref_slice %arg3[%add3A, %dma_start3A_33, %dma_start3A_34] : memref<32x20x500xi32, #tpu.memory_space<hbm>> -> memref<1x20x500xi32, #tpu.memory_space<hbm>>
      %dma_start3A_36 = tpu.memref_squeeze %dma_start3A_35 : memref<1x20x500xi32, #tpu.memory_space<hbm>> -> memref<20x500xi32, #tpu.memory_space<hbm>>
      %dma_start3A_37 = arith.constant 0 : i32
      %dma_start3A_38 = arith.constant 0 : i32
      %dma_start3A_39 = tpu.memref_slice %arg3[%add3A, %dma_start3A_37, %dma_start3A_38] : memref<32x20x500xi32, #tpu.memory_space<hbm>> -> memref<1x20x500xi32, #tpu.memory_space<hbm>>
      %dma_start3A_40 = tpu.memref_squeeze %dma_start3A_39 : memref<1x20x500xi32, #tpu.memory_space<hbm>> -> memref<20x500xi32, #tpu.memory_space<hbm>>
      tpu.enqueue_dma source(%dma_start3A_40 : memref<20x500xi32, #tpu.memory_space<hbm>>) target(%arg7 : memref<20x500xi32, #tpu.memory_space<vmem>>) target_semaphore(%run_scoped3A : memref<!tpu.dma_semaphore, #tpu.memory_space<semaphore_mem>>)
      %dma_wait3A = arith.constant 0 : i32
      %dma_wait3A_41 = arith.constant 0 : i32
      %dma_wait3A_42 = tpu.memref_slice %arg3[%add3A, %dma_wait3A, %dma_wait3A_41] : memref<32x20x500xi32, #tpu.memory_space<hbm>> -> memref<1x20x500xi32, #tpu.memory_space<hbm>>
      %dma_wait3A_43 = tpu.memref_squeeze %dma_wait3A_42 : memref<1x20x500xi32, #tpu.memory_space<hbm>> -> memref<20x500xi32, #tpu.memory_space<hbm>>
      %dma_wait3A_44 = arith.constant 0 : i32
      %dma_wait3A_45 = arith.constant 0 : i32
      %dma_wait3A_46 = tpu.memref_slice %arg3[%add3A, %dma_wait3A_44, %dma_wait3A_45] : memref<32x20x500xi32, #tpu.memory_space<hbm>> -> memref<1x20x500xi32, #tpu.memory_space<hbm>>
      %dma_wait3A_47 = tpu.memref_squeeze %dma_wait3A_46 : memref<1x20x500xi32, #tpu.memory_space<hbm>> -> memref<20x500xi32, #tpu.memory_space<hbm>>
      tpu.wait_dma2 semaphore(%run_scoped3A : memref<!tpu.dma_semaphore, #tpu.memory_space<semaphore_mem>>) src(%dma_wait3A_47 : memref<20x500xi32, #tpu.memory_space<hbm>>) dst(%arg7 : memref<20x500xi32, #tpu.memory_space<vmem>>)
      tpu.yield
    }) : () -> ()
    "tpu.region"() ({
      %run_scoped3A = tpu.sem_alloc : memref<!tpu.dma_semaphore, #tpu.memory_space<semaphore_mem>>
      %dma_start3A_33 = arith.constant 0 : i32
      %dma_start3A_34 = arith.constant 0 : i32
      %dma_start3A_35 = tpu.memref_slice %arg4[%add3A, %dma_start3A_33, %dma_start3A_34] : memref<32x20x500xi32, #tpu.memory_space<hbm>> -> memref<1x20x500xi32, #tpu.memory_space<hbm>>
      %dma_start3A_36 = tpu.memref_squeeze %dma_start3A_35 : memref<1x20x500xi32, #tpu.memory_space<hbm>> -> memref<20x500xi32, #tpu.memory_space<hbm>>
      %dma_start3A_37 = arith.constant 0 : i32
      %dma_start3A_38 = arith.constant 0 : i32
      %dma_start3A_39 = tpu.memref_slice %arg4[%add3A, %dma_start3A_37, %dma_start3A_38] : memref<32x20x500xi32, #tpu.memory_space<hbm>> -> memref<1x20x500xi32, #tpu.memory_space<hbm>>
      %dma_start3A_40 = tpu.memref_squeeze %dma_start3A_39 : memref<1x20x500xi32, #tpu.memory_space<hbm>> -> memref<20x500xi32, #tpu.memory_space<hbm>>
      tpu.enqueue_dma source(%dma_start3A_40 : memref<20x500xi32, #tpu.memory_space<hbm>>) target(%arg8 : memref<20x500xi32, #tpu.memory_space<vmem>>) target_semaphore(%run_scoped3A : memref<!tpu.dma_semaphore, #tpu.memory_space<semaphore_mem>>)
      %dma_wait3A = arith.constant 0 : i32
      %dma_wait3A_41 = arith.constant 0 : i32
      %dma_wait3A_42 = tpu.memref_slice %arg4[%add3A, %dma_wait3A, %dma_wait3A_41] : memref<32x20x500xi32, #tpu.memory_space<hbm>> -> memref<1x20x500xi32, #tpu.memory_space<hbm>>
      %dma_wait3A_43 = tpu.memref_squeeze %dma_wait3A_42 : memref<1x20x500xi32, #tpu.memory_space<hbm>> -> memref<20x500xi32, #tpu.memory_space<hbm>>
      %dma_wait3A_44 = arith.constant 0 : i32
      %dma_wait3A_45 = arith.constant 0 : i32
      %dma_wait3A_46 = tpu.memref_slice %arg4[%add3A, %dma_wait3A_44, %dma_wait3A_45] : memref<32x20x500xi32, #tpu.memory_space<hbm>> -> memref<1x20x500xi32, #tpu.memory_space<hbm>>
      %dma_wait3A_47 = tpu.memref_squeeze %dma_wait3A_46 : memref<1x20x500xi32, #tpu.memory_space<hbm>> -> memref<20x500xi32, #tpu.memory_space<hbm>>
      tpu.wait_dma2 semaphore(%run_scoped3A : memref<!tpu.dma_semaphore, #tpu.memory_space<semaphore_mem>>) src(%dma_wait3A_47 : memref<20x500xi32, #tpu.memory_space<hbm>>) dst(%arg8 : memref<20x500xi32, #tpu.memory_space<vmem>>)
      tpu.yield
    }) : () -> ()
    %barrier3A = arith.constant 0 : index
    tpu.barrier barrier_id(%barrier3A)
    %dma_start3A = arith.constant 0 : i32
    %dma_start3A_9 = arith.constant 0 : i32
    %dma_start3A_10 = arith.constant 0 : i32
    %dma_start3A_11 = arith.constant 0 : i32
    %dma_start3A_12 = arith.constant 0 : i32
    %dma_start3A_13 = tpu.memref_slice %arg9[%dma_start3A_9, %dma_start3A_11, %dma_start3A_12] : memref<2x500x16xf32, #tpu.memory_space<vmem>> -> memref<1x500x16xf32, #tpu.memory_space<vmem>>
    %dma_start3A_14 = tpu.memref_squeeze %dma_start3A_13 : memref<1x500x16xf32, #tpu.memory_space<vmem>> -> memref<500x16xf32, #tpu.memory_space<vmem>>
    %dma_start3A_15 = arith.constant 0 : i32
    %dma_start3A_16 = tpu.memref_slice %arg7[%dma_start3A, %dma_start3A_15] : memref<20x500xi32, #tpu.memory_space<vmem>> -> memref<1x500xi32, #tpu.memory_space<vmem>>
    %dma_start3A_17 = tpu.memref_squeeze %dma_start3A_16 : memref<1x500xi32, #tpu.memory_space<vmem>> -> memref<500xi32, #tpu.memory_space<vmem>>
    %dma_start3A_18 = arith.constant 0 : i32
    %dma_start3A_19 = arith.constant 0 : i32
    %dma_start3A_20 = tpu.memref_slice %arg12[%dma_start3A_18, %dma_start3A_19] : memref<10240x16xf32, #tpu.memory_space<vmem_shared>> -> memref<10240x16xf32, #tpu.memory_space<vmem_shared>>
    %dma_start3A_21 = tpu.memref_slice %arg10[%dma_start3A_10] : memref<2x!tpu.dma_semaphore, #tpu.memory_space<semaphore_mem>> -> memref<1x!tpu.dma_semaphore, #tpu.memory_space<semaphore_mem>>
    %dma_start3A_22 = tpu.memref_squeeze %dma_start3A_21 : memref<1x!tpu.dma_semaphore, #tpu.memory_space<semaphore_mem>> -> memref<!tpu.dma_semaphore, #tpu.memory_space<semaphore_mem>>
    tpu.enqueue_indirect_dma source(%dma_start3A_20 : memref<10240x16xf32, #tpu.memory_space<vmem_shared>>) target(%dma_start3A_14 : memref<500x16xf32, #tpu.memory_space<vmem>>) offsets(%dma_start3A_17 : memref<500xi32, #tpu.memory_space<vmem>>) semaphore(%dma_start3A_22 : memref<!tpu.dma_semaphore, #tpu.memory_space<semaphore_mem>>)
    %scan3A = arith.constant 0 : i32
    %scan3A_23 = arith.constant 0 : i32
    %scan3A_24 = arith.constant 20 : i32
    %scan3A_25 = arith.addi %scan3A_23, %scan3A_24 : i32
    %scan3A_26 = arith.constant 1 : i32
    scf.for %scan3A_33 = %scan3A_23 to %scan3A_25 step %scan3A_26  : i32 {
      %add3A_34 = arith.constant 1 : i32
      %add3A_35 = arith.addi %scan3A_33, %add3A_34 : i32
      %lt3A = arith.constant 20 : i32
      %lt3A_36 = arith.cmpi slt, %add3A_35, %lt3A : i32
      %convert_element_type3A = arith.extui %lt3A_36 : i1 to i32
      %cond3A = arith.constant 0 : i32
      %cond3A_37 = arith.cmpi ne, %convert_element_type3A, %cond3A : i32
      scf.if %cond3A_37 {
        %jit3A_91 = arith.constant 2 : i32
        %eq3A_92 = arith.constant 0 : i32
        %eq3A_93 = arith.cmpi eq, %jit3A_91, %eq3A_92 : i32
        %jit3A_94 = arith.constant 1 : i32
        %select_n3A_95 = arith.select %eq3A_93, %jit3A_94, %jit3A_91 : i32
        %rem3A_96 = arith.remsi %add3A_35, %select_n3A_95 : i32
        %ne3A_97 = arith.constant 0 : i32
        %ne3A_98 = arith.cmpi ne, %rem3A_96, %ne3A_97 : i32
        %lt3A_99 = arith.constant 0 : i32
        %lt3A_100 = arith.cmpi slt, %rem3A_96, %lt3A_99 : i32
        %lt3A_101 = arith.constant 0 : i32
        %lt3A_102 = arith.cmpi slt, %select_n3A_95, %lt3A_101 : i32
        %ne3A_103 = arith.xori %lt3A_100, %lt3A_102 : i1
        %and3A_104 = arith.andi %ne3A_103, %ne3A_98 : i1
        %add3A_105 = arith.addi %rem3A_96, %select_n3A_95 : i32
        %select_n3A_106 = arith.select %and3A_104, %add3A_105, %rem3A_96 : i32
        %jit3A_107 = arith.constant 2 : i32
        %eq3A_108 = arith.constant 0 : i32
        %eq3A_109 = arith.cmpi eq, %jit3A_107, %eq3A_108 : i32
        %jit3A_110 = arith.constant 1 : i32
        %select_n3A_111 = arith.select %eq3A_109, %jit3A_110, %jit3A_107 : i32
        %rem3A_112 = arith.remsi %add3A_35, %select_n3A_111 : i32
        %ne3A_113 = arith.constant 0 : i32
        %ne3A_114 = arith.cmpi ne, %rem3A_112, %ne3A_113 : i32
        %lt3A_115 = arith.constant 0 : i32
        %lt3A_116 = arith.cmpi slt, %rem3A_112, %lt3A_115 : i32
        %lt3A_117 = arith.constant 0 : i32
        %lt3A_118 = arith.cmpi slt, %select_n3A_111, %lt3A_117 : i32
        %ne3A_119 = arith.xori %lt3A_116, %lt3A_118 : i1
        %and3A_120 = arith.andi %ne3A_119, %ne3A_114 : i1
        %add3A_121 = arith.addi %rem3A_112, %select_n3A_111 : i32
        %select_n3A_122 = arith.select %and3A_120, %add3A_121, %rem3A_112 : i32
        %dma_start3A_123 = arith.constant 0 : i32
        %dma_start3A_124 = arith.constant 0 : i32
        %dma_start3A_125 = tpu.memref_slice %arg9[%select_n3A_106, %dma_start3A_123, %dma_start3A_124] : memref<2x500x16xf32, #tpu.memory_space<vmem>> -> memref<1x500x16xf32, #tpu.memory_space<vmem>>
        %dma_start3A_126 = tpu.memref_squeeze %dma_start3A_125 : memref<1x500x16xf32, #tpu.memory_space<vmem>> -> memref<500x16xf32, #tpu.memory_space<vmem>>
        %dma_start3A_127 = arith.constant 0 : i32
        %dma_start3A_128 = tpu.memref_slice %arg7[%add3A_35, %dma_start3A_127] : memref<20x500xi32, #tpu.memory_space<vmem>> -> memref<1x500xi32, #tpu.memory_space<vmem>>
        %dma_start3A_129 = tpu.memref_squeeze %dma_start3A_128 : memref<1x500xi32, #tpu.memory_space<vmem>> -> memref<500xi32, #tpu.memory_space<vmem>>
        %dma_start3A_130 = arith.constant 0 : i32
        %dma_start3A_131 = arith.constant 0 : i32
        %dma_start3A_132 = tpu.memref_slice %arg12[%dma_start3A_130, %dma_start3A_131] : memref<10240x16xf32, #tpu.memory_space<vmem_shared>> -> memref<10240x16xf32, #tpu.memory_space<vmem_shared>>
        %dma_start3A_133 = tpu.memref_slice %arg10[%select_n3A_122] : memref<2x!tpu.dma_semaphore, #tpu.memory_space<semaphore_mem>> -> memref<1x!tpu.dma_semaphore, #tpu.memory_space<semaphore_mem>>
        %dma_start3A_134 = tpu.memref_squeeze %dma_start3A_133 : memref<1x!tpu.dma_semaphore, #tpu.memory_space<semaphore_mem>> -> memref<!tpu.dma_semaphore, #tpu.memory_space<semaphore_mem>>
        tpu.enqueue_indirect_dma source(%dma_start3A_132 : memref<10240x16xf32, #tpu.memory_space<vmem_shared>>) target(%dma_start3A_126 : memref<500x16xf32, #tpu.memory_space<vmem>>) offsets(%dma_start3A_129 : memref<500xi32, #tpu.memory_space<vmem>>) semaphore(%dma_start3A_134 : memref<!tpu.dma_semaphore, #tpu.memory_space<semaphore_mem>>)
      } else {
      }
      %jit3A = arith.constant 2 : i32
      %eq3A = arith.constant 0 : i32
      %eq3A_38 = arith.cmpi eq, %jit3A, %eq3A : i32
      %jit3A_39 = arith.constant 1 : i32
      %select_n3A = arith.select %eq3A_38, %jit3A_39, %jit3A : i32
      %rem3A = arith.remsi %scan3A_33, %select_n3A : i32
      %ne3A = arith.constant 0 : i32
      %ne3A_40 = arith.cmpi ne, %rem3A, %ne3A : i32
      %lt3A_41 = arith.constant 0 : i32
      %lt3A_42 = arith.cmpi slt, %rem3A, %lt3A_41 : i32
      %lt3A_43 = arith.constant 0 : i32
      %lt3A_44 = arith.cmpi slt, %select_n3A, %lt3A_43 : i32
      %ne3A_45 = arith.xori %lt3A_42, %lt3A_44 : i1
      %and3A = arith.andi %ne3A_45, %ne3A_40 : i1
      %add3A_46 = arith.addi %rem3A, %select_n3A : i32
      %select_n3A_47 = arith.select %and3A, %add3A_46, %rem3A : i32
      %jit3A_48 = arith.constant 2 : i32
      %eq3A_49 = arith.constant 0 : i32
      %eq3A_50 = arith.cmpi eq, %jit3A_48, %eq3A_49 : i32
      %jit3A_51 = arith.constant 1 : i32
      %select_n3A_52 = arith.select %eq3A_50, %jit3A_51, %jit3A_48 : i32
      %rem3A_53 = arith.remsi %scan3A_33, %select_n3A_52 : i32
      %ne3A_54 = arith.constant 0 : i32
      %ne3A_55 = arith.cmpi ne, %rem3A_53, %ne3A_54 : i32
      %lt3A_56 = arith.constant 0 : i32
      %lt3A_57 = arith.cmpi slt, %rem3A_53, %lt3A_56 : i32
      %lt3A_58 = arith.constant 0 : i32
      %lt3A_59 = arith.cmpi slt, %select_n3A_52, %lt3A_58 : i32
      %ne3A_60 = arith.xori %lt3A_57, %lt3A_59 : i1
      %and3A_61 = arith.andi %ne3A_60, %ne3A_55 : i1
      %add3A_62 = arith.addi %rem3A_53, %select_n3A_52 : i32
      %select_n3A_63 = arith.select %and3A_61, %add3A_62, %rem3A_53 : i32
      %dma_wait3A = arith.constant 0 : i32
      %dma_wait3A_64 = arith.constant 0 : i32
      %dma_wait3A_65 = tpu.memref_slice %arg9[%select_n3A_47, %dma_wait3A, %dma_wait3A_64] : memref<2x500x16xf32, #tpu.memory_space<vmem>> -> memref<1x500x16xf32, #tpu.memory_space<vmem>>
      %dma_wait3A_66 = tpu.memref_squeeze %dma_wait3A_65 : memref<1x500x16xf32, #tpu.memory_space<vmem>> -> memref<500x16xf32, #tpu.memory_space<vmem>>
      %dma_wait3A_67 = arith.constant 0 : i32
      %dma_wait3A_68 = tpu.memref_slice %arg7[%scan3A_33, %dma_wait3A_67] : memref<20x500xi32, #tpu.memory_space<vmem>> -> memref<1x500xi32, #tpu.memory_space<vmem>>
      %dma_wait3A_69 = tpu.memref_squeeze %dma_wait3A_68 : memref<1x500xi32, #tpu.memory_space<vmem>> -> memref<500xi32, #tpu.memory_space<vmem>>
      %dma_wait3A_70 = arith.constant 0 : i32
      %dma_wait3A_71 = arith.constant 0 : i32
      %dma_wait3A_72 = tpu.memref_slice %arg12[%dma_wait3A_70, %dma_wait3A_71] : memref<10240x16xf32, #tpu.memory_space<vmem_shared>> -> memref<10240x16xf32, #tpu.memory_space<vmem_shared>>
      %dma_wait3A_73 = tpu.memref_slice %arg10[%select_n3A_63] : memref<2x!tpu.dma_semaphore, #tpu.memory_space<semaphore_mem>> -> memref<1x!tpu.dma_semaphore, #tpu.memory_space<semaphore_mem>>
      %dma_wait3A_74 = tpu.memref_squeeze %dma_wait3A_73 : memref<1x!tpu.dma_semaphore, #tpu.memory_space<semaphore_mem>> -> memref<!tpu.dma_semaphore, #tpu.memory_space<semaphore_mem>>
      tpu.wait_indirect_dma semaphore(%dma_wait3A_74 : memref<!tpu.dma_semaphore, #tpu.memory_space<semaphore_mem>>) src(%dma_wait3A_72 : memref<10240x16xf32, #tpu.memory_space<vmem_shared>>) dst(%dma_wait3A_66 : memref<500x16xf32, #tpu.memory_space<vmem>>)
      %jit3A_75 = arith.constant 2 : i32
      %eq3A_76 = arith.constant 0 : i32
      %eq3A_77 = arith.cmpi eq, %jit3A_75, %eq3A_76 : i32
      %jit3A_78 = arith.constant 1 : i32
      %select_n3A_79 = arith.select %eq3A_77, %jit3A_78, %jit3A_75 : i32
      %rem3A_80 = arith.remsi %scan3A_33, %select_n3A_79 : i32
      %ne3A_81 = arith.constant 0 : i32
      %ne3A_82 = arith.cmpi ne, %rem3A_80, %ne3A_81 : i32
      %lt3A_83 = arith.constant 0 : i32
      %lt3A_84 = arith.cmpi slt, %rem3A_80, %lt3A_83 : i32
      %lt3A_85 = arith.constant 0 : i32
      %lt3A_86 = arith.cmpi slt, %select_n3A_79, %lt3A_85 : i32
      %ne3A_87 = arith.xori %lt3A_84, %lt3A_86 : i1
      %and3A_88 = arith.andi %ne3A_87, %ne3A_82 : i1
      %add3A_89 = arith.addi %rem3A_80, %select_n3A_79 : i32
      %select_n3A_90 = arith.select %and3A_88, %add3A_89, %rem3A_80 : i32
      "tpu.region"() ({
        %run_scoped3A = tpu.sem_alloc : memref<!tpu.dma_semaphore, #tpu.memory_space<semaphore_mem>>
        %dma_start3A_91 = arith.constant 0 : i32
        %dma_start3A_92 = arith.constant 0 : i32
        %dma_start3A_93 = tpu.memref_slice %arg9[%select_n3A_90, %dma_start3A_91, %dma_start3A_92] : memref<2x500x16xf32, #tpu.memory_space<vmem>> -> memref<1x500x16xf32, #tpu.memory_space<vmem>>
        %dma_start3A_94 = tpu.memref_squeeze %dma_start3A_93 : memref<1x500x16xf32, #tpu.memory_space<vmem>> -> memref<500x16xf32, #tpu.memory_space<vmem>>
        %dma_start3A_95 = arith.constant 0 : i32
        %dma_start3A_96 = tpu.memref_slice %arg8[%scan3A_33, %dma_start3A_95] : memref<20x500xi32, #tpu.memory_space<vmem>> -> memref<1x500xi32, #tpu.memory_space<vmem>>
        %dma_start3A_97 = tpu.memref_squeeze %dma_start3A_96 : memref<1x500xi32, #tpu.memory_space<vmem>> -> memref<500xi32, #tpu.memory_space<vmem>>
        %dma_start3A_98 = arith.constant 0 : i32
        %dma_start3A_99 = arith.constant 0 : i32
        %dma_start3A_100 = tpu.memref_slice %arg11[%dma_start3A_98, %dma_start3A_99] : memref<10240x16xf32, #tpu.memory_space<vmem_shared>> -> memref<10240x16xf32, #tpu.memory_space<vmem_shared>>
        tpu.enqueue_indirect_dma source(%dma_start3A_94 : memref<500x16xf32, #tpu.memory_space<vmem>>) target(%dma_start3A_100 : memref<10240x16xf32, #tpu.memory_space<vmem_shared>>) offsets(%dma_start3A_97 : memref<500xi32, #tpu.memory_space<vmem>>) semaphore(%run_scoped3A : memref<!tpu.dma_semaphore, #tpu.memory_space<semaphore_mem>>) {add = true}
        %dma_wait3A_101 = arith.constant 0 : i32
        %dma_wait3A_102 = arith.constant 0 : i32
        %dma_wait3A_103 = tpu.memref_slice %arg9[%select_n3A_90, %dma_wait3A_101, %dma_wait3A_102] : memref<2x500x16xf32, #tpu.memory_space<vmem>> -> memref<1x500x16xf32, #tpu.memory_space<vmem>>
        %dma_wait3A_104 = tpu.memref_squeeze %dma_wait3A_103 : memref<1x500x16xf32, #tpu.memory_space<vmem>> -> memref<500x16xf32, #tpu.memory_space<vmem>>
        %dma_wait3A_105 = arith.constant 0 : i32
        %dma_wait3A_106 = tpu.memref_slice %arg8[%scan3A_33, %dma_wait3A_105] : memref<20x500xi32, #tpu.memory_space<vmem>> -> memref<1x500xi32, #tpu.memory_space<vmem>>
        %dma_wait3A_107 = tpu.memref_squeeze %dma_wait3A_106 : memref<1x500xi32, #tpu.memory_space<vmem>> -> memref<500xi32, #tpu.memory_space<vmem>>
        %dma_wait3A_108 = arith.constant 0 : i32
        %dma_wait3A_109 = arith.constant 0 : i32
        %dma_wait3A_110 = tpu.memref_slice %arg11[%dma_wait3A_108, %dma_wait3A_109] : memref<10240x16xf32, #tpu.memory_space<vmem_shared>> -> memref<10240x16xf32, #tpu.memory_space<vmem_shared>>
        tpu.wait_indirect_dma semaphore(%run_scoped3A : memref<!tpu.dma_semaphore, #tpu.memory_space<semaphore_mem>>) src(%dma_wait3A_104 : memref<500x16xf32, #tpu.memory_space<vmem>>) dst(%dma_wait3A_110 : memref<10240x16xf32, #tpu.memory_space<vmem_shared>>)
        tpu.yield
      }) : () -> ()
    }
    %scan3A_27 = arith.constant 20 : i32
    %barrier3A_28 = arith.constant 0 : index
    tpu.barrier barrier_id(%barrier3A_28)
    %mul3A_29 = arith.constant 640 : i32
    %mul3A_30 = arith.muli %arg1, %mul3A_29 : i32
    %mul3A_31 = arith.constant 640 : i32
    %mul3A_32 = arith.muli %arg1, %mul3A_31 : i32
    "tpu.region"() ({
      %run_scoped3A = tpu.sem_alloc : memref<!tpu.dma_semaphore, #tpu.memory_space<semaphore_mem>>
      %dma_start3A_33 = arith.constant 0 : i32
      %dma_start3A_34 = tpu.memref_slice %arg6[%arg0, %mul3A_32, %dma_start3A_33] : memref<2x10240x16xf32, #tpu.memory_space<hbm>> -> memref<1x640x16xf32, #tpu.memory_space<hbm>>
      %dma_start3A_35 = tpu.memref_squeeze %dma_start3A_34 : memref<1x640x16xf32, #tpu.memory_space<hbm>> -> memref<640x16xf32, #tpu.memory_space<hbm>>
      %dma_start3A_36 = arith.constant 0 : i32
      %dma_start3A_37 = tpu.memref_slice %arg11[%mul3A_30, %dma_start3A_36] : memref<10240x16xf32, #tpu.memory_space<vmem_shared>> -> memref<640x16xf32, #tpu.memory_space<vmem_shared>>
      tpu.enqueue_dma source(%dma_start3A_37 : memref<640x16xf32, #tpu.memory_space<vmem_shared>>) target(%dma_start3A_35 : memref<640x16xf32, #tpu.memory_space<hbm>>) target_semaphore(%run_scoped3A : memref<!tpu.dma_semaphore, #tpu.memory_space<semaphore_mem>>)
      %dma_wait3A = arith.constant 0 : i32
      %dma_wait3A_38 = tpu.memref_slice %arg6[%arg0, %mul3A_32, %dma_wait3A] : memref<2x10240x16xf32, #tpu.memory_space<hbm>> -> memref<1x640x16xf32, #tpu.memory_space<hbm>>
      %dma_wait3A_39 = tpu.memref_squeeze %dma_wait3A_38 : memref<1x640x16xf32, #tpu.memory_space<hbm>> -> memref<640x16xf32, #tpu.memory_space<hbm>>
      %dma_wait3A_40 = arith.constant 0 : i32
      %dma_wait3A_41 = tpu.memref_slice %arg11[%mul3A_30, %dma_wait3A_40] : memref<10240x16xf32, #tpu.memory_space<vmem_shared>> -> memref<640x16xf32, #tpu.memory_space<vmem_shared>>
      tpu.wait_dma2 semaphore(%run_scoped3A : memref<!tpu.dma_semaphore, #tpu.memory_space<semaphore_mem>>) src(%dma_wait3A_41 : memref<640x16xf32, #tpu.memory_space<vmem_shared>>) dst(%dma_wait3A_39 : memref<640x16xf32, #tpu.memory_space<hbm>>)
      tpu.yield
    }) : () -> ()
    return
  }
}

#map = affine_map<(d0, d1) -> (0, 0)>
#map1 = affine_map<(d0, d1) -> (0, 0, 0)>
module attributes {stable_mosaic.version = 14 : i64} {
  func.func @_sc_propagate_body(%arg0: i32, %arg1: i32, %arg2: memref<10240x16xf32, #tpu.memory_space<hbm>>, %arg3: memref<32x20x500xi32, #tpu.memory_space<hbm>>, %arg4: memref<32x20x500xi32, #tpu.memory_space<hbm>>, %arg5: memref<10240x16xf32, #tpu.memory_space<hbm>>, %arg6: memref<2x10240x16xf32, #tpu.memory_space<hbm>>, %arg7: memref<20x500xi32, #tpu.memory_space<vmem>>, %arg8: memref<20x500xi32, #tpu.memory_space<vmem>>, %arg9: memref<2x500x16xf32, #tpu.memory_space<vmem>>, %arg10: memref<2x!tpu.dma_semaphore, #tpu.memory_space<semaphore_mem>>, %arg11: memref<10240x16xf32, #tpu.memory_space<vmem_shared>>, %arg12: memref<10240x16xf32, #tpu.memory_space<vmem_shared>>) attributes {dimension_semantics = [#tpu.dimension_semantics<core_parallel>, #tpu.dimension_semantics<subcore_parallel>], iteration_bounds = array<i64: 2, 16>, scalar_prefetch = 0 : i64, scratch_operands = 6 : i64, tpu.core_type = #tpu.core_type<sc_vector_subcore>, window_params = [{transform_indices = #map}, {transform_indices = #map1}, {transform_indices = #map1}, {transform_indices = #map}, {transform_indices = #map1}]} {
    %mul3A = arith.constant 640 : i32
    %mul3A_0 = arith.muli %arg1, %mul3A : i32
    %mul3A_1 = arith.constant 640 : i32
    %mul3A_2 = arith.muli %arg1, %mul3A_1 : i32
    "tpu.region"() ({
      %run_scoped3A = tpu.sem_alloc : memref<!tpu.dma_semaphore, #tpu.memory_space<semaphore_mem>>
      %dma_start3A_33 = arith.constant 0 : i32
      %dma_start3A_34 = tpu.memref_slice %arg11[%mul3A_2, %dma_start3A_33] : memref<10240x16xf32, #tpu.memory_space<vmem_shared>> -> memref<640x16xf32, #tpu.memory_space<vmem_shared>>
      %dma_start3A_35 = arith.constant 0 : i32
      %dma_start3A_36 = tpu.memref_slice %arg5[%mul3A_0, %dma_start3A_35] : memref<10240x16xf32, #tpu.memory_space<hbm>> -> memref<640x16xf32, #tpu.memory_space<hbm>>
      tpu.enqueue_dma source(%dma_start3A_36 : memref<640x16xf32, #tpu.memory_space<hbm>>) target(%dma_start3A_34 : memref<640x16xf32, #tpu.memory_space<vmem_shared>>) target_semaphore(%run_scoped3A : memref<!tpu.dma_semaphore, #tpu.memory_space<semaphore_mem>>)
      %dma_wait3A = arith.constant 0 : i32
      %dma_wait3A_37 = tpu.memref_slice %arg11[%mul3A_2, %dma_wait3A] : memref<10240x16xf32, #tpu.memory_space<vmem_shared>> -> memref<640x16xf32, #tpu.memory_space<vmem_shared>>
      %dma_wait3A_38 = arith.constant 0 : i32
      %dma_wait3A_39 = tpu.memref_slice %arg5[%mul3A_0, %dma_wait3A_38] : memref<10240x16xf32, #tpu.memory_space<hbm>> -> memref<640x16xf32, #tpu.memory_space<hbm>>
      tpu.wait_dma2 semaphore(%run_scoped3A : memref<!tpu.dma_semaphore, #tpu.memory_space<semaphore_mem>>) src(%dma_wait3A_39 : memref<640x16xf32, #tpu.memory_space<hbm>>) dst(%dma_wait3A_37 : memref<640x16xf32, #tpu.memory_space<vmem_shared>>)
      tpu.yield
    }) : () -> ()
    %mul3A_3 = arith.constant 640 : i32
    %mul3A_4 = arith.muli %arg1, %mul3A_3 : i32
    %mul3A_5 = arith.constant 640 : i32
    %mul3A_6 = arith.muli %arg1, %mul3A_5 : i32
    "tpu.region"() ({
      %run_scoped3A = tpu.sem_alloc : memref<!tpu.dma_semaphore, #tpu.memory_space<semaphore_mem>>
      %dma_start3A_33 = arith.constant 0 : i32
      %dma_start3A_34 = tpu.memref_slice %arg12[%mul3A_6, %dma_start3A_33] : memref<10240x16xf32, #tpu.memory_space<vmem_shared>> -> memref<640x16xf32, #tpu.memory_space<vmem_shared>>
      %dma_start3A_35 = arith.constant 0 : i32
      %dma_start3A_36 = tpu.memref_slice %arg2[%mul3A_4, %dma_start3A_35] : memref<10240x16xf32, #tpu.memory_space<hbm>> -> memref<640x16xf32, #tpu.memory_space<hbm>>
      tpu.enqueue_dma source(%dma_start3A_36 : memref<640x16xf32, #tpu.memory_space<hbm>>) target(%dma_start3A_34 : memref<640x16xf32, #tpu.memory_space<vmem_shared>>) target_semaphore(%run_scoped3A : memref<!tpu.dma_semaphore, #tpu.memory_space<semaphore_mem>>)
      %dma_wait3A = arith.constant 0 : i32
      %dma_wait3A_37 = tpu.memref_slice %arg12[%mul3A_6, %dma_wait3A] : memref<10240x16xf32, #tpu.memory_space<vmem_shared>> -> memref<640x16xf32, #tpu.memory_space<vmem_shared>>
      %dma_wait3A_38 = arith.constant 0 : i32
      %dma_wait3A_39 = tpu.memref_slice %arg2[%mul3A_4, %dma_wait3A_38] : memref<10240x16xf32, #tpu.memory_space<hbm>> -> memref<640x16xf32, #tpu.memory_space<hbm>>
      tpu.wait_dma2 semaphore(%run_scoped3A : memref<!tpu.dma_semaphore, #tpu.memory_space<semaphore_mem>>) src(%dma_wait3A_39 : memref<640x16xf32, #tpu.memory_space<hbm>>) dst(%dma_wait3A_37 : memref<640x16xf32, #tpu.memory_space<vmem_shared>>)
      tpu.yield
    }) : () -> ()
    %mul3A_7 = arith.constant 16 : i32
    %mul3A_8 = arith.muli %arg0, %mul3A_7 : i32
    %add3A = arith.addi %mul3A_8, %arg1 : i32
    "tpu.region"() ({
      %run_scoped3A = tpu.sem_alloc : memref<!tpu.dma_semaphore, #tpu.memory_space<semaphore_mem>>
      %dma_start3A_33 = arith.constant 0 : i32
      %dma_start3A_34 = arith.constant 0 : i32
      %dma_start3A_35 = tpu.memref_slice %arg3[%add3A, %dma_start3A_33, %dma_start3A_34] : memref<32x20x500xi32, #tpu.memory_space<hbm>> -> memref<1x20x500xi32, #tpu.memory_space<hbm>>
      %dma_start3A_36 = tpu.memref_squeeze %dma_start3A_35 : memref<1x20x500xi32, #tpu.memory_space<hbm>> -> memref<20x500xi32, #tpu.memory_space<hbm>>
      %dma_start3A_37 = arith.constant 0 : i32
      %dma_start3A_38 = arith.constant 0 : i32
      %dma_start3A_39 = tpu.memref_slice %arg3[%add3A, %dma_start3A_37, %dma_start3A_38] : memref<32x20x500xi32, #tpu.memory_space<hbm>> -> memref<1x20x500xi32, #tpu.memory_space<hbm>>
      %dma_start3A_40 = tpu.memref_squeeze %dma_start3A_39 : memref<1x20x500xi32, #tpu.memory_space<hbm>> -> memref<20x500xi32, #tpu.memory_space<hbm>>
      tpu.enqueue_dma source(%dma_start3A_40 : memref<20x500xi32, #tpu.memory_space<hbm>>) target(%arg7 : memref<20x500xi32, #tpu.memory_space<vmem>>) target_semaphore(%run_scoped3A : memref<!tpu.dma_semaphore, #tpu.memory_space<semaphore_mem>>)
      %dma_wait3A = arith.constant 0 : i32
      %dma_wait3A_41 = arith.constant 0 : i32
      %dma_wait3A_42 = tpu.memref_slice %arg3[%add3A, %dma_wait3A, %dma_wait3A_41] : memref<32x20x500xi32, #tpu.memory_space<hbm>> -> memref<1x20x500xi32, #tpu.memory_space<hbm>>
      %dma_wait3A_43 = tpu.memref_squeeze %dma_wait3A_42 : memref<1x20x500xi32, #tpu.memory_space<hbm>> -> memref<20x500xi32, #tpu.memory_space<hbm>>
      %dma_wait3A_44 = arith.constant 0 : i32
      %dma_wait3A_45 = arith.constant 0 : i32
      %dma_wait3A_46 = tpu.memref_slice %arg3[%add3A, %dma_wait3A_44, %dma_wait3A_45] : memref<32x20x500xi32, #tpu.memory_space<hbm>> -> memref<1x20x500xi32, #tpu.memory_space<hbm>>
      %dma_wait3A_47 = tpu.memref_squeeze %dma_wait3A_46 : memref<1x20x500xi32, #tpu.memory_space<hbm>> -> memref<20x500xi32, #tpu.memory_space<hbm>>
      tpu.wait_dma2 semaphore(%run_scoped3A : memref<!tpu.dma_semaphore, #tpu.memory_space<semaphore_mem>>) src(%dma_wait3A_47 : memref<20x500xi32, #tpu.memory_space<hbm>>) dst(%arg7 : memref<20x500xi32, #tpu.memory_space<vmem>>)
      tpu.yield
    }) : () -> ()
    "tpu.region"() ({
      %run_scoped3A = tpu.sem_alloc : memref<!tpu.dma_semaphore, #tpu.memory_space<semaphore_mem>>
      %dma_start3A_33 = arith.constant 0 : i32
      %dma_start3A_34 = arith.constant 0 : i32
      %dma_start3A_35 = tpu.memref_slice %arg4[%add3A, %dma_start3A_33, %dma_start3A_34] : memref<32x20x500xi32, #tpu.memory_space<hbm>> -> memref<1x20x500xi32, #tpu.memory_space<hbm>>
      %dma_start3A_36 = tpu.memref_squeeze %dma_start3A_35 : memref<1x20x500xi32, #tpu.memory_space<hbm>> -> memref<20x500xi32, #tpu.memory_space<hbm>>
      %dma_start3A_37 = arith.constant 0 : i32
      %dma_start3A_38 = arith.constant 0 : i32
      %dma_start3A_39 = tpu.memref_slice %arg4[%add3A, %dma_start3A_37, %dma_start3A_38] : memref<32x20x500xi32, #tpu.memory_space<hbm>> -> memref<1x20x500xi32, #tpu.memory_space<hbm>>
      %dma_start3A_40 = tpu.memref_squeeze %dma_start3A_39 : memref<1x20x500xi32, #tpu.memory_space<hbm>> -> memref<20x500xi32, #tpu.memory_space<hbm>>
      tpu.enqueue_dma source(%dma_start3A_40 : memref<20x500xi32, #tpu.memory_space<hbm>>) target(%arg8 : memref<20x500xi32, #tpu.memory_space<vmem>>) target_semaphore(%run_scoped3A : memref<!tpu.dma_semaphore, #tpu.memory_space<semaphore_mem>>)
      %dma_wait3A = arith.constant 0 : i32
      %dma_wait3A_41 = arith.constant 0 : i32
      %dma_wait3A_42 = tpu.memref_slice %arg4[%add3A, %dma_wait3A, %dma_wait3A_41] : memref<32x20x500xi32, #tpu.memory_space<hbm>> -> memref<1x20x500xi32, #tpu.memory_space<hbm>>
      %dma_wait3A_43 = tpu.memref_squeeze %dma_wait3A_42 : memref<1x20x500xi32, #tpu.memory_space<hbm>> -> memref<20x500xi32, #tpu.memory_space<hbm>>
      %dma_wait3A_44 = arith.constant 0 : i32
      %dma_wait3A_45 = arith.constant 0 : i32
      %dma_wait3A_46 = tpu.memref_slice %arg4[%add3A, %dma_wait3A_44, %dma_wait3A_45] : memref<32x20x500xi32, #tpu.memory_space<hbm>> -> memref<1x20x500xi32, #tpu.memory_space<hbm>>
      %dma_wait3A_47 = tpu.memref_squeeze %dma_wait3A_46 : memref<1x20x500xi32, #tpu.memory_space<hbm>> -> memref<20x500xi32, #tpu.memory_space<hbm>>
      tpu.wait_dma2 semaphore(%run_scoped3A : memref<!tpu.dma_semaphore, #tpu.memory_space<semaphore_mem>>) src(%dma_wait3A_47 : memref<20x500xi32, #tpu.memory_space<hbm>>) dst(%arg8 : memref<20x500xi32, #tpu.memory_space<vmem>>)
      tpu.yield
    }) : () -> ()
    %barrier3A = arith.constant 0 : index
    tpu.barrier barrier_id(%barrier3A)
    %dma_start3A = arith.constant 0 : i32
    %dma_start3A_9 = arith.constant 0 : i32
    %dma_start3A_10 = arith.constant 0 : i32
    %dma_start3A_11 = arith.constant 0 : i32
    %dma_start3A_12 = arith.constant 0 : i32
    %dma_start3A_13 = tpu.memref_slice %arg9[%dma_start3A_9, %dma_start3A_11, %dma_start3A_12] : memref<2x500x16xf32, #tpu.memory_space<vmem>> -> memref<1x500x16xf32, #tpu.memory_space<vmem>>
    %dma_start3A_14 = tpu.memref_squeeze %dma_start3A_13 : memref<1x500x16xf32, #tpu.memory_space<vmem>> -> memref<500x16xf32, #tpu.memory_space<vmem>>
    %dma_start3A_15 = arith.constant 0 : i32
    %dma_start3A_16 = tpu.memref_slice %arg7[%dma_start3A, %dma_start3A_15] : memref<20x500xi32, #tpu.memory_space<vmem>> -> memref<1x500xi32, #tpu.memory_space<vmem>>
    %dma_start3A_17 = tpu.memref_squeeze %dma_start3A_16 : memref<1x500xi32, #tpu.memory_space<vmem>> -> memref<500xi32, #tpu.memory_space<vmem>>
    %dma_start3A_18 = arith.constant 0 : i32
    %dma_start3A_19 = arith.constant 0 : i32
    %dma_start3A_20 = tpu.memref_slice %arg12[%dma_start3A_18, %dma_start3A_19] : memref<10240x16xf32, #tpu.memory_space<vmem_shared>> -> memref<10240x16xf32, #tpu.memory_space<vmem_shared>>
    %dma_start3A_21 = tpu.memref_slice %arg10[%dma_start3A_10] : memref<2x!tpu.dma_semaphore, #tpu.memory_space<semaphore_mem>> -> memref<1x!tpu.dma_semaphore, #tpu.memory_space<semaphore_mem>>
    %dma_start3A_22 = tpu.memref_squeeze %dma_start3A_21 : memref<1x!tpu.dma_semaphore, #tpu.memory_space<semaphore_mem>> -> memref<!tpu.dma_semaphore, #tpu.memory_space<semaphore_mem>>
    tpu.enqueue_indirect_dma source(%dma_start3A_20 : memref<10240x16xf32, #tpu.memory_space<vmem_shared>>) target(%dma_start3A_14 : memref<500x16xf32, #tpu.memory_space<vmem>>) offsets(%dma_start3A_17 : memref<500xi32, #tpu.memory_space<vmem>>) semaphore(%dma_start3A_22 : memref<!tpu.dma_semaphore, #tpu.memory_space<semaphore_mem>>)
    %scan3A = arith.constant 0 : i32
    %scan3A_23 = arith.constant 0 : i32
    %scan3A_24 = arith.constant 20 : i32
    %scan3A_25 = arith.addi %scan3A_23, %scan3A_24 : i32
    %scan3A_26 = arith.constant 1 : i32
    scf.for %scan3A_33 = %scan3A_23 to %scan3A_25 step %scan3A_26  : i32 {
      %add3A_34 = arith.constant 1 : i32
      %add3A_35 = arith.addi %scan3A_33, %add3A_34 : i32
      %lt3A = arith.constant 20 : i32
      %lt3A_36 = arith.cmpi slt, %add3A_35, %lt3A : i32
      %convert_element_type3A = arith.extui %lt3A_36 : i1 to i32
      %cond3A = arith.constant 0 : i32
      %cond3A_37 = arith.cmpi ne, %convert_element_type3A, %cond3A : i32
      scf.if %cond3A_37 {
        %jit3A_91 = arith.constant 2 : i32
        %eq3A_92 = arith.constant 0 : i32
        %eq3A_93 = arith.cmpi eq, %jit3A_91, %eq3A_92 : i32
        %jit3A_94 = arith.constant 1 : i32
        %select_n3A_95 = arith.select %eq3A_93, %jit3A_94, %jit3A_91 : i32
        %rem3A_96 = arith.remsi %add3A_35, %select_n3A_95 : i32
        %ne3A_97 = arith.constant 0 : i32
        %ne3A_98 = arith.cmpi ne, %rem3A_96, %ne3A_97 : i32
        %lt3A_99 = arith.constant 0 : i32
        %lt3A_100 = arith.cmpi slt, %rem3A_96, %lt3A_99 : i32
        %lt3A_101 = arith.constant 0 : i32
        %lt3A_102 = arith.cmpi slt, %select_n3A_95, %lt3A_101 : i32
        %ne3A_103 = arith.xori %lt3A_100, %lt3A_102 : i1
        %and3A_104 = arith.andi %ne3A_103, %ne3A_98 : i1
        %add3A_105 = arith.addi %rem3A_96, %select_n3A_95 : i32
        %select_n3A_106 = arith.select %and3A_104, %add3A_105, %rem3A_96 : i32
        %jit3A_107 = arith.constant 2 : i32
        %eq3A_108 = arith.constant 0 : i32
        %eq3A_109 = arith.cmpi eq, %jit3A_107, %eq3A_108 : i32
        %jit3A_110 = arith.constant 1 : i32
        %select_n3A_111 = arith.select %eq3A_109, %jit3A_110, %jit3A_107 : i32
        %rem3A_112 = arith.remsi %add3A_35, %select_n3A_111 : i32
        %ne3A_113 = arith.constant 0 : i32
        %ne3A_114 = arith.cmpi ne, %rem3A_112, %ne3A_113 : i32
        %lt3A_115 = arith.constant 0 : i32
        %lt3A_116 = arith.cmpi slt, %rem3A_112, %lt3A_115 : i32
        %lt3A_117 = arith.constant 0 : i32
        %lt3A_118 = arith.cmpi slt, %select_n3A_111, %lt3A_117 : i32
        %ne3A_119 = arith.xori %lt3A_116, %lt3A_118 : i1
        %and3A_120 = arith.andi %ne3A_119, %ne3A_114 : i1
        %add3A_121 = arith.addi %rem3A_112, %select_n3A_111 : i32
        %select_n3A_122 = arith.select %and3A_120, %add3A_121, %rem3A_112 : i32
        %dma_start3A_123 = arith.constant 0 : i32
        %dma_start3A_124 = arith.constant 0 : i32
        %dma_start3A_125 = tpu.memref_slice %arg9[%select_n3A_106, %dma_start3A_123, %dma_start3A_124] : memref<2x500x16xf32, #tpu.memory_space<vmem>> -> memref<1x500x16xf32, #tpu.memory_space<vmem>>
        %dma_start3A_126 = tpu.memref_squeeze %dma_start3A_125 : memref<1x500x16xf32, #tpu.memory_space<vmem>> -> memref<500x16xf32, #tpu.memory_space<vmem>>
        %dma_start3A_127 = arith.constant 0 : i32
        %dma_start3A_128 = tpu.memref_slice %arg7[%add3A_35, %dma_start3A_127] : memref<20x500xi32, #tpu.memory_space<vmem>> -> memref<1x500xi32, #tpu.memory_space<vmem>>
        %dma_start3A_129 = tpu.memref_squeeze %dma_start3A_128 : memref<1x500xi32, #tpu.memory_space<vmem>> -> memref<500xi32, #tpu.memory_space<vmem>>
        %dma_start3A_130 = arith.constant 0 : i32
        %dma_start3A_131 = arith.constant 0 : i32
        %dma_start3A_132 = tpu.memref_slice %arg12[%dma_start3A_130, %dma_start3A_131] : memref<10240x16xf32, #tpu.memory_space<vmem_shared>> -> memref<10240x16xf32, #tpu.memory_space<vmem_shared>>
        %dma_start3A_133 = tpu.memref_slice %arg10[%select_n3A_122] : memref<2x!tpu.dma_semaphore, #tpu.memory_space<semaphore_mem>> -> memref<1x!tpu.dma_semaphore, #tpu.memory_space<semaphore_mem>>
        %dma_start3A_134 = tpu.memref_squeeze %dma_start3A_133 : memref<1x!tpu.dma_semaphore, #tpu.memory_space<semaphore_mem>> -> memref<!tpu.dma_semaphore, #tpu.memory_space<semaphore_mem>>
        tpu.enqueue_indirect_dma source(%dma_start3A_132 : memref<10240x16xf32, #tpu.memory_space<vmem_shared>>) target(%dma_start3A_126 : memref<500x16xf32, #tpu.memory_space<vmem>>) offsets(%dma_start3A_129 : memref<500xi32, #tpu.memory_space<vmem>>) semaphore(%dma_start3A_134 : memref<!tpu.dma_semaphore, #tpu.memory_space<semaphore_mem>>)
      } else {
      }
      %jit3A = arith.constant 2 : i32
      %eq3A = arith.constant 0 : i32
      %eq3A_38 = arith.cmpi eq, %jit3A, %eq3A : i32
      %jit3A_39 = arith.constant 1 : i32
      %select_n3A = arith.select %eq3A_38, %jit3A_39, %jit3A : i32
      %rem3A = arith.remsi %scan3A_33, %select_n3A : i32
      %ne3A = arith.constant 0 : i32
      %ne3A_40 = arith.cmpi ne, %rem3A, %ne3A : i32
      %lt3A_41 = arith.constant 0 : i32
      %lt3A_42 = arith.cmpi slt, %rem3A, %lt3A_41 : i32
      %lt3A_43 = arith.constant 0 : i32
      %lt3A_44 = arith.cmpi slt, %select_n3A, %lt3A_43 : i32
      %ne3A_45 = arith.xori %lt3A_42, %lt3A_44 : i1
      %and3A = arith.andi %ne3A_45, %ne3A_40 : i1
      %add3A_46 = arith.addi %rem3A, %select_n3A : i32
      %select_n3A_47 = arith.select %and3A, %add3A_46, %rem3A : i32
      %jit3A_48 = arith.constant 2 : i32
      %eq3A_49 = arith.constant 0 : i32
      %eq3A_50 = arith.cmpi eq, %jit3A_48, %eq3A_49 : i32
      %jit3A_51 = arith.constant 1 : i32
      %select_n3A_52 = arith.select %eq3A_50, %jit3A_51, %jit3A_48 : i32
      %rem3A_53 = arith.remsi %scan3A_33, %select_n3A_52 : i32
      %ne3A_54 = arith.constant 0 : i32
      %ne3A_55 = arith.cmpi ne, %rem3A_53, %ne3A_54 : i32
      %lt3A_56 = arith.constant 0 : i32
      %lt3A_57 = arith.cmpi slt, %rem3A_53, %lt3A_56 : i32
      %lt3A_58 = arith.constant 0 : i32
      %lt3A_59 = arith.cmpi slt, %select_n3A_52, %lt3A_58 : i32
      %ne3A_60 = arith.xori %lt3A_57, %lt3A_59 : i1
      %and3A_61 = arith.andi %ne3A_60, %ne3A_55 : i1
      %add3A_62 = arith.addi %rem3A_53, %select_n3A_52 : i32
      %select_n3A_63 = arith.select %and3A_61, %add3A_62, %rem3A_53 : i32
      %dma_wait3A = arith.constant 0 : i32
      %dma_wait3A_64 = arith.constant 0 : i32
      %dma_wait3A_65 = tpu.memref_slice %arg9[%select_n3A_47, %dma_wait3A, %dma_wait3A_64] : memref<2x500x16xf32, #tpu.memory_space<vmem>> -> memref<1x500x16xf32, #tpu.memory_space<vmem>>
      %dma_wait3A_66 = tpu.memref_squeeze %dma_wait3A_65 : memref<1x500x16xf32, #tpu.memory_space<vmem>> -> memref<500x16xf32, #tpu.memory_space<vmem>>
      %dma_wait3A_67 = arith.constant 0 : i32
      %dma_wait3A_68 = tpu.memref_slice %arg7[%scan3A_33, %dma_wait3A_67] : memref<20x500xi32, #tpu.memory_space<vmem>> -> memref<1x500xi32, #tpu.memory_space<vmem>>
      %dma_wait3A_69 = tpu.memref_squeeze %dma_wait3A_68 : memref<1x500xi32, #tpu.memory_space<vmem>> -> memref<500xi32, #tpu.memory_space<vmem>>
      %dma_wait3A_70 = arith.constant 0 : i32
      %dma_wait3A_71 = arith.constant 0 : i32
      %dma_wait3A_72 = tpu.memref_slice %arg12[%dma_wait3A_70, %dma_wait3A_71] : memref<10240x16xf32, #tpu.memory_space<vmem_shared>> -> memref<10240x16xf32, #tpu.memory_space<vmem_shared>>
      %dma_wait3A_73 = tpu.memref_slice %arg10[%select_n3A_63] : memref<2x!tpu.dma_semaphore, #tpu.memory_space<semaphore_mem>> -> memref<1x!tpu.dma_semaphore, #tpu.memory_space<semaphore_mem>>
      %dma_wait3A_74 = tpu.memref_squeeze %dma_wait3A_73 : memref<1x!tpu.dma_semaphore, #tpu.memory_space<semaphore_mem>> -> memref<!tpu.dma_semaphore, #tpu.memory_space<semaphore_mem>>
      tpu.wait_indirect_dma semaphore(%dma_wait3A_74 : memref<!tpu.dma_semaphore, #tpu.memory_space<semaphore_mem>>) src(%dma_wait3A_72 : memref<10240x16xf32, #tpu.memory_space<vmem_shared>>) dst(%dma_wait3A_66 : memref<500x16xf32, #tpu.memory_space<vmem>>)
      %jit3A_75 = arith.constant 2 : i32
      %eq3A_76 = arith.constant 0 : i32
      %eq3A_77 = arith.cmpi eq, %jit3A_75, %eq3A_76 : i32
      %jit3A_78 = arith.constant 1 : i32
      %select_n3A_79 = arith.select %eq3A_77, %jit3A_78, %jit3A_75 : i32
      %rem3A_80 = arith.remsi %scan3A_33, %select_n3A_79 : i32
      %ne3A_81 = arith.constant 0 : i32
      %ne3A_82 = arith.cmpi ne, %rem3A_80, %ne3A_81 : i32
      %lt3A_83 = arith.constant 0 : i32
      %lt3A_84 = arith.cmpi slt, %rem3A_80, %lt3A_83 : i32
      %lt3A_85 = arith.constant 0 : i32
      %lt3A_86 = arith.cmpi slt, %select_n3A_79, %lt3A_85 : i32
      %ne3A_87 = arith.xori %lt3A_84, %lt3A_86 : i1
      %and3A_88 = arith.andi %ne3A_87, %ne3A_82 : i1
      %add3A_89 = arith.addi %rem3A_80, %select_n3A_79 : i32
      %select_n3A_90 = arith.select %and3A_88, %add3A_89, %rem3A_80 : i32
      "tpu.region"() ({
        %run_scoped3A = tpu.sem_alloc : memref<!tpu.dma_semaphore, #tpu.memory_space<semaphore_mem>>
        %dma_start3A_91 = arith.constant 0 : i32
        %dma_start3A_92 = arith.constant 0 : i32
        %dma_start3A_93 = tpu.memref_slice %arg9[%select_n3A_90, %dma_start3A_91, %dma_start3A_92] : memref<2x500x16xf32, #tpu.memory_space<vmem>> -> memref<1x500x16xf32, #tpu.memory_space<vmem>>
        %dma_start3A_94 = tpu.memref_squeeze %dma_start3A_93 : memref<1x500x16xf32, #tpu.memory_space<vmem>> -> memref<500x16xf32, #tpu.memory_space<vmem>>
        %dma_start3A_95 = arith.constant 0 : i32
        %dma_start3A_96 = tpu.memref_slice %arg8[%scan3A_33, %dma_start3A_95] : memref<20x500xi32, #tpu.memory_space<vmem>> -> memref<1x500xi32, #tpu.memory_space<vmem>>
        %dma_start3A_97 = tpu.memref_squeeze %dma_start3A_96 : memref<1x500xi32, #tpu.memory_space<vmem>> -> memref<500xi32, #tpu.memory_space<vmem>>
        %dma_start3A_98 = arith.constant 0 : i32
        %dma_start3A_99 = arith.constant 0 : i32
        %dma_start3A_100 = tpu.memref_slice %arg11[%dma_start3A_98, %dma_start3A_99] : memref<10240x16xf32, #tpu.memory_space<vmem_shared>> -> memref<10240x16xf32, #tpu.memory_space<vmem_shared>>
        tpu.enqueue_indirect_dma source(%dma_start3A_94 : memref<500x16xf32, #tpu.memory_space<vmem>>) target(%dma_start3A_100 : memref<10240x16xf32, #tpu.memory_space<vmem_shared>>) offsets(%dma_start3A_97 : memref<500xi32, #tpu.memory_space<vmem>>) semaphore(%run_scoped3A : memref<!tpu.dma_semaphore, #tpu.memory_space<semaphore_mem>>) {add = true}
        %dma_wait3A_101 = arith.constant 0 : i32
        %dma_wait3A_102 = arith.constant 0 : i32
        %dma_wait3A_103 = tpu.memref_slice %arg9[%select_n3A_90, %dma_wait3A_101, %dma_wait3A_102] : memref<2x500x16xf32, #tpu.memory_space<vmem>> -> memref<1x500x16xf32, #tpu.memory_space<vmem>>
        %dma_wait3A_104 = tpu.memref_squeeze %dma_wait3A_103 : memref<1x500x16xf32, #tpu.memory_space<vmem>> -> memref<500x16xf32, #tpu.memory_space<vmem>>
        %dma_wait3A_105 = arith.constant 0 : i32
        %dma_wait3A_106 = tpu.memref_slice %arg8[%scan3A_33, %dma_wait3A_105] : memref<20x500xi32, #tpu.memory_space<vmem>> -> memref<1x500xi32, #tpu.memory_space<vmem>>
        %dma_wait3A_107 = tpu.memref_squeeze %dma_wait3A_106 : memref<1x500xi32, #tpu.memory_space<vmem>> -> memref<500xi32, #tpu.memory_space<vmem>>
        %dma_wait3A_108 = arith.constant 0 : i32
        %dma_wait3A_109 = arith.constant 0 : i32
        %dma_wait3A_110 = tpu.memref_slice %arg11[%dma_wait3A_108, %dma_wait3A_109] : memref<10240x16xf32, #tpu.memory_space<vmem_shared>> -> memref<10240x16xf32, #tpu.memory_space<vmem_shared>>
        tpu.wait_indirect_dma semaphore(%run_scoped3A : memref<!tpu.dma_semaphore, #tpu.memory_space<semaphore_mem>>) src(%dma_wait3A_104 : memref<500x16xf32, #tpu.memory_space<vmem>>) dst(%dma_wait3A_110 : memref<10240x16xf32, #tpu.memory_space<vmem_shared>>)
        tpu.yield
      }) : () -> ()
    }
    %scan3A_27 = arith.constant 20 : i32
    %barrier3A_28 = arith.constant 0 : index
    tpu.barrier barrier_id(%barrier3A_28)
    %mul3A_29 = arith.constant 640 : i32
    %mul3A_30 = arith.muli %arg1, %mul3A_29 : i32
    %mul3A_31 = arith.constant 640 : i32
    %mul3A_32 = arith.muli %arg1, %mul3A_31 : i32
    "tpu.region"() ({
      %run_scoped3A = tpu.sem_alloc : memref<!tpu.dma_semaphore, #tpu.memory_space<semaphore_mem>>
      %dma_start3A_33 = arith.constant 0 : i32
      %dma_start3A_34 = tpu.memref_slice %arg6[%arg0, %mul3A_32, %dma_start3A_33] : memref<2x10240x16xf32, #tpu.memory_space<hbm>> -> memref<1x640x16xf32, #tpu.memory_space<hbm>>
      %dma_start3A_35 = tpu.memref_squeeze %dma_start3A_34 : memref<1x640x16xf32, #tpu.memory_space<hbm>> -> memref<640x16xf32, #tpu.memory_space<hbm>>
      %dma_start3A_36 = arith.constant 0 : i32
      %dma_start3A_37 = tpu.memref_slice %arg11[%mul3A_30, %dma_start3A_36] : memref<10240x16xf32, #tpu.memory_space<vmem_shared>> -> memref<640x16xf32, #tpu.memory_space<vmem_shared>>
      tpu.enqueue_dma source(%dma_start3A_37 : memref<640x16xf32, #tpu.memory_space<vmem_shared>>) target(%dma_start3A_35 : memref<640x16xf32, #tpu.memory_space<hbm>>) target_semaphore(%run_scoped3A : memref<!tpu.dma_semaphore, #tpu.memory_space<semaphore_mem>>)
      %dma_wait3A = arith.constant 0 : i32
      %dma_wait3A_38 = tpu.memref_slice %arg6[%arg0, %mul3A_32, %dma_wait3A] : memref<2x10240x16xf32, #tpu.memory_space<hbm>> -> memref<1x640x16xf32, #tpu.memory_space<hbm>>
      %dma_wait3A_39 = tpu.memref_squeeze %dma_wait3A_38 : memref<1x640x16xf32, #tpu.memory_space<hbm>> -> memref<640x16xf32, #tpu.memory_space<hbm>>
      %dma_wait3A_40 = arith.constant 0 : i32
      %dma_wait3A_41 = tpu.memref_slice %arg11[%mul3A_30, %dma_wait3A_40] : memref<10240x16xf32, #tpu.memory_space<vmem_shared>> -> memref<640x16xf32, #tpu.memory_space<vmem_shared>>
      tpu.wait_dma2 semaphore(%run_scoped3A : memref<!tpu.dma_semaphore, #tpu.memory_space<semaphore_mem>>) src(%dma_wait3A_41 : memref<640x16xf32, #tpu.memory_space<vmem_shared>>) dst(%dma_wait3A_39 : memref<640x16xf32, #tpu.memory_space<hbm>>)
      tpu.yield
    }) : () -> ()
    return
  }
}

module attributes {stable_mosaic.version = 14 : i64} {
  func.func @_pre_body(%arg0: i32, %arg1: memref<160x1024xf32, #tpu.memory_space<vmem>>, %arg2: memref<1024x128xf32, #tpu.memory_space<vmem>>, %arg3: memref<160x128xf32, #tpu.memory_space<vmem>>, %arg4: memref<160x128xf32, #tpu.memory_space<vmem>>, %arg5: memref<160x128xf32, #tpu.memory_space<vmem>>, %arg6: memref<160x128xf32, #tpu.memory_space<vmem>>) attributes {dimension_semantics = [#tpu.dimension_semantics<arbitrary>], iteration_bounds = array<i64: 8>, scalar_prefetch = 0 : i64, scratch_operands = 0 : i64, tpu.core_type = #tpu.core_type<tc>, window_params = [{transform_indices = @transform_0, window_bounds = array<i64: 160, 1024>}, {pipeline_mode = #tpu.pipeline_mode<synchronous>, transform_indices = @transform_1, window_bounds = array<i64: 1024, 128>}, {transform_indices = @transform_2, window_bounds = array<i64: 160, 128>}, {transform_indices = @transform_3, window_bounds = array<i64: 160, 128>}, {transform_indices = @transform_4, window_bounds = array<i64: 160, 128>}, {transform_indices = @transform_5, window_bounds = array<i64: 160, 128>}]} {
    %get3A = arith.constant 0 : index
    %get3A_0 = arith.constant 0 : index
    %get3A_1 = vector.load %arg3[%get3A, %get3A_0] : memref<160x128xf32, #tpu.memory_space<vmem>>, vector<160x128xf32>
    %get3A_2 = arith.constant 0 : index
    %get3A_3 = arith.constant 0 : index
    %get3A_4 = vector.load %arg4[%get3A_2, %get3A_3] : memref<160x128xf32, #tpu.memory_space<vmem>>, vector<160x128xf32>
    %add3A = arith.addf %get3A_1, %get3A_4 : vector<160x128xf32>
    %add3A_5 = arith.constant 1.000000e+00 : f32
    %add3A_6 = vector.broadcast %add3A_5 : f32 to vector<160x128xf32>
    %add3A_7 = arith.addf %add3A, %add3A_6 : vector<160x128xf32>
    %rsqrt3A = math.rsqrt %add3A_7 : vector<160x128xf32>
    %get3A_8 = arith.constant 0 : index
    %get3A_9 = arith.constant 0 : index
    %get3A_10 = vector.load %arg1[%get3A_8, %get3A_9] : memref<160x1024xf32, #tpu.memory_space<vmem>>, vector<160x1024xf32>
    %get3A_11 = arith.constant 0 : index
    %get3A_12 = arith.constant 0 : index
    %get3A_13 = vector.load %arg2[%get3A_11, %get3A_12] : memref<1024x128xf32, #tpu.memory_space<vmem>>, vector<1024x128xf32>
    %dot_general3A = arith.constant dense<0.000000e+00> : vector<160x128xf32>
    %dot_general3A_14 = tpu.matmul %get3A_10, %get3A_13, %dot_general3A {dimension_numbers = #tpu.dot_dimension_numbers<[1], [0], [0], [1], [0, 0, 1, 1], [], []>, transpose_lhs_hint = false} : vector<160x1024xf32>, vector<1024x128xf32>, vector<160x128xf32> -> vector<160x128xf32>
    %swap3A = arith.constant 0 : index
    %swap3A_15 = arith.constant 0 : index
    %swap3A_16 = vector.load %arg6[%swap3A, %swap3A_15] : memref<160x128xf32, #tpu.memory_space<vmem>>, vector<160x128xf32>
    tpu.vector_store %arg6[%swap3A, %swap3A_15], %rsqrt3A {strides = array<i32>} : memref<160x128xf32, #tpu.memory_space<vmem>>, vector<160x128xf32>,
    %mul3A = arith.mulf %dot_general3A_14, %rsqrt3A : vector<160x128xf32>
    %swap3A_17 = arith.constant 0 : index
    %swap3A_18 = arith.constant 0 : index
    %swap3A_19 = vector.load %arg5[%swap3A_17, %swap3A_18] : memref<160x128xf32, #tpu.memory_space<vmem>>, vector<160x128xf32>
    tpu.vector_store %arg5[%swap3A_17, %swap3A_18], %mul3A {strides = array<i32>} : memref<160x128xf32, #tpu.memory_space<vmem>>, vector<160x128xf32>,
    return
  }
  func.func @transform_0(%arg0: i32) -> (i32, i32) {
    %c0_i32 = arith.constant 0 : i32
    %c0_i32_0 = arith.constant 0 : i32
    return %arg0, %c0_i32 : i32, i32
  }
  func.func @transform_1(%arg0: i32) -> (i32, i32) {
    %c0_i32 = arith.constant 0 : i32
    %c0_i32_0 = arith.constant 0 : i32
    %c0_i32_1 = arith.constant 0 : i32
    return %c0_i32, %c0_i32_0 : i32, i32
  }
  func.func @transform_2(%arg0: i32) -> (i32, i32) {
    %c0_i32 = arith.constant 0 : i32
    %c0_i32_0 = arith.constant 0 : i32
    return %arg0, %c0_i32 : i32, i32
  }
  func.func @transform_3(%arg0: i32) -> (i32, i32) {
    %c0_i32 = arith.constant 0 : i32
    %c0_i32_0 = arith.constant 0 : i32
    return %arg0, %c0_i32 : i32, i32
  }
  func.func @transform_4(%arg0: i32) -> (i32, i32) {
    %c0_i32 = arith.constant 0 : i32
    %c0_i32_0 = arith.constant 0 : i32
    return %arg0, %c0_i32 : i32, i32
  }
  func.func @transform_5(%arg0: i32) -> (i32, i32) {
    %c0_i32 = arith.constant 0 : i32
    %c0_i32_0 = arith.constant 0 : i32
    return %arg0, %c0_i32 : i32, i32
  }
}

module attributes {stable_mosaic.version = 14 : i64} {
  func.func @_bnd1_body(%arg0: i32, %arg1: memref<2x160x128xf32, #tpu.memory_space<vmem>>, %arg2: memref<160x128xf32, #tpu.memory_space<vmem>>, %arg3: memref<160x128xf32, #tpu.memory_space<vmem>>, %arg4: memref<1x128xf32, #tpu.memory_space<vmem>>, %arg5: memref<160x128xf32, #tpu.memory_space<vmem>>) attributes {dimension_semantics = [#tpu.dimension_semantics<arbitrary>], iteration_bounds = array<i64: 8>, scalar_prefetch = 0 : i64, scratch_operands = 0 : i64, tpu.core_type = #tpu.core_type<tc>, window_params = [{transform_indices = @transform_0, window_bounds = array<i64: 2, 160, 128>}, {transform_indices = @transform_1, window_bounds = array<i64: 160, 128>}, {transform_indices = @transform_2, window_bounds = array<i64: 160, 128>}, {pipeline_mode = #tpu.pipeline_mode<synchronous>, transform_indices = @transform_3, window_bounds = array<i64: 1, 128>}, {transform_indices = @transform_4, window_bounds = array<i64: 160, 128>}]} {
    %get3A = arith.constant 0 : index
    %get3A_0 = arith.constant 0 : index
    %get3A_1 = vector.load %arg3[%get3A, %get3A_0] : memref<160x128xf32, #tpu.memory_space<vmem>>, vector<160x128xf32>
    %get3A_2 = arith.constant 0 : index
    %get3A_3 = arith.constant 0 : index
    %get3A_4 = arith.constant 0 : index
    %get3A_5 = vector.load %arg1[%get3A_2, %get3A_3, %get3A_4] : memref<2x160x128xf32, #tpu.memory_space<vmem>>, vector<1x160x128xf32>
    %get3A_6 = vector.shape_cast %get3A_5 : vector<1x160x128xf32> to vector<160x128xf32>
    %get3A_7 = arith.constant 1 : index
    %get3A_8 = arith.constant 0 : index
    %get3A_9 = arith.constant 0 : index
    %get3A_10 = vector.load %arg1[%get3A_7, %get3A_8, %get3A_9] : memref<2x160x128xf32, #tpu.memory_space<vmem>>, vector<1x160x128xf32>
    %get3A_11 = vector.shape_cast %get3A_10 : vector<1x160x128xf32> to vector<160x128xf32>
    %add3A = arith.addf %get3A_6, %get3A_11 : vector<160x128xf32>
    %get3A_12 = arith.constant 0 : index
    %get3A_13 = arith.constant 0 : index
    %get3A_14 = vector.load %arg2[%get3A_12, %get3A_13] : memref<160x128xf32, #tpu.memory_space<vmem>>, vector<160x128xf32>
    %add3A_15 = arith.addf %add3A, %get3A_14 : vector<160x128xf32>
    %mul3A = arith.mulf %get3A_1, %add3A_15 : vector<160x128xf32>
    %get3A_16 = arith.constant 0 : index
    %get3A_17 = arith.constant 0 : index
    %get3A_18 = vector.load %arg4[%get3A_16, %get3A_17] : memref<1x128xf32, #tpu.memory_space<vmem>>, vector<1x128xf32>
    %add3A_19 = vector.broadcast %get3A_18 : vector<1x128xf32> to vector<160x128xf32>
    %add3A_20 = arith.addf %mul3A, %add3A_19 : vector<160x128xf32>
    %max3A = arith.constant 0.000000e+00 : f32
    %max3A_21 = vector.broadcast %max3A : f32 to vector<160x128xf32>
    %max3A_22 = arith.maximumf %add3A_20, %max3A_21 : vector<160x128xf32>
    %get3A_23 = arith.constant 0 : index
    %get3A_24 = arith.constant 0 : index
    %get3A_25 = vector.load %arg3[%get3A_23, %get3A_24] : memref<160x128xf32, #tpu.memory_space<vmem>>, vector<160x128xf32>
    %mul3A_26 = arith.mulf %get3A_25, %max3A_22 : vector<160x128xf32>
    %swap3A = arith.constant 0 : index
    %swap3A_27 = arith.constant 0 : index
    %swap3A_28 = vector.load %arg5[%swap3A, %swap3A_27] : memref<160x128xf32, #tpu.memory_space<vmem>>, vector<160x128xf32>
    tpu.vector_store %arg5[%swap3A, %swap3A_27], %mul3A_26 {strides = array<i32>} : memref<160x128xf32, #tpu.memory_space<vmem>>, vector<160x128xf32>,
    return
  }
  func.func @transform_0(%arg0: i32) -> (i32, i32, i32) {
    %c0_i32 = arith.constant 0 : i32
    %c0_i32_0 = arith.constant 0 : i32
    %c0_i32_1 = arith.constant 0 : i32
    return %c0_i32, %arg0, %c0_i32_0 : i32, i32, i32
  }
  func.func @transform_1(%arg0: i32) -> (i32, i32) {
    %c0_i32 = arith.constant 0 : i32
    %c0_i32_0 = arith.constant 0 : i32
    return %arg0, %c0_i32 : i32, i32
  }
  func.func @transform_2(%arg0: i32) -> (i32, i32) {
    %c0_i32 = arith.constant 0 : i32
    %c0_i32_0 = arith.constant 0 : i32
    return %arg0, %c0_i32 : i32, i32
  }
  func.func @transform_3(%arg0: i32) -> (i32, i32) {
    %c0_i32 = arith.constant 0 : i32
    %c0_i32_0 = arith.constant 0 : i32
    %c0_i32_1 = arith.constant 0 : i32
    return %c0_i32, %c0_i32_0 : i32, i32
  }
  func.func @transform_4(%arg0: i32) -> (i32, i32) {
    %c0_i32 = arith.constant 0 : i32
    %c0_i32_0 = arith.constant 0 : i32
    return %arg0, %c0_i32 : i32, i32
  }
}

module attributes {stable_mosaic.version = 14 : i64} {
  func.func @_bnd_body(%arg0: i32, %arg1: memref<2x160x128xf32, #tpu.memory_space<vmem>>, %arg2: memref<160x128xf32, #tpu.memory_space<vmem>>, %arg3: memref<160x128xf32, #tpu.memory_space<vmem>>, %arg4: memref<128x128xf32, #tpu.memory_space<vmem>>, %arg5: memref<1x128xf32, #tpu.memory_space<vmem>>, %arg6: memref<160x128xf32, #tpu.memory_space<vmem>>) attributes {dimension_semantics = [#tpu.dimension_semantics<arbitrary>], iteration_bounds = array<i64: 8>, scalar_prefetch = 0 : i64, scratch_operands = 0 : i64, tpu.core_type = #tpu.core_type<tc>, window_params = [{transform_indices = @transform_0, window_bounds = array<i64: 2, 160, 128>}, {transform_indices = @transform_1, window_bounds = array<i64: 160, 128>}, {transform_indices = @transform_2, window_bounds = array<i64: 160, 128>}, {pipeline_mode = #tpu.pipeline_mode<synchronous>, transform_indices = @transform_3, window_bounds = array<i64: 128, 128>}, {pipeline_mode = #tpu.pipeline_mode<synchronous>, transform_indices = @transform_4, window_bounds = array<i64: 1, 128>}, {transform_indices = @transform_5, window_bounds = array<i64: 160, 128>}]} {
    %get3A = arith.constant 0 : index
    %get3A_0 = arith.constant 0 : index
    %get3A_1 = vector.load %arg3[%get3A, %get3A_0] : memref<160x128xf32, #tpu.memory_space<vmem>>, vector<160x128xf32>
    %get3A_2 = arith.constant 0 : index
    %get3A_3 = arith.constant 0 : index
    %get3A_4 = arith.constant 0 : index
    %get3A_5 = vector.load %arg1[%get3A_2, %get3A_3, %get3A_4] : memref<2x160x128xf32, #tpu.memory_space<vmem>>, vector<1x160x128xf32>
    %get3A_6 = vector.shape_cast %get3A_5 : vector<1x160x128xf32> to vector<160x128xf32>
    %get3A_7 = arith.constant 1 : index
    %get3A_8 = arith.constant 0 : index
    %get3A_9 = arith.constant 0 : index
    %get3A_10 = vector.load %arg1[%get3A_7, %get3A_8, %get3A_9] : memref<2x160x128xf32, #tpu.memory_space<vmem>>, vector<1x160x128xf32>
    %get3A_11 = vector.shape_cast %get3A_10 : vector<1x160x128xf32> to vector<160x128xf32>
    %add3A = arith.addf %get3A_6, %get3A_11 : vector<160x128xf32>
    %get3A_12 = arith.constant 0 : index
    %get3A_13 = arith.constant 0 : index
    %get3A_14 = vector.load %arg2[%get3A_12, %get3A_13] : memref<160x128xf32, #tpu.memory_space<vmem>>, vector<160x128xf32>
    %add3A_15 = arith.addf %add3A, %get3A_14 : vector<160x128xf32>
    %mul3A = arith.mulf %get3A_1, %add3A_15 : vector<160x128xf32>
    %get3A_16 = arith.constant 0 : index
    %get3A_17 = arith.constant 0 : index
    %get3A_18 = vector.load %arg4[%get3A_16, %get3A_17] : memref<128x128xf32, #tpu.memory_space<vmem>>, vector<128x128xf32>
    %dot_general3A = arith.constant dense<0.000000e+00> : vector<160x128xf32>
    %dot_general3A_19 = tpu.matmul %mul3A, %get3A_18, %dot_general3A {dimension_numbers = #tpu.dot_dimension_numbers<[1], [0], [0], [1], [0, 0, 1, 1], [], []>, transpose_lhs_hint = false} : vector<160x128xf32>, vector<128x128xf32>, vector<160x128xf32> -> vector<160x128xf32>
    %get3A_20 = arith.constant 0 : index
    %get3A_21 = arith.constant 0 : index
    %get3A_22 = vector.load %arg5[%get3A_20, %get3A_21] : memref<1x128xf32, #tpu.memory_space<vmem>>, vector<1x128xf32>
    %add3A_23 = vector.broadcast %get3A_22 : vector<1x128xf32> to vector<160x128xf32>
    %add3A_24 = arith.addf %dot_general3A_19, %add3A_23 : vector<160x128xf32>
    %max3A = arith.constant 0.000000e+00 : f32
    %max3A_25 = vector.broadcast %max3A : f32 to vector<160x128xf32>
    %max3A_26 = arith.maximumf %add3A_24, %max3A_25 : vector<160x128xf32>
    %get3A_27 = arith.constant 0 : index
    %get3A_28 = arith.constant 0 : index
    %get3A_29 = vector.load %arg3[%get3A_27, %get3A_28] : memref<160x128xf32, #tpu.memory_space<vmem>>, vector<160x128xf32>
    %mul3A_30 = arith.mulf %get3A_29, %max3A_26 : vector<160x128xf32>
    %swap3A = arith.constant 0 : index
    %swap3A_31 = arith.constant 0 : index
    %swap3A_32 = vector.load %arg6[%swap3A, %swap3A_31] : memref<160x128xf32, #tpu.memory_space<vmem>>, vector<160x128xf32>
    tpu.vector_store %arg6[%swap3A, %swap3A_31], %mul3A_30 {strides = array<i32>} : memref<160x128xf32, #tpu.memory_space<vmem>>, vector<160x128xf32>,
    return
  }
  func.func @transform_0(%arg0: i32) -> (i32, i32, i32) {
    %c0_i32 = arith.constant 0 : i32
    %c0_i32_0 = arith.constant 0 : i32
    %c0_i32_1 = arith.constant 0 : i32
    return %c0_i32, %arg0, %c0_i32_0 : i32, i32, i32
  }
  func.func @transform_1(%arg0: i32) -> (i32, i32) {
    %c0_i32 = arith.constant 0 : i32
    %c0_i32_0 = arith.constant 0 : i32
    return %arg0, %c0_i32 : i32, i32
  }
  func.func @transform_2(%arg0: i32) -> (i32, i32) {
    %c0_i32 = arith.constant 0 : i32
    %c0_i32_0 = arith.constant 0 : i32
    return %arg0, %c0_i32 : i32, i32
  }
  func.func @transform_3(%arg0: i32) -> (i32, i32) {
    %c0_i32 = arith.constant 0 : i32
    %c0_i32_0 = arith.constant 0 : i32
    %c0_i32_1 = arith.constant 0 : i32
    return %c0_i32, %c0_i32_0 : i32, i32
  }
  func.func @transform_4(%arg0: i32) -> (i32, i32) {
    %c0_i32 = arith.constant 0 : i32
    %c0_i32_0 = arith.constant 0 : i32
    %c0_i32_1 = arith.constant 0 : i32
    return %c0_i32, %c0_i32_0 : i32, i32
  }
  func.func @transform_5(%arg0: i32) -> (i32, i32) {
    %c0_i32 = arith.constant 0 : i32
    %c0_i32_0 = arith.constant 0 : i32
    return %arg0, %c0_i32 : i32, i32
  }
}

module attributes {stable_mosaic.version = 14 : i64} {
  func.func @_fmm_body(%arg0: i32, %arg1: memref<2x160x128xf32, #tpu.memory_space<vmem>>, %arg2: memref<160x128xf32, #tpu.memory_space<vmem>>, %arg3: memref<160x128xf32, #tpu.memory_space<vmem>>, %arg4: memref<128x512xf32, #tpu.memory_space<vmem>>, %arg5: memref<1x512xf32, #tpu.memory_space<vmem>>, %arg6: memref<160x512xf32, #tpu.memory_space<vmem>>) attributes {dimension_semantics = [#tpu.dimension_semantics<arbitrary>], iteration_bounds = array<i64: 8>, scalar_prefetch = 0 : i64, scratch_operands = 0 : i64, tpu.core_type = #tpu.core_type<tc>, window_params = [{transform_indices = @transform_0, window_bounds = array<i64: 2, 160, 128>}, {transform_indices = @transform_1, window_bounds = array<i64: 160, 128>}, {transform_indices = @transform_2, window_bounds = array<i64: 160, 128>}, {pipeline_mode = #tpu.pipeline_mode<synchronous>, transform_indices = @transform_3, window_bounds = array<i64: 128, 512>}, {pipeline_mode = #tpu.pipeline_mode<synchronous>, transform_indices = @transform_4, window_bounds = array<i64: 1, 512>}, {transform_indices = @transform_5, window_bounds = array<i64: 160, 512>}]} {
    %get3A = arith.constant 0 : index
    %get3A_0 = arith.constant 0 : index
    %get3A_1 = vector.load %arg3[%get3A, %get3A_0] : memref<160x128xf32, #tpu.memory_space<vmem>>, vector<160x128xf32>
    %get3A_2 = arith.constant 0 : index
    %get3A_3 = arith.constant 0 : index
    %get3A_4 = arith.constant 0 : index
    %get3A_5 = vector.load %arg1[%get3A_2, %get3A_3, %get3A_4] : memref<2x160x128xf32, #tpu.memory_space<vmem>>, vector<1x160x128xf32>
    %get3A_6 = vector.shape_cast %get3A_5 : vector<1x160x128xf32> to vector<160x128xf32>
    %get3A_7 = arith.constant 1 : index
    %get3A_8 = arith.constant 0 : index
    %get3A_9 = arith.constant 0 : index
    %get3A_10 = vector.load %arg1[%get3A_7, %get3A_8, %get3A_9] : memref<2x160x128xf32, #tpu.memory_space<vmem>>, vector<1x160x128xf32>
    %get3A_11 = vector.shape_cast %get3A_10 : vector<1x160x128xf32> to vector<160x128xf32>
    %add3A = arith.addf %get3A_6, %get3A_11 : vector<160x128xf32>
    %get3A_12 = arith.constant 0 : index
    %get3A_13 = arith.constant 0 : index
    %get3A_14 = vector.load %arg2[%get3A_12, %get3A_13] : memref<160x128xf32, #tpu.memory_space<vmem>>, vector<160x128xf32>
    %add3A_15 = arith.addf %add3A, %get3A_14 : vector<160x128xf32>
    %mul3A = arith.mulf %get3A_1, %add3A_15 : vector<160x128xf32>
    %get3A_16 = arith.constant 0 : index
    %get3A_17 = arith.constant 0 : index
    %get3A_18 = vector.load %arg4[%get3A_16, %get3A_17] : memref<128x512xf32, #tpu.memory_space<vmem>>, vector<128x512xf32>
    %dot_general3A = arith.constant dense<0.000000e+00> : vector<160x512xf32>
    %dot_general3A_19 = tpu.matmul %mul3A, %get3A_18, %dot_general3A {dimension_numbers = #tpu.dot_dimension_numbers<[1], [0], [0], [1], [0, 0, 1, 1], [], []>, transpose_lhs_hint = false} : vector<160x128xf32>, vector<128x512xf32>, vector<160x512xf32> -> vector<160x512xf32>
    %get3A_20 = arith.constant 0 : index
    %get3A_21 = arith.constant 0 : index
    %get3A_22 = vector.load %arg5[%get3A_20, %get3A_21] : memref<1x512xf32, #tpu.memory_space<vmem>>, vector<1x512xf32>
    %add3A_23 = vector.broadcast %get3A_22 : vector<1x512xf32> to vector<160x512xf32>
    %add3A_24 = arith.addf %dot_general3A_19, %add3A_23 : vector<160x512xf32>
    %swap3A = arith.constant 0 : index
    %swap3A_25 = arith.constant 0 : index
    %swap3A_26 = vector.load %arg6[%swap3A, %swap3A_25] : memref<160x512xf32, #tpu.memory_space<vmem>>, vector<160x512xf32>
    tpu.vector_store %arg6[%swap3A, %swap3A_25], %add3A_24 {strides = array<i32>} : memref<160x512xf32, #tpu.memory_space<vmem>>, vector<160x512xf32>,
    return
  }
  func.func @transform_0(%arg0: i32) -> (i32, i32, i32) {
    %c0_i32 = arith.constant 0 : i32
    %c0_i32_0 = arith.constant 0 : i32
    %c0_i32_1 = arith.constant 0 : i32
    return %c0_i32, %arg0, %c0_i32_0 : i32, i32, i32
  }
  func.func @transform_1(%arg0: i32) -> (i32, i32) {
    %c0_i32 = arith.constant 0 : i32
    %c0_i32_0 = arith.constant 0 : i32
    return %arg0, %c0_i32 : i32, i32
  }
  func.func @transform_2(%arg0: i32) -> (i32, i32) {
    %c0_i32 = arith.constant 0 : i32
    %c0_i32_0 = arith.constant 0 : i32
    return %arg0, %c0_i32 : i32, i32
  }
  func.func @transform_3(%arg0: i32) -> (i32, i32) {
    %c0_i32 = arith.constant 0 : i32
    %c0_i32_0 = arith.constant 0 : i32
    %c0_i32_1 = arith.constant 0 : i32
    return %c0_i32, %c0_i32_0 : i32, i32
  }
  func.func @transform_4(%arg0: i32) -> (i32, i32) {
    %c0_i32 = arith.constant 0 : i32
    %c0_i32_0 = arith.constant 0 : i32
    %c0_i32_1 = arith.constant 0 : i32
    return %c0_i32, %c0_i32_0 : i32, i32
  }
  func.func @transform_5(%arg0: i32) -> (i32, i32) {
    %c0_i32 = arith.constant 0 : i32
    %c0_i32_0 = arith.constant 0 : i32
    return %arg0, %c0_i32 : i32, i32
  }
}

module attributes {stable_mosaic.version = 14 : i64} {
  func.func @_lsm_body(%arg0: i32, %arg1: memref<1280x64xf32, #tpu.memory_space<vmem>>, %arg2: memref<1280x64xf32, #tpu.memory_space<vmem>>) attributes {dimension_semantics = [#tpu.dimension_semantics<arbitrary>], iteration_bounds = array<i64: 8>, scalar_prefetch = 0 : i64, scratch_operands = 0 : i64, tpu.core_type = #tpu.core_type<tc>, window_params = [{transform_indices = @transform_0, window_bounds = array<i64: 1280, 64>}, {transform_indices = @transform_1, window_bounds = array<i64: 1280, 64>}]} {
    %get3A = arith.constant 0 : index
    %get3A_0 = arith.constant 0 : index
    %get3A_1 = vector.load %arg1[%get3A, %get3A_0] : memref<1280x64xf32, #tpu.memory_space<vmem>>, vector<1280x64xf32>
    %reduce_max3A = arith.constant dense<0xFF800000> : vector<1280xf32>
    %reduce_max3A_2 = vector.multi_reduction <maximumf>, %get3A_1, %reduce_max3A [1] : vector<1280x64xf32> to vector<1280xf32>
    %broadcast_in_dim3A = vector.shape_cast %reduce_max3A_2 : vector<1280xf32> to vector<1280x1xf32>
    %sub3A = vector.broadcast %broadcast_in_dim3A : vector<1280x1xf32> to vector<1280x64xf32>
    %sub3A_3 = arith.subf %get3A_1, %sub3A : vector<1280x64xf32>
    %exp3A = math.exp %sub3A_3 : vector<1280x64xf32>
    %reduce_sum3A = arith.constant dense<0.000000e+00> : vector<1280xf32>
    %reduce_sum3A_4 = vector.multi_reduction <add>, %exp3A, %reduce_sum3A [1] : vector<1280x64xf32> to vector<1280xf32>
    %broadcast_in_dim3A_5 = vector.shape_cast %reduce_sum3A_4 : vector<1280xf32> to vector<1280x1xf32>
    %log3A = math.log %broadcast_in_dim3A_5 : vector<1280x1xf32>
    %sub3A_6 = vector.broadcast %log3A : vector<1280x1xf32> to vector<1280x64xf32>
    %sub3A_7 = arith.subf %sub3A_3, %sub3A_6 : vector<1280x64xf32>
    %swap3A = arith.constant 0 : index
    %swap3A_8 = arith.constant 0 : index
    %swap3A_9 = vector.load %arg2[%swap3A, %swap3A_8] : memref<1280x64xf32, #tpu.memory_space<vmem>>, vector<1280x64xf32>
    tpu.vector_store %arg2[%swap3A, %swap3A_8], %sub3A_7 {strides = array<i32>} : memref<1280x64xf32, #tpu.memory_space<vmem>>, vector<1280x64xf32>,
    return
  }
  func.func @transform_0(%arg0: i32) -> (i32, i32) {
    %c0_i32 = arith.constant 0 : i32
    %c0_i32_0 = arith.constant 0 : i32
    return %arg0, %c0_i32 : i32, i32
  }
  func.func @transform_1(%arg0: i32) -> (i32, i32) {
    %c0_i32 = arith.constant 0 : i32
    %c0_i32_0 = arith.constant 0 : i32
    return %arg0, %c0_i32 : i32, i32
  }
}

</mosaic_0001>

<sc_bundles>
// kernel: _run.17.cloned.1.call-start
scs
__scs_entry_jumppad:
0x0: {  	(pc) =	sbr.rel $0x88, $3  }
0x1: {  	(tag) =	ssettag $0x0;
	lr =	simm.s32 $0x1  }
0x2: {  	[smem:$0x3F93] =	sst lr;
	_ =	strace $0xD0000000  }
0x3: {  	_ = 	snop  }
0x4: {  	_ = 	snop  }
0x5: {  	_ = 	snop  }
0x6: {  	_ = 	snop  }
0x7: {  	_ = 	snop  }
__scs_overlays_trampoline_lowered:
0x8: {  	[smem:$0x3FA2] =	sst s0  }
0x9: {  	[smem:$0x3FA3] =	sst s1  }
0xa: {  	[smem:$0x3FA4] =	sst s2  }
0xb: {  	[smem:$0x3FA5] =	sst s3  }
0xc: {  	[smem:$0x3FA6] =	sst s4  }
0xd: {  	[smem:$0x3FA7] =	sst s5  }
0xe: {  	[smem:$0x3FA8] =	sst s6  }
0xf: {  	[smem:$0x3FA9] =	sst s7  }
0x10: {  	[smem:$0x3FAA] =	sst s8  }
0x11: {  	[smem:$0x3FAB] =	sst s9;
	s0 =	simm.s32 @!p0 $0x0  }
0x12: {  	s1 =	sld [smem:$0x3F91];
	s0 =	simm.s32 @p0 $0x1  }
0x13: {  	[smem:$0x3FAC] =	sst s0;
	s0 =	simm.s32 @!p1 $0x0  }
0x14: {  	s2 =	sld [smem:$0x3F90];
	s0 =	simm.s32 @p1 $0x1  }
0x15: {  	[smem:$0x3FAD] =	sst s0;
	s0 =	simm.s32 @!p2 $0x0  }
0x16: {  	s3 =	sld [smem:$0x3FDB];
	s0 =	simm.s32 @p2 $0x1  }
0x17: {  	s4 =	simm.s32 $0x1BF5;
	[smem:$0x3FAF] =	sst s0  }
0x18: {  	s0 =	sld [smem:$0x3F92];
	_ =	swait.ge [sflag:s4], $0x0  }
0x19: {  	s7 =	sld [smem:$0x3F93]  }
0x1a: {  	s8 =	sadd.s32 $0xFFFFE003, lr  }
0x1b: {  	s9 =	sadd.s32 $0xFFFFFEF7, lr;
	s5 =	simm.s32 $0xFFFFFFFF;
	p2 =	slt.u32 s8, $0xFFFFF086  }
0x1c: {  	p1 =	slt.u32 s9, $0xF7A;
	s5 =	simm.s32 @!p2 $0x0  }
0x1d: {  	s5 =	simm.s32 @p1 $0x1;
	p0 =	seq.s32 s7, s2  }
0x1e: {  	s7 =	smul.u32 @!p0 $0xF7A, s2;
	p2 =	seq.s32 @!p0 s5, $0x0  }
0x1f: {  	s9 =	smul.u32 $0xF7A, s1;
	s8 =	simm.s32 @!p0 $0x1BF5;
	p2 =	por !p2, p0  }
0x20: {  	[sflag:s8] =	ssyncset.s32 @!p0 $0xFFFFF086;
	s6 =	sadd.s32 @!p0 s3, s7;
	s7 =	simm.s32 @!p0 $0x108  }
0x21: {  	s3 =	sadd.s32 s3, s9;
	s6 =	sadd.s32 @!p0 $0x88, s6;
	s7 =	simm.s32 @p2 $0x1082  }
0x22: {  	[simem:s7], [sflag:s8] =	dma.local @!p0 [hbm:s6], $0xF7A  }
0x23: {  	s9 =	sor.u32 $0xD0000000, s2;
	s6 =	simm.s32 $0x108;
	_ =	swait.ge @!p0 [sflag:s8], $0x0  }
0x24: {  	s3 =	sadd.s32 $0x88, s3;
	s6 =	simm.s32 @!p1 $0x1082;
	[sflag:s4] =	ssyncset.s32 $0xFFFFF086  }
0x25: {  	[simem:s6], [sflag:s4] =	dma.local [hbm:s3], $0xF7A  }
0x26: {  	[smem:$0x3F93] =	sst s1;
	(tag) =	ssettag s2;
	_ =	strace s9  }
0x27: {  	s1 =	sld [smem:$0x3FA3]  }
0x28: {  	s2 =	sld [smem:$0x3FA4]  }
0x29: {  	s4 =	sld [smem:$0x3FA6]  }
0x2a: {  	p0 =	seq.s32 s5, $0x0;
	s5 =	sld [smem:$0x3FA7]  }
0x2b: {  	s6 =	sld [smem:$0x3FA8]  }
0x2c: {  	s7 =	sld [smem:$0x3FA9]  }
0x2d: {  	s3 =	simm.s32 $0x108;
	s8 =	sld [smem:$0x3FAA]  }
0x2e: {  	s3 =	simm.s32 @!p0 $0x1082;
	s9 =	sld [smem:$0x3FAB]  }
0x2f: {  	lr =	sadd.s32 s0, s3;
	s0 =	sld [smem:$0x3FA2]  }
0x30: {  	s3 =	sld [smem:$0x3FA5]  }
0x31: {  	[smem:$0x3FAE] =	sst s10  }
0x32: {  	s10 =	sld [smem:$0x3FAC];
	_ =	sdelay $0x3  }
0x33: {  	p0 =	seq.s32 s10, $0x1;
	s10 =	sld [smem:$0x3FAE];
	_ =	sdelay $0x3  }
0x34: {  	[smem:$0x3FAE] =	sst s10  }
0x35: {  	s10 =	sld [smem:$0x3FAD];
	_ =	sdelay $0x3  }
0x36: {  	p1 =	seq.s32 s10, $0x1;
	s10 =	sld [smem:$0x3FAE];
	_ =	sdelay $0x3  }
0x37: {  	[smem:$0x3FAE] =	sst s10  }
0x38: {  	s10 =	sld [smem:$0x3FAF]  }
0x39: {  	_ = 	snop;
	(pc) =	sbr.ind lr, $3  }
0x3a: {  	_ = 	snop  }
0x3b: {  	_ = 	snop  }
0x3c: {  	p2 =	seq.s32 s10, $0x1;
	s10 =	sld [smem:$0x3FAE]  }
0x3d: {  	_ =	shalt  }
0x3e: {  	_ =	shalt  }
0x3f: {  	_ =	shalt  }
0x40: {  	_ =	shalt  }
0x41: {  	_ =	shalt  }
0x42: {  	_ =	shalt  }
0x43: {  	_ =	shalt  }
0x44: {  	_ =	shalt  }
0x45: {  	_ =	shalt  }
0x46: {  	_ =	shalt  }
0x47: {  	_ =	shalt  }
0x48: {  	_ =	shalt  }
0x49: {  	_ =	shalt  }
0x4a: {  	_ =	shalt  }
0x4b: {  	_ =	shalt  }
0x4c: {  	_ =	shalt  }
0x4d: {  	_ =	shalt  }
0x4e: {  	_ =	shalt  }
0x4f: {  	_ =	shalt  }
0x50: {  	_ =	shalt  }
0x51: {  	_ =	shalt  }
0x52: {  	_ =	shalt  }
0x53: {  	_ =	shalt  }
0x54: {  	_ =	shalt  }
0x55: {  	_ =	shalt  }
0x56: {  	_ =	shalt  }
0x57: {  	_ =	shalt  }
0x58: {  	_ =	shalt  }
0x59: {  	_ =	shalt  }
0x5a: {  	_ =	shalt  }
0x5b: {  	_ =	shalt  }
0x5c: {  	_ =	shalt  }
0x5d: {  	_ =	shalt  }
0x5e: {  	_ =	shalt  }
0x5f: {  	_ =	shalt  }
0x60: {  	_ =	shalt  }
0x61: {  	_ =	shalt  }
0x62: {  	_ =	shalt  }
0x63: {  	_ =	shalt  }
0x64: {  	_ =	shalt  }
0x65: {  	_ =	shalt  }
0x66: {  	_ =	shalt  }
0x67: {  	_ =	shalt  }
0x68: {  	_ =	shalt  }
0x69: {  	_ =	shalt  }
0x6a: {  	_ =	shalt  }
0x6b: {  	_ =	shalt  }
0x6c: {  	_ =	shalt  }
0x6d: {  	_ =	shalt  }
0x6e: {  	_ =	shalt  }
0x6f: {  	_ =	shalt  }
0x70: {  	_ =	shalt  }
0x71: {  	_ =	shalt  }
0x72: {  	_ =	shalt  }
0x73: {  	_ =	shalt  }
0x74: {  	_ =	shalt  }
0x75: {  	_ =	shalt  }
0x76: {  	_ =	shalt  }
0x77: {  	_ =	shalt  }
0x78: {  	_ =	shalt  }
0x79: {  	_ =	shalt  }
0x7a: {  	_ =	shalt  }
0x7b: {  	_ =	shalt  }
0x7c: {  	_ =	shalt  }
0x7d: {  	_ =	shalt  }
0x7e: {  	_ =	shalt  }
0x7f: {  	_ =	shalt  }
0x80: {  	_ =	shalt  }
0x81: {  	_ =	shalt  }
0x82: {  	_ =	shalt  }
0x83: {  	_ =	shalt  }
0x84: {  	_ =	shalt  }
0x85: {  	_ =	shalt  }
0x86: {  	_ =	shalt  }
0x87: {  	_ =	shalt  }
.Lfunc_end0:
.L_simem_size_0:
called_computation_lowered:
.L_overlay_start_0:
0x88: {  	s2 =	sld [smem:$0x3FD9]  }
0x89: {  	s3 =	sld [smem:$0x3FFE];
	_ =	sdelay $0x1  }
0x8a: {  	s1 =	srdreg.scid  }
0x8b: {  	s0 =	sand.u32 $0x1, s1  }
0x8c: {  	s17 =	sshll.u32 s0, $0xA;
	s2 =	sadd.s32 s3, s2  }
0x8d: {  	s2 =	sadd.s32 s2, s17  }
0x8e: {  	[smem:$0x3FBA] =	sst s2  }
0x8f: {  	_ = 	snop  }
0x90: {  	s2 =	sld [smem:$0x3FD0];
	(tm) =	ssettm $0x1  }
0x91: {  	s18 =	sld [smem:$0x3FFB];
	_ =	sdelay $0x3  }
0x92: {  	_ =	strace s18  }
0x93: {  	s3 =	sld [smem:$0x3FFC];
	_ =	sdelay $0x3  }
0x94: {  	_ =	strace s3  }
0x95: {  	s3 =	sld [smem:$0x3FFD];
	_ =	sdelay $0x3  }
0x96: {  	_ =	strace s3  }
0x97: {  	_ =	strace $0x8FFFFFFF  }
0x98: {  	s19 =	sld [smem:$0x3FDB];
	_ =	sdelay $0x1  }
0x99: {  	s4 =	simm.s32 $_scs_section_size  }
0x9a: {  	s5 =	simm.s32 $_size__tile_overlayer_lowered;
	s6 =	simm.s32 $_tile_overlayer_lowered  }
0x9b: {  	s22 =	simm.s32 $0x1BFF;
	s21 =	sshll.u32 s6, $0x1;
	s3 =	sadd.s32 s4, s19  }
0x9c: {  	s7 =	simm.s32 $0x0;
	s20 =	sshll.u32 s5, $0x1;
	s5 =	sadd.s32 s21, s3  }
0x9d: {  	[timem:s7], [sflag:s22] =	dma.local [hbm:s5], s20  }
0x9e: {  	_ =	swait.ge [sflag:s22], s20  }
0x9f: {  	s4 =	ssub.s32 $0x0, s20;
	[sflag:s22] =	ssyncset.done $0x0  }
0xa0: {  	[sflag:s22] =	ssyncadd.s32 s4;
	_ =	sdelay $0x1  }
0xa1: {  	s23 =	simm.s32 $0x1B8B  }
0xa2: {  	_ =	swait.ge [sflag:s23], $0x1  }
0xa3: {  	[sflag:s23] =	ssyncset.done $0x0  }
0xa4: {  	s25 =	simm.s32 $0x1B8E;
	s24 =	sld [smem:$0x3FFE];
	[sflag:s23] =	ssyncadd.s32 $0xFFFFFFFF  }
0xa5: {  	s26 =	simm.s32 $execute0_lowered;
	[smem:$0x3FD2] =	sst s25  }
0xa6: {  	s5 =	sshll.u32 s26, $0x1;
	_ =	strace $0x80000046;
	[dreg:$0x1] =	wrdreg $0xFFFFFFFF  }
0xa7: {  	s28 =	simm.s32 $_size_execute0_lowered;
	s3 =	sadd.s32 s3, s5;
	[dreg:$0x0] =	wrdreg $0x0  }
0xa8: {  	s5 =	sshll.u32 s28, $0x1;
	[dreg:$0x2] =	wrdreg s3  }
0xa9: {  	[dreg:$0x3] =	wrdreg s5  }
0xaa: {  	[dreg:$0x4] =	wrdreg $0xC0  }
0xab: {  	_ =	task [dreg:s7], $0x5FFFF  }
0xac: {  	[dreg:$0x1] =	wrdreg $0xFFFFFFFF  }
0xad: {  	[dreg:$0x0] =	wrdreg $0x60  }
0xae: {  	[dreg:$0x2] =	wrdreg s24  }
0xaf: {  	[dreg:$0x3] =	wrdreg s2  }
0xb0: {  	[dreg:$0x4] =	wrdreg $0x46A00  }
0xb1: {  	[dreg:$0x5] =	wrdreg $0x9  }
0xb2: {  	_ =	task.clear_ibuf [dreg:s7], $0x6FFFF;
	_ =	strace $0x90000046  }
0xb3: {  	s29 =	simm.s32 $0x9;
	_ =	strace $0x80000048  }
0xb4: {  	_ =	swait.ge [sflag:s29], $0x1  }
0xb5: {  	[sflag:s29] =	ssyncadd.s32 $0xFFFFFFFF  }
0xb6: {  	_ =	strace $0x90000048  }
0xb7: {  	_ =	sfence  }
0xb8: {  	s30 =	sld [smem:$0x0];
	_ =	sdelay $0x2  }
0xb9: {  	s31 =	sshll.u32 s1, $0xD;
	s1 =	sshrl.u32 s1, $0x2  }
0xba: {  	s3 =	sand.u32 $0x4000, s31;
	s1 =	sadd.s32 s1, s30  }
0xbb: {  	s0 =	sor.u32 s3, s0;
	s1 =	sshll.u32 s1, $0x11  }
0xbc: {  	s0 =	sor.u32 s1, s0  }
0xbd: {  	s0 =	sadd.s32 $0x8F2B, s0  }
0xbe: {  	[sflag:s0] =	ssyncadd.remote.s32 $0x1  }
0xbf: {  	_ =	sfence.sel $0xFFFF  }
0xc0: {  	[dreg:$0x0] =	wrdreg $0xFFFFFFFF;
	(pc) =	sbr.abs _section_cstart, $3  }
0xc1: {  	[dreg:$0x1] =	wrdreg $0xFFFFFFFF  }
0xc2: {  	_ =	task.clear_ibuf [dreg:s7], $0x2FFFF;
	_ =	strace $0x9FFFFFFF  }
0xc3: {  	(tm) =	ssettm $0x7FFFFFFF  }
tec
execute0_lowered:
.L_overlay_start_1:
0x0: {  	(tag) =	ssettag $0x1  }
0x1: {  	s8 =	rddreg [dreg:$0x0]  }
0x2: {  	s2 =	rddreg [dreg:$0x2];
	s3 =	simm.s32 $0x0;
	s0 =	srdreg.scid  }
0x3: {  	s1 =	stileid.u32;
	[smem:$0x7FF] =	sst s3;
	s0 =	sand.u32 $0x1, s0  }
0x4: {  	s31 =	smul.u32 $0x2800, s1;
	s6 =	sadd.s32 $0x14C00, s8;
	s26 =	sshll.u32 s1, $0x6  }
0x5: {  	_ =	strace $0x80000047;
	s4 =	sshll.u32 s0, $0x4;
	[dreg:$0x4] =	wrdreg s6  }
0x6: {  	s6 =	simm.s32 $0x1;
	s4 =	sor.u32 s1, s4;
	s5 =	sshrl.u32 s31, $0x3  }
0x7: {  	s25 =	sadd.s32 s31, s2;
	s9 =	smul.u32 $0x4EC, s4;
	s24 =	sadd.s32 s5, s8  }
0x8: {  	s5 =	sor.u32 $0x1C01, s26;
	s7 =	sshrl.u32 s25, $0x3;
	s4 =	sadd.s32 $0xFC00, s24  }
0x9: {  	[spmem:s7], [sflag:s5] =	dma.local [hbm:s4], $0x500  }
0xa: {  	_ =	swait.ge [sflag:s6], $0x500  }
0xb: {  	s8 =	sadd.s32 s9, s8;
	[sflag:s6] =	ssyncset.done $0x0  }
0xc: {  	s8 =	sadd.s32 $0x5E00, s8;
	[sflag:s6] =	ssyncadd.s32 $0xFFFFFB00  }
0xd: {  	[tilespmem:s3], [sflag:$0x1] =	stream.linear.gather [hbm4b:s8+s3], $0x2760, $0x38;
	[tilespmem:$0x6EA0] =	vst v63  }
0xe: {  	_ =	swait.ge [sflag:s6], $0x2760  }
0xf: {  	[sflag:s6] =	ssyncset.done $0x0  }
0x10: {  	s9 =	simm.s32 $0x2760;
	s10 =	rddreg [dreg:$0x4];
	[sflag:s6] =	ssyncadd.s32 $0xFFFFD8A0  }
0x11: {  	[tilespmem:s9], [sflag:$0x1] =	stream.linear.gather [hbm4b:s10+s3], $0x1F40, $0x38;
	[tilespmem:$0x6EA0] =	vst v63  }
0x12: {  	_ =	swait.ge [sflag:s6], $0x1F40  }
0x13: {  	[sflag:s6] =	ssyncset.done $0x0  }
0x14: {  	[sflag:s6] =	ssyncadd.s32 $0xFFFFE0C0  }
0x15: {  	s10 =	simm.s32 $0x1F4;
	[bflag:$0x0] =	sbarrier.arrive $0xFFFF  }
0x16: {  	[spmem:s2] =	stream.indirect.scatter.add.f32 [tilespmem:s9], [sflag:$0x1], $0x10, s3, s10, $0xb8;
	[tilespmem:$0x6EA0] =	vst v63  }
0x17: {  	_ =	swait.ge [sflag:s6], $0x1F40  }
0x18: {  	[sflag:s6] =	ssyncset.done $0x0  }
0x19: {  	s11 =	simm.s32 $0x1F8;
	[sflag:s6] =	ssyncadd.s32 $0xFFFFE0C0  }
0x1a: {  	[spmem:s2] =	stream.indirect.scatter.add.f32 [tilespmem:s9], [sflag:$0x1], $0x10, s11, s10, $0xb8;
	[tilespmem:$0x6EA0] =	vst v63  }
0x1b: {  	_ =	swait.ge [sflag:s6], $0x1F40  }
0x1c: {  	[sflag:s6] =	ssyncset.done $0x0  }
0x1d: {  	s12 =	simm.s32 $0x3F0;
	[sflag:s6] =	ssyncadd.s32 $0xFFFFE0C0  }
0x1e: {  	[spmem:s2] =	stream.indirect.scatter.add.f32 [tilespmem:s9], [sflag:$0x1], $0x10, s12, s10, $0xb8;
	[tilespmem:$0x6EA0] =	vst v63  }
0x1f: {  	_ =	swait.ge [sflag:s6], $0x1F40  }
0x20: {  	[sflag:s6] =	ssyncset.done $0x0  }
0x21: {  	s13 =	simm.s32 $0x5E8;
	[sflag:s6] =	ssyncadd.s32 $0xFFFFE0C0  }
0x22: {  	[spmem:s2] =	stream.indirect.scatter.add.f32 [tilespmem:s9], [sflag:$0x1], $0x10, s13, s10, $0xb8;
	[tilespmem:$0x6EA0] =	vst v63  }
0x23: {  	_ =	swait.ge [sflag:s6], $0x1F40  }
0x24: {  	[sflag:s6] =	ssyncset.done $0x0  }
0x25: {  	s14 =	simm.s32 $0x7E0;
	[sflag:s6] =	ssyncadd.s32 $0xFFFFE0C0  }
0x26: {  	[spmem:s2] =	stream.indirect.scatter.add.f32 [tilespmem:s9], [sflag:$0x1], $0x10, s14, s10, $0xb8;
	[tilespmem:$0x6EA0] =	vst v63  }
0x27: {  	_ =	swait.ge [sflag:s6], $0x1F40  }
0x28: {  	[sflag:s6] =	ssyncset.done $0x0  }
0x29: {  	s15 =	simm.s32 $0x9D8;
	[sflag:s6] =	ssyncadd.s32 $0xFFFFE0C0  }
0x2a: {  	[spmem:s2] =	stream.indirect.scatter.add.f32 [tilespmem:s9], [sflag:$0x1], $0x10, s15, s10, $0xb8;
	[tilespmem:$0x6EA0] =	vst v63  }
0x2b: {  	_ =	swait.ge [sflag:s6], $0x1F40  }
0x2c: {  	[sflag:s6] =	ssyncset.done $0x0  }
0x2d: {  	s16 =	simm.s32 $0xBD0;
	[sflag:s6] =	ssyncadd.s32 $0xFFFFE0C0  }
0x2e: {  	[spmem:s2] =	stream.indirect.scatter.add.f32 [tilespmem:s9], [sflag:$0x1], $0x10, s16, s10, $0xb8;
	[tilespmem:$0x6EA0] =	vst v63  }
0x2f: {  	_ =	swait.ge [sflag:s6], $0x1F40  }
0x30: {  	[sflag:s6] =	ssyncset.done $0x0  }
0x31: {  	s17 =	simm.s32 $0xDC8;
	[sflag:s6] =	ssyncadd.s32 $0xFFFFE0C0  }
0x32: {  	[spmem:s2] =	stream.indirect.scatter.add.f32 [tilespmem:s9], [sflag:$0x1], $0x10, s17, s10, $0xb8;
	[tilespmem:$0x6EA0] =	vst v63  }
0x33: {  	_ =	swait.ge [sflag:s6], $0x1F40  }
0x34: {  	[sflag:s6] =	ssyncset.done $0x0  }
0x35: {  	s18 =	simm.s32 $0xFC0;
	[sflag:s6] =	ssyncadd.s32 $0xFFFFE0C0  }
0x36: {  	[spmem:s2] =	stream.indirect.scatter.add.f32 [tilespmem:s9], [sflag:$0x1], $0x10, s18, s10, $0xb8;
	[tilespmem:$0x6EA0] =	vst v63  }
0x37: {  	_ =	swait.ge [sflag:s6], $0x1F40  }
0x38: {  	[sflag:s6] =	ssyncset.done $0x0  }
0x39: {  	s19 =	simm.s32 $0x11B8;
	[sflag:s6] =	ssyncadd.s32 $0xFFFFE0C0  }
0x3a: {  	[spmem:s2] =	stream.indirect.scatter.add.f32 [tilespmem:s9], [sflag:$0x1], $0x10, s19, s10, $0xb8;
	[tilespmem:$0x6EA0] =	vst v63  }
0x3b: {  	_ =	swait.ge [sflag:s6], $0x1F40  }
0x3c: {  	[sflag:s6] =	ssyncset.done $0x0  }
0x3d: {  	s20 =	simm.s32 $0x13B0;
	[sflag:s6] =	ssyncadd.s32 $0xFFFFE0C0  }
0x3e: {  	[spmem:s2] =	stream.indirect.scatter.add.f32 [tilespmem:s9], [sflag:$0x1], $0x10, s20, s10, $0xb8;
	[tilespmem:$0x6EA0] =	vst v63  }
0x3f: {  	_ =	swait.ge [sflag:s6], $0x1F40  }
0x40: {  	[sflag:s6] =	ssyncset.done $0x0  }
0x41: {  	s21 =	simm.s32 $0x15A8;
	[sflag:s6] =	ssyncadd.s32 $0xFFFFE0C0  }
0x42: {  	[spmem:s2] =	stream.indirect.scatter.add.f32 [tilespmem:s9], [sflag:$0x1], $0x10, s21, s10, $0xb8;
	[tilespmem:$0x6EA0] =	vst v63  }
0x43: {  	_ =	swait.ge [sflag:s6], $0x1F40  }
0x44: {  	[sflag:s6] =	ssyncset.done $0x0  }
0x45: {  	s22 =	simm.s32 $0x17A0;
	[sflag:s6] =	ssyncadd.s32 $0xFFFFE0C0  }
0x46: {  	[spmem:s2] =	stream.indirect.scatter.add.f32 [tilespmem:s9], [sflag:$0x1], $0x10, s22, s10, $0xb8;
	[tilespmem:$0x6EA0] =	vst v63  }
0x47: {  	_ =	swait.ge [sflag:s6], $0x1F40  }
0x48: {  	[sflag:s6] =	ssyncset.done $0x0  }
0x49: {  	s23 =	simm.s32 $0x1998;
	[sflag:s6] =	ssyncadd.s32 $0xFFFFE0C0  }
0x4a: {  	[spmem:s2] =	stream.indirect.scatter.add.f32 [tilespmem:s9], [sflag:$0x1], $0x10, s23, s10, $0xb8;
	[tilespmem:$0x6EA0] =	vst v63  }
0x4b: {  	_ =	swait.ge [sflag:s6], $0x1F40  }
0x4c: {  	[sflag:s6] =	ssyncset.done $0x0  }
0x4d: {  	s24 =	simm.s32 $0x1B90;
	[sflag:s6] =	ssyncadd.s32 $0xFFFFE0C0  }
0x4e: {  	[spmem:s2] =	stream.indirect.scatter.add.f32 [tilespmem:s9], [sflag:$0x1], $0x10, s24, s10, $0xb8;
	[tilespmem:$0x6EA0] =	vst v63  }
0x4f: {  	_ =	swait.ge [sflag:s6], $0x1F40  }
0x50: {  	[sflag:s6] =	ssyncset.done $0x0  }
0x51: {  	s25 =	simm.s32 $0x1D88;
	[sflag:s6] =	ssyncadd.s32 $0xFFFFE0C0  }
0x52: {  	[spmem:s2] =	stream.indirect.scatter.add.f32 [tilespmem:s9], [sflag:$0x1], $0x10, s25, s10, $0xb8;
	[tilespmem:$0x6EA0] =	vst v63  }
0x53: {  	_ =	swait.ge [sflag:s6], $0x1F40  }
0x54: {  	[sflag:s6] =	ssyncset.done $0x0  }
0x55: {  	s26 =	simm.s32 $0x1F80;
	[sflag:s6] =	ssyncadd.s32 $0xFFFFE0C0  }
0x56: {  	[spmem:s2] =	stream.indirect.scatter.add.f32 [tilespmem:s9], [sflag:$0x1], $0x10, s26, s10, $0xb8;
	[tilespmem:$0x6EA0] =	vst v63  }
0x57: {  	_ =	swait.ge [sflag:s6], $0x1F40  }
0x58: {  	[sflag:s6] =	ssyncset.done $0x0  }
0x59: {  	s28 =	simm.s32 $0x2178;
	[sflag:s6] =	ssyncadd.s32 $0xFFFFE0C0  }
0x5a: {  	[spmem:s2] =	stream.indirect.scatter.add.f32 [tilespmem:s9], [sflag:$0x1], $0x10, s28, s10, $0xb8;
	[tilespmem:$0x6EA0] =	vst v63  }
0x5b: {  	_ =	swait.ge [sflag:s6], $0x1F40  }
0x5c: {  	[sflag:s6] =	ssyncset.done $0x0  }
0x5d: {  	s29 =	simm.s32 $0x2370;
	[sflag:s6] =	ssyncadd.s32 $0xFFFFE0C0  }
0x5e: {  	[spmem:s2] =	stream.indirect.scatter.add.f32 [tilespmem:s9], [sflag:$0x1], $0x10, s29, s10, $0xb8;
	[tilespmem:$0x6EA0] =	vst v63  }
0x5f: {  	s1 =	smul.u32 $0x28000, s0;
	_ =	swait.ge [sflag:s6], $0x1F40  }
0x60: {  	s30 =	simm.s32 $0x2568;
	s0 =	ssub.s32 $0x2, s0;
	[sflag:s6] =	ssyncset.done $0x0  }
0x61: {  	s1 =	sadd.s32 s31, s1;
	s31 =	sshrl.u32 s0, $0x1;
	[sflag:s6] =	ssyncadd.s32 $0xFFFFE0C0  }
0x62: {  	[spmem:s2] =	stream.indirect.scatter.add.f32 [tilespmem:s9], [sflag:$0x1], $0x10, s30, s10, $0xb8;
	[tilespmem:$0x6EA0] =	vst v63  }
0x63: {  	s0 =	ssub.s32 s0, s31;
	_ =	swait.ge [sflag:s6], $0x1F40  }
0x64: {  	s0 =	smax.u32 s0, $0x1;
	[sflag:s6] =	ssyncset.done $0x0  }
0x65: {  	p0 =	sne.s32 s0, $0x1;
	[sflag:s6] =	ssyncadd.s32 $0xFFFFE0C0  }
.Ltmp0:
0x66: {  	s1 =	sshrl.u32 s1, $0x3;
	s31 =	rddreg [dreg:$0x1];
	(pc) =	sbr.rel @!p0 .LBB2_2-.Ltmp0, $4  }
0x67: {  	[bflag:$0x0] =	sbarrier.arrive $0xFFFF;
	s31 =	sadd.s32 s31, s1  }
0x68: {  	[hbm:s31], [sflag:s5] =	dma.local [spmem:s7], $0x500  }
0x69: {  	_ =	swait.ge [sflag:s6], $0x500  }
0x6a: {  	s0 =	sadd.s32 $0xFFFFFFFF, s0;
	[sflag:s6] =	ssyncset.done $0x0  }
.LBB2_1:
0x6b: {  	[sflag:s6] =	ssyncadd.s32 $0xFFFFFB00  }
0x6c: {  	[spmem:s7], [sflag:s5] =	dma.local [hbm:s4], $0x500  }
0x6d: {  	_ =	swait.ge [sflag:s6], $0x500  }
0x6e: {  	[sflag:s6] =	ssyncset.done $0x0  }
0x6f: {  	[sflag:s6] =	ssyncadd.s32 $0xFFFFFB00  }
0x70: {  	[tilespmem:s3], [sflag:$0x1] =	stream.linear.gather [hbm4b:s8+s3], $0x2760, $0x38;
	[tilespmem:$0x6EA0] =	vst v63  }
0x71: {  	_ =	swait.ge [sflag:s6], $0x2760  }
0x72: {  	[sflag:s6] =	ssyncset.done $0x0  }
0x73: {  	s1 =	rddreg [dreg:$0x4];
	[sflag:s6] =	ssyncadd.s32 $0xFFFFD8A0  }
0x74: {  	[tilespmem:s9], [sflag:$0x1] =	stream.linear.gather [hbm4b:s1+s3], $0x1F40, $0x38;
	[tilespmem:$0x6EA0] =	vst v63  }
0x75: {  	_ =	swait.ge [sflag:s6], $0x1F40  }
0x76: {  	[sflag:s6] =	ssyncset.done $0x0  }
0x77: {  	[sflag:s6] =	ssyncadd.s32 $0xFFFFE0C0  }
0x78: {  	[bflag:$0x0] =	sbarrier.arrive $0xFFFF  }
0x79: {  	[spmem:s2] =	stream.indirect.scatter.add.f32 [tilespmem:s9], [sflag:$0x1], $0x10, s3, s10, $0xb8;
	[tilespmem:$0x6EA0] =	vst v63  }
0x7a: {  	_ =	swait.ge [sflag:s6], $0x1F40  }
0x7b: {  	[sflag:s6] =	ssyncset.done $0x0  }
0x7c: {  	[sflag:s6] =	ssyncadd.s32 $0xFFFFE0C0  }
0x7d: {  	[spmem:s2] =	stream.indirect.scatter.add.f32 [tilespmem:s9], [sflag:$0x1], $0x10, s11, s10, $0xb8;
	[tilespmem:$0x6EA0] =	vst v63  }
0x7e: {  	_ =	swait.ge [sflag:s6], $0x1F40  }
0x7f: {  	[sflag:s6] =	ssyncset.done $0x0  }
0x80: {  	[sflag:s6] =	ssyncadd.s32 $0xFFFFE0C0  }
0x81: {  	[spmem:s2] =	stream.indirect.scatter.add.f32 [tilespmem:s9], [sflag:$0x1], $0x10, s12, s10, $0xb8;
	[tilespmem:$0x6EA0] =	vst v63  }
0x82: {  	_ =	swait.ge [sflag:s6], $0x1F40  }
0x83: {  	[sflag:s6] =	ssyncset.done $0x0  }
0x84: {  	[sflag:s6] =	ssyncadd.s32 $0xFFFFE0C0  }
0x85: {  	[spmem:s2] =	stream.indirect.scatter.add.f32 [tilespmem:s9], [sflag:$0x1], $0x10, s13, s10, $0xb8;
	[tilespmem:$0x6EA0] =	vst v63  }
0x86: {  	_ =	swait.ge [sflag:s6], $0x1F40  }
0x87: {  	[sflag:s6] =	ssyncset.done $0x0  }
0x88: {  	[sflag:s6] =	ssyncadd.s32 $0xFFFFE0C0  }
0x89: {  	[spmem:s2] =	stream.indirect.scatter.add.f32 [tilespmem:s9], [sflag:$0x1], $0x10, s14, s10, $0xb8;
	[tilespmem:$0x6EA0] =	vst v63  }
0x8a: {  	_ =	swait.ge [sflag:s6], $0x1F40  }
0x8b: {  	[sflag:s6] =	ssyncset.done $0x0  }
0x8c: {  	[sflag:s6] =	ssyncadd.s32 $0xFFFFE0C0  }
0x8d: {  	[spmem:s2] =	stream.indirect.scatter.add.f32 [tilespmem:s9], [sflag:$0x1], $0x10, s15, s10, $0xb8;
	[tilespmem:$0x6EA0] =	vst v63  }
0x8e: {  	_ =	swait.ge [sflag:s6], $0x1F40  }
0x8f: {  	[sflag:s6] =	ssyncset.done $0x0  }
0x90: {  	[sflag:s6] =	ssyncadd.s32 $0xFFFFE0C0  }
0x91: {  	[spmem:s2] =	stream.indirect.scatter.add.f32 [tilespmem:s9], [sflag:$0x1], $0x10, s16, s10, $0xb8;
	[tilespmem:$0x6EA0] =	vst v63  }
0x92: {  	_ =	swait.ge [sflag:s6], $0x1F40  }
0x93: {  	[sflag:s6] =	ssyncset.done $0x0  }
0x94: {  	[sflag:s6] =	ssyncadd.s32 $0xFFFFE0C0  }
0x95: {  	[spmem:s2] =	stream.indirect.scatter.add.f32 [tilespmem:s9], [sflag:$0x1], $0x10, s17, s10, $0xb8;
	[tilespmem:$0x6EA0] =	vst v63  }
0x96: {  	_ =	swait.ge [sflag:s6], $0x1F40  }
0x97: {  	[sflag:s6] =	ssyncset.done $0x0  }
0x98: {  	[sflag:s6] =	ssyncadd.s32 $0xFFFFE0C0  }
0x99: {  	[spmem:s2] =	stream.indirect.scatter.add.f32 [tilespmem:s9], [sflag:$0x1], $0x10, s18, s10, $0xb8;
	[tilespmem:$0x6EA0] =	vst v63  }
0x9a: {  	_ =	swait.ge [sflag:s6], $0x1F40  }
0x9b: {  	[sflag:s6] =	ssyncset.done $0x0  }
0x9c: {  	[sflag:s6] =	ssyncadd.s32 $0xFFFFE0C0  }
0x9d: {  	[spmem:s2] =	stream.indirect.scatter.add.f32 [tilespmem:s9], [sflag:$0x1], $0x10, s19, s10, $0xb8;
	[tilespmem:$0x6EA0] =	vst v63  }
0x9e: {  	_ =	swait.ge [sflag:s6], $0x1F40  }
0x9f: {  	[sflag:s6] =	ssyncset.done $0x0  }
0xa0: {  	[sflag:s6] =	ssyncadd.s32 $0xFFFFE0C0  }
0xa1: {  	[spmem:s2] =	stream.indirect.scatter.add.f32 [tilespmem:s9], [sflag:$0x1], $0x10, s20, s10, $0xb8;
	[tilespmem:$0x6EA0] =	vst v63  }
0xa2: {  	_ =	swait.ge [sflag:s6], $0x1F40  }
0xa3: {  	[sflag:s6] =	ssyncset.done $0x0  }
0xa4: {  	[sflag:s6] =	ssyncadd.s32 $0xFFFFE0C0  }
0xa5: {  	[spmem:s2] =	stream.indirect.scatter.add.f32 [tilespmem:s9], [sflag:$0x1], $0x10, s21, s10, $0xb8;
	[tilespmem:$0x6EA0] =	vst v63  }
0xa6: {  	_ =	swait.ge [sflag:s6], $0x1F40  }
0xa7: {  	[sflag:s6] =	ssyncset.done $0x0  }
0xa8: {  	[sflag:s6] =	ssyncadd.s32 $0xFFFFE0C0  }
0xa9: {  	[spmem:s2] =	stream.indirect.scatter.add.f32 [tilespmem:s9], [sflag:$0x1], $0x10, s22, s10, $0xb8;
	[tilespmem:$0x6EA0] =	vst v63  }
0xaa: {  	_ =	swait.ge [sflag:s6], $0x1F40  }
0xab: {  	[sflag:s6] =	ssyncset.done $0x0  }
0xac: {  	[sflag:s6] =	ssyncadd.s32 $0xFFFFE0C0  }
0xad: {  	[spmem:s2] =	stream.indirect.scatter.add.f32 [tilespmem:s9], [sflag:$0x1], $0x10, s23, s10, $0xb8;
	[tilespmem:$0x6EA0] =	vst v63  }
0xae: {  	_ =	swait.ge [sflag:s6], $0x1F40  }
0xaf: {  	[sflag:s6] =	ssyncset.done $0x0  }
0xb0: {  	[sflag:s6] =	ssyncadd.s32 $0xFFFFE0C0  }
0xb1: {  	[spmem:s2] =	stream.indirect.scatter.add.f32 [tilespmem:s9], [sflag:$0x1], $0x10, s24, s10, $0xb8;
	[tilespmem:$0x6EA0] =	vst v63  }
0xb2: {  	_ =	swait.ge [sflag:s6], $0x1F40  }
0xb3: {  	[sflag:s6] =	ssyncset.done $0x0  }
0xb4: {  	[sflag:s6] =	ssyncadd.s32 $0xFFFFE0C0  }
0xb5: {  	[spmem:s2] =	stream.indirect.scatter.add.f32 [tilespmem:s9], [sflag:$0x1], $0x10, s25, s10, $0xb8;
	[tilespmem:$0x6EA0] =	vst v63  }
0xb6: {  	_ =	swait.ge [sflag:s6], $0x1F40  }
0xb7: {  	[sflag:s6] =	ssyncset.done $0x0  }
0xb8: {  	[sflag:s6] =	ssyncadd.s32 $0xFFFFE0C0  }
0xb9: {  	[spmem:s2] =	stream.indirect.scatter.add.f32 [tilespmem:s9], [sflag:$0x1], $0x10, s26, s10, $0xb8;
	[tilespmem:$0x6EA0] =	vst v63  }
0xba: {  	_ =	swait.ge [sflag:s6], $0x1F40  }
0xbb: {  	[sflag:s6] =	ssyncset.done $0x0  }
0xbc: {  	[sflag:s6] =	ssyncadd.s32 $0xFFFFE0C0  }
0xbd: {  	[spmem:s2] =	stream.indirect.scatter.add.f32 [tilespmem:s9], [sflag:$0x1], $0x10, s28, s10, $0xb8;
	[tilespmem:$0x6EA0] =	vst v63  }
0xbe: {  	_ =	swait.ge [sflag:s6], $0x1F40  }
0xbf: {  	[sflag:s6] =	ssyncset.done $0x0  }
0xc0: {  	[sflag:s6] =	ssyncadd.s32 $0xFFFFE0C0  }
0xc1: {  	[spmem:s2] =	stream.indirect.scatter.add.f32 [tilespmem:s9], [sflag:$0x1], $0x10, s29, s10, $0xb8;
	[tilespmem:$0x6EA0] =	vst v63  }
0xc2: {  	_ =	swait.ge [sflag:s6], $0x1F40  }
0xc3: {  	[sflag:s6] =	ssyncset.done $0x0  }
0xc4: {  	[sflag:s6] =	ssyncadd.s32 $0xFFFFE0C0  }
0xc5: {  	[spmem:s2] =	stream.indirect.scatter.add.f32 [tilespmem:s9], [sflag:$0x1], $0x10, s30, s10, $0xb8;
	[tilespmem:$0x6EA0] =	vst v63  }
0xc6: {  	_ =	swait.ge [sflag:s6], $0x1F40  }
0xc7: {  	p0 =	sne.s32 s0, $0x1;
	[sflag:s6] =	ssyncset.done $0x0  }
.Ltmp1:
0xc8: {  	[sflag:s6] =	ssyncadd.s32 $0xFFFFE0C0;
	(pc) =	sbr.rel @p0 .LBB2_1-.Ltmp1, $4  }
0xc9: {  	[bflag:$0x0] =	sbarrier.arrive $0xFFFF  }
0xca: {  	[hbm:s31], [sflag:s5] =	dma.local [spmem:s7], $0x500  }
0xcb: {  	_ =	swait.ge [sflag:s6], $0x500  }
0xcc: {  	s0 =	sadd.s32 $0xFFFFFFFF, s0;
	[sflag:s6] =	ssyncset.done $0x0  }
.LBB2_2:
0xcd: {  	[sflag:s6] =	ssyncadd.s32 $0xFFFFFB00  }
0xce: {  	_ =	sfence.sel $0x180000  }
0xcf: {  	[bflag:$0x0] =	sbarrier.arrive $0xFFFF  }
0xd0: {  	_ =	strace $0x90000047  }
0xd1: {  	s0 =	stileid.u32;
	[bflag:$0x2] =	sbarrier.arrive $0xFFFF  }
0xd2: {  	p0 =	sne.s32 s0, $0x0;
	s0 =	rddreg [dreg:$0x3]  }
0xd3: {  	s0 =	sadd.s32 @!p0 $0x100000, s0  }
0xd4: {  	[sflag:s0] =	ssyncadd.tile.s32 @!p0 $0x1;
	_ =	shalt  }
.Lfunc_end2:
_tile_overlayer_lowered:
.L_overlay_start_2:
0xd5: {  	(tag) =	ssettag $0x2  }
0xd6: {  	s0 =	rddreg [dreg:$0x0];
	s2 =	stileid.u32  }
0xd7: {  	s1 =	rddreg [dreg:$0x1];
	p0 =	sne.s32 s2, $0x0  }
0xd8: {  	s3 =	rddreg [dreg:$0x2];
	[bflag:$0x3] =	sbarrier.arrive $0xFFFF;
	s2 =	simm.s32 @!p0 $0x1C01  }
0xd9: {  	[timem:s3], [sflag:s2] =	dma.local @!p0 [hbm:s0], s1  }
0xda: {  	s0 =	simm.s32 @!p0 $0x1  }
0xdb: {  	_ =	swait.ge @!p0 [sflag:s0], s1  }
0xdc: {  	s1 =	ssub.s32 @!p0 $0x0, s1;
	[sflag:s0] =	ssyncset.done @!p0 $0x0  }
0xdd: {  	[sflag:s0] =	ssyncadd.s32 @!p0 s1  }
0xde: {  	[bflag:$0x3] =	sbarrier.arrive $0xFFFF  }
0xdf: {  	_ =	shalt  }

// kernel: _run.20.cloned.1.call-start
scs
__scs_entry_jumppad:
0x0: {  	(pc) =	sbr.rel $0x88, $3  }
0x1: {  	(tag) =	ssettag $0x0;
	lr =	simm.s32 $0x1  }
0x2: {  	[smem:$0x3F93] =	sst lr;
	_ =	strace $0xD0000000  }
0x3: {  	_ = 	snop  }
0x4: {  	_ = 	snop  }
0x5: {  	_ = 	snop  }
0x6: {  	_ = 	snop  }
0x7: {  	_ = 	snop  }
__scs_overlays_trampoline_lowered:
0x8: {  	[smem:$0x3FA2] =	sst s0  }
0x9: {  	[smem:$0x3FA3] =	sst s1  }
0xa: {  	[smem:$0x3FA4] =	sst s2  }
0xb: {  	[smem:$0x3FA5] =	sst s3  }
0xc: {  	[smem:$0x3FA6] =	sst s4  }
0xd: {  	[smem:$0x3FA7] =	sst s5  }
0xe: {  	[smem:$0x3FA8] =	sst s6  }
0xf: {  	[smem:$0x3FA9] =	sst s7  }
0x10: {  	[smem:$0x3FAA] =	sst s8  }
0x11: {  	[smem:$0x3FAB] =	sst s9;
	s0 =	simm.s32 @!p0 $0x0  }
0x12: {  	s1 =	sld [smem:$0x3F91];
	s0 =	simm.s32 @p0 $0x1  }
0x13: {  	[smem:$0x3FAC] =	sst s0;
	s0 =	simm.s32 @!p1 $0x0  }
0x14: {  	s2 =	sld [smem:$0x3F90];
	s0 =	simm.s32 @p1 $0x1  }
0x15: {  	[smem:$0x3FAD] =	sst s0;
	s0 =	simm.s32 @!p2 $0x0  }
0x16: {  	s3 =	sld [smem:$0x3FDB];
	s0 =	simm.s32 @p2 $0x1  }
0x17: {  	s4 =	simm.s32 $0x1BF5;
	[smem:$0x3FAF] =	sst s0  }
0x18: {  	s0 =	sld [smem:$0x3F92];
	_ =	swait.ge [sflag:s4], $0x0  }
0x19: {  	s7 =	sld [smem:$0x3F93]  }
0x1a: {  	s8 =	sadd.s32 $0xFFFFE003, lr  }
0x1b: {  	s9 =	sadd.s32 $0xFFFFFEF7, lr;
	s5 =	simm.s32 $0xFFFFFFFF;
	p2 =	slt.u32 s8, $0xFFFFF086  }
0x1c: {  	p1 =	slt.u32 s9, $0xF7A;
	s5 =	simm.s32 @!p2 $0x0  }
0x1d: {  	s5 =	simm.s32 @p1 $0x1;
	p0 =	seq.s32 s7, s2  }
0x1e: {  	s7 =	smul.u32 @!p0 $0xF7A, s2;
	p2 =	seq.s32 @!p0 s5, $0x0  }
0x1f: {  	s9 =	smul.u32 $0xF7A, s1;
	s8 =	simm.s32 @!p0 $0x1BF5;
	p2 =	por !p2, p0  }
0x20: {  	[sflag:s8] =	ssyncset.s32 @!p0 $0xFFFFF086;
	s6 =	sadd.s32 @!p0 s3, s7;
	s7 =	simm.s32 @!p0 $0x108  }
0x21: {  	s3 =	sadd.s32 s3, s9;
	s6 =	sadd.s32 @!p0 $0x88, s6;
	s7 =	simm.s32 @p2 $0x1082  }
0x22: {  	[simem:s7], [sflag:s8] =	dma.local @!p0 [hbm:s6], $0xF7A  }
0x23: {  	s9 =	sor.u32 $0xD0000000, s2;
	s6 =	simm.s32 $0x108;
	_ =	swait.ge @!p0 [sflag:s8], $0x0  }
0x24: {  	s3 =	sadd.s32 $0x88, s3;
	s6 =	simm.s32 @!p1 $0x1082;
	[sflag:s4] =	ssyncset.s32 $0xFFFFF086  }
0x25: {  	[simem:s6], [sflag:s4] =	dma.local [hbm:s3], $0xF7A  }
0x26: {  	[smem:$0x3F93] =	sst s1;
	(tag) =	ssettag s2;
	_ =	strace s9  }
0x27: {  	s1 =	sld [smem:$0x3FA3]  }
0x28: {  	s2 =	sld [smem:$0x3FA4]  }
0x29: {  	s4 =	sld [smem:$0x3FA6]  }
0x2a: {  	p0 =	seq.s32 s5, $0x0;
	s5 =	sld [smem:$0x3FA7]  }
0x2b: {  	s6 =	sld [smem:$0x3FA8]  }
0x2c: {  	s7 =	sld [smem:$0x3FA9]  }
0x2d: {  	s3 =	simm.s32 $0x108;
	s8 =	sld [smem:$0x3FAA]  }
0x2e: {  	s3 =	simm.s32 @!p0 $0x1082;
	s9 =	sld [smem:$0x3FAB]  }
0x2f: {  	lr =	sadd.s32 s0, s3;
	s0 =	sld [smem:$0x3FA2]  }
0x30: {  	s3 =	sld [smem:$0x3FA5]  }
0x31: {  	[smem:$0x3FAE] =	sst s10  }
0x32: {  	s10 =	sld [smem:$0x3FAC];
	_ =	sdelay $0x3  }
0x33: {  	p0 =	seq.s32 s10, $0x1;
	s10 =	sld [smem:$0x3FAE];
	_ =	sdelay $0x3  }
0x34: {  	[smem:$0x3FAE] =	sst s10  }
0x35: {  	s10 =	sld [smem:$0x3FAD];
	_ =	sdelay $0x3  }
0x36: {  	p1 =	seq.s32 s10, $0x1;
	s10 =	sld [smem:$0x3FAE];
	_ =	sdelay $0x3  }
0x37: {  	[smem:$0x3FAE] =	sst s10  }
0x38: {  	s10 =	sld [smem:$0x3FAF]  }
0x39: {  	_ = 	snop;
	(pc) =	sbr.ind lr, $3  }
0x3a: {  	_ = 	snop  }
0x3b: {  	_ = 	snop  }
0x3c: {  	p2 =	seq.s32 s10, $0x1;
	s10 =	sld [smem:$0x3FAE]  }
0x3d: {  	_ =	shalt  }
0x3e: {  	_ =	shalt  }
0x3f: {  	_ =	shalt  }
0x40: {  	_ =	shalt  }
0x41: {  	_ =	shalt  }
0x42: {  	_ =	shalt  }
0x43: {  	_ =	shalt  }
0x44: {  	_ =	shalt  }
0x45: {  	_ =	shalt  }
0x46: {  	_ =	shalt  }
0x47: {  	_ =	shalt  }
0x48: {  	_ =	shalt  }
0x49: {  	_ =	shalt  }
0x4a: {  	_ =	shalt  }
0x4b: {  	_ =	shalt  }
0x4c: {  	_ =	shalt  }
0x4d: {  	_ =	shalt  }
0x4e: {  	_ =	shalt  }
0x4f: {  	_ =	shalt  }
0x50: {  	_ =	shalt  }
0x51: {  	_ =	shalt  }
0x52: {  	_ =	shalt  }
0x53: {  	_ =	shalt  }
0x54: {  	_ =	shalt  }
0x55: {  	_ =	shalt  }
0x56: {  	_ =	shalt  }
0x57: {  	_ =	shalt  }
0x58: {  	_ =	shalt  }
0x59: {  	_ =	shalt  }
0x5a: {  	_ =	shalt  }
0x5b: {  	_ =	shalt  }
0x5c: {  	_ =	shalt  }
0x5d: {  	_ =	shalt  }
0x5e: {  	_ =	shalt  }
0x5f: {  	_ =	shalt  }
0x60: {  	_ =	shalt  }
0x61: {  	_ =	shalt  }
0x62: {  	_ =	shalt  }
0x63: {  	_ =	shalt  }
0x64: {  	_ =	shalt  }
0x65: {  	_ =	shalt  }
0x66: {  	_ =	shalt  }
0x67: {  	_ =	shalt  }
0x68: {  	_ =	shalt  }
0x69: {  	_ =	shalt  }
0x6a: {  	_ =	shalt  }
0x6b: {  	_ =	shalt  }
0x6c: {  	_ =	shalt  }
0x6d: {  	_ =	shalt  }
0x6e: {  	_ =	shalt  }
0x6f: {  	_ =	shalt  }
0x70: {  	_ =	shalt  }
0x71: {  	_ =	shalt  }
0x72: {  	_ =	shalt  }
0x73: {  	_ =	shalt  }
0x74: {  	_ =	shalt  }
0x75: {  	_ =	shalt  }
0x76: {  	_ =	shalt  }
0x77: {  	_ =	shalt  }
0x78: {  	_ =	shalt  }
0x79: {  	_ =	shalt  }
0x7a: {  	_ =	shalt  }
0x7b: {  	_ =	shalt  }
0x7c: {  	_ =	shalt  }
0x7d: {  	_ =	shalt  }
0x7e: {  	_ =	shalt  }
0x7f: {  	_ =	shalt  }
0x80: {  	_ =	shalt  }
0x81: {  	_ =	shalt  }
0x82: {  	_ =	shalt  }
0x83: {  	_ =	shalt  }
0x84: {  	_ =	shalt  }
0x85: {  	_ =	shalt  }
0x86: {  	_ =	shalt  }
0x87: {  	_ =	shalt  }
.Lfunc_end0:
.L_simem_size_0:
called_computation.1_lowered:
.L_overlay_start_0:
0x88: {  	s2 =	sld [smem:$0x3FD9]  }
0x89: {  	s3 =	sld [smem:$0x3FFE];
	_ =	sdelay $0x1  }
0x8a: {  	s1 =	srdreg.scid  }
0x8b: {  	s0 =	sand.u32 $0x1, s1  }
0x8c: {  	s17 =	sshll.u32 s0, $0xA;
	s2 =	sadd.s32 s3, s2  }
0x8d: {  	s2 =	sadd.s32 s2, s17  }
0x8e: {  	[smem:$0x3FBA] =	sst s2  }
0x8f: {  	_ = 	snop  }
0x90: {  	s2 =	sld [smem:$0x3FD0];
	(tm) =	ssettm $0x1  }
0x91: {  	s18 =	sld [smem:$0x3FFB];
	_ =	sdelay $0x3  }
0x92: {  	_ =	strace s18  }
0x93: {  	s3 =	sld [smem:$0x3FFC];
	_ =	sdelay $0x3  }
0x94: {  	_ =	strace s3  }
0x95: {  	s3 =	sld [smem:$0x3FFD];
	_ =	sdelay $0x3  }
0x96: {  	_ =	strace s3  }
0x97: {  	_ =	strace $0x8FFFFFFF  }
0x98: {  	s19 =	sld [smem:$0x3FDB];
	_ =	sdelay $0x1  }
0x99: {  	s4 =	simm.s32 $_scs_section_size  }
0x9a: {  	s5 =	simm.s32 $_size__tile_overlayer_lowered;
	s6 =	simm.s32 $_tile_overlayer_lowered  }
0x9b: {  	s22 =	simm.s32 $0x1BFF;
	s21 =	sshll.u32 s6, $0x1;
	s3 =	sadd.s32 s4, s19  }
0x9c: {  	s7 =	simm.s32 $0x0;
	s20 =	sshll.u32 s5, $0x1;
	s5 =	sadd.s32 s21, s3  }
0x9d: {  	[timem:s7], [sflag:s22] =	dma.local [hbm:s5], s20  }
0x9e: {  	_ =	swait.ge [sflag:s22], s20  }
0x9f: {  	s4 =	ssub.s32 $0x0, s20;
	[sflag:s22] =	ssyncset.done $0x0  }
0xa0: {  	[sflag:s22] =	ssyncadd.s32 s4;
	_ =	sdelay $0x1  }
0xa1: {  	s23 =	simm.s32 $0x1B8B  }
0xa2: {  	_ =	swait.ge [sflag:s23], $0x1  }
0xa3: {  	[sflag:s23] =	ssyncset.done $0x0  }
0xa4: {  	s25 =	simm.s32 $0x1B8E;
	s24 =	sld [smem:$0x3FFE];
	[sflag:s23] =	ssyncadd.s32 $0xFFFFFFFF  }
0xa5: {  	s26 =	simm.s32 $execute0_lowered;
	[smem:$0x3FD2] =	sst s25  }
0xa6: {  	s5 =	sshll.u32 s26, $0x1;
	_ =	strace $0x80000049;
	[dreg:$0x1] =	wrdreg $0xFFFFFFFF  }
0xa7: {  	s28 =	simm.s32 $_size_execute0_lowered;
	s3 =	sadd.s32 s3, s5;
	[dreg:$0x0] =	wrdreg $0x0  }
0xa8: {  	s5 =	sshll.u32 s28, $0x1;
	[dreg:$0x2] =	wrdreg s3  }
0xa9: {  	[dreg:$0x3] =	wrdreg s5  }
0xaa: {  	[dreg:$0x4] =	wrdreg $0xC0  }
0xab: {  	_ =	task [dreg:s7], $0x5FFFF  }
0xac: {  	[dreg:$0x1] =	wrdreg $0xFFFFFFFF  }
0xad: {  	[dreg:$0x0] =	wrdreg $0x60  }
0xae: {  	[dreg:$0x2] =	wrdreg s24  }
0xaf: {  	[dreg:$0x3] =	wrdreg s2  }
0xb0: {  	[dreg:$0x4] =	wrdreg $0x8D400  }
0xb1: {  	[dreg:$0x5] =	wrdreg $0xB5400  }
0xb2: {  	[dreg:$0x6] =	wrdreg $0x9  }
0xb3: {  	_ =	task.clear_ibuf [dreg:s7], $0x7FFFF;
	_ =	strace $0x90000049  }
0xb4: {  	s29 =	simm.s32 $0x9;
	_ =	strace $0x8000004B  }
0xb5: {  	_ =	swait.ge [sflag:s29], $0x1  }
0xb6: {  	[sflag:s29] =	ssyncadd.s32 $0xFFFFFFFF  }
0xb7: {  	_ =	strace $0x9000004B  }
0xb8: {  	_ =	sfence  }
0xb9: {  	s30 =	sld [smem:$0x0];
	_ =	sdelay $0x2  }
0xba: {  	s31 =	sshll.u32 s1, $0xD;
	s1 =	sshrl.u32 s1, $0x2  }
0xbb: {  	s3 =	sand.u32 $0x4000, s31;
	s1 =	sadd.s32 s1, s30  }
0xbc: {  	s0 =	sor.u32 s3, s0;
	s1 =	sshll.u32 s1, $0x11  }
0xbd: {  	s0 =	sor.u32 s1, s0  }
0xbe: {  	s0 =	sadd.s32 $0x8F2B, s0  }
0xbf: {  	[sflag:s0] =	ssyncadd.remote.s32 $0x1  }
0xc0: {  	_ =	sfence.sel $0xFFFF  }
0xc1: {  	[dreg:$0x0] =	wrdreg $0xFFFFFFFF;
	(pc) =	sbr.abs _section_cstart, $3  }
0xc2: {  	[dreg:$0x1] =	wrdreg $0xFFFFFFFF  }
0xc3: {  	_ =	task.clear_ibuf [dreg:s7], $0x2FFFF;
	_ =	strace $0x9FFFFFFF  }
0xc4: {  	(tm) =	ssettm $0x7FFFFFFF  }
0xc5: {  	_ =	shalt  }
tec
execute0_lowered:
.L_overlay_start_1:
0x0: {  	(tag) =	ssettag $0x1  }
0x1: {  	s5 =	rddreg [dreg:$0x0]  }
0x2: {  	s10 =	rddreg [dreg:$0x1]  }
0x3: {  	s2 =	rddreg [dreg:$0x2]  }
0x4: {  	s3 =	rddreg [dreg:$0x3];
	s4 =	srdreg.scid  }
0x5: {  	s0 =	rddreg [dreg:$0x4];
	s1 =	stileid.u32  }
0x6: {  	s16 =	simm.s32 $0x4EC0;
	s17 =	simm.s32 $0x2;
	s18 =	simm.s32 $0x4CC8  }
0x7: {  	s19 =	simm.s32 $0x6E00;
	s20 =	simm.s32 $0x0;
	s6 =	sand.u32 $0x1, s4  }
0x8: {  	s4 =	simm.s32 $0x0;
	s7 =	smul.u32 $0x2800, s1;
	s31 =	sshll.u32 s1, $0x6  }
0x9: {  	s8 =	sshll.u32 s6, $0x4;
	[smem:$0x7FF] =	sst s4;
	s11 =	ssub.s32 $0x2, s6  }
0xa: {  	s29 =	smul.u32 $0x28000, s6;
	s6 =	sor.u32 $0x1C03, s31;
	s8 =	sor.u32 s1, s8  }
0xb: {  	s9 =	sshrl.u32 s7, $0x3;
	_ =	strace $0x8000004A;
	s12 =	sshrl.u32 s11, $0x1  }
0xc: {  	s30 =	sadd.s32 s7, s2;
	s14 =	sadd.s32 s7, s3;
	s8 =	smul.u32 $0x4EC, s8  }
0xd: {  	s9 =	sadd.s32 s9, s5;
	s11 =	ssub.s32 s11, s12;
	s15 =	sadd.s32 s7, s29  }
0xe: {  	s12 =	sshrl.u32 s30, $0x3;
	s14 =	sshrl.u32 s14, $0x3;
	s7 =	sadd.s32 $0x1EE00, s9  }
0xf: {  	s15 =	sshrl.u32 s15, $0x3;
	s11 =	smax.u32 s11, $0x1;
	s13 =	sadd.s32 s8, s5  }
0x10: {  	s5 =	sadd.s32 $0xFC00, s9;
	s10 =	sadd.s32 s10, s15;
	s15 =	simm.s32 $0x1F4  }
0x11: {  	s8 =	sadd.s32 $0x15000, s13;
	s9 =	sadd.s32 $0x5E00, s13;
	s13 =	simm.s32 $0x3  }
.LBB2_1:
0x12: {  	[spmem:s12], [sflag:s6] =	dma.local [hbm:s5], $0x500  }
0x13: {  	_ =	swait.ge [sflag:s13], $0x500  }
0x14: {  	[sflag:s13] =	ssyncset.done $0x0  }
0x15: {  	[sflag:s13] =	ssyncadd.s32 $0xFFFFFB00  }
0x16: {  	[spmem:s14], [sflag:s6] =	dma.local [hbm:s7], $0x500  }
0x17: {  	_ =	swait.ge [sflag:s13], $0x500  }
0x18: {  	[sflag:s13] =	ssyncset.done $0x0  }
0x19: {  	[sflag:s13] =	ssyncadd.s32 $0xFFFFFB00  }
0x1a: {  	[tilespmem:s4], [sflag:$0x3] =	stream.linear.gather [hbm4b:s8+s4], $0x2760, $0x38;
	[tilespmem:$0xDD40] =	vst v63  }
0x1b: {  	_ =	swait.ge [sflag:s13], $0x2760  }
0x1c: {  	[sflag:s13] =	ssyncset.done $0x0  }
0x1d: {  	s21 =	simm.s32 $0x2760;
	s22 =	simm.s32 $0x1;
	[sflag:s13] =	ssyncadd.s32 $0xFFFFD8A0  }
0x1e: {  	[tilespmem:s21], [sflag:$0x3] =	stream.linear.gather [hbm4b:s9+s4], $0x2760, $0x38;
	[tilespmem:$0xDD40] =	vst v63  }
0x1f: {  	s24 =	sand.u32 $0x1, s22;
	_ =	swait.ge [sflag:s13], $0x2760  }
0x20: {  	s25 =	smul.u32 $0x7D00, s24;
	[sflag:s13] =	ssyncset.done $0x0  }
0x21: {  	s23 =	simm.s32 $0x1F8;
	[sflag:s13] =	ssyncadd.s32 $0xFFFFD8A0  }
0x22: {  	s26 =	sand.u32 $0x1, s4;
	s25 =	sshrl.u32 s25, $0x2;
	[bflag:$0x0] =	sbarrier.arrive $0xFFFF  }
0x23: {  	[tilespmem:s16], [sflag:$0x1] =	stream.indirect.gather [spmem:s3], $0x10, s4, s15, $0xb8;
	[tilespmem:$0xDD40] =	vst v63  }
0x24: {  	s28 =	smul.u32 $0x7D00, s26;
	s24 =	sadd.s32 $0x1, s24;
	s25 =	sadd.s32 $0x4EC0, s25  }
0x25: {  	[tilespmem:s25], [sflag:s24] =	stream.indirect.gather [spmem:s3], $0x10, s23, s15, $0xb8;
	[tilespmem:$0xDD40] =	vst v63  }
0x26: {  	s24 =	sadd.s32 $0x1, s26  }
0x27: {  	s25 =	sshrl.u32 s28, $0x2;
	_ =	swait.ge [sflag:s24], $0x1F40  }
.LBB2_2:
0x28: {  	p0 =	sne.s32 s22, $0x12;
	s26 =	smov.u32 s22;
	s22 =	sadd.s32 $0x1, s22  }
0x29: {  	[sflag:s24] =	ssyncset.done $0x0  }
0x2a: {  	s28 =	sand.u32 $0x1, s22;
	[sflag:s24] =	ssyncadd.s32 $0xFFFFE0C0  }
0x2b: {  	s25 =	sadd.s32 $0x4EC0, s25;
	s23 =	sadd.s32 $0x1F8, s23;
	s24 =	smul.u32 $0x7D00, s28  }
0x2c: {  	[spmem:s2] =	stream.indirect.scatter.add.f32 [tilespmem:s25], [sflag:$0x3], $0x10, s21, s15, $0xb8;
	[tilespmem:$0xDD40] =	vst v63  }
0x2d: {  	s24 =	sshrl.u32 s24, $0x2  }
.Ltmp0:
0x2e: {  	s25 =	sand.u32 $0x1, s26;
	_ =	swait.ge [sflag:s13], $0x1F40;
	(pc) =	sbr.rel @p0 .LBB2_2-.Ltmp0, $4  }
0x2f: {  	s28 =	sadd.s32 $0x1, s28;
	s26 =	sadd.s32 $0x4EC0, s24;
	[sflag:s13] =	ssyncset.done $0x0  }
0x30: {  	s29 =	smul.u32 $0x7D00, s25;
	s24 =	sadd.s32 $0x1, s25;
	[sflag:s13] =	ssyncadd.s32 $0xFFFFE0C0  }
0x31: {  	[tilespmem:s26], [sflag:s28] =	stream.indirect.gather [spmem:s3], $0x10, s23, s15, $0xb8;
	[tilespmem:$0xDD40] =	vst v63  }
0x32: {  	s21 =	sadd.s32 $0x1F8, s21;
	s25 =	sshrl.u32 s29, $0x2;
	_ =	swait.ge [sflag:s24], $0x1F40  }
0x33: {  	[sflag:s24] =	ssyncset.done $0x0  }
0x34: {  	s22 =	sadd.s32 $0x4EC0, s25;
	[sflag:s24] =	ssyncadd.s32 $0xFFFFE0C0  }
0x35: {  	[spmem:s2] =	stream.indirect.scatter.add.f32 [tilespmem:s22], [sflag:$0x3], $0x10, s21, s15, $0xb8;
	[tilespmem:$0xDD40] =	vst v63  }
0x36: {  	_ =	swait.ge [sflag:s13], $0x1F40  }
0x37: {  	[sflag:s13] =	ssyncset.done $0x0  }
0x38: {  	[sflag:s13] =	ssyncadd.s32 $0xFFFFE0C0  }
0x39: {  	_ =	swait.ge [sflag:s17], $0x1F40  }
0x3a: {  	[sflag:s17] =	ssyncset.done $0x0  }
0x3b: {  	[sflag:s17] =	ssyncadd.s32 $0xFFFFE0C0  }
0x3c: {  	[spmem:s2] =	stream.indirect.scatter.add.f32 [tilespmem:s19], [sflag:$0x3], $0x10, s18, s15, $0xb8;
	[tilespmem:$0xDD40] =	vst v63  }
0x3d: {  	_ =	swait.ge [sflag:s13], $0x1F40  }
0x3e: {  	s20 =	sadd.s32 $0x1, s20;
	[sflag:s13] =	ssyncset.done $0x0  }
0x3f: {  	p0 =	sne.s32 s20, s11;
	[sflag:s13] =	ssyncadd.s32 $0xFFFFE0C0  }
.Ltmp1:
0x40: {  	[bflag:$0x0] =	sbarrier.arrive $0xFFFF;
	(pc) =	sbr.rel @p0 .LBB2_1-.Ltmp1, $4  }
0x41: {  	[hbm:s10], [sflag:s6] =	dma.local [spmem:s12], $0x500  }
0x42: {  	_ =	swait.ge [sflag:s13], $0x500  }
0x43: {  	[sflag:s13] =	ssyncset.done $0x0  }
0x44: {  	[sflag:s13] =	ssyncadd.s32 $0xFFFFFB00  }
0x45: {  	_ =	sfence.sel $0x180000  }
0x46: {  	[bflag:$0x0] =	sbarrier.arrive $0xFFFF  }
0x47: {  	p0 =	sne.s32 s1, $0x0;
	_ =	strace $0x9000004A  }
0x48: {  	s0 =	sadd.s32 @!p0 $0x100000, s0;
	[bflag:$0x2] =	sbarrier.arrive $0xFFFF  }
0x49: {  	[sflag:s0] =	ssyncadd.tile.s32 @!p0 $0x1;
	_ =	shalt  }
.Lfunc_end2:
_tile_overlayer_lowered:
.L_overlay_start_2:
0x4a: {  	(tag) =	ssettag $0x2  }
0x4b: {  	s0 =	rddreg [dreg:$0x0];
	s2 =	stileid.u32  }
0x4c: {  	s1 =	rddreg [dreg:$0x1];
	p0 =	sne.s32 s2, $0x0  }
0x4d: {  	s3 =	rddreg [dreg:$0x2];
	[bflag:$0x3] =	sbarrier.arrive $0xFFFF;
	s2 =	simm.s32 @!p0 $0x1C03  }
0x4e: {  	[timem:s3], [sflag:s2] =	dma.local @!p0 [hbm:s0], s1  }
0x4f: {  	s0 =	simm.s32 @!p0 $0x3  }
0x50: {  	_ =	swait.ge @!p0 [sflag:s0], s1  }
0x51: {  	s1 =	ssub.s32 @!p0 $0x0, s1;
	[sflag:s0] =	ssyncset.done @!p0 $0x0  }
0x52: {  	[sflag:s0] =	ssyncadd.s32 @!p0 s1  }
0x53: {  	[bflag:$0x3] =	sbarrier.arrive $0xFFFF  }
0x54: {  	_ =	shalt  }

// kernel: _run.23.cloned.1.call-start
scs
__scs_entry_jumppad:
0x0: {  	(pc) =	sbr.rel $0x88, $3  }
0x1: {  	(tag) =	ssettag $0x0;
	lr =	simm.s32 $0x1  }
0x2: {  	[smem:$0x3F93] =	sst lr;
	_ =	strace $0xD0000000  }
0x3: {  	_ = 	snop  }
0x4: {  	_ = 	snop  }
0x5: {  	_ = 	snop  }
0x6: {  	_ = 	snop  }
0x7: {  	_ = 	snop  }
__scs_overlays_trampoline_lowered:
0x8: {  	[smem:$0x3FA2] =	sst s0  }
0x9: {  	[smem:$0x3FA3] =	sst s1  }
0xa: {  	[smem:$0x3FA4] =	sst s2  }
0xb: {  	[smem:$0x3FA5] =	sst s3  }
0xc: {  	[smem:$0x3FA6] =	sst s4  }
0xd: {  	[smem:$0x3FA7] =	sst s5  }
0xe: {  	[smem:$0x3FA8] =	sst s6  }
0xf: {  	[smem:$0x3FA9] =	sst s7  }
0x10: {  	[smem:$0x3FAA] =	sst s8  }
0x11: {  	[smem:$0x3FAB] =	sst s9;
	s0 =	simm.s32 @!p0 $0x0  }
0x12: {  	s1 =	sld [smem:$0x3F91];
	s0 =	simm.s32 @p0 $0x1  }
0x13: {  	[smem:$0x3FAC] =	sst s0;
	s0 =	simm.s32 @!p1 $0x0  }
0x14: {  	s2 =	sld [smem:$0x3F90];
	s0 =	simm.s32 @p1 $0x1  }
0x15: {  	[smem:$0x3FAD] =	sst s0;
	s0 =	simm.s32 @!p2 $0x0  }
0x16: {  	s3 =	sld [smem:$0x3FDB];
	s0 =	simm.s32 @p2 $0x1  }
0x17: {  	s4 =	simm.s32 $0x1BF5;
	[smem:$0x3FAF] =	sst s0  }
0x18: {  	s0 =	sld [smem:$0x3F92];
	_ =	swait.ge [sflag:s4], $0x0  }
0x19: {  	s7 =	sld [smem:$0x3F93]  }
0x1a: {  	s8 =	sadd.s32 $0xFFFFE003, lr  }
0x1b: {  	s9 =	sadd.s32 $0xFFFFFEF7, lr;
	s5 =	simm.s32 $0xFFFFFFFF;
	p2 =	slt.u32 s8, $0xFFFFF086  }
0x1c: {  	p1 =	slt.u32 s9, $0xF7A;
	s5 =	simm.s32 @!p2 $0x0  }
0x1d: {  	s5 =	simm.s32 @p1 $0x1;
	p0 =	seq.s32 s7, s2  }
0x1e: {  	s7 =	smul.u32 @!p0 $0xF7A, s2;
	p2 =	seq.s32 @!p0 s5, $0x0  }
0x1f: {  	s9 =	smul.u32 $0xF7A, s1;
	s8 =	simm.s32 @!p0 $0x1BF5;
	p2 =	por !p2, p0  }
0x20: {  	[sflag:s8] =	ssyncset.s32 @!p0 $0xFFFFF086;
	s6 =	sadd.s32 @!p0 s3, s7;
	s7 =	simm.s32 @!p0 $0x108  }
0x21: {  	s3 =	sadd.s32 s3, s9;
	s6 =	sadd.s32 @!p0 $0x88, s6;
	s7 =	simm.s32 @p2 $0x1082  }
0x22: {  	[simem:s7], [sflag:s8] =	dma.local @!p0 [hbm:s6], $0xF7A  }
0x23: {  	s9 =	sor.u32 $0xD0000000, s2;
	s6 =	simm.s32 $0x108;
	_ =	swait.ge @!p0 [sflag:s8], $0x0  }
0x24: {  	s3 =	sadd.s32 $0x88, s3;
	s6 =	simm.s32 @!p1 $0x1082;
	[sflag:s4] =	ssyncset.s32 $0xFFFFF086  }
0x25: {  	[simem:s6], [sflag:s4] =	dma.local [hbm:s3], $0xF7A  }
0x26: {  	[smem:$0x3F93] =	sst s1;
	(tag) =	ssettag s2;
	_ =	strace s9  }
0x27: {  	s1 =	sld [smem:$0x3FA3]  }
0x28: {  	s2 =	sld [smem:$0x3FA4]  }
0x29: {  	s4 =	sld [smem:$0x3FA6]  }
0x2a: {  	p0 =	seq.s32 s5, $0x0;
	s5 =	sld [smem:$0x3FA7]  }
0x2b: {  	s6 =	sld [smem:$0x3FA8]  }
0x2c: {  	s7 =	sld [smem:$0x3FA9]  }
0x2d: {  	s3 =	simm.s32 $0x108;
	s8 =	sld [smem:$0x3FAA]  }
0x2e: {  	s3 =	simm.s32 @!p0 $0x1082;
	s9 =	sld [smem:$0x3FAB]  }
0x2f: {  	lr =	sadd.s32 s0, s3;
	s0 =	sld [smem:$0x3FA2]  }
0x30: {  	s3 =	sld [smem:$0x3FA5]  }
0x31: {  	[smem:$0x3FAE] =	sst s10  }
0x32: {  	s10 =	sld [smem:$0x3FAC];
	_ =	sdelay $0x3  }
0x33: {  	p0 =	seq.s32 s10, $0x1;
	s10 =	sld [smem:$0x3FAE];
	_ =	sdelay $0x3  }
0x34: {  	[smem:$0x3FAE] =	sst s10  }
0x35: {  	s10 =	sld [smem:$0x3FAD];
	_ =	sdelay $0x3  }
0x36: {  	p1 =	seq.s32 s10, $0x1;
	s10 =	sld [smem:$0x3FAE];
	_ =	sdelay $0x3  }
0x37: {  	[smem:$0x3FAE] =	sst s10  }
0x38: {  	s10 =	sld [smem:$0x3FAF]  }
0x39: {  	_ = 	snop;
	(pc) =	sbr.ind lr, $3  }
0x3a: {  	_ = 	snop  }
0x3b: {  	_ = 	snop  }
0x3c: {  	p2 =	seq.s32 s10, $0x1;
	s10 =	sld [smem:$0x3FAE]  }
0x3d: {  	_ =	shalt  }
0x3e: {  	_ =	shalt  }
0x3f: {  	_ =	shalt  }
0x40: {  	_ =	shalt  }
0x41: {  	_ =	shalt  }
0x42: {  	_ =	shalt  }
0x43: {  	_ =	shalt  }
0x44: {  	_ =	shalt  }
0x45: {  	_ =	shalt  }
0x46: {  	_ =	shalt  }
0x47: {  	_ =	shalt  }
0x48: {  	_ =	shalt  }
0x49: {  	_ =	shalt  }
0x4a: {  	_ =	shalt  }
0x4b: {  	_ =	shalt  }
0x4c: {  	_ =	shalt  }
0x4d: {  	_ =	shalt  }
0x4e: {  	_ =	shalt  }
0x4f: {  	_ =	shalt  }
0x50: {  	_ =	shalt  }
0x51: {  	_ =	shalt  }
0x52: {  	_ =	shalt  }
0x53: {  	_ =	shalt  }
0x54: {  	_ =	shalt  }
0x55: {  	_ =	shalt  }
0x56: {  	_ =	shalt  }
0x57: {  	_ =	shalt  }
0x58: {  	_ =	shalt  }
0x59: {  	_ =	shalt  }
0x5a: {  	_ =	shalt  }
0x5b: {  	_ =	shalt  }
0x5c: {  	_ =	shalt  }
0x5d: {  	_ =	shalt  }
0x5e: {  	_ =	shalt  }
0x5f: {  	_ =	shalt  }
0x60: {  	_ =	shalt  }
0x61: {  	_ =	shalt  }
0x62: {  	_ =	shalt  }
0x63: {  	_ =	shalt  }
0x64: {  	_ =	shalt  }
0x65: {  	_ =	shalt  }
0x66: {  	_ =	shalt  }
0x67: {  	_ =	shalt  }
0x68: {  	_ =	shalt  }
0x69: {  	_ =	shalt  }
0x6a: {  	_ =	shalt  }
0x6b: {  	_ =	shalt  }
0x6c: {  	_ =	shalt  }
0x6d: {  	_ =	shalt  }
0x6e: {  	_ =	shalt  }
0x6f: {  	_ =	shalt  }
0x70: {  	_ =	shalt  }
0x71: {  	_ =	shalt  }
0x72: {  	_ =	shalt  }
0x73: {  	_ =	shalt  }
0x74: {  	_ =	shalt  }
0x75: {  	_ =	shalt  }
0x76: {  	_ =	shalt  }
0x77: {  	_ =	shalt  }
0x78: {  	_ =	shalt  }
0x79: {  	_ =	shalt  }
0x7a: {  	_ =	shalt  }
0x7b: {  	_ =	shalt  }
0x7c: {  	_ =	shalt  }
0x7d: {  	_ =	shalt  }
0x7e: {  	_ =	shalt  }
0x7f: {  	_ =	shalt  }
0x80: {  	_ =	shalt  }
0x81: {  	_ =	shalt  }
0x82: {  	_ =	shalt  }
0x83: {  	_ =	shalt  }
0x84: {  	_ =	shalt  }
0x85: {  	_ =	shalt  }
0x86: {  	_ =	shalt  }
0x87: {  	_ =	shalt  }
.Lfunc_end0:
.L_simem_size_0:
called_computation.2_lowered:
.L_overlay_start_0:
0x88: {  	s2 =	sld [smem:$0x3FD9]  }
0x89: {  	s3 =	sld [smem:$0x3FFE];
	_ =	sdelay $0x1  }
0x8a: {  	s1 =	srdreg.scid  }
0x8b: {  	s0 =	sand.u32 $0x1, s1  }
0x8c: {  	s17 =	sshll.u32 s0, $0xA;
	s2 =	sadd.s32 s3, s2  }
0x8d: {  	s2 =	sadd.s32 s2, s17  }
0x8e: {  	[smem:$0x3FBA] =	sst s2  }
0x8f: {  	_ = 	snop  }
0x90: {  	s2 =	sld [smem:$0x3FD0];
	(tm) =	ssettm $0x1  }
0x91: {  	s18 =	sld [smem:$0x3FFB];
	_ =	sdelay $0x3  }
0x92: {  	_ =	strace s18  }
0x93: {  	s3 =	sld [smem:$0x3FFC];
	_ =	sdelay $0x3  }
0x94: {  	_ =	strace s3  }
0x95: {  	s3 =	sld [smem:$0x3FFD];
	_ =	sdelay $0x3  }
0x96: {  	_ =	strace s3  }
0x97: {  	_ =	strace $0x8FFFFFFF  }
0x98: {  	s19 =	sld [smem:$0x3FDB];
	_ =	sdelay $0x1  }
0x99: {  	s4 =	simm.s32 $_scs_section_size  }
0x9a: {  	s5 =	simm.s32 $_size__tile_overlayer_lowered;
	s6 =	simm.s32 $_tile_overlayer_lowered  }
0x9b: {  	s22 =	simm.s32 $0x1BFF;
	s21 =	sshll.u32 s6, $0x1;
	s3 =	sadd.s32 s4, s19  }
0x9c: {  	s7 =	simm.s32 $0x0;
	s20 =	sshll.u32 s5, $0x1;
	s5 =	sadd.s32 s21, s3  }
0x9d: {  	[timem:s7], [sflag:s22] =	dma.local [hbm:s5], s20  }
0x9e: {  	_ =	swait.ge [sflag:s22], s20  }
0x9f: {  	s4 =	ssub.s32 $0x0, s20;
	[sflag:s22] =	ssyncset.done $0x0  }
0xa0: {  	[sflag:s22] =	ssyncadd.s32 s4;
	_ =	sdelay $0x1  }
0xa1: {  	s23 =	simm.s32 $0x1B8B  }
0xa2: {  	_ =	swait.ge [sflag:s23], $0x1  }
0xa3: {  	[sflag:s23] =	ssyncset.done $0x0  }
0xa4: {  	s25 =	simm.s32 $0x1B8E;
	s24 =	sld [smem:$0x3FFE];
	[sflag:s23] =	ssyncadd.s32 $0xFFFFFFFF  }
0xa5: {  	s26 =	simm.s32 $execute0_lowered;
	[smem:$0x3FD2] =	sst s25  }
0xa6: {  	s5 =	sshll.u32 s26, $0x1;
	_ =	strace $0x8000004C;
	[dreg:$0x1] =	wrdreg $0xFFFFFFFF  }
0xa7: {  	s28 =	simm.s32 $_size_execute0_lowered;
	s3 =	sadd.s32 s3, s5;
	[dreg:$0x0] =	wrdreg $0x0  }
0xa8: {  	s5 =	sshll.u32 s28, $0x1;
	[dreg:$0x2] =	wrdreg s3  }
0xa9: {  	[dreg:$0x3] =	wrdreg s5  }
0xaa: {  	[dreg:$0x4] =	wrdreg $0xC0  }
0xab: {  	_ =	task [dreg:s7], $0x5FFFF  }
0xac: {  	[dreg:$0x1] =	wrdreg $0xFFFFFFFF  }
0xad: {  	[dreg:$0x0] =	wrdreg $0x60  }
0xae: {  	[dreg:$0x2] =	wrdreg s24  }
0xaf: {  	[dreg:$0x3] =	wrdreg s2  }
0xb0: {  	[dreg:$0x4] =	wrdreg $0x8D400  }
0xb1: {  	[dreg:$0x5] =	wrdreg $0xB5400  }
0xb2: {  	[dreg:$0x6] =	wrdreg $0x9  }
0xb3: {  	_ =	task.clear_ibuf [dreg:s7], $0x7FFFF;
	_ =	strace $0x9000004C  }
0xb4: {  	s29 =	simm.s32 $0x9;
	_ =	strace $0x8000004E  }
0xb5: {  	_ =	swait.ge [sflag:s29], $0x1  }
0xb6: {  	[sflag:s29] =	ssyncadd.s32 $0xFFFFFFFF  }
0xb7: {  	_ =	strace $0x9000004E  }
0xb8: {  	_ =	sfence  }
0xb9: {  	s30 =	sld [smem:$0x0];
	_ =	sdelay $0x2  }
0xba: {  	s31 =	sshll.u32 s1, $0xD;
	s1 =	sshrl.u32 s1, $0x2  }
0xbb: {  	s3 =	sand.u32 $0x4000, s31;
	s1 =	sadd.s32 s1, s30  }
0xbc: {  	s0 =	sor.u32 s3, s0;
	s1 =	sshll.u32 s1, $0x11  }
0xbd: {  	s0 =	sor.u32 s1, s0  }
0xbe: {  	s0 =	sadd.s32 $0x8F2B, s0  }
0xbf: {  	[sflag:s0] =	ssyncadd.remote.s32 $0x1  }
0xc0: {  	_ =	sfence.sel $0xFFFF  }
0xc1: {  	[dreg:$0x0] =	wrdreg $0xFFFFFFFF;
	(pc) =	sbr.abs _section_cstart, $3  }
0xc2: {  	[dreg:$0x1] =	wrdreg $0xFFFFFFFF  }
0xc3: {  	_ =	task.clear_ibuf [dreg:s7], $0x2FFFF;
	_ =	strace $0x9FFFFFFF  }
0xc4: {  	(tm) =	ssettm $0x7FFFFFFF  }
0xc5: {  	_ =	shalt  }
tec
execute0_lowered:
.L_overlay_start_1:
0x0: {  	(tag) =	ssettag $0x1  }
0x1: {  	s5 =	rddreg [dreg:$0x0]  }
0x2: {  	s10 =	rddreg [dreg:$0x1]  }
0x3: {  	s2 =	rddreg [dreg:$0x2]  }
0x4: {  	s3 =	rddreg [dreg:$0x3];
	s4 =	srdreg.scid  }
0x5: {  	s0 =	rddreg [dreg:$0x4];
	s1 =	stileid.u32  }
0x6: {  	s16 =	simm.s32 $0x4EC0;
	s17 =	simm.s32 $0x2;
	s18 =	simm.s32 $0x4CC8  }
0x7: {  	s19 =	simm.s32 $0x6E00;
	s20 =	simm.s32 $0x0;
	s6 =	sand.u32 $0x1, s4  }
0x8: {  	s4 =	simm.s32 $0x0;
	s7 =	smul.u32 $0x2800, s1;
	s31 =	sshll.u32 s1, $0x6  }
0x9: {  	s8 =	sshll.u32 s6, $0x4;
	[smem:$0x7FF] =	sst s4;
	s11 =	ssub.s32 $0x2, s6  }
0xa: {  	s29 =	smul.u32 $0x28000, s6;
	s6 =	sor.u32 $0x1C03, s31;
	s8 =	sor.u32 s1, s8  }
0xb: {  	s9 =	sshrl.u32 s7, $0x3;
	_ =	strace $0x8000004D;
	s12 =	sshrl.u32 s11, $0x1  }
0xc: {  	s30 =	sadd.s32 s7, s2;
	s14 =	sadd.s32 s7, s3;
	s8 =	smul.u32 $0x4EC, s8  }
0xd: {  	s9 =	sadd.s32 s9, s5;
	s11 =	ssub.s32 s11, s12;
	s15 =	sadd.s32 s7, s29  }
0xe: {  	s12 =	sshrl.u32 s30, $0x3;
	s14 =	sshrl.u32 s14, $0x3;
	s7 =	sadd.s32 $0x1EE00, s9  }
0xf: {  	s15 =	sshrl.u32 s15, $0x3;
	s11 =	smax.u32 s11, $0x1;
	s13 =	sadd.s32 s8, s5  }
0x10: {  	s5 =	sadd.s32 $0xFC00, s9;
	s10 =	sadd.s32 s10, s15;
	s15 =	simm.s32 $0x1F4  }
0x11: {  	s8 =	sadd.s32 $0x15000, s13;
	s9 =	sadd.s32 $0x5E00, s13;
	s13 =	simm.s32 $0x3  }
.LBB2_1:
0x12: {  	[spmem:s12], [sflag:s6] =	dma.local [hbm:s5], $0x500  }
0x13: {  	_ =	swait.ge [sflag:s13], $0x500  }
0x14: {  	[sflag:s13] =	ssyncset.done $0x0  }
0x15: {  	[sflag:s13] =	ssyncadd.s32 $0xFFFFFB00  }
0x16: {  	[spmem:s14], [sflag:s6] =	dma.local [hbm:s7], $0x500  }
0x17: {  	_ =	swait.ge [sflag:s13], $0x500  }
0x18: {  	[sflag:s13] =	ssyncset.done $0x0  }
0x19: {  	[sflag:s13] =	ssyncadd.s32 $0xFFFFFB00  }
0x1a: {  	[tilespmem:s4], [sflag:$0x3] =	stream.linear.gather [hbm4b:s8+s4], $0x2760, $0x38;
	[tilespmem:$0xDD40] =	vst v63  }
0x1b: {  	_ =	swait.ge [sflag:s13], $0x2760  }
0x1c: {  	[sflag:s13] =	ssyncset.done $0x0  }
0x1d: {  	s21 =	simm.s32 $0x2760;
	s22 =	simm.s32 $0x1;
	[sflag:s13] =	ssyncadd.s32 $0xFFFFD8A0  }
0x1e: {  	[tilespmem:s21], [sflag:$0x3] =	stream.linear.gather [hbm4b:s9+s4], $0x2760, $0x38;
	[tilespmem:$0xDD40] =	vst v63  }
0x1f: {  	s24 =	sand.u32 $0x1, s22;
	_ =	swait.ge [sflag:s13], $0x2760  }
0x20: {  	s25 =	smul.u32 $0x7D00, s24;
	[sflag:s13] =	ssyncset.done $0x0  }
0x21: {  	s23 =	simm.s32 $0x1F8;
	[sflag:s13] =	ssyncadd.s32 $0xFFFFD8A0  }
0x22: {  	s26 =	sand.u32 $0x1, s4;
	s25 =	sshrl.u32 s25, $0x2;
	[bflag:$0x0] =	sbarrier.arrive $0xFFFF  }
0x23: {  	[tilespmem:s16], [sflag:$0x1] =	stream.indirect.gather [spmem:s3], $0x10, s4, s15, $0xb8;
	[tilespmem:$0xDD40] =	vst v63  }
0x24: {  	s28 =	smul.u32 $0x7D00, s26;
	s24 =	sadd.s32 $0x1, s24;
	s25 =	sadd.s32 $0x4EC0, s25  }
0x25: {  	[tilespmem:s25], [sflag:s24] =	stream.indirect.gather [spmem:s3], $0x10, s23, s15, $0xb8;
	[tilespmem:$0xDD40] =	vst v63  }
0x26: {  	s24 =	sadd.s32 $0x1, s26  }
0x27: {  	s25 =	sshrl.u32 s28, $0x2;
	_ =	swait.ge [sflag:s24], $0x1F40  }
.LBB2_2:
0x28: {  	p0 =	sne.s32 s22, $0x12;
	s26 =	smov.u32 s22;
	s22 =	sadd.s32 $0x1, s22  }
0x29: {  	[sflag:s24] =	ssyncset.done $0x0  }
0x2a: {  	s28 =	sand.u32 $0x1, s22;
	[sflag:s24] =	ssyncadd.s32 $0xFFFFE0C0  }
0x2b: {  	s25 =	sadd.s32 $0x4EC0, s25;
	s23 =	sadd.s32 $0x1F8, s23;
	s24 =	smul.u32 $0x7D00, s28  }
0x2c: {  	[spmem:s2] =	stream.indirect.scatter.add.f32 [tilespmem:s25], [sflag:$0x3], $0x10, s21, s15, $0xb8;
	[tilespmem:$0xDD40] =	vst v63  }
0x2d: {  	s24 =	sshrl.u32 s24, $0x2  }
.Ltmp0:
0x2e: {  	s25 =	sand.u32 $0x1, s26;
	_ =	swait.ge [sflag:s13], $0x1F40;
	(pc) =	sbr.rel @p0 .LBB2_2-.Ltmp0, $4  }
0x2f: {  	s28 =	sadd.s32 $0x1, s28;
	s26 =	sadd.s32 $0x4EC0, s24;
	[sflag:s13] =	ssyncset.done $0x0  }
0x30: {  	s29 =	smul.u32 $0x7D00, s25;
	s24 =	sadd.s32 $0x1, s25;
	[sflag:s13] =	ssyncadd.s32 $0xFFFFE0C0  }
0x31: {  	[tilespmem:s26], [sflag:s28] =	stream.indirect.gather [spmem:s3], $0x10, s23, s15, $0xb8;
	[tilespmem:$0xDD40] =	vst v63  }
0x32: {  	s21 =	sadd.s32 $0x1F8, s21;
	s25 =	sshrl.u32 s29, $0x2;
	_ =	swait.ge [sflag:s24], $0x1F40  }
0x33: {  	[sflag:s24] =	ssyncset.done $0x0  }
0x34: {  	s22 =	sadd.s32 $0x4EC0, s25;
	[sflag:s24] =	ssyncadd.s32 $0xFFFFE0C0  }
0x35: {  	[spmem:s2] =	stream.indirect.scatter.add.f32 [tilespmem:s22], [sflag:$0x3], $0x10, s21, s15, $0xb8;
	[tilespmem:$0xDD40] =	vst v63  }
0x36: {  	_ =	swait.ge [sflag:s13], $0x1F40  }
0x37: {  	[sflag:s13] =	ssyncset.done $0x0  }
0x38: {  	[sflag:s13] =	ssyncadd.s32 $0xFFFFE0C0  }
0x39: {  	_ =	swait.ge [sflag:s17], $0x1F40  }
0x3a: {  	[sflag:s17] =	ssyncset.done $0x0  }
0x3b: {  	[sflag:s17] =	ssyncadd.s32 $0xFFFFE0C0  }
0x3c: {  	[spmem:s2] =	stream.indirect.scatter.add.f32 [tilespmem:s19], [sflag:$0x3], $0x10, s18, s15, $0xb8;
	[tilespmem:$0xDD40] =	vst v63  }
0x3d: {  	_ =	swait.ge [sflag:s13], $0x1F40  }
0x3e: {  	s20 =	sadd.s32 $0x1, s20;
	[sflag:s13] =	ssyncset.done $0x0  }
0x3f: {  	p0 =	sne.s32 s20, s11;
	[sflag:s13] =	ssyncadd.s32 $0xFFFFE0C0  }
.Ltmp1:
0x40: {  	[bflag:$0x0] =	sbarrier.arrive $0xFFFF;
	(pc) =	sbr.rel @p0 .LBB2_1-.Ltmp1, $4  }
0x41: {  	[hbm:s10], [sflag:s6] =	dma.local [spmem:s12], $0x500  }
0x42: {  	_ =	swait.ge [sflag:s13], $0x500  }
0x43: {  	[sflag:s13] =	ssyncset.done $0x0  }
0x44: {  	[sflag:s13] =	ssyncadd.s32 $0xFFFFFB00  }
0x45: {  	_ =	sfence.sel $0x180000  }
0x46: {  	[bflag:$0x0] =	sbarrier.arrive $0xFFFF  }
0x47: {  	p0 =	sne.s32 s1, $0x0;
	_ =	strace $0x9000004D  }
0x48: {  	s0 =	sadd.s32 @!p0 $0x100000, s0;
	[bflag:$0x2] =	sbarrier.arrive $0xFFFF  }
0x49: {  	[sflag:s0] =	ssyncadd.tile.s32 @!p0 $0x1;
	_ =	shalt  }
.Lfunc_end2:
_tile_overlayer_lowered:
.L_overlay_start_2:
0x4a: {  	(tag) =	ssettag $0x2  }
0x4b: {  	s0 =	rddreg [dreg:$0x0];
	s2 =	stileid.u32  }
0x4c: {  	s1 =	rddreg [dreg:$0x1];
	p0 =	sne.s32 s2, $0x0  }
0x4d: {  	s3 =	rddreg [dreg:$0x2];
	[bflag:$0x3] =	sbarrier.arrive $0xFFFF;
	s2 =	simm.s32 @!p0 $0x1C03  }
0x4e: {  	[timem:s3], [sflag:s2] =	dma.local @!p0 [hbm:s0], s1  }
0x4f: {  	s0 =	simm.s32 @!p0 $0x3  }
0x50: {  	_ =	swait.ge @!p0 [sflag:s0], s1  }
0x51: {  	s1 =	ssub.s32 @!p0 $0x0, s1;
	[sflag:s0] =	ssyncset.done @!p0 $0x0  }
0x52: {  	[sflag:s0] =	ssyncadd.s32 @!p0 s1  }
0x53: {  	[bflag:$0x3] =	sbarrier.arrive $0xFFFF  }
0x54: {  	_ =	shalt  }

// kernel: _run.26.cloned.1.call-start
scs
__scs_entry_jumppad:
0x0: {  	(pc) =	sbr.rel $0x88, $3  }
0x1: {  	(tag) =	ssettag $0x0;
	lr =	simm.s32 $0x1  }
0x2: {  	[smem:$0x3F93] =	sst lr;
	_ =	strace $0xD0000000  }
0x3: {  	_ = 	snop  }
0x4: {  	_ = 	snop  }
0x5: {  	_ = 	snop  }
0x6: {  	_ = 	snop  }
0x7: {  	_ = 	snop  }
__scs_overlays_trampoline_lowered:
0x8: {  	[smem:$0x3FA2] =	sst s0  }
0x9: {  	[smem:$0x3FA3] =	sst s1  }
0xa: {  	[smem:$0x3FA4] =	sst s2  }
0xb: {  	[smem:$0x3FA5] =	sst s3  }
0xc: {  	[smem:$0x3FA6] =	sst s4  }
0xd: {  	[smem:$0x3FA7] =	sst s5  }
0xe: {  	[smem:$0x3FA8] =	sst s6  }
0xf: {  	[smem:$0x3FA9] =	sst s7  }
0x10: {  	[smem:$0x3FAA] =	sst s8  }
0x11: {  	[smem:$0x3FAB] =	sst s9;
	s0 =	simm.s32 @!p0 $0x0  }
0x12: {  	s1 =	sld [smem:$0x3F91];
	s0 =	simm.s32 @p0 $0x1  }
0x13: {  	[smem:$0x3FAC] =	sst s0;
	s0 =	simm.s32 @!p1 $0x0  }
0x14: {  	s2 =	sld [smem:$0x3F90];
	s0 =	simm.s32 @p1 $0x1  }
0x15: {  	[smem:$0x3FAD] =	sst s0;
	s0 =	simm.s32 @!p2 $0x0  }
0x16: {  	s3 =	sld [smem:$0x3FDB];
	s0 =	simm.s32 @p2 $0x1  }
0x17: {  	s4 =	simm.s32 $0x1BF5;
	[smem:$0x3FAF] =	sst s0  }
0x18: {  	s0 =	sld [smem:$0x3F92];
	_ =	swait.ge [sflag:s4], $0x0  }
0x19: {  	s7 =	sld [smem:$0x3F93]  }
0x1a: {  	s8 =	sadd.s32 $0xFFFFE003, lr  }
0x1b: {  	s9 =	sadd.s32 $0xFFFFFEF7, lr;
	s5 =	simm.s32 $0xFFFFFFFF;
	p2 =	slt.u32 s8, $0xFFFFF086  }
0x1c: {  	p1 =	slt.u32 s9, $0xF7A;
	s5 =	simm.s32 @!p2 $0x0  }
0x1d: {  	s5 =	simm.s32 @p1 $0x1;
	p0 =	seq.s32 s7, s2  }
0x1e: {  	s7 =	smul.u32 @!p0 $0xF7A, s2;
	p2 =	seq.s32 @!p0 s5, $0x0  }
0x1f: {  	s9 =	smul.u32 $0xF7A, s1;
	s8 =	simm.s32 @!p0 $0x1BF5;
	p2 =	por !p2, p0  }
0x20: {  	[sflag:s8] =	ssyncset.s32 @!p0 $0xFFFFF086;
	s6 =	sadd.s32 @!p0 s3, s7;
	s7 =	simm.s32 @!p0 $0x108  }
0x21: {  	s3 =	sadd.s32 s3, s9;
	s6 =	sadd.s32 @!p0 $0x88, s6;
	s7 =	simm.s32 @p2 $0x1082  }
0x22: {  	[simem:s7], [sflag:s8] =	dma.local @!p0 [hbm:s6], $0xF7A  }
0x23: {  	s9 =	sor.u32 $0xD0000000, s2;
	s6 =	simm.s32 $0x108;
	_ =	swait.ge @!p0 [sflag:s8], $0x0  }
0x24: {  	s3 =	sadd.s32 $0x88, s3;
	s6 =	simm.s32 @!p1 $0x1082;
	[sflag:s4] =	ssyncset.s32 $0xFFFFF086  }
0x25: {  	[simem:s6], [sflag:s4] =	dma.local [hbm:s3], $0xF7A  }
0x26: {  	[smem:$0x3F93] =	sst s1;
	(tag) =	ssettag s2;
	_ =	strace s9  }
0x27: {  	s1 =	sld [smem:$0x3FA3]  }
0x28: {  	s2 =	sld [smem:$0x3FA4]  }
0x29: {  	s4 =	sld [smem:$0x3FA6]  }
0x2a: {  	p0 =	seq.s32 s5, $0x0;
	s5 =	sld [smem:$0x3FA7]  }
0x2b: {  	s6 =	sld [smem:$0x3FA8]  }
0x2c: {  	s7 =	sld [smem:$0x3FA9]  }
0x2d: {  	s3 =	simm.s32 $0x108;
	s8 =	sld [smem:$0x3FAA]  }
0x2e: {  	s3 =	simm.s32 @!p0 $0x1082;
	s9 =	sld [smem:$0x3FAB]  }
0x2f: {  	lr =	sadd.s32 s0, s3;
	s0 =	sld [smem:$0x3FA2]  }
0x30: {  	s3 =	sld [smem:$0x3FA5]  }
0x31: {  	[smem:$0x3FAE] =	sst s10  }
0x32: {  	s10 =	sld [smem:$0x3FAC];
	_ =	sdelay $0x3  }
0x33: {  	p0 =	seq.s32 s10, $0x1;
	s10 =	sld [smem:$0x3FAE];
	_ =	sdelay $0x3  }
0x34: {  	[smem:$0x3FAE] =	sst s10  }
0x35: {  	s10 =	sld [smem:$0x3FAD];
	_ =	sdelay $0x3  }
0x36: {  	p1 =	seq.s32 s10, $0x1;
	s10 =	sld [smem:$0x3FAE];
	_ =	sdelay $0x3  }
0x37: {  	[smem:$0x3FAE] =	sst s10  }
0x38: {  	s10 =	sld [smem:$0x3FAF]  }
0x39: {  	_ = 	snop;
	(pc) =	sbr.ind lr, $3  }
0x3a: {  	_ = 	snop  }
0x3b: {  	_ = 	snop  }
0x3c: {  	p2 =	seq.s32 s10, $0x1;
	s10 =	sld [smem:$0x3FAE]  }
0x3d: {  	_ =	shalt  }
0x3e: {  	_ =	shalt  }
0x3f: {  	_ =	shalt  }
0x40: {  	_ =	shalt  }
0x41: {  	_ =	shalt  }
0x42: {  	_ =	shalt  }
0x43: {  	_ =	shalt  }
0x44: {  	_ =	shalt  }
0x45: {  	_ =	shalt  }
0x46: {  	_ =	shalt  }
0x47: {  	_ =	shalt  }
0x48: {  	_ =	shalt  }
0x49: {  	_ =	shalt  }
0x4a: {  	_ =	shalt  }
0x4b: {  	_ =	shalt  }
0x4c: {  	_ =	shalt  }
0x4d: {  	_ =	shalt  }
0x4e: {  	_ =	shalt  }
0x4f: {  	_ =	shalt  }
0x50: {  	_ =	shalt  }
0x51: {  	_ =	shalt  }
0x52: {  	_ =	shalt  }
0x53: {  	_ =	shalt  }
0x54: {  	_ =	shalt  }
0x55: {  	_ =	shalt  }
0x56: {  	_ =	shalt  }
0x57: {  	_ =	shalt  }
0x58: {  	_ =	shalt  }
0x59: {  	_ =	shalt  }
0x5a: {  	_ =	shalt  }
0x5b: {  	_ =	shalt  }
0x5c: {  	_ =	shalt  }
0x5d: {  	_ =	shalt  }
0x5e: {  	_ =	shalt  }
0x5f: {  	_ =	shalt  }
0x60: {  	_ =	shalt  }
0x61: {  	_ =	shalt  }
0x62: {  	_ =	shalt  }
0x63: {  	_ =	shalt  }
0x64: {  	_ =	shalt  }
0x65: {  	_ =	shalt  }
0x66: {  	_ =	shalt  }
0x67: {  	_ =	shalt  }
0x68: {  	_ =	shalt  }
0x69: {  	_ =	shalt  }
0x6a: {  	_ =	shalt  }
0x6b: {  	_ =	shalt  }
0x6c: {  	_ =	shalt  }
0x6d: {  	_ =	shalt  }
0x6e: {  	_ =	shalt  }
0x6f: {  	_ =	shalt  }
0x70: {  	_ =	shalt  }
0x71: {  	_ =	shalt  }
0x72: {  	_ =	shalt  }
0x73: {  	_ =	shalt  }
0x74: {  	_ =	shalt  }
0x75: {  	_ =	shalt  }
0x76: {  	_ =	shalt  }
0x77: {  	_ =	shalt  }
0x78: {  	_ =	shalt  }
0x79: {  	_ =	shalt  }
0x7a: {  	_ =	shalt  }
0x7b: {  	_ =	shalt  }
0x7c: {  	_ =	shalt  }
0x7d: {  	_ =	shalt  }
0x7e: {  	_ =	shalt  }
0x7f: {  	_ =	shalt  }
0x80: {  	_ =	shalt  }
0x81: {  	_ =	shalt  }
0x82: {  	_ =	shalt  }
0x83: {  	_ =	shalt  }
0x84: {  	_ =	shalt  }
0x85: {  	_ =	shalt  }
0x86: {  	_ =	shalt  }
0x87: {  	_ =	shalt  }
.Lfunc_end0:
.L_simem_size_0:
called_computation.3_lowered:
.L_overlay_start_0:
0x88: {  	s2 =	sld [smem:$0x3FD9]  }
0x89: {  	s3 =	sld [smem:$0x3FFE];
	_ =	sdelay $0x1  }
0x8a: {  	s1 =	srdreg.scid  }
0x8b: {  	s0 =	sand.u32 $0x1, s1  }
0x8c: {  	s17 =	sshll.u32 s0, $0xA;
	s2 =	sadd.s32 s3, s2  }
0x8d: {  	s2 =	sadd.s32 s2, s17  }
0x8e: {  	[smem:$0x3FBA] =	sst s2  }
0x8f: {  	_ = 	snop  }
0x90: {  	s2 =	sld [smem:$0x3FD0];
	(tm) =	ssettm $0x1  }
0x91: {  	s18 =	sld [smem:$0x3FFB];
	_ =	sdelay $0x3  }
0x92: {  	_ =	strace s18  }
0x93: {  	s3 =	sld [smem:$0x3FFC];
	_ =	sdelay $0x3  }
0x94: {  	_ =	strace s3  }
0x95: {  	s3 =	sld [smem:$0x3FFD];
	_ =	sdelay $0x3  }
0x96: {  	_ =	strace s3  }
0x97: {  	_ =	strace $0x8FFFFFFF  }
0x98: {  	s19 =	sld [smem:$0x3FDB];
	_ =	sdelay $0x1  }
0x99: {  	s4 =	simm.s32 $_scs_section_size  }
0x9a: {  	s5 =	simm.s32 $_size__tile_overlayer_lowered;
	s6 =	simm.s32 $_tile_overlayer_lowered  }
0x9b: {  	s22 =	simm.s32 $0x1BFF;
	s21 =	sshll.u32 s6, $0x1;
	s3 =	sadd.s32 s4, s19  }
0x9c: {  	s7 =	simm.s32 $0x0;
	s20 =	sshll.u32 s5, $0x1;
	s5 =	sadd.s32 s21, s3  }
0x9d: {  	[timem:s7], [sflag:s22] =	dma.local [hbm:s5], s20  }
0x9e: {  	_ =	swait.ge [sflag:s22], s20  }
0x9f: {  	s4 =	ssub.s32 $0x0, s20;
	[sflag:s22] =	ssyncset.done $0x0  }
0xa0: {  	[sflag:s22] =	ssyncadd.s32 s4;
	_ =	sdelay $0x1  }
0xa1: {  	s23 =	simm.s32 $0x1B8B  }
0xa2: {  	_ =	swait.ge [sflag:s23], $0x1  }
0xa3: {  	[sflag:s23] =	ssyncset.done $0x0  }
0xa4: {  	s25 =	simm.s32 $0x1B8E;
	s24 =	sld [smem:$0x3FFE];
	[sflag:s23] =	ssyncadd.s32 $0xFFFFFFFF  }
0xa5: {  	s26 =	simm.s32 $execute0_lowered;
	[smem:$0x3FD2] =	sst s25  }
0xa6: {  	s5 =	sshll.u32 s26, $0x1;
	_ =	strace $0x8000004F;
	[dreg:$0x1] =	wrdreg $0xFFFFFFFF  }
0xa7: {  	s28 =	simm.s32 $_size_execute0_lowered;
	s3 =	sadd.s32 s3, s5;
	[dreg:$0x0] =	wrdreg $0x0  }
0xa8: {  	s5 =	sshll.u32 s28, $0x1;
	[dreg:$0x2] =	wrdreg s3  }
0xa9: {  	[dreg:$0x3] =	wrdreg s5  }
0xaa: {  	[dreg:$0x4] =	wrdreg $0xC0  }
0xab: {  	_ =	task [dreg:s7], $0x5FFFF  }
0xac: {  	[dreg:$0x1] =	wrdreg $0xFFFFFFFF  }
0xad: {  	[dreg:$0x0] =	wrdreg $0x60  }
0xae: {  	[dreg:$0x2] =	wrdreg s24  }
0xaf: {  	[dreg:$0x3] =	wrdreg s2  }
0xb0: {  	[dreg:$0x4] =	wrdreg $0x8D400  }
0xb1: {  	[dreg:$0x5] =	wrdreg $0xB5400  }
0xb2: {  	[dreg:$0x6] =	wrdreg $0x9  }
0xb3: {  	_ =	task.clear_ibuf [dreg:s7], $0x7FFFF;
	_ =	strace $0x9000004F  }
0xb4: {  	s29 =	simm.s32 $0x9;
	_ =	strace $0x80000051  }
0xb5: {  	_ =	swait.ge [sflag:s29], $0x1  }
0xb6: {  	[sflag:s29] =	ssyncadd.s32 $0xFFFFFFFF  }
0xb7: {  	_ =	strace $0x90000051  }
0xb8: {  	_ =	sfence  }
0xb9: {  	s30 =	sld [smem:$0x0];
	_ =	sdelay $0x2  }
0xba: {  	s31 =	sshll.u32 s1, $0xD;
	s1 =	sshrl.u32 s1, $0x2  }
0xbb: {  	s3 =	sand.u32 $0x4000, s31;
	s1 =	sadd.s32 s1, s30  }
0xbc: {  	s0 =	sor.u32 s3, s0;
	s1 =	sshll.u32 s1, $0x11  }
0xbd: {  	s0 =	sor.u32 s1, s0  }
0xbe: {  	s0 =	sadd.s32 $0x8F2B, s0  }
0xbf: {  	[sflag:s0] =	ssyncadd.remote.s32 $0x1  }
0xc0: {  	_ =	sfence.sel $0xFFFF  }
0xc1: {  	[dreg:$0x0] =	wrdreg $0xFFFFFFFF;
	(pc) =	sbr.abs _section_cstart, $3  }
0xc2: {  	[dreg:$0x1] =	wrdreg $0xFFFFFFFF  }
0xc3: {  	_ =	task.clear_ibuf [dreg:s7], $0x2FFFF;
	_ =	strace $0x9FFFFFFF  }
0xc4: {  	(tm) =	ssettm $0x7FFFFFFF  }
0xc5: {  	_ =	shalt  }
tec
execute0_lowered:
.L_overlay_start_1:
0x0: {  	(tag) =	ssettag $0x1  }
0x1: {  	s5 =	rddreg [dreg:$0x0]  }
0x2: {  	s10 =	rddreg [dreg:$0x1]  }
0x3: {  	s2 =	rddreg [dreg:$0x2]  }
0x4: {  	s3 =	rddreg [dreg:$0x3];
	s4 =	srdreg.scid  }
0x5: {  	s0 =	rddreg [dreg:$0x4];
	s1 =	stileid.u32  }
0x6: {  	s16 =	simm.s32 $0x4EC0;
	s17 =	simm.s32 $0x2;
	s18 =	simm.s32 $0x4CC8  }
0x7: {  	s19 =	simm.s32 $0x6E00;
	s20 =	simm.s32 $0x0;
	s6 =	sand.u32 $0x1, s4  }
0x8: {  	s4 =	simm.s32 $0x0;
	s7 =	smul.u32 $0x2800, s1;
	s31 =	sshll.u32 s1, $0x6  }
0x9: {  	s8 =	sshll.u32 s6, $0x4;
	[smem:$0x7FF] =	sst s4;
	s11 =	ssub.s32 $0x2, s6  }
0xa: {  	s29 =	smul.u32 $0x28000, s6;
	s6 =	sor.u32 $0x1C03, s31;
	s8 =	sor.u32 s1, s8  }
0xb: {  	s9 =	sshrl.u32 s7, $0x3;
	_ =	strace $0x80000050;
	s12 =	sshrl.u32 s11, $0x1  }
0xc: {  	s30 =	sadd.s32 s7, s2;
	s14 =	sadd.s32 s7, s3;
	s8 =	smul.u32 $0x4EC, s8  }
0xd: {  	s9 =	sadd.s32 s9, s5;
	s11 =	ssub.s32 s11, s12;
	s15 =	sadd.s32 s7, s29  }
0xe: {  	s12 =	sshrl.u32 s30, $0x3;
	s14 =	sshrl.u32 s14, $0x3;
	s7 =	sadd.s32 $0x1EE00, s9  }
0xf: {  	s15 =	sshrl.u32 s15, $0x3;
	s11 =	smax.u32 s11, $0x1;
	s13 =	sadd.s32 s8, s5  }
0x10: {  	s5 =	sadd.s32 $0xFC00, s9;
	s10 =	sadd.s32 s10, s15;
	s15 =	simm.s32 $0x1F4  }
0x11: {  	s8 =	sadd.s32 $0x15000, s13;
	s9 =	sadd.s32 $0x5E00, s13;
	s13 =	simm.s32 $0x3  }
.LBB2_1:
0x12: {  	[spmem:s12], [sflag:s6] =	dma.local [hbm:s5], $0x500  }
0x13: {  	_ =	swait.ge [sflag:s13], $0x500  }
0x14: {  	[sflag:s13] =	ssyncset.done $0x0  }
0x15: {  	[sflag:s13] =	ssyncadd.s32 $0xFFFFFB00  }
0x16: {  	[spmem:s14], [sflag:s6] =	dma.local [hbm:s7], $0x500  }
0x17: {  	_ =	swait.ge [sflag:s13], $0x500  }
0x18: {  	[sflag:s13] =	ssyncset.done $0x0  }
0x19: {  	[sflag:s13] =	ssyncadd.s32 $0xFFFFFB00  }
0x1a: {  	[tilespmem:s4], [sflag:$0x3] =	stream.linear.gather [hbm4b:s8+s4], $0x2760, $0x38;
	[tilespmem:$0xDD40] =	vst v63  }
0x1b: {  	_ =	swait.ge [sflag:s13], $0x2760  }
0x1c: {  	[sflag:s13] =	ssyncset.done $0x0  }
0x1d: {  	s21 =	simm.s32 $0x2760;
	s22 =	simm.s32 $0x1;
	[sflag:s13] =	ssyncadd.s32 $0xFFFFD8A0  }
0x1e: {  	[tilespmem:s21], [sflag:$0x3] =	stream.linear.gather [hbm4b:s9+s4], $0x2760, $0x38;
	[tilespmem:$0xDD40] =	vst v63  }
0x1f: {  	s24 =	sand.u32 $0x1, s22;
	_ =	swait.ge [sflag:s13], $0x2760  }
0x20: {  	s25 =	smul.u32 $0x7D00, s24;
	[sflag:s13] =	ssyncset.done $0x0  }
0x21: {  	s23 =	simm.s32 $0x1F8;
	[sflag:s13] =	ssyncadd.s32 $0xFFFFD8A0  }
0x22: {  	s26 =	sand.u32 $0x1, s4;
	s25 =	sshrl.u32 s25, $0x2;
	[bflag:$0x0] =	sbarrier.arrive $0xFFFF  }
0x23: {  	[tilespmem:s16], [sflag:$0x1] =	stream.indirect.gather [spmem:s3], $0x10, s4, s15, $0xb8;
	[tilespmem:$0xDD40] =	vst v63  }
0x24: {  	s28 =	smul.u32 $0x7D00, s26;
	s24 =	sadd.s32 $0x1, s24;
	s25 =	sadd.s32 $0x4EC0, s25  }
0x25: {  	[tilespmem:s25], [sflag:s24] =	stream.indirect.gather [spmem:s3], $0x10, s23, s15, $0xb8;
	[tilespmem:$0xDD40] =	vst v63  }
0x26: {  	s24 =	sadd.s32 $0x1, s26  }
0x27: {  	s25 =	sshrl.u32 s28, $0x2;
	_ =	swait.ge [sflag:s24], $0x1F40  }
.LBB2_2:
0x28: {  	p0 =	sne.s32 s22, $0x12;
	s26 =	smov.u32 s22;
	s22 =	sadd.s32 $0x1, s22  }
0x29: {  	[sflag:s24] =	ssyncset.done $0x0  }
0x2a: {  	s28 =	sand.u32 $0x1, s22;
	[sflag:s24] =	ssyncadd.s32 $0xFFFFE0C0  }
0x2b: {  	s25 =	sadd.s32 $0x4EC0, s25;
	s23 =	sadd.s32 $0x1F8, s23;
	s24 =	smul.u32 $0x7D00, s28  }
0x2c: {  	[spmem:s2] =	stream.indirect.scatter.add.f32 [tilespmem:s25], [sflag:$0x3], $0x10, s21, s15, $0xb8;
	[tilespmem:$0xDD40] =	vst v63  }
0x2d: {  	s24 =	sshrl.u32 s24, $0x2  }
.Ltmp0:
0x2e: {  	s25 =	sand.u32 $0x1, s26;
	_ =	swait.ge [sflag:s13], $0x1F40;
	(pc) =	sbr.rel @p0 .LBB2_2-.Ltmp0, $4  }
0x2f: {  	s28 =	sadd.s32 $0x1, s28;
	s26 =	sadd.s32 $0x4EC0, s24;
	[sflag:s13] =	ssyncset.done $0x0  }
0x30: {  	s29 =	smul.u32 $0x7D00, s25;
	s24 =	sadd.s32 $0x1, s25;
	[sflag:s13] =	ssyncadd.s32 $0xFFFFE0C0  }
0x31: {  	[tilespmem:s26], [sflag:s28] =	stream.indirect.gather [spmem:s3], $0x10, s23, s15, $0xb8;
	[tilespmem:$0xDD40] =	vst v63  }
0x32: {  	s21 =	sadd.s32 $0x1F8, s21;
	s25 =	sshrl.u32 s29, $0x2;
	_ =	swait.ge [sflag:s24], $0x1F40  }
0x33: {  	[sflag:s24] =	ssyncset.done $0x0  }
0x34: {  	s22 =	sadd.s32 $0x4EC0, s25;
	[sflag:s24] =	ssyncadd.s32 $0xFFFFE0C0  }
0x35: {  	[spmem:s2] =	stream.indirect.scatter.add.f32 [tilespmem:s22], [sflag:$0x3], $0x10, s21, s15, $0xb8;
	[tilespmem:$0xDD40] =	vst v63  }
0x36: {  	_ =	swait.ge [sflag:s13], $0x1F40  }
0x37: {  	[sflag:s13] =	ssyncset.done $0x0  }
0x38: {  	[sflag:s13] =	ssyncadd.s32 $0xFFFFE0C0  }
0x39: {  	_ =	swait.ge [sflag:s17], $0x1F40  }
0x3a: {  	[sflag:s17] =	ssyncset.done $0x0  }
0x3b: {  	[sflag:s17] =	ssyncadd.s32 $0xFFFFE0C0  }
0x3c: {  	[spmem:s2] =	stream.indirect.scatter.add.f32 [tilespmem:s19], [sflag:$0x3], $0x10, s18, s15, $0xb8;
	[tilespmem:$0xDD40] =	vst v63  }
0x3d: {  	_ =	swait.ge [sflag:s13], $0x1F40  }
0x3e: {  	s20 =	sadd.s32 $0x1, s20;
	[sflag:s13] =	ssyncset.done $0x0  }
0x3f: {  	p0 =	sne.s32 s20, s11;
	[sflag:s13] =	ssyncadd.s32 $0xFFFFE0C0  }
.Ltmp1:
0x40: {  	[bflag:$0x0] =	sbarrier.arrive $0xFFFF;
	(pc) =	sbr.rel @p0 .LBB2_1-.Ltmp1, $4  }
0x41: {  	[hbm:s10], [sflag:s6] =	dma.local [spmem:s12], $0x500  }
0x42: {  	_ =	swait.ge [sflag:s13], $0x500  }
0x43: {  	[sflag:s13] =	ssyncset.done $0x0  }
0x44: {  	[sflag:s13] =	ssyncadd.s32 $0xFFFFFB00  }
0x45: {  	_ =	sfence.sel $0x180000  }
0x46: {  	[bflag:$0x0] =	sbarrier.arrive $0xFFFF  }
0x47: {  	p0 =	sne.s32 s1, $0x0;
	_ =	strace $0x90000050  }
0x48: {  	s0 =	sadd.s32 @!p0 $0x100000, s0;
	[bflag:$0x2] =	sbarrier.arrive $0xFFFF  }
0x49: {  	[sflag:s0] =	ssyncadd.tile.s32 @!p0 $0x1;
	_ =	shalt  }
.Lfunc_end2:
_tile_overlayer_lowered:
.L_overlay_start_2:
0x4a: {  	(tag) =	ssettag $0x2  }
0x4b: {  	s0 =	rddreg [dreg:$0x0];
	s2 =	stileid.u32  }
0x4c: {  	s1 =	rddreg [dreg:$0x1];
	p0 =	sne.s32 s2, $0x0  }
0x4d: {  	s3 =	rddreg [dreg:$0x2];
	[bflag:$0x3] =	sbarrier.arrive $0xFFFF;
	s2 =	simm.s32 @!p0 $0x1C03  }
0x4e: {  	[timem:s3], [sflag:s2] =	dma.local @!p0 [hbm:s0], s1  }
0x4f: {  	s0 =	simm.s32 @!p0 $0x3  }
0x50: {  	_ =	swait.ge @!p0 [sflag:s0], s1  }
0x51: {  	s1 =	ssub.s32 @!p0 $0x0, s1;
	[sflag:s0] =	ssyncset.done @!p0 $0x0  }
0x52: {  	[sflag:s0] =	ssyncadd.s32 @!p0 s1  }
0x53: {  	[bflag:$0x3] =	sbarrier.arrive $0xFFFF  }
0x54: {  	_ =	shalt  }

// kernel: _run.29.cloned.1.call-start
scs
__scs_entry_jumppad:
0x0: {  	(pc) =	sbr.rel $0x88, $3  }
0x1: {  	(tag) =	ssettag $0x0;
	lr =	simm.s32 $0x1  }
0x2: {  	[smem:$0x3F93] =	sst lr;
	_ =	strace $0xD0000000  }
0x3: {  	_ = 	snop  }
0x4: {  	_ = 	snop  }
0x5: {  	_ = 	snop  }
0x6: {  	_ = 	snop  }
0x7: {  	_ = 	snop  }
__scs_overlays_trampoline_lowered:
0x8: {  	[smem:$0x3FA2] =	sst s0  }
0x9: {  	[smem:$0x3FA3] =	sst s1  }
0xa: {  	[smem:$0x3FA4] =	sst s2  }
0xb: {  	[smem:$0x3FA5] =	sst s3  }
0xc: {  	[smem:$0x3FA6] =	sst s4  }
0xd: {  	[smem:$0x3FA7] =	sst s5  }
0xe: {  	[smem:$0x3FA8] =	sst s6  }
0xf: {  	[smem:$0x3FA9] =	sst s7  }
0x10: {  	[smem:$0x3FAA] =	sst s8  }
0x11: {  	[smem:$0x3FAB] =	sst s9;
	s0 =	simm.s32 @!p0 $0x0  }
0x12: {  	s1 =	sld [smem:$0x3F91];
	s0 =	simm.s32 @p0 $0x1  }
0x13: {  	[smem:$0x3FAC] =	sst s0;
	s0 =	simm.s32 @!p1 $0x0  }
0x14: {  	s2 =	sld [smem:$0x3F90];
	s0 =	simm.s32 @p1 $0x1  }
0x15: {  	[smem:$0x3FAD] =	sst s0;
	s0 =	simm.s32 @!p2 $0x0  }
0x16: {  	s3 =	sld [smem:$0x3FDB];
	s0 =	simm.s32 @p2 $0x1  }
0x17: {  	s4 =	simm.s32 $0x1BF5;
	[smem:$0x3FAF] =	sst s0  }
0x18: {  	s0 =	sld [smem:$0x3F92];
	_ =	swait.ge [sflag:s4], $0x0  }
0x19: {  	s7 =	sld [smem:$0x3F93]  }
0x1a: {  	s8 =	sadd.s32 $0xFFFFE003, lr  }
0x1b: {  	s9 =	sadd.s32 $0xFFFFFEF7, lr;
	s5 =	simm.s32 $0xFFFFFFFF;
	p2 =	slt.u32 s8, $0xFFFFF086  }
0x1c: {  	p1 =	slt.u32 s9, $0xF7A;
	s5 =	simm.s32 @!p2 $0x0  }
0x1d: {  	s5 =	simm.s32 @p1 $0x1;
	p0 =	seq.s32 s7, s2  }
0x1e: {  	s7 =	smul.u32 @!p0 $0xF7A, s2;
	p2 =	seq.s32 @!p0 s5, $0x0  }
0x1f: {  	s9 =	smul.u32 $0xF7A, s1;
	s8 =	simm.s32 @!p0 $0x1BF5;
	p2 =	por !p2, p0  }
0x20: {  	[sflag:s8] =	ssyncset.s32 @!p0 $0xFFFFF086;
	s6 =	sadd.s32 @!p0 s3, s7;
	s7 =	simm.s32 @!p0 $0x108  }
0x21: {  	s3 =	sadd.s32 s3, s9;
	s6 =	sadd.s32 @!p0 $0x88, s6;
	s7 =	simm.s32 @p2 $0x1082  }
0x22: {  	[simem:s7], [sflag:s8] =	dma.local @!p0 [hbm:s6], $0xF7A  }
0x23: {  	s9 =	sor.u32 $0xD0000000, s2;
	s6 =	simm.s32 $0x108;
	_ =	swait.ge @!p0 [sflag:s8], $0x0  }
0x24: {  	s3 =	sadd.s32 $0x88, s3;
	s6 =	simm.s32 @!p1 $0x1082;
	[sflag:s4] =	ssyncset.s32 $0xFFFFF086  }
0x25: {  	[simem:s6], [sflag:s4] =	dma.local [hbm:s3], $0xF7A  }
0x26: {  	[smem:$0x3F93] =	sst s1;
	(tag) =	ssettag s2;
	_ =	strace s9  }
0x27: {  	s1 =	sld [smem:$0x3FA3]  }
0x28: {  	s2 =	sld [smem:$0x3FA4]  }
0x29: {  	s4 =	sld [smem:$0x3FA6]  }
0x2a: {  	p0 =	seq.s32 s5, $0x0;
	s5 =	sld [smem:$0x3FA7]  }
0x2b: {  	s6 =	sld [smem:$0x3FA8]  }
0x2c: {  	s7 =	sld [smem:$0x3FA9]  }
0x2d: {  	s3 =	simm.s32 $0x108;
	s8 =	sld [smem:$0x3FAA]  }
0x2e: {  	s3 =	simm.s32 @!p0 $0x1082;
	s9 =	sld [smem:$0x3FAB]  }
0x2f: {  	lr =	sadd.s32 s0, s3;
	s0 =	sld [smem:$0x3FA2]  }
0x30: {  	s3 =	sld [smem:$0x3FA5]  }
0x31: {  	[smem:$0x3FAE] =	sst s10  }
0x32: {  	s10 =	sld [smem:$0x3FAC];
	_ =	sdelay $0x3  }
0x33: {  	p0 =	seq.s32 s10, $0x1;
	s10 =	sld [smem:$0x3FAE];
	_ =	sdelay $0x3  }
0x34: {  	[smem:$0x3FAE] =	sst s10  }
0x35: {  	s10 =	sld [smem:$0x3FAD];
	_ =	sdelay $0x3  }
0x36: {  	p1 =	seq.s32 s10, $0x1;
	s10 =	sld [smem:$0x3FAE];
	_ =	sdelay $0x3  }
0x37: {  	[smem:$0x3FAE] =	sst s10  }
0x38: {  	s10 =	sld [smem:$0x3FAF]  }
0x39: {  	_ = 	snop;
	(pc) =	sbr.ind lr, $3  }
0x3a: {  	_ = 	snop  }
0x3b: {  	_ = 	snop  }
0x3c: {  	p2 =	seq.s32 s10, $0x1;
	s10 =	sld [smem:$0x3FAE]  }
0x3d: {  	_ =	shalt  }
0x3e: {  	_ =	shalt  }
0x3f: {  	_ =	shalt  }
0x40: {  	_ =	shalt  }
0x41: {  	_ =	shalt  }
0x42: {  	_ =	shalt  }
0x43: {  	_ =	shalt  }
0x44: {  	_ =	shalt  }
0x45: {  	_ =	shalt  }
0x46: {  	_ =	shalt  }
0x47: {  	_ =	shalt  }
0x48: {  	_ =	shalt  }
0x49: {  	_ =	shalt  }
0x4a: {  	_ =	shalt  }
0x4b: {  	_ =	shalt  }
0x4c: {  	_ =	shalt  }
0x4d: {  	_ =	shalt  }
0x4e: {  	_ =	shalt  }
0x4f: {  	_ =	shalt  }
0x50: {  	_ =	shalt  }
0x51: {  	_ =	shalt  }
0x52: {  	_ =	shalt  }
0x53: {  	_ =	shalt  }
0x54: {  	_ =	shalt  }
0x55: {  	_ =	shalt  }
0x56: {  	_ =	shalt  }
0x57: {  	_ =	shalt  }
0x58: {  	_ =	shalt  }
0x59: {  	_ =	shalt  }
0x5a: {  	_ =	shalt  }
0x5b: {  	_ =	shalt  }
0x5c: {  	_ =	shalt  }
0x5d: {  	_ =	shalt  }
0x5e: {  	_ =	shalt  }
0x5f: {  	_ =	shalt  }
0x60: {  	_ =	shalt  }
0x61: {  	_ =	shalt  }
0x62: {  	_ =	shalt  }
0x63: {  	_ =	shalt  }
0x64: {  	_ =	shalt  }
0x65: {  	_ =	shalt  }
0x66: {  	_ =	shalt  }
0x67: {  	_ =	shalt  }
0x68: {  	_ =	shalt  }
0x69: {  	_ =	shalt  }
0x6a: {  	_ =	shalt  }
0x6b: {  	_ =	shalt  }
0x6c: {  	_ =	shalt  }
0x6d: {  	_ =	shalt  }
0x6e: {  	_ =	shalt  }
0x6f: {  	_ =	shalt  }
0x70: {  	_ =	shalt  }
0x71: {  	_ =	shalt  }
0x72: {  	_ =	shalt  }
0x73: {  	_ =	shalt  }
0x74: {  	_ =	shalt  }
0x75: {  	_ =	shalt  }
0x76: {  	_ =	shalt  }
0x77: {  	_ =	shalt  }
0x78: {  	_ =	shalt  }
0x79: {  	_ =	shalt  }
0x7a: {  	_ =	shalt  }
0x7b: {  	_ =	shalt  }
0x7c: {  	_ =	shalt  }
0x7d: {  	_ =	shalt  }
0x7e: {  	_ =	shalt  }
0x7f: {  	_ =	shalt  }
0x80: {  	_ =	shalt  }
0x81: {  	_ =	shalt  }
0x82: {  	_ =	shalt  }
0x83: {  	_ =	shalt  }
0x84: {  	_ =	shalt  }
0x85: {  	_ =	shalt  }
0x86: {  	_ =	shalt  }
0x87: {  	_ =	shalt  }
.Lfunc_end0:
.L_simem_size_0:
called_computation.4_lowered:
.L_overlay_start_0:
0x88: {  	s2 =	sld [smem:$0x3FD9]  }
0x89: {  	s3 =	sld [smem:$0x3FFE];
	_ =	sdelay $0x1  }
0x8a: {  	s1 =	srdreg.scid  }
0x8b: {  	s0 =	sand.u32 $0x1, s1  }
0x8c: {  	s17 =	sshll.u32 s0, $0xA;
	s2 =	sadd.s32 s3, s2  }
0x8d: {  	s2 =	sadd.s32 s2, s17  }
0x8e: {  	[smem:$0x3FBA] =	sst s2  }
0x8f: {  	_ = 	snop  }
0x90: {  	s2 =	sld [smem:$0x3FD0];
	(tm) =	ssettm $0x1  }
0x91: {  	s18 =	sld [smem:$0x3FFB];
	_ =	sdelay $0x3  }
0x92: {  	_ =	strace s18  }
0x93: {  	s3 =	sld [smem:$0x3FFC];
	_ =	sdelay $0x3  }
0x94: {  	_ =	strace s3  }
0x95: {  	s3 =	sld [smem:$0x3FFD];
	_ =	sdelay $0x3  }
0x96: {  	_ =	strace s3  }
0x97: {  	_ =	strace $0x8FFFFFFF  }
0x98: {  	s19 =	sld [smem:$0x3FDB];
	_ =	sdelay $0x1  }
0x99: {  	s4 =	simm.s32 $_scs_section_size  }
0x9a: {  	s5 =	simm.s32 $_size__tile_overlayer_lowered;
	s6 =	simm.s32 $_tile_overlayer_lowered  }
0x9b: {  	s22 =	simm.s32 $0x1BFF;
	s21 =	sshll.u32 s6, $0x1;
	s3 =	sadd.s32 s4, s19  }
0x9c: {  	s7 =	simm.s32 $0x0;
	s20 =	sshll.u32 s5, $0x1;
	s5 =	sadd.s32 s21, s3  }
0x9d: {  	[timem:s7], [sflag:s22] =	dma.local [hbm:s5], s20  }
0x9e: {  	_ =	swait.ge [sflag:s22], s20  }
0x9f: {  	s4 =	ssub.s32 $0x0, s20;
	[sflag:s22] =	ssyncset.done $0x0  }
0xa0: {  	[sflag:s22] =	ssyncadd.s32 s4;
	_ =	sdelay $0x1  }
0xa1: {  	s23 =	simm.s32 $0x1B8B  }
0xa2: {  	_ =	swait.ge [sflag:s23], $0x1  }
0xa3: {  	[sflag:s23] =	ssyncset.done $0x0  }
0xa4: {  	s25 =	simm.s32 $0x1B8E;
	s24 =	sld [smem:$0x3FFE];
	[sflag:s23] =	ssyncadd.s32 $0xFFFFFFFF  }
0xa5: {  	s26 =	simm.s32 $execute0_lowered;
	[smem:$0x3FD2] =	sst s25  }
0xa6: {  	s5 =	sshll.u32 s26, $0x1;
	_ =	strace $0x80000052;
	[dreg:$0x1] =	wrdreg $0xFFFFFFFF  }
0xa7: {  	s28 =	simm.s32 $_size_execute0_lowered;
	s3 =	sadd.s32 s3, s5;
	[dreg:$0x0] =	wrdreg $0x0  }
0xa8: {  	s5 =	sshll.u32 s28, $0x1;
	[dreg:$0x2] =	wrdreg s3  }
0xa9: {  	[dreg:$0x3] =	wrdreg s5  }
0xaa: {  	[dreg:$0x4] =	wrdreg $0xC0  }
0xab: {  	_ =	task [dreg:s7], $0x5FFFF  }
0xac: {  	[dreg:$0x1] =	wrdreg $0xFFFFFFFF  }
0xad: {  	[dreg:$0x0] =	wrdreg $0x60  }
0xae: {  	[dreg:$0x2] =	wrdreg s24  }
0xaf: {  	[dreg:$0x3] =	wrdreg s2  }
0xb0: {  	[dreg:$0x4] =	wrdreg $0x8D400  }
0xb1: {  	[dreg:$0x5] =	wrdreg $0xB5400  }
0xb2: {  	[dreg:$0x6] =	wrdreg $0x9  }
0xb3: {  	_ =	task.clear_ibuf [dreg:s7], $0x7FFFF;
	_ =	strace $0x90000052  }
0xb4: {  	s29 =	simm.s32 $0x9;
	_ =	strace $0x80000054  }
0xb5: {  	_ =	swait.ge [sflag:s29], $0x1  }
0xb6: {  	[sflag:s29] =	ssyncadd.s32 $0xFFFFFFFF  }
0xb7: {  	_ =	strace $0x90000054  }
0xb8: {  	_ =	sfence  }
0xb9: {  	s30 =	sld [smem:$0x0];
	_ =	sdelay $0x2  }
0xba: {  	s31 =	sshll.u32 s1, $0xD;
	s1 =	sshrl.u32 s1, $0x2  }
0xbb: {  	s3 =	sand.u32 $0x4000, s31;
	s1 =	sadd.s32 s1, s30  }
0xbc: {  	s0 =	sor.u32 s3, s0;
	s1 =	sshll.u32 s1, $0x11  }
0xbd: {  	s0 =	sor.u32 s1, s0  }
0xbe: {  	s0 =	sadd.s32 $0x8F2B, s0  }
0xbf: {  	[sflag:s0] =	ssyncadd.remote.s32 $0x1  }
0xc0: {  	_ =	sfence.sel $0xFFFF  }
0xc1: {  	[dreg:$0x0] =	wrdreg $0xFFFFFFFF;
	(pc) =	sbr.abs _section_cstart, $3  }
0xc2: {  	[dreg:$0x1] =	wrdreg $0xFFFFFFFF  }
0xc3: {  	_ =	task.clear_ibuf [dreg:s7], $0x2FFFF;
	_ =	strace $0x9FFFFFFF  }
0xc4: {  	(tm) =	ssettm $0x7FFFFFFF  }
0xc5: {  	_ =	shalt  }
tec
execute0_lowered:
.L_overlay_start_1:
0x0: {  	(tag) =	ssettag $0x1  }
0x1: {  	s5 =	rddreg [dreg:$0x0]  }
0x2: {  	s10 =	rddreg [dreg:$0x1]  }
0x3: {  	s2 =	rddreg [dreg:$0x2]  }
0x4: {  	s3 =	rddreg [dreg:$0x3];
	s4 =	srdreg.scid  }
0x5: {  	s0 =	rddreg [dreg:$0x4];
	s1 =	stileid.u32  }
0x6: {  	s16 =	simm.s32 $0x4EC0;
	s17 =	simm.s32 $0x2;
	s18 =	simm.s32 $0x4CC8  }
0x7: {  	s19 =	simm.s32 $0x6E00;
	s20 =	simm.s32 $0x0;
	s6 =	sand.u32 $0x1, s4  }
0x8: {  	s4 =	simm.s32 $0x0;
	s7 =	smul.u32 $0x2800, s1;
	s31 =	sshll.u32 s1, $0x6  }
0x9: {  	s8 =	sshll.u32 s6, $0x4;
	[smem:$0x7FF] =	sst s4;
	s11 =	ssub.s32 $0x2, s6  }
0xa: {  	s29 =	smul.u32 $0x28000, s6;
	s6 =	sor.u32 $0x1C03, s31;
	s8 =	sor.u32 s1, s8  }
0xb: {  	s9 =	sshrl.u32 s7, $0x3;
	_ =	strace $0x80000053;
	s12 =	sshrl.u32 s11, $0x1  }
0xc: {  	s30 =	sadd.s32 s7, s2;
	s14 =	sadd.s32 s7, s3;
	s8 =	smul.u32 $0x4EC, s8  }
0xd: {  	s9 =	sadd.s32 s9, s5;
	s11 =	ssub.s32 s11, s12;
	s15 =	sadd.s32 s7, s29  }
0xe: {  	s12 =	sshrl.u32 s30, $0x3;
	s14 =	sshrl.u32 s14, $0x3;
	s7 =	sadd.s32 $0x1EE00, s9  }
0xf: {  	s15 =	sshrl.u32 s15, $0x3;
	s11 =	smax.u32 s11, $0x1;
	s13 =	sadd.s32 s8, s5  }
0x10: {  	s5 =	sadd.s32 $0xFC00, s9;
	s10 =	sadd.s32 s10, s15;
	s15 =	simm.s32 $0x1F4  }
0x11: {  	s8 =	sadd.s32 $0x15000, s13;
	s9 =	sadd.s32 $0x5E00, s13;
	s13 =	simm.s32 $0x3  }
.LBB2_1:
0x12: {  	[spmem:s12], [sflag:s6] =	dma.local [hbm:s5], $0x500  }
0x13: {  	_ =	swait.ge [sflag:s13], $0x500  }
0x14: {  	[sflag:s13] =	ssyncset.done $0x0  }
0x15: {  	[sflag:s13] =	ssyncadd.s32 $0xFFFFFB00  }
0x16: {  	[spmem:s14], [sflag:s6] =	dma.local [hbm:s7], $0x500  }
0x17: {  	_ =	swait.ge [sflag:s13], $0x500  }
0x18: {  	[sflag:s13] =	ssyncset.done $0x0  }
0x19: {  	[sflag:s13] =	ssyncadd.s32 $0xFFFFFB00  }
0x1a: {  	[tilespmem:s4], [sflag:$0x3] =	stream.linear.gather [hbm4b:s8+s4], $0x2760, $0x38;
	[tilespmem:$0xDD40] =	vst v63  }
0x1b: {  	_ =	swait.ge [sflag:s13], $0x2760  }
0x1c: {  	[sflag:s13] =	ssyncset.done $0x0  }
0x1d: {  	s21 =	simm.s32 $0x2760;
	s22 =	simm.s32 $0x1;
	[sflag:s13] =	ssyncadd.s32 $0xFFFFD8A0  }
0x1e: {  	[tilespmem:s21], [sflag:$0x3] =	stream.linear.gather [hbm4b:s9+s4], $0x2760, $0x38;
	[tilespmem:$0xDD40] =	vst v63  }
0x1f: {  	s24 =	sand.u32 $0x1, s22;
	_ =	swait.ge [sflag:s13], $0x2760  }
0x20: {  	s25 =	smul.u32 $0x7D00, s24;
	[sflag:s13] =	ssyncset.done $0x0  }
0x21: {  	s23 =	simm.s32 $0x1F8;
	[sflag:s13] =	ssyncadd.s32 $0xFFFFD8A0  }
0x22: {  	s26 =	sand.u32 $0x1, s4;
	s25 =	sshrl.u32 s25, $0x2;
	[bflag:$0x0] =	sbarrier.arrive $0xFFFF  }
0x23: {  	[tilespmem:s16], [sflag:$0x1] =	stream.indirect.gather [spmem:s3], $0x10, s4, s15, $0xb8;
	[tilespmem:$0xDD40] =	vst v63  }
0x24: {  	s28 =	smul.u32 $0x7D00, s26;
	s24 =	sadd.s32 $0x1, s24;
	s25 =	sadd.s32 $0x4EC0, s25  }
0x25: {  	[tilespmem:s25], [sflag:s24] =	stream.indirect.gather [spmem:s3], $0x10, s23, s15, $0xb8;
	[tilespmem:$0xDD40] =	vst v63  }
0x26: {  	s24 =	sadd.s32 $0x1, s26  }
0x27: {  	s25 =	sshrl.u32 s28, $0x2;
	_ =	swait.ge [sflag:s24], $0x1F40  }
.LBB2_2:
0x28: {  	p0 =	sne.s32 s22, $0x12;
	s26 =	smov.u32 s22;
	s22 =	sadd.s32 $0x1, s22  }
0x29: {  	[sflag:s24] =	ssyncset.done $0x0  }
0x2a: {  	s28 =	sand.u32 $0x1, s22;
	[sflag:s24] =	ssyncadd.s32 $0xFFFFE0C0  }
0x2b: {  	s25 =	sadd.s32 $0x4EC0, s25;
	s23 =	sadd.s32 $0x1F8, s23;
	s24 =	smul.u32 $0x7D00, s28  }
0x2c: {  	[spmem:s2] =	stream.indirect.scatter.add.f32 [tilespmem:s25], [sflag:$0x3], $0x10, s21, s15, $0xb8;
	[tilespmem:$0xDD40] =	vst v63  }
0x2d: {  	s24 =	sshrl.u32 s24, $0x2  }
.Ltmp0:
0x2e: {  	s25 =	sand.u32 $0x1, s26;
	_ =	swait.ge [sflag:s13], $0x1F40;
	(pc) =	sbr.rel @p0 .LBB2_2-.Ltmp0, $4  }
0x2f: {  	s28 =	sadd.s32 $0x1, s28;
	s26 =	sadd.s32 $0x4EC0, s24;
	[sflag:s13] =	ssyncset.done $0x0  }
0x30: {  	s29 =	smul.u32 $0x7D00, s25;
	s24 =	sadd.s32 $0x1, s25;
	[sflag:s13] =	ssyncadd.s32 $0xFFFFE0C0  }
0x31: {  	[tilespmem:s26], [sflag:s28] =	stream.indirect.gather [spmem:s3], $0x10, s23, s15, $0xb8;
	[tilespmem:$0xDD40] =	vst v63  }
0x32: {  	s21 =	sadd.s32 $0x1F8, s21;
	s25 =	sshrl.u32 s29, $0x2;
	_ =	swait.ge [sflag:s24], $0x1F40  }
0x33: {  	[sflag:s24] =	ssyncset.done $0x0  }
0x34: {  	s22 =	sadd.s32 $0x4EC0, s25;
	[sflag:s24] =	ssyncadd.s32 $0xFFFFE0C0  }
0x35: {  	[spmem:s2] =	stream.indirect.scatter.add.f32 [tilespmem:s22], [sflag:$0x3], $0x10, s21, s15, $0xb8;
	[tilespmem:$0xDD40] =	vst v63  }
0x36: {  	_ =	swait.ge [sflag:s13], $0x1F40  }
0x37: {  	[sflag:s13] =	ssyncset.done $0x0  }
0x38: {  	[sflag:s13] =	ssyncadd.s32 $0xFFFFE0C0  }
0x39: {  	_ =	swait.ge [sflag:s17], $0x1F40  }
0x3a: {  	[sflag:s17] =	ssyncset.done $0x0  }
0x3b: {  	[sflag:s17] =	ssyncadd.s32 $0xFFFFE0C0  }
0x3c: {  	[spmem:s2] =	stream.indirect.scatter.add.f32 [tilespmem:s19], [sflag:$0x3], $0x10, s18, s15, $0xb8;
	[tilespmem:$0xDD40] =	vst v63  }
0x3d: {  	_ =	swait.ge [sflag:s13], $0x1F40  }
0x3e: {  	s20 =	sadd.s32 $0x1, s20;
	[sflag:s13] =	ssyncset.done $0x0  }
0x3f: {  	p0 =	sne.s32 s20, s11;
	[sflag:s13] =	ssyncadd.s32 $0xFFFFE0C0  }
.Ltmp1:
0x40: {  	[bflag:$0x0] =	sbarrier.arrive $0xFFFF;
	(pc) =	sbr.rel @p0 .LBB2_1-.Ltmp1, $4  }
0x41: {  	[hbm:s10], [sflag:s6] =	dma.local [spmem:s12], $0x500  }
0x42: {  	_ =	swait.ge [sflag:s13], $0x500  }
0x43: {  	[sflag:s13] =	ssyncset.done $0x0  }
0x44: {  	[sflag:s13] =	ssyncadd.s32 $0xFFFFFB00  }
0x45: {  	_ =	sfence.sel $0x180000  }
0x46: {  	[bflag:$0x0] =	sbarrier.arrive $0xFFFF  }
0x47: {  	p0 =	sne.s32 s1, $0x0;
	_ =	strace $0x90000053  }
0x48: {  	s0 =	sadd.s32 @!p0 $0x100000, s0;
	[bflag:$0x2] =	sbarrier.arrive $0xFFFF  }
0x49: {  	[sflag:s0] =	ssyncadd.tile.s32 @!p0 $0x1;
	_ =	shalt  }
.Lfunc_end2:
_tile_overlayer_lowered:
.L_overlay_start_2:
0x4a: {  	(tag) =	ssettag $0x2  }
0x4b: {  	s0 =	rddreg [dreg:$0x0];
	s2 =	stileid.u32  }
0x4c: {  	s1 =	rddreg [dreg:$0x1];
	p0 =	sne.s32 s2, $0x0  }
0x4d: {  	s3 =	rddreg [dreg:$0x2];
	[bflag:$0x3] =	sbarrier.arrive $0xFFFF;
	s2 =	simm.s32 @!p0 $0x1C03  }
0x4e: {  	[timem:s3], [sflag:s2] =	dma.local @!p0 [hbm:s0], s1  }
0x4f: {  	s0 =	simm.s32 @!p0 $0x3  }
0x50: {  	_ =	swait.ge @!p0 [sflag:s0], s1  }
0x51: {  	s1 =	ssub.s32 @!p0 $0x0, s1;
	[sflag:s0] =	ssyncset.done @!p0 $0x0  }
0x52: {  	[sflag:s0] =	ssyncadd.s32 @!p0 s1  }
0x53: {  	[bflag:$0x3] =	sbarrier.arrive $0xFFFF  }
0x54: {  	_ =	shalt  }

// kernel: _run.32.cloned.1.call-start
scs
__scs_entry_jumppad:
0x0: {  	(pc) =	sbr.rel $0x88, $3  }
0x1: {  	(tag) =	ssettag $0x0;
	lr =	simm.s32 $0x1  }
0x2: {  	[smem:$0x3F93] =	sst lr;
	_ =	strace $0xD0000000  }
0x3: {  	_ = 	snop  }
0x4: {  	_ = 	snop  }
0x5: {  	_ = 	snop  }
0x6: {  	_ = 	snop  }
0x7: {  	_ = 	snop  }
__scs_overlays_trampoline_lowered:
0x8: {  	[smem:$0x3FA2] =	sst s0  }
0x9: {  	[smem:$0x3FA3] =	sst s1  }
0xa: {  	[smem:$0x3FA4] =	sst s2  }
0xb: {  	[smem:$0x3FA5] =	sst s3  }
0xc: {  	[smem:$0x3FA6] =	sst s4  }
0xd: {  	[smem:$0x3FA7] =	sst s5  }
0xe: {  	[smem:$0x3FA8] =	sst s6  }
0xf: {  	[smem:$0x3FA9] =	sst s7  }
0x10: {  	[smem:$0x3FAA] =	sst s8  }
0x11: {  	[smem:$0x3FAB] =	sst s9;
	s0 =	simm.s32 @!p0 $0x0  }
0x12: {  	s1 =	sld [smem:$0x3F91];
	s0 =	simm.s32 @p0 $0x1  }
0x13: {  	[smem:$0x3FAC] =	sst s0;
	s0 =	simm.s32 @!p1 $0x0  }
0x14: {  	s2 =	sld [smem:$0x3F90];
	s0 =	simm.s32 @p1 $0x1  }
0x15: {  	[smem:$0x3FAD] =	sst s0;
	s0 =	simm.s32 @!p2 $0x0  }
0x16: {  	s3 =	sld [smem:$0x3FDB];
	s0 =	simm.s32 @p2 $0x1  }
0x17: {  	s4 =	simm.s32 $0x1BF5;
	[smem:$0x3FAF] =	sst s0  }
0x18: {  	s0 =	sld [smem:$0x3F92];
	_ =	swait.ge [sflag:s4], $0x0  }
0x19: {  	s7 =	sld [smem:$0x3F93]  }
0x1a: {  	s8 =	sadd.s32 $0xFFFFE003, lr  }
0x1b: {  	s9 =	sadd.s32 $0xFFFFFEF7, lr;
	s5 =	simm.s32 $0xFFFFFFFF;
	p2 =	slt.u32 s8, $0xFFFFF086  }
0x1c: {  	p1 =	slt.u32 s9, $0xF7A;
	s5 =	simm.s32 @!p2 $0x0  }
0x1d: {  	s5 =	simm.s32 @p1 $0x1;
	p0 =	seq.s32 s7, s2  }
0x1e: {  	s7 =	smul.u32 @!p0 $0xF7A, s2;
	p2 =	seq.s32 @!p0 s5, $0x0  }
0x1f: {  	s9 =	smul.u32 $0xF7A, s1;
	s8 =	simm.s32 @!p0 $0x1BF5;
	p2 =	por !p2, p0  }
0x20: {  	[sflag:s8] =	ssyncset.s32 @!p0 $0xFFFFF086;
	s6 =	sadd.s32 @!p0 s3, s7;
	s7 =	simm.s32 @!p0 $0x108  }
0x21: {  	s3 =	sadd.s32 s3, s9;
	s6 =	sadd.s32 @!p0 $0x88, s6;
	s7 =	simm.s32 @p2 $0x1082  }
0x22: {  	[simem:s7], [sflag:s8] =	dma.local @!p0 [hbm:s6], $0xF7A  }
0x23: {  	s9 =	sor.u32 $0xD0000000, s2;
	s6 =	simm.s32 $0x108;
	_ =	swait.ge @!p0 [sflag:s8], $0x0  }
0x24: {  	s3 =	sadd.s32 $0x88, s3;
	s6 =	simm.s32 @!p1 $0x1082;
	[sflag:s4] =	ssyncset.s32 $0xFFFFF086  }
0x25: {  	[simem:s6], [sflag:s4] =	dma.local [hbm:s3], $0xF7A  }
0x26: {  	[smem:$0x3F93] =	sst s1;
	(tag) =	ssettag s2;
	_ =	strace s9  }
0x27: {  	s1 =	sld [smem:$0x3FA3]  }
0x28: {  	s2 =	sld [smem:$0x3FA4]  }
0x29: {  	s4 =	sld [smem:$0x3FA6]  }
0x2a: {  	p0 =	seq.s32 s5, $0x0;
	s5 =	sld [smem:$0x3FA7]  }
0x2b: {  	s6 =	sld [smem:$0x3FA8]  }
0x2c: {  	s7 =	sld [smem:$0x3FA9]  }
0x2d: {  	s3 =	simm.s32 $0x108;
	s8 =	sld [smem:$0x3FAA]  }
0x2e: {  	s3 =	simm.s32 @!p0 $0x1082;
	s9 =	sld [smem:$0x3FAB]  }
0x2f: {  	lr =	sadd.s32 s0, s3;
	s0 =	sld [smem:$0x3FA2]  }
0x30: {  	s3 =	sld [smem:$0x3FA5]  }
0x31: {  	[smem:$0x3FAE] =	sst s10  }
0x32: {  	s10 =	sld [smem:$0x3FAC];
	_ =	sdelay $0x3  }
0x33: {  	p0 =	seq.s32 s10, $0x1;
	s10 =	sld [smem:$0x3FAE];
	_ =	sdelay $0x3  }
0x34: {  	[smem:$0x3FAE] =	sst s10  }
0x35: {  	s10 =	sld [smem:$0x3FAD];
	_ =	sdelay $0x3  }
0x36: {  	p1 =	seq.s32 s10, $0x1;
	s10 =	sld [smem:$0x3FAE];
	_ =	sdelay $0x3  }
0x37: {  	[smem:$0x3FAE] =	sst s10  }
0x38: {  	s10 =	sld [smem:$0x3FAF]  }
0x39: {  	_ = 	snop;
	(pc) =	sbr.ind lr, $3  }
0x3a: {  	_ = 	snop  }
0x3b: {  	_ = 	snop  }
0x3c: {  	p2 =	seq.s32 s10, $0x1;
	s10 =	sld [smem:$0x3FAE]  }
0x3d: {  	_ =	shalt  }
0x3e: {  	_ =	shalt  }
0x3f: {  	_ =	shalt  }
0x40: {  	_ =	shalt  }
0x41: {  	_ =	shalt  }
0x42: {  	_ =	shalt  }
0x43: {  	_ =	shalt  }
0x44: {  	_ =	shalt  }
0x45: {  	_ =	shalt  }
0x46: {  	_ =	shalt  }
0x47: {  	_ =	shalt  }
0x48: {  	_ =	shalt  }
0x49: {  	_ =	shalt  }
0x4a: {  	_ =	shalt  }
0x4b: {  	_ =	shalt  }
0x4c: {  	_ =	shalt  }
0x4d: {  	_ =	shalt  }
0x4e: {  	_ =	shalt  }
0x4f: {  	_ =	shalt  }
0x50: {  	_ =	shalt  }
0x51: {  	_ =	shalt  }
0x52: {  	_ =	shalt  }
0x53: {  	_ =	shalt  }
0x54: {  	_ =	shalt  }
0x55: {  	_ =	shalt  }
0x56: {  	_ =	shalt  }
0x57: {  	_ =	shalt  }
0x58: {  	_ =	shalt  }
0x59: {  	_ =	shalt  }
0x5a: {  	_ =	shalt  }
0x5b: {  	_ =	shalt  }
0x5c: {  	_ =	shalt  }
0x5d: {  	_ =	shalt  }
0x5e: {  	_ =	shalt  }
0x5f: {  	_ =	shalt  }
0x60: {  	_ =	shalt  }
0x61: {  	_ =	shalt  }
0x62: {  	_ =	shalt  }
0x63: {  	_ =	shalt  }
0x64: {  	_ =	shalt  }
0x65: {  	_ =	shalt  }
0x66: {  	_ =	shalt  }
0x67: {  	_ =	shalt  }
0x68: {  	_ =	shalt  }
0x69: {  	_ =	shalt  }
0x6a: {  	_ =	shalt  }
0x6b: {  	_ =	shalt  }
0x6c: {  	_ =	shalt  }
0x6d: {  	_ =	shalt  }
0x6e: {  	_ =	shalt  }
0x6f: {  	_ =	shalt  }
0x70: {  	_ =	shalt  }
0x71: {  	_ =	shalt  }
0x72: {  	_ =	shalt  }
0x73: {  	_ =	shalt  }
0x74: {  	_ =	shalt  }
0x75: {  	_ =	shalt  }
0x76: {  	_ =	shalt  }
0x77: {  	_ =	shalt  }
0x78: {  	_ =	shalt  }
0x79: {  	_ =	shalt  }
0x7a: {  	_ =	shalt  }
0x7b: {  	_ =	shalt  }
0x7c: {  	_ =	shalt  }
0x7d: {  	_ =	shalt  }
0x7e: {  	_ =	shalt  }
0x7f: {  	_ =	shalt  }
0x80: {  	_ =	shalt  }
0x81: {  	_ =	shalt  }
0x82: {  	_ =	shalt  }
0x83: {  	_ =	shalt  }
0x84: {  	_ =	shalt  }
0x85: {  	_ =	shalt  }
0x86: {  	_ =	shalt  }
0x87: {  	_ =	shalt  }
.Lfunc_end0:
.L_simem_size_0:
called_computation.5_lowered:
.L_overlay_start_0:
0x88: {  	s2 =	sld [smem:$0x3FD9]  }
0x89: {  	s3 =	sld [smem:$0x3FFE];
	_ =	sdelay $0x1  }
0x8a: {  	s1 =	srdreg.scid  }
0x8b: {  	s0 =	sand.u32 $0x1, s1  }
0x8c: {  	s17 =	sshll.u32 s0, $0xA;
	s2 =	sadd.s32 s3, s2  }
0x8d: {  	s2 =	sadd.s32 s2, s17  }
0x8e: {  	[smem:$0x3FBA] =	sst s2  }
0x8f: {  	_ = 	snop  }
0x90: {  	s2 =	sld [smem:$0x3FD0];
	(tm) =	ssettm $0x1  }
0x91: {  	s18 =	sld [smem:$0x3FFB];
	_ =	sdelay $0x3  }
0x92: {  	_ =	strace s18  }
0x93: {  	s3 =	sld [smem:$0x3FFC];
	_ =	sdelay $0x3  }
0x94: {  	_ =	strace s3  }
0x95: {  	s3 =	sld [smem:$0x3FFD];
	_ =	sdelay $0x3  }
0x96: {  	_ =	strace s3  }
0x97: {  	_ =	strace $0x8FFFFFFF  }
0x98: {  	s19 =	sld [smem:$0x3FDB];
	_ =	sdelay $0x1  }
0x99: {  	s4 =	simm.s32 $_scs_section_size  }
0x9a: {  	s5 =	simm.s32 $_size__tile_overlayer_lowered;
	s6 =	simm.s32 $_tile_overlayer_lowered  }
0x9b: {  	s22 =	simm.s32 $0x1BFF;
	s21 =	sshll.u32 s6, $0x1;
	s3 =	sadd.s32 s4, s19  }
0x9c: {  	s7 =	simm.s32 $0x0;
	s20 =	sshll.u32 s5, $0x1;
	s5 =	sadd.s32 s21, s3  }
0x9d: {  	[timem:s7], [sflag:s22] =	dma.local [hbm:s5], s20  }
0x9e: {  	_ =	swait.ge [sflag:s22], s20  }
0x9f: {  	s4 =	ssub.s32 $0x0, s20;
	[sflag:s22] =	ssyncset.done $0x0  }
0xa0: {  	[sflag:s22] =	ssyncadd.s32 s4;
	_ =	sdelay $0x1  }
0xa1: {  	s23 =	simm.s32 $0x1B8B  }
0xa2: {  	_ =	swait.ge [sflag:s23], $0x1  }
0xa3: {  	[sflag:s23] =	ssyncset.done $0x0  }
0xa4: {  	s25 =	simm.s32 $0x1B8E;
	s24 =	sld [smem:$0x3FFE];
	[sflag:s23] =	ssyncadd.s32 $0xFFFFFFFF  }
0xa5: {  	s26 =	simm.s32 $execute0_lowered;
	[smem:$0x3FD2] =	sst s25  }
0xa6: {  	s5 =	sshll.u32 s26, $0x1;
	_ =	strace $0x80000055;
	[dreg:$0x1] =	wrdreg $0xFFFFFFFF  }
0xa7: {  	s28 =	simm.s32 $_size_execute0_lowered;
	s3 =	sadd.s32 s3, s5;
	[dreg:$0x0] =	wrdreg $0x0  }
0xa8: {  	s5 =	sshll.u32 s28, $0x1;
	[dreg:$0x2] =	wrdreg s3  }
0xa9: {  	[dreg:$0x3] =	wrdreg s5  }
0xaa: {  	[dreg:$0x4] =	wrdreg $0xC0  }
0xab: {  	_ =	task [dreg:s7], $0x5FFFF  }
0xac: {  	[dreg:$0x1] =	wrdreg $0xFFFFFFFF  }
0xad: {  	[dreg:$0x0] =	wrdreg $0x60  }
0xae: {  	[dreg:$0x2] =	wrdreg s24  }
0xaf: {  	[dreg:$0x3] =	wrdreg s2  }
0xb0: {  	[dreg:$0x4] =	wrdreg $0x8D400  }
0xb1: {  	[dreg:$0x5] =	wrdreg $0xB5400  }
0xb2: {  	[dreg:$0x6] =	wrdreg $0x9  }
0xb3: {  	_ =	task.clear_ibuf [dreg:s7], $0x7FFFF;
	_ =	strace $0x90000055  }
0xb4: {  	s29 =	simm.s32 $0x9;
	_ =	strace $0x80000057  }
0xb5: {  	_ =	swait.ge [sflag:s29], $0x1  }
0xb6: {  	[sflag:s29] =	ssyncadd.s32 $0xFFFFFFFF  }
0xb7: {  	_ =	strace $0x90000057  }
0xb8: {  	_ =	sfence  }
0xb9: {  	s30 =	sld [smem:$0x0];
	_ =	sdelay $0x2  }
0xba: {  	s31 =	sshll.u32 s1, $0xD;
	s1 =	sshrl.u32 s1, $0x2  }
0xbb: {  	s3 =	sand.u32 $0x4000, s31;
	s1 =	sadd.s32 s1, s30  }
0xbc: {  	s0 =	sor.u32 s3, s0;
	s1 =	sshll.u32 s1, $0x11  }
0xbd: {  	s0 =	sor.u32 s1, s0  }
0xbe: {  	s0 =	sadd.s32 $0x8F2B, s0  }
0xbf: {  	[sflag:s0] =	ssyncadd.remote.s32 $0x1  }
0xc0: {  	_ =	sfence.sel $0xFFFF  }
0xc1: {  	[dreg:$0x0] =	wrdreg $0xFFFFFFFF;
	(pc) =	sbr.abs _section_cstart, $3  }
0xc2: {  	[dreg:$0x1] =	wrdreg $0xFFFFFFFF  }
0xc3: {  	_ =	task.clear_ibuf [dreg:s7], $0x2FFFF;
	_ =	strace $0x9FFFFFFF  }
0xc4: {  	(tm) =	ssettm $0x7FFFFFFF  }
0xc5: {  	_ =	shalt  }
tec
execute0_lowered:
.L_overlay_start_1:
0x0: {  	(tag) =	ssettag $0x1  }
0x1: {  	s5 =	rddreg [dreg:$0x0]  }
0x2: {  	s10 =	rddreg [dreg:$0x1]  }
0x3: {  	s2 =	rddreg [dreg:$0x2]  }
0x4: {  	s3 =	rddreg [dreg:$0x3];
	s4 =	srdreg.scid  }
0x5: {  	s0 =	rddreg [dreg:$0x4];
	s1 =	stileid.u32  }
0x6: {  	s16 =	simm.s32 $0x4EC0;
	s17 =	simm.s32 $0x2;
	s18 =	simm.s32 $0x4CC8  }
0x7: {  	s19 =	simm.s32 $0x6E00;
	s20 =	simm.s32 $0x0;
	s6 =	sand.u32 $0x1, s4  }
0x8: {  	s4 =	simm.s32 $0x0;
	s7 =	smul.u32 $0x2800, s1;
	s31 =	sshll.u32 s1, $0x6  }
0x9: {  	s8 =	sshll.u32 s6, $0x4;
	[smem:$0x7FF] =	sst s4;
	s11 =	ssub.s32 $0x2, s6  }
0xa: {  	s29 =	smul.u32 $0x28000, s6;
	s6 =	sor.u32 $0x1C03, s31;
	s8 =	sor.u32 s1, s8  }
0xb: {  	s9 =	sshrl.u32 s7, $0x3;
	_ =	strace $0x80000056;
	s12 =	sshrl.u32 s11, $0x1  }
0xc: {  	s30 =	sadd.s32 s7, s2;
	s14 =	sadd.s32 s7, s3;
	s8 =	smul.u32 $0x4EC, s8  }
0xd: {  	s9 =	sadd.s32 s9, s5;
	s11 =	ssub.s32 s11, s12;
	s15 =	sadd.s32 s7, s29  }
0xe: {  	s12 =	sshrl.u32 s30, $0x3;
	s14 =	sshrl.u32 s14, $0x3;
	s7 =	sadd.s32 $0x1EE00, s9  }
0xf: {  	s15 =	sshrl.u32 s15, $0x3;
	s11 =	smax.u32 s11, $0x1;
	s13 =	sadd.s32 s8, s5  }
0x10: {  	s5 =	sadd.s32 $0xFC00, s9;
	s10 =	sadd.s32 s10, s15;
	s15 =	simm.s32 $0x1F4  }
0x11: {  	s8 =	sadd.s32 $0x15000, s13;
	s9 =	sadd.s32 $0x5E00, s13;
	s13 =	simm.s32 $0x3  }
.LBB2_1:
0x12: {  	[spmem:s12], [sflag:s6] =	dma.local [hbm:s5], $0x500  }
0x13: {  	_ =	swait.ge [sflag:s13], $0x500  }
0x14: {  	[sflag:s13] =	ssyncset.done $0x0  }
0x15: {  	[sflag:s13] =	ssyncadd.s32 $0xFFFFFB00  }
0x16: {  	[spmem:s14], [sflag:s6] =	dma.local [hbm:s7], $0x500  }
0x17: {  	_ =	swait.ge [sflag:s13], $0x500  }
0x18: {  	[sflag:s13] =	ssyncset.done $0x0  }
0x19: {  	[sflag:s13] =	ssyncadd.s32 $0xFFFFFB00  }
0x1a: {  	[tilespmem:s4], [sflag:$0x3] =	stream.linear.gather [hbm4b:s8+s4], $0x2760, $0x38;
	[tilespmem:$0xDD40] =	vst v63  }
0x1b: {  	_ =	swait.ge [sflag:s13], $0x2760  }
0x1c: {  	[sflag:s13] =	ssyncset.done $0x0  }
0x1d: {  	s21 =	simm.s32 $0x2760;
	s22 =	simm.s32 $0x1;
	[sflag:s13] =	ssyncadd.s32 $0xFFFFD8A0  }
0x1e: {  	[tilespmem:s21], [sflag:$0x3] =	stream.linear.gather [hbm4b:s9+s4], $0x2760, $0x38;
	[tilespmem:$0xDD40] =	vst v63  }
0x1f: {  	s24 =	sand.u32 $0x1, s22;
	_ =	swait.ge [sflag:s13], $0x2760  }
0x20: {  	s25 =	smul.u32 $0x7D00, s24;
	[sflag:s13] =	ssyncset.done $0x0  }
0x21: {  	s23 =	simm.s32 $0x1F8;
	[sflag:s13] =	ssyncadd.s32 $0xFFFFD8A0  }
0x22: {  	s26 =	sand.u32 $0x1, s4;
	s25 =	sshrl.u32 s25, $0x2;
	[bflag:$0x0] =	sbarrier.arrive $0xFFFF  }
0x23: {  	[tilespmem:s16], [sflag:$0x1] =	stream.indirect.gather [spmem:s3], $0x10, s4, s15, $0xb8;
	[tilespmem:$0xDD40] =	vst v63  }
0x24: {  	s28 =	smul.u32 $0x7D00, s26;
	s24 =	sadd.s32 $0x1, s24;
	s25 =	sadd.s32 $0x4EC0, s25  }
0x25: {  	[tilespmem:s25], [sflag:s24] =	stream.indirect.gather [spmem:s3], $0x10, s23, s15, $0xb8;
	[tilespmem:$0xDD40] =	vst v63  }
0x26: {  	s24 =	sadd.s32 $0x1, s26  }
0x27: {  	s25 =	sshrl.u32 s28, $0x2;
	_ =	swait.ge [sflag:s24], $0x1F40  }
.LBB2_2:
0x28: {  	p0 =	sne.s32 s22, $0x12;
	s26 =	smov.u32 s22;
	s22 =	sadd.s32 $0x1, s22  }
0x29: {  	[sflag:s24] =	ssyncset.done $0x0  }
0x2a: {  	s28 =	sand.u32 $0x1, s22;
	[sflag:s24] =	ssyncadd.s32 $0xFFFFE0C0  }
0x2b: {  	s25 =	sadd.s32 $0x4EC0, s25;
	s23 =	sadd.s32 $0x1F8, s23;
	s24 =	smul.u32 $0x7D00, s28  }
0x2c: {  	[spmem:s2] =	stream.indirect.scatter.add.f32 [tilespmem:s25], [sflag:$0x3], $0x10, s21, s15, $0xb8;
	[tilespmem:$0xDD40] =	vst v63  }
0x2d: {  	s24 =	sshrl.u32 s24, $0x2  }
.Ltmp0:
0x2e: {  	s25 =	sand.u32 $0x1, s26;
	_ =	swait.ge [sflag:s13], $0x1F40;
	(pc) =	sbr.rel @p0 .LBB2_2-.Ltmp0, $4  }
0x2f: {  	s28 =	sadd.s32 $0x1, s28;
	s26 =	sadd.s32 $0x4EC0, s24;
	[sflag:s13] =	ssyncset.done $0x0  }
0x30: {  	s29 =	smul.u32 $0x7D00, s25;
	s24 =	sadd.s32 $0x1, s25;
	[sflag:s13] =	ssyncadd.s32 $0xFFFFE0C0  }
0x31: {  	[tilespmem:s26], [sflag:s28] =	stream.indirect.gather [spmem:s3], $0x10, s23, s15, $0xb8;
	[tilespmem:$0xDD40] =	vst v63  }
0x32: {  	s21 =	sadd.s32 $0x1F8, s21;
	s25 =	sshrl.u32 s29, $0x2;
	_ =	swait.ge [sflag:s24], $0x1F40  }
0x33: {  	[sflag:s24] =	ssyncset.done $0x0  }
0x34: {  	s22 =	sadd.s32 $0x4EC0, s25;
	[sflag:s24] =	ssyncadd.s32 $0xFFFFE0C0  }
0x35: {  	[spmem:s2] =	stream.indirect.scatter.add.f32 [tilespmem:s22], [sflag:$0x3], $0x10, s21, s15, $0xb8;
	[tilespmem:$0xDD40] =	vst v63  }
0x36: {  	_ =	swait.ge [sflag:s13], $0x1F40  }
0x37: {  	[sflag:s13] =	ssyncset.done $0x0  }
0x38: {  	[sflag:s13] =	ssyncadd.s32 $0xFFFFE0C0  }
0x39: {  	_ =	swait.ge [sflag:s17], $0x1F40  }
0x3a: {  	[sflag:s17] =	ssyncset.done $0x0  }
0x3b: {  	[sflag:s17] =	ssyncadd.s32 $0xFFFFE0C0  }
0x3c: {  	[spmem:s2] =	stream.indirect.scatter.add.f32 [tilespmem:s19], [sflag:$0x3], $0x10, s18, s15, $0xb8;
	[tilespmem:$0xDD40] =	vst v63  }
0x3d: {  	_ =	swait.ge [sflag:s13], $0x1F40  }
0x3e: {  	s20 =	sadd.s32 $0x1, s20;
	[sflag:s13] =	ssyncset.done $0x0  }
0x3f: {  	p0 =	sne.s32 s20, s11;
	[sflag:s13] =	ssyncadd.s32 $0xFFFFE0C0  }
.Ltmp1:
0x40: {  	[bflag:$0x0] =	sbarrier.arrive $0xFFFF;
	(pc) =	sbr.rel @p0 .LBB2_1-.Ltmp1, $4  }
0x41: {  	[hbm:s10], [sflag:s6] =	dma.local [spmem:s12], $0x500  }
0x42: {  	_ =	swait.ge [sflag:s13], $0x500  }
0x43: {  	[sflag:s13] =	ssyncset.done $0x0  }
0x44: {  	[sflag:s13] =	ssyncadd.s32 $0xFFFFFB00  }
0x45: {  	_ =	sfence.sel $0x180000  }
0x46: {  	[bflag:$0x0] =	sbarrier.arrive $0xFFFF  }
0x47: {  	p0 =	sne.s32 s1, $0x0;
	_ =	strace $0x90000056  }
0x48: {  	s0 =	sadd.s32 @!p0 $0x100000, s0;
	[bflag:$0x2] =	sbarrier.arrive $0xFFFF  }
0x49: {  	[sflag:s0] =	ssyncadd.tile.s32 @!p0 $0x1;
	_ =	shalt  }
.Lfunc_end2:
_tile_overlayer_lowered:
.L_overlay_start_2:
0x4a: {  	(tag) =	ssettag $0x2  }
0x4b: {  	s0 =	rddreg [dreg:$0x0];
	s2 =	stileid.u32  }
0x4c: {  	s1 =	rddreg [dreg:$0x1];
	p0 =	sne.s32 s2, $0x0  }
0x4d: {  	s3 =	rddreg [dreg:$0x2];
	[bflag:$0x3] =	sbarrier.arrive $0xFFFF;
	s2 =	simm.s32 @!p0 $0x1C03  }
0x4e: {  	[timem:s3], [sflag:s2] =	dma.local @!p0 [hbm:s0], s1  }
0x4f: {  	s0 =	simm.s32 @!p0 $0x3  }
0x50: {  	_ =	swait.ge @!p0 [sflag:s0], s1  }
0x51: {  	s1 =	ssub.s32 @!p0 $0x0, s1;
	[sflag:s0] =	ssyncset.done @!p0 $0x0  }
0x52: {  	[sflag:s0] =	ssyncadd.s32 @!p0 s1  }
0x53: {  	[bflag:$0x3] =	sbarrier.arrive $0xFFFF  }
0x54: {  	_ =	shalt  }

// kernel: _run.35.cloned.1.call-start
scs
__scs_entry_jumppad:
0x0: {  	(pc) =	sbr.rel $0x88, $3  }
0x1: {  	(tag) =	ssettag $0x0;
	lr =	simm.s32 $0x1  }
0x2: {  	[smem:$0x3F93] =	sst lr;
	_ =	strace $0xD0000000  }
0x3: {  	_ = 	snop  }
0x4: {  	_ = 	snop  }
0x5: {  	_ = 	snop  }
0x6: {  	_ = 	snop  }
0x7: {  	_ = 	snop  }
__scs_overlays_trampoline_lowered:
0x8: {  	[smem:$0x3FA2] =	sst s0  }
0x9: {  	[smem:$0x3FA3] =	sst s1  }
0xa: {  	[smem:$0x3FA4] =	sst s2  }
0xb: {  	[smem:$0x3FA5] =	sst s3  }
0xc: {  	[smem:$0x3FA6] =	sst s4  }
0xd: {  	[smem:$0x3FA7] =	sst s5  }
0xe: {  	[smem:$0x3FA8] =	sst s6  }
0xf: {  	[smem:$0x3FA9] =	sst s7  }
0x10: {  	[smem:$0x3FAA] =	sst s8  }
0x11: {  	[smem:$0x3FAB] =	sst s9;
	s0 =	simm.s32 @!p0 $0x0  }
0x12: {  	s1 =	sld [smem:$0x3F91];
	s0 =	simm.s32 @p0 $0x1  }
0x13: {  	[smem:$0x3FAC] =	sst s0;
	s0 =	simm.s32 @!p1 $0x0  }
0x14: {  	s2 =	sld [smem:$0x3F90];
	s0 =	simm.s32 @p1 $0x1  }
0x15: {  	[smem:$0x3FAD] =	sst s0;
	s0 =	simm.s32 @!p2 $0x0  }
0x16: {  	s3 =	sld [smem:$0x3FDB];
	s0 =	simm.s32 @p2 $0x1  }
0x17: {  	s4 =	simm.s32 $0x1BF5;
	[smem:$0x3FAF] =	sst s0  }
0x18: {  	s0 =	sld [smem:$0x3F92];
	_ =	swait.ge [sflag:s4], $0x0  }
0x19: {  	s7 =	sld [smem:$0x3F93]  }
0x1a: {  	s8 =	sadd.s32 $0xFFFFE003, lr  }
0x1b: {  	s9 =	sadd.s32 $0xFFFFFEF7, lr;
	s5 =	simm.s32 $0xFFFFFFFF;
	p2 =	slt.u32 s8, $0xFFFFF086  }
0x1c: {  	p1 =	slt.u32 s9, $0xF7A;
	s5 =	simm.s32 @!p2 $0x0  }
0x1d: {  	s5 =	simm.s32 @p1 $0x1;
	p0 =	seq.s32 s7, s2  }
0x1e: {  	s7 =	smul.u32 @!p0 $0xF7A, s2;
	p2 =	seq.s32 @!p0 s5, $0x0  }
0x1f: {  	s9 =	smul.u32 $0xF7A, s1;
	s8 =	simm.s32 @!p0 $0x1BF5;
	p2 =	por !p2, p0  }
0x20: {  	[sflag:s8] =	ssyncset.s32 @!p0 $0xFFFFF086;
	s6 =	sadd.s32 @!p0 s3, s7;
	s7 =	simm.s32 @!p0 $0x108  }
0x21: {  	s3 =	sadd.s32 s3, s9;
	s6 =	sadd.s32 @!p0 $0x88, s6;
	s7 =	simm.s32 @p2 $0x1082  }
0x22: {  	[simem:s7], [sflag:s8] =	dma.local @!p0 [hbm:s6], $0xF7A  }
0x23: {  	s9 =	sor.u32 $0xD0000000, s2;
	s6 =	simm.s32 $0x108;
	_ =	swait.ge @!p0 [sflag:s8], $0x0  }
0x24: {  	s3 =	sadd.s32 $0x88, s3;
	s6 =	simm.s32 @!p1 $0x1082;
	[sflag:s4] =	ssyncset.s32 $0xFFFFF086  }
0x25: {  	[simem:s6], [sflag:s4] =	dma.local [hbm:s3], $0xF7A  }
0x26: {  	[smem:$0x3F93] =	sst s1;
	(tag) =	ssettag s2;
	_ =	strace s9  }
0x27: {  	s1 =	sld [smem:$0x3FA3]  }
0x28: {  	s2 =	sld [smem:$0x3FA4]  }
0x29: {  	s4 =	sld [smem:$0x3FA6]  }
0x2a: {  	p0 =	seq.s32 s5, $0x0;
	s5 =	sld [smem:$0x3FA7]  }
0x2b: {  	s6 =	sld [smem:$0x3FA8]  }
0x2c: {  	s7 =	sld [smem:$0x3FA9]  }
0x2d: {  	s3 =	simm.s32 $0x108;
	s8 =	sld [smem:$0x3FAA]  }
0x2e: {  	s3 =	simm.s32 @!p0 $0x1082;
	s9 =	sld [smem:$0x3FAB]  }
0x2f: {  	lr =	sadd.s32 s0, s3;
	s0 =	sld [smem:$0x3FA2]  }
0x30: {  	s3 =	sld [smem:$0x3FA5]  }
0x31: {  	[smem:$0x3FAE] =	sst s10  }
0x32: {  	s10 =	sld [smem:$0x3FAC];
	_ =	sdelay $0x3  }
0x33: {  	p0 =	seq.s32 s10, $0x1;
	s10 =	sld [smem:$0x3FAE];
	_ =	sdelay $0x3  }
0x34: {  	[smem:$0x3FAE] =	sst s10  }
0x35: {  	s10 =	sld [smem:$0x3FAD];
	_ =	sdelay $0x3  }
0x36: {  	p1 =	seq.s32 s10, $0x1;
	s10 =	sld [smem:$0x3FAE];
	_ =	sdelay $0x3  }
0x37: {  	[smem:$0x3FAE] =	sst s10  }
0x38: {  	s10 =	sld [smem:$0x3FAF]  }
0x39: {  	_ = 	snop;
	(pc) =	sbr.ind lr, $3  }
0x3a: {  	_ = 	snop  }
0x3b: {  	_ = 	snop  }
0x3c: {  	p2 =	seq.s32 s10, $0x1;
	s10 =	sld [smem:$0x3FAE]  }
0x3d: {  	_ =	shalt  }
0x3e: {  	_ =	shalt  }
0x3f: {  	_ =	shalt  }
0x40: {  	_ =	shalt  }
0x41: {  	_ =	shalt  }
0x42: {  	_ =	shalt  }
0x43: {  	_ =	shalt  }
0x44: {  	_ =	shalt  }
0x45: {  	_ =	shalt  }
0x46: {  	_ =	shalt  }
0x47: {  	_ =	shalt  }
0x48: {  	_ =	shalt  }
0x49: {  	_ =	shalt  }
0x4a: {  	_ =	shalt  }
0x4b: {  	_ =	shalt  }
0x4c: {  	_ =	shalt  }
0x4d: {  	_ =	shalt  }
0x4e: {  	_ =	shalt  }
0x4f: {  	_ =	shalt  }
0x50: {  	_ =	shalt  }
0x51: {  	_ =	shalt  }
0x52: {  	_ =	shalt  }
0x53: {  	_ =	shalt  }
0x54: {  	_ =	shalt  }
0x55: {  	_ =	shalt  }
0x56: {  	_ =	shalt  }
0x57: {  	_ =	shalt  }
0x58: {  	_ =	shalt  }
0x59: {  	_ =	shalt  }
0x5a: {  	_ =	shalt  }
0x5b: {  	_ =	shalt  }
0x5c: {  	_ =	shalt  }
0x5d: {  	_ =	shalt  }
0x5e: {  	_ =	shalt  }
0x5f: {  	_ =	shalt  }
0x60: {  	_ =	shalt  }
0x61: {  	_ =	shalt  }
0x62: {  	_ =	shalt  }
0x63: {  	_ =	shalt  }
0x64: {  	_ =	shalt  }
0x65: {  	_ =	shalt  }
0x66: {  	_ =	shalt  }
0x67: {  	_ =	shalt  }
0x68: {  	_ =	shalt  }
0x69: {  	_ =	shalt  }
0x6a: {  	_ =	shalt  }
0x6b: {  	_ =	shalt  }
0x6c: {  	_ =	shalt  }
0x6d: {  	_ =	shalt  }
0x6e: {  	_ =	shalt  }
0x6f: {  	_ =	shalt  }
0x70: {  	_ =	shalt  }
0x71: {  	_ =	shalt  }
0x72: {  	_ =	shalt  }
0x73: {  	_ =	shalt  }
0x74: {  	_ =	shalt  }
0x75: {  	_ =	shalt  }
0x76: {  	_ =	shalt  }
0x77: {  	_ =	shalt  }
0x78: {  	_ =	shalt  }
0x79: {  	_ =	shalt  }
0x7a: {  	_ =	shalt  }
0x7b: {  	_ =	shalt  }
0x7c: {  	_ =	shalt  }
0x7d: {  	_ =	shalt  }
0x7e: {  	_ =	shalt  }
0x7f: {  	_ =	shalt  }
0x80: {  	_ =	shalt  }
0x81: {  	_ =	shalt  }
0x82: {  	_ =	shalt  }
0x83: {  	_ =	shalt  }
0x84: {  	_ =	shalt  }
0x85: {  	_ =	shalt  }
0x86: {  	_ =	shalt  }
0x87: {  	_ =	shalt  }
.Lfunc_end0:
.L_simem_size_0:
called_computation.6_lowered:
.L_overlay_start_0:
0x88: {  	s2 =	sld [smem:$0x3FD9]  }
0x89: {  	s3 =	sld [smem:$0x3FFE];
	_ =	sdelay $0x1  }
0x8a: {  	s1 =	srdreg.scid  }
0x8b: {  	s0 =	sand.u32 $0x1, s1  }
0x8c: {  	s17 =	sshll.u32 s0, $0xA;
	s2 =	sadd.s32 s3, s2  }
0x8d: {  	s2 =	sadd.s32 s2, s17  }
0x8e: {  	[smem:$0x3FBA] =	sst s2  }
0x8f: {  	_ = 	snop  }
0x90: {  	s2 =	sld [smem:$0x3FD0];
	(tm) =	ssettm $0x1  }
0x91: {  	s18 =	sld [smem:$0x3FFB];
	_ =	sdelay $0x3  }
0x92: {  	_ =	strace s18  }
0x93: {  	s3 =	sld [smem:$0x3FFC];
	_ =	sdelay $0x3  }
0x94: {  	_ =	strace s3  }
0x95: {  	s3 =	sld [smem:$0x3FFD];
	_ =	sdelay $0x3  }
0x96: {  	_ =	strace s3  }
0x97: {  	_ =	strace $0x8FFFFFFF  }
0x98: {  	s19 =	sld [smem:$0x3FDB];
	_ =	sdelay $0x1  }
0x99: {  	s4 =	simm.s32 $_scs_section_size  }
0x9a: {  	s5 =	simm.s32 $_size__tile_overlayer_lowered;
	s6 =	simm.s32 $_tile_overlayer_lowered  }
0x9b: {  	s22 =	simm.s32 $0x1BFF;
	s21 =	sshll.u32 s6, $0x1;
	s3 =	sadd.s32 s4, s19  }
0x9c: {  	s7 =	simm.s32 $0x0;
	s20 =	sshll.u32 s5, $0x1;
	s5 =	sadd.s32 s21, s3  }
0x9d: {  	[timem:s7], [sflag:s22] =	dma.local [hbm:s5], s20  }
0x9e: {  	_ =	swait.ge [sflag:s22], s20  }
0x9f: {  	s4 =	ssub.s32 $0x0, s20;
	[sflag:s22] =	ssyncset.done $0x0  }
0xa0: {  	[sflag:s22] =	ssyncadd.s32 s4;
	_ =	sdelay $0x1  }
0xa1: {  	s23 =	simm.s32 $0x1B8B  }
0xa2: {  	_ =	swait.ge [sflag:s23], $0x1  }
0xa3: {  	[sflag:s23] =	ssyncset.done $0x0  }
0xa4: {  	s25 =	simm.s32 $0x1B8E;
	s24 =	sld [smem:$0x3FFE];
	[sflag:s23] =	ssyncadd.s32 $0xFFFFFFFF  }
0xa5: {  	s26 =	simm.s32 $execute0_lowered;
	[smem:$0x3FD2] =	sst s25  }
0xa6: {  	s5 =	sshll.u32 s26, $0x1;
	_ =	strace $0x80000058;
	[dreg:$0x1] =	wrdreg $0xFFFFFFFF  }
0xa7: {  	s28 =	simm.s32 $_size_execute0_lowered;
	s3 =	sadd.s32 s3, s5;
	[dreg:$0x0] =	wrdreg $0x0  }
0xa8: {  	s5 =	sshll.u32 s28, $0x1;
	[dreg:$0x2] =	wrdreg s3  }
0xa9: {  	[dreg:$0x3] =	wrdreg s5  }
0xaa: {  	[dreg:$0x4] =	wrdreg $0xC0  }
0xab: {  	_ =	task [dreg:s7], $0x5FFFF  }
0xac: {  	[dreg:$0x1] =	wrdreg $0xFFFFFFFF  }
0xad: {  	[dreg:$0x0] =	wrdreg $0x60  }
0xae: {  	[dreg:$0x2] =	wrdreg s24  }
0xaf: {  	[dreg:$0x3] =	wrdreg s2  }
0xb0: {  	[dreg:$0x4] =	wrdreg $0x8D400  }
0xb1: {  	[dreg:$0x5] =	wrdreg $0xB5400  }
0xb2: {  	[dreg:$0x6] =	wrdreg $0x9  }
0xb3: {  	_ =	task.clear_ibuf [dreg:s7], $0x7FFFF;
	_ =	strace $0x90000058  }
0xb4: {  	s29 =	simm.s32 $0x9;
	_ =	strace $0x8000005A  }
0xb5: {  	_ =	swait.ge [sflag:s29], $0x1  }
0xb6: {  	[sflag:s29] =	ssyncadd.s32 $0xFFFFFFFF  }
0xb7: {  	_ =	strace $0x9000005A  }
0xb8: {  	_ =	sfence  }
0xb9: {  	s30 =	sld [smem:$0x0];
	_ =	sdelay $0x2  }
0xba: {  	s31 =	sshll.u32 s1, $0xD;
	s1 =	sshrl.u32 s1, $0x2  }
0xbb: {  	s3 =	sand.u32 $0x4000, s31;
	s1 =	sadd.s32 s1, s30  }
0xbc: {  	s0 =	sor.u32 s3, s0;
	s1 =	sshll.u32 s1, $0x11  }
0xbd: {  	s0 =	sor.u32 s1, s0  }
0xbe: {  	s0 =	sadd.s32 $0x8F2B, s0  }
0xbf: {  	[sflag:s0] =	ssyncadd.remote.s32 $0x1  }
0xc0: {  	_ =	sfence.sel $0xFFFF  }
0xc1: {  	[dreg:$0x0] =	wrdreg $0xFFFFFFFF;
	(pc) =	sbr.abs _section_cstart, $3  }
0xc2: {  	[dreg:$0x1] =	wrdreg $0xFFFFFFFF  }
0xc3: {  	_ =	task.clear_ibuf [dreg:s7], $0x2FFFF;
	_ =	strace $0x9FFFFFFF  }
0xc4: {  	(tm) =	ssettm $0x7FFFFFFF  }
0xc5: {  	_ =	shalt  }
tec
execute0_lowered:
.L_overlay_start_1:
0x0: {  	(tag) =	ssettag $0x1  }
0x1: {  	s5 =	rddreg [dreg:$0x0]  }
0x2: {  	s10 =	rddreg [dreg:$0x1]  }
0x3: {  	s2 =	rddreg [dreg:$0x2]  }
0x4: {  	s3 =	rddreg [dreg:$0x3];
	s4 =	srdreg.scid  }
0x5: {  	s0 =	rddreg [dreg:$0x4];
	s1 =	stileid.u32  }
0x6: {  	s16 =	simm.s32 $0x4EC0;
	s17 =	simm.s32 $0x2;
	s18 =	simm.s32 $0x4CC8  }
0x7: {  	s19 =	simm.s32 $0x6E00;
	s20 =	simm.s32 $0x0;
	s6 =	sand.u32 $0x1, s4  }
0x8: {  	s4 =	simm.s32 $0x0;
	s7 =	smul.u32 $0x2800, s1;
	s31 =	sshll.u32 s1, $0x6  }
0x9: {  	s8 =	sshll.u32 s6, $0x4;
	[smem:$0x7FF] =	sst s4;
	s11 =	ssub.s32 $0x2, s6  }
0xa: {  	s29 =	smul.u32 $0x28000, s6;
	s6 =	sor.u32 $0x1C03, s31;
	s8 =	sor.u32 s1, s8  }
0xb: {  	s9 =	sshrl.u32 s7, $0x3;
	_ =	strace $0x80000059;
	s12 =	sshrl.u32 s11, $0x1  }
0xc: {  	s30 =	sadd.s32 s7, s2;
	s14 =	sadd.s32 s7, s3;
	s8 =	smul.u32 $0x4EC, s8  }
0xd: {  	s9 =	sadd.s32 s9, s5;
	s11 =	ssub.s32 s11, s12;
	s15 =	sadd.s32 s7, s29  }
0xe: {  	s12 =	sshrl.u32 s30, $0x3;
	s14 =	sshrl.u32 s14, $0x3;
	s7 =	sadd.s32 $0x1EE00, s9  }
0xf: {  	s15 =	sshrl.u32 s15, $0x3;
	s11 =	smax.u32 s11, $0x1;
	s13 =	sadd.s32 s8, s5  }
0x10: {  	s5 =	sadd.s32 $0xFC00, s9;
	s10 =	sadd.s32 s10, s15;
	s15 =	simm.s32 $0x1F4  }
0x11: {  	s8 =	sadd.s32 $0x15000, s13;
	s9 =	sadd.s32 $0x5E00, s13;
	s13 =	simm.s32 $0x3  }
.LBB2_1:
0x12: {  	[spmem:s12], [sflag:s6] =	dma.local [hbm:s5], $0x500  }
0x13: {  	_ =	swait.ge [sflag:s13], $0x500  }
0x14: {  	[sflag:s13] =	ssyncset.done $0x0  }
0x15: {  	[sflag:s13] =	ssyncadd.s32 $0xFFFFFB00  }
0x16: {  	[spmem:s14], [sflag:s6] =	dma.local [hbm:s7], $0x500  }
0x17: {  	_ =	swait.ge [sflag:s13], $0x500  }
0x18: {  	[sflag:s13] =	ssyncset.done $0x0  }
0x19: {  	[sflag:s13] =	ssyncadd.s32 $0xFFFFFB00  }
0x1a: {  	[tilespmem:s4], [sflag:$0x3] =	stream.linear.gather [hbm4b:s8+s4], $0x2760, $0x38;
	[tilespmem:$0xDD40] =	vst v63  }
0x1b: {  	_ =	swait.ge [sflag:s13], $0x2760  }
0x1c: {  	[sflag:s13] =	ssyncset.done $0x0  }
0x1d: {  	s21 =	simm.s32 $0x2760;
	s22 =	simm.s32 $0x1;
	[sflag:s13] =	ssyncadd.s32 $0xFFFFD8A0  }
0x1e: {  	[tilespmem:s21], [sflag:$0x3] =	stream.linear.gather [hbm4b:s9+s4], $0x2760, $0x38;
	[tilespmem:$0xDD40] =	vst v63  }
0x1f: {  	s24 =	sand.u32 $0x1, s22;
	_ =	swait.ge [sflag:s13], $0x2760  }
0x20: {  	s25 =	smul.u32 $0x7D00, s24;
	[sflag:s13] =	ssyncset.done $0x0  }
0x21: {  	s23 =	simm.s32 $0x1F8;
	[sflag:s13] =	ssyncadd.s32 $0xFFFFD8A0  }
0x22: {  	s26 =	sand.u32 $0x1, s4;
	s25 =	sshrl.u32 s25, $0x2;
	[bflag:$0x0] =	sbarrier.arrive $0xFFFF  }
0x23: {  	[tilespmem:s16], [sflag:$0x1] =	stream.indirect.gather [spmem:s3], $0x10, s4, s15, $0xb8;
	[tilespmem:$0xDD40] =	vst v63  }
0x24: {  	s28 =	smul.u32 $0x7D00, s26;
	s24 =	sadd.s32 $0x1, s24;
	s25 =	sadd.s32 $0x4EC0, s25  }
0x25: {  	[tilespmem:s25], [sflag:s24] =	stream.indirect.gather [spmem:s3], $0x10, s23, s15, $0xb8;
	[tilespmem:$0xDD40] =	vst v63  }
0x26: {  	s24 =	sadd.s32 $0x1, s26  }
0x27: {  	s25 =	sshrl.u32 s28, $0x2;
	_ =	swait.ge [sflag:s24], $0x1F40  }
.LBB2_2:
0x28: {  	p0 =	sne.s32 s22, $0x12;
	s26 =	smov.u32 s22;
	s22 =	sadd.s32 $0x1, s22  }
0x29: {  	[sflag:s24] =	ssyncset.done $0x0  }
0x2a: {  	s28 =	sand.u32 $0x1, s22;
	[sflag:s24] =	ssyncadd.s32 $0xFFFFE0C0  }
0x2b: {  	s25 =	sadd.s32 $0x4EC0, s25;
	s23 =	sadd.s32 $0x1F8, s23;
	s24 =	smul.u32 $0x7D00, s28  }
0x2c: {  	[spmem:s2] =	stream.indirect.scatter.add.f32 [tilespmem:s25], [sflag:$0x3], $0x10, s21, s15, $0xb8;
	[tilespmem:$0xDD40] =	vst v63  }
0x2d: {  	s24 =	sshrl.u32 s24, $0x2  }
.Ltmp0:
0x2e: {  	s25 =	sand.u32 $0x1, s26;
	_ =	swait.ge [sflag:s13], $0x1F40;
	(pc) =	sbr.rel @p0 .LBB2_2-.Ltmp0, $4  }
0x2f: {  	s28 =	sadd.s32 $0x1, s28;
	s26 =	sadd.s32 $0x4EC0, s24;
	[sflag:s13] =	ssyncset.done $0x0  }
0x30: {  	s29 =	smul.u32 $0x7D00, s25;
	s24 =	sadd.s32 $0x1, s25;
	[sflag:s13] =	ssyncadd.s32 $0xFFFFE0C0  }
0x31: {  	[tilespmem:s26], [sflag:s28] =	stream.indirect.gather [spmem:s3], $0x10, s23, s15, $0xb8;
	[tilespmem:$0xDD40] =	vst v63  }
0x32: {  	s21 =	sadd.s32 $0x1F8, s21;
	s25 =	sshrl.u32 s29, $0x2;
	_ =	swait.ge [sflag:s24], $0x1F40  }
0x33: {  	[sflag:s24] =	ssyncset.done $0x0  }
0x34: {  	s22 =	sadd.s32 $0x4EC0, s25;
	[sflag:s24] =	ssyncadd.s32 $0xFFFFE0C0  }
0x35: {  	[spmem:s2] =	stream.indirect.scatter.add.f32 [tilespmem:s22], [sflag:$0x3], $0x10, s21, s15, $0xb8;
	[tilespmem:$0xDD40] =	vst v63  }
0x36: {  	_ =	swait.ge [sflag:s13], $0x1F40  }
0x37: {  	[sflag:s13] =	ssyncset.done $0x0  }
0x38: {  	[sflag:s13] =	ssyncadd.s32 $0xFFFFE0C0  }
0x39: {  	_ =	swait.ge [sflag:s17], $0x1F40  }
0x3a: {  	[sflag:s17] =	ssyncset.done $0x0  }
0x3b: {  	[sflag:s17] =	ssyncadd.s32 $0xFFFFE0C0  }
0x3c: {  	[spmem:s2] =	stream.indirect.scatter.add.f32 [tilespmem:s19], [sflag:$0x3], $0x10, s18, s15, $0xb8;
	[tilespmem:$0xDD40] =	vst v63  }
0x3d: {  	_ =	swait.ge [sflag:s13], $0x1F40  }
0x3e: {  	s20 =	sadd.s32 $0x1, s20;
	[sflag:s13] =	ssyncset.done $0x0  }
0x3f: {  	p0 =	sne.s32 s20, s11;
	[sflag:s13] =	ssyncadd.s32 $0xFFFFE0C0  }
.Ltmp1:
0x40: {  	[bflag:$0x0] =	sbarrier.arrive $0xFFFF;
	(pc) =	sbr.rel @p0 .LBB2_1-.Ltmp1, $4  }
0x41: {  	[hbm:s10], [sflag:s6] =	dma.local [spmem:s12], $0x500  }
0x42: {  	_ =	swait.ge [sflag:s13], $0x500  }
0x43: {  	[sflag:s13] =	ssyncset.done $0x0  }
0x44: {  	[sflag:s13] =	ssyncadd.s32 $0xFFFFFB00  }
0x45: {  	_ =	sfence.sel $0x180000  }
0x46: {  	[bflag:$0x0] =	sbarrier.arrive $0xFFFF  }
0x47: {  	p0 =	sne.s32 s1, $0x0;
	_ =	strace $0x90000059  }
0x48: {  	s0 =	sadd.s32 @!p0 $0x100000, s0;
	[bflag:$0x2] =	sbarrier.arrive $0xFFFF  }
0x49: {  	[sflag:s0] =	ssyncadd.tile.s32 @!p0 $0x1;
	_ =	shalt  }
.Lfunc_end2:
_tile_overlayer_lowered:
.L_overlay_start_2:
0x4a: {  	(tag) =	ssettag $0x2  }
0x4b: {  	s0 =	rddreg [dreg:$0x0];
	s2 =	stileid.u32  }
0x4c: {  	s1 =	rddreg [dreg:$0x1];
	p0 =	sne.s32 s2, $0x0  }
0x4d: {  	s3 =	rddreg [dreg:$0x2];
	[bflag:$0x3] =	sbarrier.arrive $0xFFFF;
	s2 =	simm.s32 @!p0 $0x1C03  }
0x4e: {  	[timem:s3], [sflag:s2] =	dma.local @!p0 [hbm:s0], s1  }
0x4f: {  	s0 =	simm.s32 @!p0 $0x3  }
0x50: {  	_ =	swait.ge @!p0 [sflag:s0], s1  }
0x51: {  	s1 =	ssub.s32 @!p0 $0x0, s1;
	[sflag:s0] =	ssyncset.done @!p0 $0x0  }
0x52: {  	[sflag:s0] =	ssyncadd.s32 @!p0 s1  }
0x53: {  	[bflag:$0x3] =	sbarrier.arrive $0xFFFF  }
0x54: {  	_ =	shalt  }

</sc_bundles>
